<compile_context>
chip_gen: v7x
topology: tpu7x:2x2x1
jax: 0.10.2.dev20260603
libtpu: 0.0.44.dev20260713+nightly
codegen_flags: <defaults>
</compile_context>

<pallas_src>
import functools

import jax
import jax.numpy as jnp
from jax import lax
from jax.experimental import pallas as pl
from jax.experimental.pallas import tpu as pltpu
from jax.experimental.pallas import tpu_sc as plsc

B, T, CIN = 8, 2048, 1
H, L, E, K, NH, F, PL_ = 1024, 2, 8, 2, 16, 1024, 32
NP = T // PL_
N = B * NP
CAP = int(1.25 * N * K / E)
DH = H // NH
HZ = [1, 8, 32, 64]
NSLOT = E * CAP


def _rms(x, w):
    return x * w * lax.rsqrt(jnp.mean(x * x, axis=-1, keepdims=True) + 1e-6)


def _silu(x):
    return x * (1.0 / (1.0 + jnp.exp(-x)))


def _attn_route(h, ln1, ln2, wr, qkvw, ow):
    r_iota = lax.broadcasted_iota(jnp.int32, (N, N), 0)
    c_iota = lax.broadcasted_iota(jnp.int32, (N, N), 1)
    mask = ((r_iota // NP) == (c_iota // NP)) & (r_iota >= c_iota)
    lt = (r_iota > c_iota).astype(jnp.float32)
    e_iota = lax.broadcasted_iota(jnp.int32, (N, E), 1)

    ni = _rms(h, ln1)
    qkv = ni @ qkvw
    ctxs = []
    for hd in range(NH):
        q = qkv[:, hd * DH:(hd + 1) * DH]
        k = qkv[:, H + hd * DH:H + (hd + 1) * DH]
        v = qkv[:, 2 * H + hd * DH:2 * H + (hd + 1) * DH]
        s = lax.dot_general(q, k, (((1,), (1,)), ((), ())))
        s = jnp.where(mask, s * (1.0 / (DH ** 0.5)), -1e9)
        s = s - jnp.max(s, axis=-1, keepdims=True)
        pe = jnp.exp(s)
        a = pe / jnp.sum(pe, axis=-1, keepdims=True)
        ctxs.append(jnp.dot(a, v))
    ctx = jnp.concatenate(ctxs, axis=-1)
    hs = _rms(ctx @ ow + ni, ln2)

    logits = hs @ wr
    m = jnp.max(logits, axis=-1, keepdims=True)
    ex = jnp.exp(logits - m)
    probs = ex / jnp.sum(ex, axis=-1, keepdims=True)
    m0 = jnp.max(probs, axis=-1, keepdims=True)
    i0 = jnp.min(jnp.where(probs == m0, e_iota, E), axis=-1, keepdims=True)
    oh0 = (e_iota == i0).astype(jnp.float32)
    probs1 = jnp.where(e_iota == i0, -1.0, probs)
    m1 = jnp.max(probs1, axis=-1, keepdims=True)
    i1 = jnp.min(jnp.where(probs1 == m1, e_iota, E), axis=-1, keepdims=True)
    oh1 = (e_iota == i1).astype(jnp.float32)
    denom = m0 + m1 + 1e-9
    g0, g1 = m0 / denom, m1 / denom
    cum0 = jnp.dot(lt, oh0)
    pos0 = jnp.sum(cum0 * oh0, axis=-1, keepdims=True)
    total0 = jnp.sum(oh0, axis=0, keepdims=True)
    cum1 = jnp.dot(lt, oh1) + total0
    pos1 = jnp.sum(cum1 * oh1, axis=-1, keepdims=True)
    keep0 = (pos0 < CAP).astype(jnp.float32)
    keep1 = (pos1 < CAP).astype(jnp.float32)
    stats = jnp.sum(keep0 * oh0 + keep1 * oh1, axis=0, keepdims=True)

    s_iota = lax.broadcasted_iota(jnp.int32, (N, NSLOT), 1)
    tok = lax.broadcasted_iota(jnp.int32, (N, NSLOT), 0)
    slot0 = jnp.where(keep0 > 0, i0 * CAP + pos0.astype(jnp.int32), -1)
    slot1 = jnp.where(keep1 > 0, i1 * CAP + pos1.astype(jnp.int32), -1)
    ohs = ((s_iota == slot0) | (s_iota == slot1)).astype(jnp.int32)
    srcs = jnp.sum(ohs * (tok + 1), axis=0, keepdims=True)
    srcs = jnp.maximum(srcs - 1, 0)

    zero = jnp.zeros((N, 1), jnp.float32)
    meta = jnp.concatenate(
        [i0.astype(jnp.float32), pos0, keep0 * g0,
         i1.astype(jnp.float32), pos1, keep1 * g1, zero, zero], axis=-1)
    return hs, meta, srcs, stats


def _moe_from_gathered(hs, meta, xg_ref, w1buf, w2buf, w1_copy, w2_copy, l):
    c_iota2 = lax.broadcasted_iota(jnp.int32, (N, CAP), 1)
    kg0, kg1 = meta[:, 2:3], meta[:, 5:6]
    i0 = meta[:, 0:1].astype(jnp.int32)
    i1 = meta[:, 3:4].astype(jnp.int32)
    pos0i = meta[:, 1:2].astype(jnp.int32)
    pos1i = meta[:, 4:5].astype(jnp.int32)
    y = None
    for e in range(E):
        if e + 2 < E:
            w1_copy(l, e + 2).start()
            w2_copy(l, e + 2).start()
        w1_copy(l, e).wait()
        w2_copy(l, e).wait()
        x_e = xg_ref[e * CAP:(e + 1) * CAP, :]
        hmid = _silu(x_e @ w1buf[e % 3])
        eout = hmid @ w2buf[e % 3]
        d0 = ((i0 == e) & (pos0i == c_iota2)).astype(jnp.float32)
        d1 = ((i1 == e) & (pos1i == c_iota2)).astype(jnp.float32)
        comb = kg0 * d0 + kg1 * d1
        ye = jnp.dot(comb, eout)
        y = ye if y is None else y + ye
    return 2.0 * hs + y


def _ka_body(p_ref, embW_ref, gateW_ref, ln1_ref, ln2_ref, wr_ref,
             qkvW_hbm, oW_hbm,
             hs_ref, meta_ref, srcs_ref, stats_ref,
             qkvbuf, obuf, sem_qkv, sem_o):
    pltpu.make_async_copy(qkvW_hbm.at[0], qkvbuf, sem_qkv).start()
    pltpu.make_async_copy(oW_hbm.at[0], obuf, sem_o).start()
    p = p_ref[...]
    h = _silu(p @ gateW_ref[...]) * (p @ embW_ref[...])
    pltpu.make_async_copy(qkvW_hbm.at[0], qkvbuf, sem_qkv).wait()
    pltpu.make_async_copy(oW_hbm.at[0], obuf, sem_o).wait()
    hs, meta, srcs, stats = _attn_route(
        h, ln1_ref[0:1], ln2_ref[0:1], wr_ref[0], qkvbuf[...], obuf[...])
    hs_ref[...] = hs
    meta_ref[...] = meta
    srcs_ref[...] = srcs
    stats_ref[...] = stats


def _kb_body(hs0_ref, meta0_ref, xg_ref, ln1_ref, ln2_ref, wr_ref,
             qkvW_hbm, oW_hbm, w1_hbm, w2_hbm,
             hs_ref, meta_ref, srcs_ref, stats_ref,
             qkvbuf, obuf, w1buf, w2buf, sem_qkv, sem_o, sem_w1, sem_w2):
    def w1_copy(l, e):
        return pltpu.make_async_copy(w1_hbm.at[l, e], w1buf.at[e % 3],
                                     sem_w1.at[e % 3])

    def w2_copy(l, e):
        return pltpu.make_async_copy(w2_hbm.at[l, e], w2buf.at[e % 3],
                                     sem_w2.at[e % 3])

    w1_copy(0, 0).start()
    w2_copy(0, 0).start()
    w1_copy(0, 1).start()
    w2_copy(0, 1).start()
    pltpu.make_async_copy(qkvW_hbm.at[1], qkvbuf, sem_qkv).start()
    pltpu.make_async_copy(oW_hbm.at[1], obuf, sem_o).start()
    h = _moe_from_gathered(hs0_ref[...], meta0_ref[...], xg_ref,
                           w1buf, w2buf, w1_copy, w2_copy, 0)
    pltpu.make_async_copy(qkvW_hbm.at[1], qkvbuf, sem_qkv).wait()
    pltpu.make_async_copy(oW_hbm.at[1], obuf, sem_o).wait()
    hs, meta, srcs, stats = _attn_route(
        h, ln1_ref[1:2], ln2_ref[1:2], wr_ref[1], qkvbuf[...], obuf[...])
    hs_ref[...] = hs
    meta_ref[...] = meta
    srcs_ref[...] = srcs
    stats_ref[...] = stats


def _kc_body(hs1_ref, meta1_ref, xg_ref,
             hw1_ref, hb1_ref, hw8_ref, hb8_ref, hw32_ref, hb32_ref,
             hw64_ref, hb64_ref, w1_hbm, w2_hbm,
             o1_ref, o8_ref, o32_ref, o64_ref,
             w1buf, w2buf, sem_w1, sem_w2):
    def w1_copy(l, e):
        return pltpu.make_async_copy(w1_hbm.at[l, e], w1buf.at[e % 3],
                                     sem_w1.at[e % 3])

    def w2_copy(l, e):
        return pltpu.make_async_copy(w2_hbm.at[l, e], w2buf.at[e % 3],
                                     sem_w2.at[e % 3])

    w1_copy(1, 0).start()
    w2_copy(1, 0).start()
    w1_copy(1, 1).start()
    w2_copy(1, 1).start()
    h = _moe_from_gathered(hs1_ref[...], meta1_ref[...], xg_ref,
                           w1buf, w2buf, w1_copy, w2_copy, 1)
    o1_ref[...] = (h @ hw1_ref[...] + hb1_ref[...]).reshape(B, NP, 1)
    o8_ref[...] = (h @ hw8_ref[...] + hb8_ref[...]).reshape(B, NP, 8)
    o32_ref[...] = (h @ hw32_ref[...] + hb32_ref[...]).reshape(B, NP, 32)
    o64_ref[...] = (h @ hw64_ref[...] + hb64_ref[...]).reshape(B, NP, 64)


def _make_sc_gather():
    info = plsc.get_sparse_core_info()
    NC, NS = info.num_cores, info.num_subcores
    NW = NC * NS
    b_per_w = NSLOT // NW
    mesh = plsc.VectorSubcoreMesh(core_axis_name="c", subcore_axis_name="s")

    @functools.partial(
        pl.kernel, mesh=mesh,
        out_type=jax.ShapeDtypeStruct((NSLOT, H), jnp.float32),
        scratch_types=[
            pltpu.VMEM((b_per_w,), jnp.int32),
            pltpu.VMEM((b_per_w, H), jnp.float32),
            pltpu.SemaphoreType.DMA,
        ],
    )
    def k(table_hbm, idx_hbm, out_hbm, idx_v, rows_v, sem):
        wid = lax.axis_index("s") * NC + lax.axis_index("c")
        base = wid * b_per_w
        pltpu.sync_copy(idx_hbm.at[pl.ds(base, b_per_w)], idx_v)
        pltpu.async_copy(table_hbm.at[idx_v], rows_v, sem).wait()
        pltpu.sync_copy(rows_v, out_hbm.at[pl.ds(base, b_per_w)])

    return k


_sc_gather = _make_sc_gather()


def kernel(x, emb_W, gate_W, ln1_w, qkv_W, o_W, ln2_w, router_W,
           exp_W1, exp_W2, hW1, hb1, hW8, hb8, hW32, hb32, hW64, hb64):
    f32 = jnp.float32
    p = x.reshape(N, CIN * PL_)
    hbm = pl.BlockSpec(memory_space=pltpu.MemorySpace.HBM)
    full = lambda shape: pl.BlockSpec(shape, lambda *a: tuple(0 for _ in shape))
    cp = pltpu.CompilerParams(vmem_limit_bytes=100 * 1024 * 1024)

    hs0, meta0, srcs0, stats0 = pl.pallas_call(
        _ka_body,
        in_specs=[full((N, PL_)), full((PL_, H)), full((PL_, H)),
                  full((L, H)), full((L, H)), full((L, H, E)), hbm, hbm],
        out_shape=(jax.ShapeDtypeStruct((N, H), f32),
                   jax.ShapeDtypeStruct((N, 8), f32),
                   jax.ShapeDtypeStruct((1, NSLOT), jnp.int32),
                   jax.ShapeDtypeStruct((1, E), f32)),
        scratch_shapes=[pltpu.VMEM((H, 3 * H), f32), pltpu.VMEM((H, H), f32),
                        pltpu.SemaphoreType.DMA, pltpu.SemaphoreType.DMA],
        compiler_params=cp,
    )(p, emb_W, gate_W, ln1_w, ln2_w, router_W, qkv_W, o_W)

    xg0 = _sc_gather(hs0, srcs0.reshape(NSLOT))

    hs1, meta1, srcs1, stats1 = pl.pallas_call(
        _kb_body,
        in_specs=[full((N, H)), full((N, 8)), full((NSLOT, H)),
                  full((L, H)), full((L, H)), full((L, H, E)),
                  hbm, hbm, hbm, hbm],
        out_shape=(jax.ShapeDtypeStruct((N, H), f32),
                   jax.ShapeDtypeStruct((N, 8), f32),
                   jax.ShapeDtypeStruct((1, NSLOT), jnp.int32),
                   jax.ShapeDtypeStruct((1, E), f32)),
        scratch_shapes=[pltpu.VMEM((H, 3 * H), f32), pltpu.VMEM((H, H), f32),
                        pltpu.VMEM((3, H, F), f32), pltpu.VMEM((3, F, H), f32),
                        pltpu.SemaphoreType.DMA, pltpu.SemaphoreType.DMA,
                        pltpu.SemaphoreType.DMA((3,)),
                        pltpu.SemaphoreType.DMA((3,))],
        compiler_params=cp,
    )(hs0, meta0, xg0, ln1_w, ln2_w, router_W, qkv_W, o_W, exp_W1, exp_W2)

    xg1 = _sc_gather(hs1, srcs1.reshape(NSLOT))

    o1, o8, o32, o64 = pl.pallas_call(
        _kc_body,
        in_specs=[full((N, H)), full((N, 8)), full((NSLOT, H)),
                  full((H, 1)), full((1,)), full((H, 8)), full((8,)),
                  full((H, 32)), full((32,)), full((H, 64)), full((64,)),
                  hbm, hbm],
        out_shape=(jax.ShapeDtypeStruct((B, NP, 1), f32),
                   jax.ShapeDtypeStruct((B, NP, 8), f32),
                   jax.ShapeDtypeStruct((B, NP, 32), f32),
                   jax.ShapeDtypeStruct((B, NP, 64), f32)),
        scratch_shapes=[pltpu.VMEM((3, H, F), f32), pltpu.VMEM((3, F, H), f32),
                        pltpu.SemaphoreType.DMA((3,)),
                        pltpu.SemaphoreType.DMA((3,))],
        compiler_params=cp,
    )(hs1, meta1, xg1, hW1, hb1, hW8, hb8, hW32, hb32, hW64, hb64,
      exp_W1, exp_W2)

    return (o1, o8, o32, o64, (stats0 + stats1)[0])

# --- scband reference (transcript-rebuilt; emitter-appended) ---
"""Pipeline reference for scband-tsmoe-7705171329360 (READ-ONLY COPY).

The authoritative reference and input builder live on the scoring server;
editing this copy changes nothing except your own understanding.
"""

import jax, jax.numpy as jnp
import numpy as np

B, T, CIN = 8, 2048, 1
H, L, E, K, NH, F, PL = 1024, 2, 8, 2, 16, 1024, 32
HORIZONS = [1, 8, 32, 64]
CAPF = 1.25


def _rms(x, w):
    return x * w * jax.lax.rsqrt(jnp.mean(x * x, axis=-1, keepdims=True) + 1e-6)


def _attn(x, qkvW, oW):
    b, n, _ = x.shape
    dh = H // NH
    qkv = x @ qkvW
    q, k, v = jnp.split(qkv, 3, axis=-1)
    def sp(t):
        return t.reshape(b, n, NH, dh).transpose(0, 2, 1, 3)
    q, k, v = sp(q), sp(k), sp(v)
    s = (q @ k.transpose(0, 1, 3, 2)) / np.sqrt(dh)
    mask = jnp.tril(jnp.ones((n, n), bool))
    s = jnp.where(mask, s, -1e9)
    a = jax.nn.softmax(s, axis=-1)
    o = (a @ v).transpose(0, 2, 1, 3).reshape(b, n, H)
    return o @ oW


def _moe(x2, Wr, W1, W2, stats):
    n = x2.shape[0]
    cap = int(CAPF * n * K / E)
    probs = jax.nn.softmax(x2 @ Wr, axis=-1)
    gates, idx = jax.lax.top_k(probs, K)
    gates = gates / (jnp.sum(gates, axis=-1, keepdims=True) + 1e-9)
    oh = jax.nn.one_hot(idx, E, dtype=x2.dtype)
    oh_t = jnp.transpose(oh, (1, 0, 2)).reshape(K * n, E)
    pos_t = jnp.cumsum(oh_t, axis=0) - oh_t
    pie_t = jnp.sum(pos_t * oh_t, axis=-1)
    keep_t = (pie_t < cap).astype(x2.dtype)
    pie = pie_t.reshape(K, n).T
    keep = keep_t.reshape(K, n).T
    pos_oh = jax.nn.one_hot(pie.astype(jnp.int32), cap, dtype=x2.dtype)
    disp = jnp.einsum('nke,nkc->nec', oh * keep[..., None], pos_oh)
    comb = jnp.einsum('nk,nke,nkc->nec', gates * keep, oh, pos_oh)
    ein = jnp.einsum('nec,nd->ecd', disp, x2)
    hmid = jax.nn.silu(jnp.einsum('ecd,edf->ecf', ein, W1))
    eout = jnp.einsum('ecf,efd->ecd', hmid, W2)
    y = jnp.einsum('nec,ecd->nd', comb, eout)
    stats = stats + jnp.sum(disp, axis=(0, 2))
    return x2 + y, stats


def _forward(x, emb_W, gate_W, ln1_w, qkv_W, o_W, ln2_w, router_W, exp_W1, exp_W2, heads):
    b, t, c = x.shape
    npatch = t // PL
    patches = x.reshape(b, npatch, PL, c).transpose(0, 1, 3, 2).reshape(b, npatch, c * PL)
    h = jax.nn.silu(patches @ gate_W) * (patches @ emb_W)
    stats = jnp.zeros((E,), x.dtype)
    for l in range(L):
        ni = _rms(h, ln1_w[l])
        a = _attn(ni, qkv_W[l], o_W[l])
        hs = _rms(a + ni, ln2_w[l])
        nh = hs
        flat = hs.reshape(-1, H)
        flat, stats = _moe(flat, router_W[l], exp_W1[l], exp_W2[l], stats)
        hs = flat.reshape(b, npatch, H)
        h = hs + nh
    outs = tuple(h @ W + bb for (W, bb) in heads)
    return outs, stats


def setup_inputs(seed: int = 0) -> dict:
    key = jax.random.key(seed)
    ks = iter(jax.random.split(key, 32))
    s = 0.02
    inp = {}
    inp['x'] = jax.random.normal(next(ks), (B, T, CIN), jnp.float32)
    inp['emb_W'] = jax.random.normal(next(ks), (PL * CIN, H), jnp.float32) * s
    inp['gate_W'] = jax.random.normal(next(ks), (PL * CIN, H), jnp.float32) * s
    inp['ln1_w'] = jnp.ones((L, H), jnp.float32)
    inp['qkv_W'] = jax.random.normal(next(ks), (L, H, 3 * H), jnp.float32) * s
    inp['o_W'] = jax.random.normal(next(ks), (L, H, H), jnp.float32) * s
    inp['ln2_w'] = jnp.ones((L, H), jnp.float32)
    inp['router_W'] = jax.random.normal(next(ks), (L, H, E), jnp.float32) * s
    inp['exp_W1'] = jax.random.normal(next(ks), (L, E, H, F), jnp.float32) * s
    inp['exp_W2'] = jax.random.normal(next(ks), (L, E, F, H), jnp.float32) * s
    for hz in HORIZONS:
        inp['hW%d' % hz] = jax.random.normal(next(ks), (H, hz), jnp.float32) * s
        inp['hb%d' % hz] = jnp.zeros((hz,), jnp.float32)
    return inp


def reference(x, emb_W, gate_W, ln1_w, qkv_W, o_W, ln2_w, router_W, exp_W1, exp_W2, hW1, hb1, hW8, hb8, hW32, hb32, hW64, hb64):
    heads = [(hW1, hb1), (hW8, hb8), (hW32, hb32), (hW64, hb64)]
    outs, stats = _forward(x, emb_W, gate_W, ln1_w, qkv_W, o_W, ln2_w, router_W, exp_W1, exp_W2, heads)
    return (*outs, stats)

if __name__ == "__main__":
    import jax
    _d = setup_inputs()
    print(jax.jit(kernel)(*tuple(_d.values())))

</pallas_src>

<mosaic_0001>
#map = affine_map<(d0, d1) -> (0, 0)>
#map1 = affine_map<(d0, d1) -> (0)>
module attributes {stable_mosaic.version = 14 : i64} {
  func.func @k(%arg0: i32, %arg1: i32, %arg2: memref<512x1024xf32, #tpu.memory_space<hbm>>, %arg3: memref<1280xi32, #tpu.memory_space<hbm>>, %arg4: memref<1280x1024xf32, #tpu.memory_space<hbm>>, %arg5: memref<40xi32, #tpu.memory_space<vmem>>, %arg6: memref<40x1024xf32, #tpu.memory_space<vmem>>, %arg7: memref<!tpu.dma_semaphore, #tpu.memory_space<semaphore_mem>>) attributes {dimension_semantics = [#tpu.dimension_semantics<core_parallel>, #tpu.dimension_semantics<subcore_parallel>], iteration_bounds = array<i64: 2, 16>, scalar_prefetch = 0 : i64, scratch_operands = 3 : i64, tpu.core_type = #tpu.core_type<sc_vector_subcore>, window_params = [{transform_indices = #map}, {transform_indices = #map1}, {transform_indices = #map}]} {
    %mul3A = arith.constant 2 : i32
    %mul3A_0 = arith.muli %arg1, %mul3A : i32
    %add3A = arith.addi %mul3A_0, %arg0 : i32
    %mul3A_1 = arith.constant 40 : i32
    %mul3A_2 = arith.muli %add3A, %mul3A_1 : i32
    "tpu.region"() ({
      %run_scoped3A = tpu.sem_alloc : memref<!tpu.dma_semaphore, #tpu.memory_space<semaphore_mem>>
      %dma_start3A_7 = tpu.memref_slice %arg3[%mul3A_2] : memref<1280xi32, #tpu.memory_space<hbm>> -> memref<40xi32, #tpu.memory_space<hbm>>
      %dma_start3A_8 = tpu.memref_slice %arg3[%mul3A_2] : memref<1280xi32, #tpu.memory_space<hbm>> -> memref<40xi32, #tpu.memory_space<hbm>>
      tpu.enqueue_dma source(%dma_start3A_8 : memref<40xi32, #tpu.memory_space<hbm>>) target(%arg5 : memref<40xi32, #tpu.memory_space<vmem>>) target_semaphore(%run_scoped3A : memref<!tpu.dma_semaphore, #tpu.memory_space<semaphore_mem>>)
      %dma_wait3A_9 = tpu.memref_slice %arg3[%mul3A_2] : memref<1280xi32, #tpu.memory_space<hbm>> -> memref<40xi32, #tpu.memory_space<hbm>>
      %dma_wait3A_10 = tpu.memref_slice %arg3[%mul3A_2] : memref<1280xi32, #tpu.memory_space<hbm>> -> memref<40xi32, #tpu.memory_space<hbm>>
      tpu.wait_dma2 semaphore(%run_scoped3A : memref<!tpu.dma_semaphore, #tpu.memory_space<semaphore_mem>>) src(%dma_wait3A_10 : memref<40xi32, #tpu.memory_space<hbm>>) dst(%arg5 : memref<40xi32, #tpu.memory_space<vmem>>)
      tpu.yield
    }) : () -> ()
    %dma_start3A = arith.constant 0 : i32
    %dma_start3A_3 = arith.constant 0 : i32
    %dma_start3A_4 = tpu.memref_slice %arg2[%dma_start3A, %dma_start3A_3] : memref<512x1024xf32, #tpu.memory_space<hbm>> -> memref<512x1024xf32, #tpu.memory_space<hbm>>
    tpu.enqueue_indirect_dma source(%dma_start3A_4 : memref<512x1024xf32, #tpu.memory_space<hbm>>) target(%arg6 : memref<40x1024xf32, #tpu.memory_space<vmem>>) offsets(%arg5 : memref<40xi32, #tpu.memory_space<vmem>>) semaphore(%arg7 : memref<!tpu.dma_semaphore, #tpu.memory_space<semaphore_mem>>)
    %dma_wait3A = arith.constant 0 : i32
    %dma_wait3A_5 = arith.constant 0 : i32
    %dma_wait3A_6 = tpu.memref_slice %arg2[%dma_wait3A, %dma_wait3A_5] : memref<512x1024xf32, #tpu.memory_space<hbm>> -> memref<512x1024xf32, #tpu.memory_space<hbm>>
    tpu.wait_indirect_dma semaphore(%arg7 : memref<!tpu.dma_semaphore, #tpu.memory_space<semaphore_mem>>) src(%dma_wait3A_6 : memref<512x1024xf32, #tpu.memory_space<hbm>>) dst(%arg6 : memref<40x1024xf32, #tpu.memory_space<vmem>>)
    "tpu.region"() ({
      %run_scoped3A = tpu.sem_alloc : memref<!tpu.dma_semaphore, #tpu.memory_space<semaphore_mem>>
      %dma_start3A_7 = arith.constant 0 : i32
      %dma_start3A_8 = tpu.memref_slice %arg4[%mul3A_2, %dma_start3A_7] : memref<1280x1024xf32, #tpu.memory_space<hbm>> -> memref<40x1024xf32, #tpu.memory_space<hbm>>
      %dma_start3A_9 = arith.constant 0 : i32
      %dma_start3A_10 = tpu.memref_slice %arg4[%mul3A_2, %dma_start3A_9] : memref<1280x1024xf32, #tpu.memory_space<hbm>> -> memref<40x1024xf32, #tpu.memory_space<hbm>>
      tpu.enqueue_dma source(%arg6 : memref<40x1024xf32, #tpu.memory_space<vmem>>) target(%dma_start3A_10 : memref<40x1024xf32, #tpu.memory_space<hbm>>) target_semaphore(%run_scoped3A : memref<!tpu.dma_semaphore, #tpu.memory_space<semaphore_mem>>)
      %dma_wait3A_11 = arith.constant 0 : i32
      %dma_wait3A_12 = tpu.memref_slice %arg4[%mul3A_2, %dma_wait3A_11] : memref<1280x1024xf32, #tpu.memory_space<hbm>> -> memref<40x1024xf32, #tpu.memory_space<hbm>>
      %dma_wait3A_13 = arith.constant 0 : i32
      %dma_wait3A_14 = tpu.memref_slice %arg4[%mul3A_2, %dma_wait3A_13] : memref<1280x1024xf32, #tpu.memory_space<hbm>> -> memref<40x1024xf32, #tpu.memory_space<hbm>>
      tpu.wait_dma2 semaphore(%run_scoped3A : memref<!tpu.dma_semaphore, #tpu.memory_space<semaphore_mem>>) src(%arg6 : memref<40x1024xf32, #tpu.memory_space<vmem>>) dst(%dma_wait3A_14 : memref<40x1024xf32, #tpu.memory_space<hbm>>)
      tpu.yield
    }) : () -> ()
    return
  }
}

#map = affine_map<(d0, d1) -> (0, 0)>
#map1 = affine_map<(d0, d1) -> (0)>
module attributes {stable_mosaic.version = 14 : i64} {
  func.func @k(%arg0: i32, %arg1: i32, %arg2: memref<512x1024xf32, #tpu.memory_space<hbm>>, %arg3: memref<1280xi32, #tpu.memory_space<hbm>>, %arg4: memref<1280x1024xf32, #tpu.memory_space<hbm>>, %arg5: memref<40xi32, #tpu.memory_space<vmem>>, %arg6: memref<40x1024xf32, #tpu.memory_space<vmem>>, %arg7: memref<!tpu.dma_semaphore, #tpu.memory_space<semaphore_mem>>) attributes {dimension_semantics = [#tpu.dimension_semantics<core_parallel>, #tpu.dimension_semantics<subcore_parallel>], iteration_bounds = array<i64: 2, 16>, scalar_prefetch = 0 : i64, scratch_operands = 3 : i64, tpu.core_type = #tpu.core_type<sc_vector_subcore>, window_params = [{transform_indices = #map}, {transform_indices = #map1}, {transform_indices = #map}]} {
    %mul3A = arith.constant 2 : i32
    %mul3A_0 = arith.muli %arg1, %mul3A : i32
    %add3A = arith.addi %mul3A_0, %arg0 : i32
    %mul3A_1 = arith.constant 40 : i32
    %mul3A_2 = arith.muli %add3A, %mul3A_1 : i32
    "tpu.region"() ({
      %run_scoped3A = tpu.sem_alloc : memref<!tpu.dma_semaphore, #tpu.memory_space<semaphore_mem>>
      %dma_start3A_7 = tpu.memref_slice %arg3[%mul3A_2] : memref<1280xi32, #tpu.memory_space<hbm>> -> memref<40xi32, #tpu.memory_space<hbm>>
      %dma_start3A_8 = tpu.memref_slice %arg3[%mul3A_2] : memref<1280xi32, #tpu.memory_space<hbm>> -> memref<40xi32, #tpu.memory_space<hbm>>
      tpu.enqueue_dma source(%dma_start3A_8 : memref<40xi32, #tpu.memory_space<hbm>>) target(%arg5 : memref<40xi32, #tpu.memory_space<vmem>>) target_semaphore(%run_scoped3A : memref<!tpu.dma_semaphore, #tpu.memory_space<semaphore_mem>>)
      %dma_wait3A_9 = tpu.memref_slice %arg3[%mul3A_2] : memref<1280xi32, #tpu.memory_space<hbm>> -> memref<40xi32, #tpu.memory_space<hbm>>
      %dma_wait3A_10 = tpu.memref_slice %arg3[%mul3A_2] : memref<1280xi32, #tpu.memory_space<hbm>> -> memref<40xi32, #tpu.memory_space<hbm>>
      tpu.wait_dma2 semaphore(%run_scoped3A : memref<!tpu.dma_semaphore, #tpu.memory_space<semaphore_mem>>) src(%dma_wait3A_10 : memref<40xi32, #tpu.memory_space<hbm>>) dst(%arg5 : memref<40xi32, #tpu.memory_space<vmem>>)
      tpu.yield
    }) : () -> ()
    %dma_start3A = arith.constant 0 : i32
    %dma_start3A_3 = arith.constant 0 : i32
    %dma_start3A_4 = tpu.memref_slice %arg2[%dma_start3A, %dma_start3A_3] : memref<512x1024xf32, #tpu.memory_space<hbm>> -> memref<512x1024xf32, #tpu.memory_space<hbm>>
    tpu.enqueue_indirect_dma source(%dma_start3A_4 : memref<512x1024xf32, #tpu.memory_space<hbm>>) target(%arg6 : memref<40x1024xf32, #tpu.memory_space<vmem>>) offsets(%arg5 : memref<40xi32, #tpu.memory_space<vmem>>) semaphore(%arg7 : memref<!tpu.dma_semaphore, #tpu.memory_space<semaphore_mem>>)
    %dma_wait3A = arith.constant 0 : i32
    %dma_wait3A_5 = arith.constant 0 : i32
    %dma_wait3A_6 = tpu.memref_slice %arg2[%dma_wait3A, %dma_wait3A_5] : memref<512x1024xf32, #tpu.memory_space<hbm>> -> memref<512x1024xf32, #tpu.memory_space<hbm>>
    tpu.wait_indirect_dma semaphore(%arg7 : memref<!tpu.dma_semaphore, #tpu.memory_space<semaphore_mem>>) src(%dma_wait3A_6 : memref<512x1024xf32, #tpu.memory_space<hbm>>) dst(%arg6 : memref<40x1024xf32, #tpu.memory_space<vmem>>)
    "tpu.region"() ({
      %run_scoped3A = tpu.sem_alloc : memref<!tpu.dma_semaphore, #tpu.memory_space<semaphore_mem>>
      %dma_start3A_7 = arith.constant 0 : i32
      %dma_start3A_8 = tpu.memref_slice %arg4[%mul3A_2, %dma_start3A_7] : memref<1280x1024xf32, #tpu.memory_space<hbm>> -> memref<40x1024xf32, #tpu.memory_space<hbm>>
      %dma_start3A_9 = arith.constant 0 : i32
      %dma_start3A_10 = tpu.memref_slice %arg4[%mul3A_2, %dma_start3A_9] : memref<1280x1024xf32, #tpu.memory_space<hbm>> -> memref<40x1024xf32, #tpu.memory_space<hbm>>
      tpu.enqueue_dma source(%arg6 : memref<40x1024xf32, #tpu.memory_space<vmem>>) target(%dma_start3A_10 : memref<40x1024xf32, #tpu.memory_space<hbm>>) target_semaphore(%run_scoped3A : memref<!tpu.dma_semaphore, #tpu.memory_space<semaphore_mem>>)
      %dma_wait3A_11 = arith.constant 0 : i32
      %dma_wait3A_12 = tpu.memref_slice %arg4[%mul3A_2, %dma_wait3A_11] : memref<1280x1024xf32, #tpu.memory_space<hbm>> -> memref<40x1024xf32, #tpu.memory_space<hbm>>
      %dma_wait3A_13 = arith.constant 0 : i32
      %dma_wait3A_14 = tpu.memref_slice %arg4[%mul3A_2, %dma_wait3A_13] : memref<1280x1024xf32, #tpu.memory_space<hbm>> -> memref<40x1024xf32, #tpu.memory_space<hbm>>
      tpu.wait_dma2 semaphore(%run_scoped3A : memref<!tpu.dma_semaphore, #tpu.memory_space<semaphore_mem>>) src(%arg6 : memref<40x1024xf32, #tpu.memory_space<vmem>>) dst(%dma_wait3A_14 : memref<40x1024xf32, #tpu.memory_space<hbm>>)
      tpu.yield
    }) : () -> ()
    return
  }
}

module attributes {stable_mosaic.version = 14 : i64} {
  func.func @_ka_body(%arg0: memref<512x32xf32, #tpu.memory_space<vmem>>, %arg1: memref<32x1024xf32, #tpu.memory_space<vmem>>, %arg2: memref<32x1024xf32, #tpu.memory_space<vmem>>, %arg3: memref<2x1024xf32, #tpu.memory_space<vmem>>, %arg4: memref<2x1024xf32, #tpu.memory_space<vmem>>, %arg5: memref<2x1024x8xf32, #tpu.memory_space<vmem>>, %arg6: memref<2x1024x3072xf32, #tpu.memory_space<hbm>>, %arg7: memref<2x1024x1024xf32, #tpu.memory_space<hbm>>, %arg8: memref<512x1024xf32, #tpu.memory_space<vmem>>, %arg9: memref<512x8xf32, #tpu.memory_space<vmem>>, %arg10: memref<1x1280xi32, #tpu.memory_space<vmem>>, %arg11: memref<1x8xf32, #tpu.memory_space<vmem>>, %arg12: memref<1024x3072xf32, #tpu.memory_space<vmem>>, %arg13: memref<1024x1024xf32, #tpu.memory_space<vmem>>, %arg14: memref<!tpu.dma_semaphore, #tpu.memory_space<semaphore_mem>>, %arg15: memref<!tpu.dma_semaphore, #tpu.memory_space<semaphore_mem>>) attributes {dimension_semantics = [], scalar_prefetch = 0 : i64, scratch_operands = 4 : i64, tpu.core_type = #tpu.core_type<tc>} {
    %dma_start3A = arith.constant 0 : i32
    %dma_start3A_0 = arith.constant 0 : i32
    %dma_start3A_1 = arith.constant 0 : i32
    %dma_start3A_2 = tpu.memref_slice %arg6[%dma_start3A, %dma_start3A_0, %dma_start3A_1] : memref<2x1024x3072xf32, #tpu.memory_space<hbm>> -> memref<1x1024x3072xf32, #tpu.memory_space<hbm>>
    %dma_start3A_3 = tpu.memref_squeeze %dma_start3A_2 : memref<1x1024x3072xf32, #tpu.memory_space<hbm>> -> memref<1024x3072xf32, #tpu.memory_space<hbm>>
    tpu.enqueue_dma source(%dma_start3A_3 : memref<1024x3072xf32, #tpu.memory_space<hbm>>) target(%arg12 : memref<1024x3072xf32, #tpu.memory_space<vmem>>) target_semaphore(%arg14 : memref<!tpu.dma_semaphore, #tpu.memory_space<semaphore_mem>>)
    %dma_start3A_4 = arith.constant 0 : i32
    %dma_start3A_5 = arith.constant 0 : i32
    %dma_start3A_6 = arith.constant 0 : i32
    %dma_start3A_7 = tpu.memref_slice %arg7[%dma_start3A_4, %dma_start3A_5, %dma_start3A_6] : memref<2x1024x1024xf32, #tpu.memory_space<hbm>> -> memref<1x1024x1024xf32, #tpu.memory_space<hbm>>
    %dma_start3A_8 = tpu.memref_squeeze %dma_start3A_7 : memref<1x1024x1024xf32, #tpu.memory_space<hbm>> -> memref<1024x1024xf32, #tpu.memory_space<hbm>>
    tpu.enqueue_dma source(%dma_start3A_8 : memref<1024x1024xf32, #tpu.memory_space<hbm>>) target(%arg13 : memref<1024x1024xf32, #tpu.memory_space<vmem>>) target_semaphore(%arg15 : memref<!tpu.dma_semaphore, #tpu.memory_space<semaphore_mem>>)
    %get3A = arith.constant 0 : index
    %get3A_9 = arith.constant 0 : index
    %get3A_10 = vector.load %arg0[%get3A, %get3A_9] : memref<512x32xf32, #tpu.memory_space<vmem>>, vector<512x32xf32>
    %get3A_11 = arith.constant 0 : index
    %get3A_12 = arith.constant 0 : index
    %get3A_13 = vector.load %arg2[%get3A_11, %get3A_12] : memref<32x1024xf32, #tpu.memory_space<vmem>>, vector<32x1024xf32>
    %dot_general3A = arith.constant dense<0.000000e+00> : vector<512x1024xf32>
    %dot_general3A_14 = tpu.matmul %get3A_10, %get3A_13, %dot_general3A {dimension_numbers = #tpu.dot_dimension_numbers<[1], [0], [0], [1], [0, 0, 1, 1], [], []>, transpose_lhs_hint = false} : vector<512x32xf32>, vector<32x1024xf32>, vector<512x1024xf32> -> vector<512x1024xf32>
    %neg3A = arith.constant 0.000000e+00 : f32
    %neg3A_15 = vector.broadcast %neg3A : f32 to vector<512x1024xf32>
    %neg3A_16 = arith.subf %neg3A_15, %dot_general3A_14 : vector<512x1024xf32>
    %exp3A = math.exp %neg3A_16 : vector<512x1024xf32>
    %add3A = arith.constant 1.000000e+00 : f32
    %add3A_17 = vector.broadcast %add3A : f32 to vector<512x1024xf32>
    %add3A_18 = arith.addf %add3A_17, %exp3A : vector<512x1024xf32>
    %div3A = arith.constant 1.000000e+00 : f32
    %div3A_19 = vector.broadcast %div3A : f32 to vector<512x1024xf32>
    %div3A_20 = arith.divf %div3A_19, %add3A_18 : vector<512x1024xf32>
    %mul3A = arith.mulf %dot_general3A_14, %div3A_20 : vector<512x1024xf32>
    %get3A_21 = arith.constant 0 : index
    %get3A_22 = arith.constant 0 : index
    %get3A_23 = vector.load %arg1[%get3A_21, %get3A_22] : memref<32x1024xf32, #tpu.memory_space<vmem>>, vector<32x1024xf32>
    %dot_general3A_24 = arith.constant dense<0.000000e+00> : vector<512x1024xf32>
    %dot_general3A_25 = tpu.matmul %get3A_10, %get3A_23, %dot_general3A_24 {dimension_numbers = #tpu.dot_dimension_numbers<[1], [0], [0], [1], [0, 0, 1, 1], [], []>, transpose_lhs_hint = false} : vector<512x32xf32>, vector<32x1024xf32>, vector<512x1024xf32> -> vector<512x1024xf32>
    %mul3A_26 = arith.mulf %mul3A, %dot_general3A_25 : vector<512x1024xf32>
    %dma_wait3A = arith.constant 0 : i32
    %dma_wait3A_27 = arith.constant 0 : i32
    %dma_wait3A_28 = arith.constant 0 : i32
    %dma_wait3A_29 = tpu.memref_slice %arg6[%dma_wait3A, %dma_wait3A_27, %dma_wait3A_28] : memref<2x1024x3072xf32, #tpu.memory_space<hbm>> -> memref<1x1024x3072xf32, #tpu.memory_space<hbm>>
    %dma_wait3A_30 = tpu.memref_squeeze %dma_wait3A_29 : memref<1x1024x3072xf32, #tpu.memory_space<hbm>> -> memref<1024x3072xf32, #tpu.memory_space<hbm>>
    tpu.wait_dma2 semaphore(%arg14 : memref<!tpu.dma_semaphore, #tpu.memory_space<semaphore_mem>>) src(%dma_wait3A_30 : memref<1024x3072xf32, #tpu.memory_space<hbm>>) dst(%arg12 : memref<1024x3072xf32, #tpu.memory_space<vmem>>)
    %dma_wait3A_31 = arith.constant 0 : i32
    %dma_wait3A_32 = arith.constant 0 : i32
    %dma_wait3A_33 = arith.constant 0 : i32
    %dma_wait3A_34 = tpu.memref_slice %arg7[%dma_wait3A_31, %dma_wait3A_32, %dma_wait3A_33] : memref<2x1024x1024xf32, #tpu.memory_space<hbm>> -> memref<1x1024x1024xf32, #tpu.memory_space<hbm>>
    %dma_wait3A_35 = tpu.memref_squeeze %dma_wait3A_34 : memref<1x1024x1024xf32, #tpu.memory_space<hbm>> -> memref<1024x1024xf32, #tpu.memory_space<hbm>>
    tpu.wait_dma2 semaphore(%arg15 : memref<!tpu.dma_semaphore, #tpu.memory_space<semaphore_mem>>) src(%dma_wait3A_35 : memref<1024x1024xf32, #tpu.memory_space<hbm>>) dst(%arg13 : memref<1024x1024xf32, #tpu.memory_space<vmem>>)
    %get3A_36 = arith.constant 0 : index
    %get3A_37 = arith.constant 0 : index
    %get3A_38 = vector.load %arg3[%get3A_36, %get3A_37] : memref<2x1024xf32, #tpu.memory_space<vmem>>, vector<1x1024xf32>
    %get3A_39 = arith.constant 0 : index
    %get3A_40 = arith.constant 0 : index
    %get3A_41 = vector.load %arg4[%get3A_39, %get3A_40] : memref<2x1024xf32, #tpu.memory_space<vmem>>, vector<1x1024xf32>
    %get3A_42 = arith.constant 0 : index
    %get3A_43 = arith.constant 0 : index
    %get3A_44 = arith.constant 0 : index
    %get3A_45 = vector.load %arg5[%get3A_42, %get3A_43, %get3A_44] : memref<2x1024x8xf32, #tpu.memory_space<vmem>>, vector<1x1024x8xf32>
    %get3A_46 = vector.shape_cast %get3A_45 : vector<1x1024x8xf32> to vector<1024x8xf32>
    %get3A_47 = arith.constant 0 : index
    %get3A_48 = arith.constant 0 : index
    %get3A_49 = vector.load %arg12[%get3A_47, %get3A_48] : memref<1024x3072xf32, #tpu.memory_space<vmem>>, vector<1024x3072xf32>
    %get3A_50 = arith.constant 0 : index
    %get3A_51 = arith.constant 0 : index
    %get3A_52 = vector.load %arg13[%get3A_50, %get3A_51] : memref<1024x1024xf32, #tpu.memory_space<vmem>>, vector<1024x1024xf32>
    %iota3A = tpu.iota {dimensions = array<i32: 0>} : vector<512x512xi32>
    %iota3A_53 = tpu.iota {dimensions = array<i32: 1>} : vector<512x512xi32>
    %jit3A = arith.constant 64 : i32
    %div3A_54 = vector.broadcast %jit3A : i32 to vector<512x512xi32>
    %div3A_55 = arith.divsi %iota3A, %div3A_54 : vector<512x512xi32>
    %sign3A = arith.constant 0 : i32
    %sign3A_56 = vector.broadcast %sign3A : i32 to vector<512x512xi32>
    %sign3A_57 = arith.cmpi sgt, %iota3A, %sign3A_56 : vector<512x512xi32>
    %sign3A_58 = arith.extui %sign3A_57 : vector<512x512xi1> to vector<512x512xi32>
    %sign3A_59 = arith.constant 0 : i32
    %sign3A_60 = vector.broadcast %sign3A_59 : i32 to vector<512x512xi32>
    %sign3A_61 = arith.cmpi slt, %iota3A, %sign3A_60 : vector<512x512xi32>
    %sign3A_62 = arith.extui %sign3A_61 : vector<512x512xi1> to vector<512x512xi32>
    %sign3A_63 = arith.subi %sign3A_58, %sign3A_62 : vector<512x512xi32>
    %sign3A_64 = arith.constant 0 : i32
    %sign3A_65 = arith.cmpi sgt, %jit3A, %sign3A_64 : i32
    %sign3A_66 = arith.extui %sign3A_65 : i1 to i32
    %sign3A_67 = arith.constant 0 : i32
    %sign3A_68 = arith.cmpi slt, %jit3A, %sign3A_67 : i32
    %sign3A_69 = arith.extui %sign3A_68 : i1 to i32
    %sign3A_70 = arith.subi %sign3A_66, %sign3A_69 : i32
    %ne3A = vector.broadcast %sign3A_70 : i32 to vector<512x512xi32>
    %ne3A_71 = arith.cmpi ne, %sign3A_63, %ne3A : vector<512x512xi32>
    %rem3A = vector.broadcast %jit3A : i32 to vector<512x512xi32>
    %rem3A_72 = arith.remsi %iota3A, %rem3A : vector<512x512xi32>
    %ne3A_73 = arith.constant 0 : i32
    %ne3A_74 = vector.broadcast %ne3A_73 : i32 to vector<512x512xi32>
    %ne3A_75 = arith.cmpi ne, %rem3A_72, %ne3A_74 : vector<512x512xi32>
    %and3A = arith.andi %ne3A_71, %ne3A_75 : vector<512x512xi1>
    %sub3A = arith.constant 1 : i32
    %sub3A_76 = vector.broadcast %sub3A : i32 to vector<512x512xi32>
    %sub3A_77 = arith.subi %div3A_55, %sub3A_76 : vector<512x512xi32>
    %select_n3A = arith.select %and3A, %sub3A_77, %div3A_55 : vector<512x512xi1>, vector<512x512xi32>
    %jit3A_78 = arith.constant 64 : i32
    %div3A_79 = vector.broadcast %jit3A_78 : i32 to vector<512x512xi32>
    %div3A_80 = arith.divsi %iota3A_53, %div3A_79 : vector<512x512xi32>
    %sign3A_81 = arith.constant 0 : i32
    %sign3A_82 = vector.broadcast %sign3A_81 : i32 to vector<512x512xi32>
    %sign3A_83 = arith.cmpi sgt, %iota3A_53, %sign3A_82 : vector<512x512xi32>
    %sign3A_84 = arith.extui %sign3A_83 : vector<512x512xi1> to vector<512x512xi32>
    %sign3A_85 = arith.constant 0 : i32
    %sign3A_86 = vector.broadcast %sign3A_85 : i32 to vector<512x512xi32>
    %sign3A_87 = arith.cmpi slt, %iota3A_53, %sign3A_86 : vector<512x512xi32>
    %sign3A_88 = arith.extui %sign3A_87 : vector<512x512xi1> to vector<512x512xi32>
    %sign3A_89 = arith.subi %sign3A_84, %sign3A_88 : vector<512x512xi32>
    %sign3A_90 = arith.constant 0 : i32
    %sign3A_91 = arith.cmpi sgt, %jit3A_78, %sign3A_90 : i32
    %sign3A_92 = arith.extui %sign3A_91 : i1 to i32
    %sign3A_93 = arith.constant 0 : i32
    %sign3A_94 = arith.cmpi slt, %jit3A_78, %sign3A_93 : i32
    %sign3A_95 = arith.extui %sign3A_94 : i1 to i32
    %sign3A_96 = arith.subi %sign3A_92, %sign3A_95 : i32
    %ne3A_97 = vector.broadcast %sign3A_96 : i32 to vector<512x512xi32>
    %ne3A_98 = arith.cmpi ne, %sign3A_89, %ne3A_97 : vector<512x512xi32>
    %rem3A_99 = vector.broadcast %jit3A_78 : i32 to vector<512x512xi32>
    %rem3A_100 = arith.remsi %iota3A_53, %rem3A_99 : vector<512x512xi32>
    %ne3A_101 = arith.constant 0 : i32
    %ne3A_102 = vector.broadcast %ne3A_101 : i32 to vector<512x512xi32>
    %ne3A_103 = arith.cmpi ne, %rem3A_100, %ne3A_102 : vector<512x512xi32>
    %and3A_104 = arith.andi %ne3A_98, %ne3A_103 : vector<512x512xi1>
    %sub3A_105 = arith.constant 1 : i32
    %sub3A_106 = vector.broadcast %sub3A_105 : i32 to vector<512x512xi32>
    %sub3A_107 = arith.subi %div3A_80, %sub3A_106 : vector<512x512xi32>
    %select_n3A_108 = arith.select %and3A_104, %sub3A_107, %div3A_80 : vector<512x512xi1>, vector<512x512xi32>
    %eq3A = arith.cmpi eq, %select_n3A, %select_n3A_108 : vector<512x512xi32>
    %ge3A = arith.cmpi sge, %iota3A, %iota3A_53 : vector<512x512xi32>
    %and3A_109 = arith.andi %eq3A, %ge3A : vector<512x512xi1>
    %gt3A = arith.cmpi sgt, %iota3A, %iota3A_53 : vector<512x512xi32>
    %convert_element_type3A = arith.extui %gt3A : vector<512x512xi1> to vector<512x512xi32>
    %convert_element_type3A_110 = arith.sitofp %convert_element_type3A : vector<512x512xi32> to vector<512x512xf32>
    %iota3A_111 = tpu.iota {dimensions = array<i32: 1>} : vector<512x8xi32>
    %mul3A_112 = vector.broadcast %get3A_38 : vector<1x1024xf32> to vector<512x1024xf32>
    %mul3A_113 = arith.mulf %mul3A_26, %mul3A_112 : vector<512x1024xf32>
    %mul3A_114 = arith.mulf %mul3A_26, %mul3A_26 : vector<512x1024xf32>
    %reduce_sum3A = arith.constant dense<0.000000e+00> : vector<512xf32>
    %reduce_sum3A_115 = vector.multi_reduction <add>, %mul3A_114, %reduce_sum3A [1] : vector<512x1024xf32> to vector<512xf32>
    %broadcast_in_dim3A = vector.shape_cast %reduce_sum3A_115 : vector<512xf32> to vector<512x1xf32>
    %div3A_116 = arith.constant 1.024000e+03 : f32
    %div3A_117 = vector.broadcast %div3A_116 : f32 to vector<512x1xf32>
    %div3A_118 = arith.divf %broadcast_in_dim3A, %div3A_117 : vector<512x1xf32>
    %add3A_119 = arith.constant 9.99999997E-7 : f32
    %add3A_120 = vector.broadcast %add3A_119 : f32 to vector<512x1xf32>
    %add3A_121 = arith.addf %div3A_118, %add3A_120 : vector<512x1xf32>
    %rsqrt3A = math.rsqrt %add3A_121 : vector<512x1xf32>
    %mul3A_122 = vector.broadcast %rsqrt3A : vector<512x1xf32> to vector<512x1024xf32>
    %mul3A_123 = arith.mulf %mul3A_113, %mul3A_122 : vector<512x1024xf32>
    %dot_general3A_124 = arith.constant dense<0.000000e+00> : vector<512x3072xf32>
    %dot_general3A_125 = tpu.matmul %mul3A_123, %get3A_49, %dot_general3A_124 {dimension_numbers = #tpu.dot_dimension_numbers<[1], [0], [0], [1], [0, 0, 1, 1], [], []>, transpose_lhs_hint = false} : vector<512x1024xf32>, vector<1024x3072xf32>, vector<512x3072xf32> -> vector<512x3072xf32>
    %slice3A = vector.extract_strided_slice %dot_general3A_125 {offsets = [0, 0], sizes = [512, 64], strides = [1, 1]} : vector<512x3072xf32> to vector<512x64xf32>
    %slice3A_126 = vector.extract_strided_slice %dot_general3A_125 {offsets = [0, 1024], sizes = [512, 64], strides = [1, 1]} : vector<512x3072xf32> to vector<512x64xf32>
    %slice3A_127 = vector.extract_strided_slice %dot_general3A_125 {offsets = [0, 2048], sizes = [512, 64], strides = [1, 1]} : vector<512x3072xf32> to vector<512x64xf32>
    %dot_general3A_128 = arith.constant dense<0.000000e+00> : vector<512x512xf32>
    %dot_general3A_129 = tpu.matmul %slice3A, %slice3A_126, %dot_general3A_128 {dimension_numbers = #tpu.dot_dimension_numbers<[1], [1], [0], [0], [0, 0, 1, 0], [], []>, transpose_lhs_hint = false} : vector<512x64xf32>, vector<512x64xf32>, vector<512x512xf32> -> vector<512x512xf32>
    %mul3A_130 = arith.constant 1.250000e-01 : f32
    %mul3A_131 = vector.broadcast %mul3A_130 : f32 to vector<512x512xf32>
    %mul3A_132 = arith.mulf %dot_general3A_129, %mul3A_131 : vector<512x512xf32>
    %jit3A_133 = arith.constant -1.000000e+09 : f32
    %broadcast_in_dim3A_134 = vector.broadcast %jit3A_133 : f32 to vector<512x512xf32>
    %select_n3A_135 = arith.select %and3A_109, %mul3A_132, %broadcast_in_dim3A_134 : vector<512x512xi1>, vector<512x512xf32>
    %reduce_max3A = arith.constant dense<0xFF800000> : vector<512xf32>
    %reduce_max3A_136 = vector.multi_reduction <maximumf>, %select_n3A_135, %reduce_max3A [1] : vector<512x512xf32> to vector<512xf32>
    %broadcast_in_dim3A_137 = vector.shape_cast %reduce_max3A_136 : vector<512xf32> to vector<512x1xf32>
    %sub3A_138 = vector.broadcast %broadcast_in_dim3A_137 : vector<512x1xf32> to vector<512x512xf32>
    %sub3A_139 = arith.subf %select_n3A_135, %sub3A_138 : vector<512x512xf32>
    %exp3A_140 = math.exp %sub3A_139 : vector<512x512xf32>
    %reduce_sum3A_141 = arith.constant dense<0.000000e+00> : vector<512xf32>
    %reduce_sum3A_142 = vector.multi_reduction <add>, %exp3A_140, %reduce_sum3A_141 [1] : vector<512x512xf32> to vector<512xf32>
    %broadcast_in_dim3A_143 = vector.shape_cast %reduce_sum3A_142 : vector<512xf32> to vector<512x1xf32>
    %div3A_144 = vector.broadcast %broadcast_in_dim3A_143 : vector<512x1xf32> to vector<512x512xf32>
    %div3A_145 = arith.divf %exp3A_140, %div3A_144 : vector<512x512xf32>
    %dot_general3A_146 = arith.constant dense<0.000000e+00> : vector<512x64xf32>
    %dot_general3A_147 = tpu.matmul %div3A_145, %slice3A_127, %dot_general3A_146 {dimension_numbers = #tpu.dot_dimension_numbers<[1], [0], [0], [1], [0, 0, 1, 1], [], []>, transpose_lhs_hint = false} : vector<512x512xf32>, vector<512x64xf32>, vector<512x64xf32> -> vector<512x64xf32>
    %slice3A_148 = vector.extract_strided_slice %dot_general3A_125 {offsets = [0, 64], sizes = [512, 64], strides = [1, 1]} : vector<512x3072xf32> to vector<512x64xf32>
    %slice3A_149 = vector.extract_strided_slice %dot_general3A_125 {offsets = [0, 1088], sizes = [512, 64], strides = [1, 1]} : vector<512x3072xf32> to vector<512x64xf32>
    %slice3A_150 = vector.extract_strided_slice %dot_general3A_125 {offsets = [0, 2112], sizes = [512, 64], strides = [1, 1]} : vector<512x3072xf32> to vector<512x64xf32>
    %dot_general3A_151 = arith.constant dense<0.000000e+00> : vector<512x512xf32>
    %dot_general3A_152 = tpu.matmul %slice3A_148, %slice3A_149, %dot_general3A_151 {dimension_numbers = #tpu.dot_dimension_numbers<[1], [1], [0], [0], [0, 0, 1, 0], [], []>, transpose_lhs_hint = false} : vector<512x64xf32>, vector<512x64xf32>, vector<512x512xf32> -> vector<512x512xf32>
    %mul3A_153 = arith.constant 1.250000e-01 : f32
    %mul3A_154 = vector.broadcast %mul3A_153 : f32 to vector<512x512xf32>
    %mul3A_155 = arith.mulf %dot_general3A_152, %mul3A_154 : vector<512x512xf32>
    %jit3A_156 = arith.constant -1.000000e+09 : f32
    %broadcast_in_dim3A_157 = vector.broadcast %jit3A_156 : f32 to vector<512x512xf32>
    %select_n3A_158 = arith.select %and3A_109, %mul3A_155, %broadcast_in_dim3A_157 : vector<512x512xi1>, vector<512x512xf32>
    %reduce_max3A_159 = arith.constant dense<0xFF800000> : vector<512xf32>
    %reduce_max3A_160 = vector.multi_reduction <maximumf>, %select_n3A_158, %reduce_max3A_159 [1] : vector<512x512xf32> to vector<512xf32>
    %broadcast_in_dim3A_161 = vector.shape_cast %reduce_max3A_160 : vector<512xf32> to vector<512x1xf32>
    %sub3A_162 = vector.broadcast %broadcast_in_dim3A_161 : vector<512x1xf32> to vector<512x512xf32>
    %sub3A_163 = arith.subf %select_n3A_158, %sub3A_162 : vector<512x512xf32>
    %exp3A_164 = math.exp %sub3A_163 : vector<512x512xf32>
    %reduce_sum3A_165 = arith.constant dense<0.000000e+00> : vector<512xf32>
    %reduce_sum3A_166 = vector.multi_reduction <add>, %exp3A_164, %reduce_sum3A_165 [1] : vector<512x512xf32> to vector<512xf32>
    %broadcast_in_dim3A_167 = vector.shape_cast %reduce_sum3A_166 : vector<512xf32> to vector<512x1xf32>
    %div3A_168 = vector.broadcast %broadcast_in_dim3A_167 : vector<512x1xf32> to vector<512x512xf32>
    %div3A_169 = arith.divf %exp3A_164, %div3A_168 : vector<512x512xf32>
    %dot_general3A_170 = arith.constant dense<0.000000e+00> : vector<512x64xf32>
    %dot_general3A_171 = tpu.matmul %div3A_169, %slice3A_150, %dot_general3A_170 {dimension_numbers = #tpu.dot_dimension_numbers<[1], [0], [0], [1], [0, 0, 1, 1], [], []>, transpose_lhs_hint = false} : vector<512x512xf32>, vector<512x64xf32>, vector<512x64xf32> -> vector<512x64xf32>
    %slice3A_172 = vector.extract_strided_slice %dot_general3A_125 {offsets = [0, 128], sizes = [512, 64], strides = [1, 1]} : vector<512x3072xf32> to vector<512x64xf32>
    %slice3A_173 = vector.extract_strided_slice %dot_general3A_125 {offsets = [0, 1152], sizes = [512, 64], strides = [1, 1]} : vector<512x3072xf32> to vector<512x64xf32>
    %slice3A_174 = vector.extract_strided_slice %dot_general3A_125 {offsets = [0, 2176], sizes = [512, 64], strides = [1, 1]} : vector<512x3072xf32> to vector<512x64xf32>
    %dot_general3A_175 = arith.constant dense<0.000000e+00> : vector<512x512xf32>
    %dot_general3A_176 = tpu.matmul %slice3A_172, %slice3A_173, %dot_general3A_175 {dimension_numbers = #tpu.dot_dimension_numbers<[1], [1], [0], [0], [0, 0, 1, 0], [], []>, transpose_lhs_hint = false} : vector<512x64xf32>, vector<512x64xf32>, vector<512x512xf32> -> vector<512x512xf32>
    %mul3A_177 = arith.constant 1.250000e-01 : f32
    %mul3A_178 = vector.broadcast %mul3A_177 : f32 to vector<512x512xf32>
    %mul3A_179 = arith.mulf %dot_general3A_176, %mul3A_178 : vector<512x512xf32>
    %jit3A_180 = arith.constant -1.000000e+09 : f32
    %broadcast_in_dim3A_181 = vector.broadcast %jit3A_180 : f32 to vector<512x512xf32>
    %select_n3A_182 = arith.select %and3A_109, %mul3A_179, %broadcast_in_dim3A_181 : vector<512x512xi1>, vector<512x512xf32>
    %reduce_max3A_183 = arith.constant dense<0xFF800000> : vector<512xf32>
    %reduce_max3A_184 = vector.multi_reduction <maximumf>, %select_n3A_182, %reduce_max3A_183 [1] : vector<512x512xf32> to vector<512xf32>
    %broadcast_in_dim3A_185 = vector.shape_cast %reduce_max3A_184 : vector<512xf32> to vector<512x1xf32>
    %sub3A_186 = vector.broadcast %broadcast_in_dim3A_185 : vector<512x1xf32> to vector<512x512xf32>
    %sub3A_187 = arith.subf %select_n3A_182, %sub3A_186 : vector<512x512xf32>
    %exp3A_188 = math.exp %sub3A_187 : vector<512x512xf32>
    %reduce_sum3A_189 = arith.constant dense<0.000000e+00> : vector<512xf32>
    %reduce_sum3A_190 = vector.multi_reduction <add>, %exp3A_188, %reduce_sum3A_189 [1] : vector<512x512xf32> to vector<512xf32>
    %broadcast_in_dim3A_191 = vector.shape_cast %reduce_sum3A_190 : vector<512xf32> to vector<512x1xf32>
    %div3A_192 = vector.broadcast %broadcast_in_dim3A_191 : vector<512x1xf32> to vector<512x512xf32>
    %div3A_193 = arith.divf %exp3A_188, %div3A_192 : vector<512x512xf32>
    %dot_general3A_194 = arith.constant dense<0.000000e+00> : vector<512x64xf32>
    %dot_general3A_195 = tpu.matmul %div3A_193, %slice3A_174, %dot_general3A_194 {dimension_numbers = #tpu.dot_dimension_numbers<[1], [0], [0], [1], [0, 0, 1, 1], [], []>, transpose_lhs_hint = false} : vector<512x512xf32>, vector<512x64xf32>, vector<512x64xf32> -> vector<512x64xf32>
    %slice3A_196 = vector.extract_strided_slice %dot_general3A_125 {offsets = [0, 192], sizes = [512, 64], strides = [1, 1]} : vector<512x3072xf32> to vector<512x64xf32>
    %slice3A_197 = vector.extract_strided_slice %dot_general3A_125 {offsets = [0, 1216], sizes = [512, 64], strides = [1, 1]} : vector<512x3072xf32> to vector<512x64xf32>
    %slice3A_198 = vector.extract_strided_slice %dot_general3A_125 {offsets = [0, 2240], sizes = [512, 64], strides = [1, 1]} : vector<512x3072xf32> to vector<512x64xf32>
    %dot_general3A_199 = arith.constant dense<0.000000e+00> : vector<512x512xf32>
    %dot_general3A_200 = tpu.matmul %slice3A_196, %slice3A_197, %dot_general3A_199 {dimension_numbers = #tpu.dot_dimension_numbers<[1], [1], [0], [0], [0, 0, 1, 0], [], []>, transpose_lhs_hint = false} : vector<512x64xf32>, vector<512x64xf32>, vector<512x512xf32> -> vector<512x512xf32>
    %mul3A_201 = arith.constant 1.250000e-01 : f32
    %mul3A_202 = vector.broadcast %mul3A_201 : f32 to vector<512x512xf32>
    %mul3A_203 = arith.mulf %dot_general3A_200, %mul3A_202 : vector<512x512xf32>
    %jit3A_204 = arith.constant -1.000000e+09 : f32
    %broadcast_in_dim3A_205 = vector.broadcast %jit3A_204 : f32 to vector<512x512xf32>
    %select_n3A_206 = arith.select %and3A_109, %mul3A_203, %broadcast_in_dim3A_205 : vector<512x512xi1>, vector<512x512xf32>
    %reduce_max3A_207 = arith.constant dense<0xFF800000> : vector<512xf32>
    %reduce_max3A_208 = vector.multi_reduction <maximumf>, %select_n3A_206, %reduce_max3A_207 [1] : vector<512x512xf32> to vector<512xf32>
    %broadcast_in_dim3A_209 = vector.shape_cast %reduce_max3A_208 : vector<512xf32> to vector<512x1xf32>
    %sub3A_210 = vector.broadcast %broadcast_in_dim3A_209 : vector<512x1xf32> to vector<512x512xf32>
    %sub3A_211 = arith.subf %select_n3A_206, %sub3A_210 : vector<512x512xf32>
    %exp3A_212 = math.exp %sub3A_211 : vector<512x512xf32>
    %reduce_sum3A_213 = arith.constant dense<0.000000e+00> : vector<512xf32>
    %reduce_sum3A_214 = vector.multi_reduction <add>, %exp3A_212, %reduce_sum3A_213 [1] : vector<512x512xf32> to vector<512xf32>
    %broadcast_in_dim3A_215 = vector.shape_cast %reduce_sum3A_214 : vector<512xf32> to vector<512x1xf32>
    %div3A_216 = vector.broadcast %broadcast_in_dim3A_215 : vector<512x1xf32> to vector<512x512xf32>
    %div3A_217 = arith.divf %exp3A_212, %div3A_216 : vector<512x512xf32>
    %dot_general3A_218 = arith.constant dense<0.000000e+00> : vector<512x64xf32>
    %dot_general3A_219 = tpu.matmul %div3A_217, %slice3A_198, %dot_general3A_218 {dimension_numbers = #tpu.dot_dimension_numbers<[1], [0], [0], [1], [0, 0, 1, 1], [], []>, transpose_lhs_hint = false} : vector<512x512xf32>, vector<512x64xf32>, vector<512x64xf32> -> vector<512x64xf32>
    %slice3A_220 = vector.extract_strided_slice %dot_general3A_125 {offsets = [0, 256], sizes = [512, 64], strides = [1, 1]} : vector<512x3072xf32> to vector<512x64xf32>
    %slice3A_221 = vector.extract_strided_slice %dot_general3A_125 {offsets = [0, 1280], sizes = [512, 64], strides = [1, 1]} : vector<512x3072xf32> to vector<512x64xf32>
    %slice3A_222 = vector.extract_strided_slice %dot_general3A_125 {offsets = [0, 2304], sizes = [512, 64], strides = [1, 1]} : vector<512x3072xf32> to vector<512x64xf32>
    %dot_general3A_223 = arith.constant dense<0.000000e+00> : vector<512x512xf32>
    %dot_general3A_224 = tpu.matmul %slice3A_220, %slice3A_221, %dot_general3A_223 {dimension_numbers = #tpu.dot_dimension_numbers<[1], [1], [0], [0], [0, 0, 1, 0], [], []>, transpose_lhs_hint = false} : vector<512x64xf32>, vector<512x64xf32>, vector<512x512xf32> -> vector<512x512xf32>
    %mul3A_225 = arith.constant 1.250000e-01 : f32
    %mul3A_226 = vector.broadcast %mul3A_225 : f32 to vector<512x512xf32>
    %mul3A_227 = arith.mulf %dot_general3A_224, %mul3A_226 : vector<512x512xf32>
    %jit3A_228 = arith.constant -1.000000e+09 : f32
    %broadcast_in_dim3A_229 = vector.broadcast %jit3A_228 : f32 to vector<512x512xf32>
    %select_n3A_230 = arith.select %and3A_109, %mul3A_227, %broadcast_in_dim3A_229 : vector<512x512xi1>, vector<512x512xf32>
    %reduce_max3A_231 = arith.constant dense<0xFF800000> : vector<512xf32>
    %reduce_max3A_232 = vector.multi_reduction <maximumf>, %select_n3A_230, %reduce_max3A_231 [1] : vector<512x512xf32> to vector<512xf32>
    %broadcast_in_dim3A_233 = vector.shape_cast %reduce_max3A_232 : vector<512xf32> to vector<512x1xf32>
    %sub3A_234 = vector.broadcast %broadcast_in_dim3A_233 : vector<512x1xf32> to vector<512x512xf32>
    %sub3A_235 = arith.subf %select_n3A_230, %sub3A_234 : vector<512x512xf32>
    %exp3A_236 = math.exp %sub3A_235 : vector<512x512xf32>
    %reduce_sum3A_237 = arith.constant dense<0.000000e+00> : vector<512xf32>
    %reduce_sum3A_238 = vector.multi_reduction <add>, %exp3A_236, %reduce_sum3A_237 [1] : vector<512x512xf32> to vector<512xf32>
    %broadcast_in_dim3A_239 = vector.shape_cast %reduce_sum3A_238 : vector<512xf32> to vector<512x1xf32>
    %div3A_240 = vector.broadcast %broadcast_in_dim3A_239 : vector<512x1xf32> to vector<512x512xf32>
    %div3A_241 = arith.divf %exp3A_236, %div3A_240 : vector<512x512xf32>
    %dot_general3A_242 = arith.constant dense<0.000000e+00> : vector<512x64xf32>
    %dot_general3A_243 = tpu.matmul %div3A_241, %slice3A_222, %dot_general3A_242 {dimension_numbers = #tpu.dot_dimension_numbers<[1], [0], [0], [1], [0, 0, 1, 1], [], []>, transpose_lhs_hint = false} : vector<512x512xf32>, vector<512x64xf32>, vector<512x64xf32> -> vector<512x64xf32>
    %slice3A_244 = vector.extract_strided_slice %dot_general3A_125 {offsets = [0, 320], sizes = [512, 64], strides = [1, 1]} : vector<512x3072xf32> to vector<512x64xf32>
    %slice3A_245 = vector.extract_strided_slice %dot_general3A_125 {offsets = [0, 1344], sizes = [512, 64], strides = [1, 1]} : vector<512x3072xf32> to vector<512x64xf32>
    %slice3A_246 = vector.extract_strided_slice %dot_general3A_125 {offsets = [0, 2368], sizes = [512, 64], strides = [1, 1]} : vector<512x3072xf32> to vector<512x64xf32>
    %dot_general3A_247 = arith.constant dense<0.000000e+00> : vector<512x512xf32>
    %dot_general3A_248 = tpu.matmul %slice3A_244, %slice3A_245, %dot_general3A_247 {dimension_numbers = #tpu.dot_dimension_numbers<[1], [1], [0], [0], [0, 0, 1, 0], [], []>, transpose_lhs_hint = false} : vector<512x64xf32>, vector<512x64xf32>, vector<512x512xf32> -> vector<512x512xf32>
    %mul3A_249 = arith.constant 1.250000e-01 : f32
    %mul3A_250 = vector.broadcast %mul3A_249 : f32 to vector<512x512xf32>
    %mul3A_251 = arith.mulf %dot_general3A_248, %mul3A_250 : vector<512x512xf32>
    %jit3A_252 = arith.constant -1.000000e+09 : f32
    %broadcast_in_dim3A_253 = vector.broadcast %jit3A_252 : f32 to vector<512x512xf32>
    %select_n3A_254 = arith.select %and3A_109, %mul3A_251, %broadcast_in_dim3A_253 : vector<512x512xi1>, vector<512x512xf32>
    %reduce_max3A_255 = arith.constant dense<0xFF800000> : vector<512xf32>
    %reduce_max3A_256 = vector.multi_reduction <maximumf>, %select_n3A_254, %reduce_max3A_255 [1] : vector<512x512xf32> to vector<512xf32>
    %broadcast_in_dim3A_257 = vector.shape_cast %reduce_max3A_256 : vector<512xf32> to vector<512x1xf32>
    %sub3A_258 = vector.broadcast %broadcast_in_dim3A_257 : vector<512x1xf32> to vector<512x512xf32>
    %sub3A_259 = arith.subf %select_n3A_254, %sub3A_258 : vector<512x512xf32>
    %exp3A_260 = math.exp %sub3A_259 : vector<512x512xf32>
    %reduce_sum3A_261 = arith.constant dense<0.000000e+00> : vector<512xf32>
    %reduce_sum3A_262 = vector.multi_reduction <add>, %exp3A_260, %reduce_sum3A_261 [1] : vector<512x512xf32> to vector<512xf32>
    %broadcast_in_dim3A_263 = vector.shape_cast %reduce_sum3A_262 : vector<512xf32> to vector<512x1xf32>
    %div3A_264 = vector.broadcast %broadcast_in_dim3A_263 : vector<512x1xf32> to vector<512x512xf32>
    %div3A_265 = arith.divf %exp3A_260, %div3A_264 : vector<512x512xf32>
    %dot_general3A_266 = arith.constant dense<0.000000e+00> : vector<512x64xf32>
    %dot_general3A_267 = tpu.matmul %div3A_265, %slice3A_246, %dot_general3A_266 {dimension_numbers = #tpu.dot_dimension_numbers<[1], [0], [0], [1], [0, 0, 1, 1], [], []>, transpose_lhs_hint = false} : vector<512x512xf32>, vector<512x64xf32>, vector<512x64xf32> -> vector<512x64xf32>
    %slice3A_268 = vector.extract_strided_slice %dot_general3A_125 {offsets = [0, 384], sizes = [512, 64], strides = [1, 1]} : vector<512x3072xf32> to vector<512x64xf32>
    %slice3A_269 = vector.extract_strided_slice %dot_general3A_125 {offsets = [0, 1408], sizes = [512, 64], strides = [1, 1]} : vector<512x3072xf32> to vector<512x64xf32>
    %slice3A_270 = vector.extract_strided_slice %dot_general3A_125 {offsets = [0, 2432], sizes = [512, 64], strides = [1, 1]} : vector<512x3072xf32> to vector<512x64xf32>
    %dot_general3A_271 = arith.constant dense<0.000000e+00> : vector<512x512xf32>
    %dot_general3A_272 = tpu.matmul %slice3A_268, %slice3A_269, %dot_general3A_271 {dimension_numbers = #tpu.dot_dimension_numbers<[1], [1], [0], [0], [0, 0, 1, 0], [], []>, transpose_lhs_hint = false} : vector<512x64xf32>, vector<512x64xf32>, vector<512x512xf32> -> vector<512x512xf32>
    %mul3A_273 = arith.constant 1.250000e-01 : f32
    %mul3A_274 = vector.broadcast %mul3A_273 : f32 to vector<512x512xf32>
    %mul3A_275 = arith.mulf %dot_general3A_272, %mul3A_274 : vector<512x512xf32>
    %jit3A_276 = arith.constant -1.000000e+09 : f32
    %broadcast_in_dim3A_277 = vector.broadcast %jit3A_276 : f32 to vector<512x512xf32>
    %select_n3A_278 = arith.select %and3A_109, %mul3A_275, %broadcast_in_dim3A_277 : vector<512x512xi1>, vector<512x512xf32>
    %reduce_max3A_279 = arith.constant dense<0xFF800000> : vector<512xf32>
    %reduce_max3A_280 = vector.multi_reduction <maximumf>, %select_n3A_278, %reduce_max3A_279 [1] : vector<512x512xf32> to vector<512xf32>
    %broadcast_in_dim3A_281 = vector.shape_cast %reduce_max3A_280 : vector<512xf32> to vector<512x1xf32>
    %sub3A_282 = vector.broadcast %broadcast_in_dim3A_281 : vector<512x1xf32> to vector<512x512xf32>
    %sub3A_283 = arith.subf %select_n3A_278, %sub3A_282 : vector<512x512xf32>
    %exp3A_284 = math.exp %sub3A_283 : vector<512x512xf32>
    %reduce_sum3A_285 = arith.constant dense<0.000000e+00> : vector<512xf32>
    %reduce_sum3A_286 = vector.multi_reduction <add>, %exp3A_284, %reduce_sum3A_285 [1] : vector<512x512xf32> to vector<512xf32>
    %broadcast_in_dim3A_287 = vector.shape_cast %reduce_sum3A_286 : vector<512xf32> to vector<512x1xf32>
    %div3A_288 = vector.broadcast %broadcast_in_dim3A_287 : vector<512x1xf32> to vector<512x512xf32>
    %div3A_289 = arith.divf %exp3A_284, %div3A_288 : vector<512x512xf32>
    %dot_general3A_290 = arith.constant dense<0.000000e+00> : vector<512x64xf32>
    %dot_general3A_291 = tpu.matmul %div3A_289, %slice3A_270, %dot_general3A_290 {dimension_numbers = #tpu.dot_dimension_numbers<[1], [0], [0], [1], [0, 0, 1, 1], [], []>, transpose_lhs_hint = false} : vector<512x512xf32>, vector<512x64xf32>, vector<512x64xf32> -> vector<512x64xf32>
    %slice3A_292 = vector.extract_strided_slice %dot_general3A_125 {offsets = [0, 448], sizes = [512, 64], strides = [1, 1]} : vector<512x3072xf32> to vector<512x64xf32>
    %slice3A_293 = vector.extract_strided_slice %dot_general3A_125 {offsets = [0, 1472], sizes = [512, 64], strides = [1, 1]} : vector<512x3072xf32> to vector<512x64xf32>
    %slice3A_294 = vector.extract_strided_slice %dot_general3A_125 {offsets = [0, 2496], sizes = [512, 64], strides = [1, 1]} : vector<512x3072xf32> to vector<512x64xf32>
    %dot_general3A_295 = arith.constant dense<0.000000e+00> : vector<512x512xf32>
    %dot_general3A_296 = tpu.matmul %slice3A_292, %slice3A_293, %dot_general3A_295 {dimension_numbers = #tpu.dot_dimension_numbers<[1], [1], [0], [0], [0, 0, 1, 0], [], []>, transpose_lhs_hint = false} : vector<512x64xf32>, vector<512x64xf32>, vector<512x512xf32> -> vector<512x512xf32>
    %mul3A_297 = arith.constant 1.250000e-01 : f32
    %mul3A_298 = vector.broadcast %mul3A_297 : f32 to vector<512x512xf32>
    %mul3A_299 = arith.mulf %dot_general3A_296, %mul3A_298 : vector<512x512xf32>
    %jit3A_300 = arith.constant -1.000000e+09 : f32
    %broadcast_in_dim3A_301 = vector.broadcast %jit3A_300 : f32 to vector<512x512xf32>
    %select_n3A_302 = arith.select %and3A_109, %mul3A_299, %broadcast_in_dim3A_301 : vector<512x512xi1>, vector<512x512xf32>
    %reduce_max3A_303 = arith.constant dense<0xFF800000> : vector<512xf32>
    %reduce_max3A_304 = vector.multi_reduction <maximumf>, %select_n3A_302, %reduce_max3A_303 [1] : vector<512x512xf32> to vector<512xf32>
    %broadcast_in_dim3A_305 = vector.shape_cast %reduce_max3A_304 : vector<512xf32> to vector<512x1xf32>
    %sub3A_306 = vector.broadcast %broadcast_in_dim3A_305 : vector<512x1xf32> to vector<512x512xf32>
    %sub3A_307 = arith.subf %select_n3A_302, %sub3A_306 : vector<512x512xf32>
    %exp3A_308 = math.exp %sub3A_307 : vector<512x512xf32>
    %reduce_sum3A_309 = arith.constant dense<0.000000e+00> : vector<512xf32>
    %reduce_sum3A_310 = vector.multi_reduction <add>, %exp3A_308, %reduce_sum3A_309 [1] : vector<512x512xf32> to vector<512xf32>
    %broadcast_in_dim3A_311 = vector.shape_cast %reduce_sum3A_310 : vector<512xf32> to vector<512x1xf32>
    %div3A_312 = vector.broadcast %broadcast_in_dim3A_311 : vector<512x1xf32> to vector<512x512xf32>
    %div3A_313 = arith.divf %exp3A_308, %div3A_312 : vector<512x512xf32>
    %dot_general3A_314 = arith.constant dense<0.000000e+00> : vector<512x64xf32>
    %dot_general3A_315 = tpu.matmul %div3A_313, %slice3A_294, %dot_general3A_314 {dimension_numbers = #tpu.dot_dimension_numbers<[1], [0], [0], [1], [0, 0, 1, 1], [], []>, transpose_lhs_hint = false} : vector<512x512xf32>, vector<512x64xf32>, vector<512x64xf32> -> vector<512x64xf32>
    %slice3A_316 = vector.extract_strided_slice %dot_general3A_125 {offsets = [0, 512], sizes = [512, 64], strides = [1, 1]} : vector<512x3072xf32> to vector<512x64xf32>
    %slice3A_317 = vector.extract_strided_slice %dot_general3A_125 {offsets = [0, 1536], sizes = [512, 64], strides = [1, 1]} : vector<512x3072xf32> to vector<512x64xf32>
    %slice3A_318 = vector.extract_strided_slice %dot_general3A_125 {offsets = [0, 2560], sizes = [512, 64], strides = [1, 1]} : vector<512x3072xf32> to vector<512x64xf32>
    %dot_general3A_319 = arith.constant dense<0.000000e+00> : vector<512x512xf32>
    %dot_general3A_320 = tpu.matmul %slice3A_316, %slice3A_317, %dot_general3A_319 {dimension_numbers = #tpu.dot_dimension_numbers<[1], [1], [0], [0], [0, 0, 1, 0], [], []>, transpose_lhs_hint = false} : vector<512x64xf32>, vector<512x64xf32>, vector<512x512xf32> -> vector<512x512xf32>
    %mul3A_321 = arith.constant 1.250000e-01 : f32
    %mul3A_322 = vector.broadcast %mul3A_321 : f32 to vector<512x512xf32>
    %mul3A_323 = arith.mulf %dot_general3A_320, %mul3A_322 : vector<512x512xf32>
    %jit3A_324 = arith.constant -1.000000e+09 : f32
    %broadcast_in_dim3A_325 = vector.broadcast %jit3A_324 : f32 to vector<512x512xf32>
    %select_n3A_326 = arith.select %and3A_109, %mul3A_323, %broadcast_in_dim3A_325 : vector<512x512xi1>, vector<512x512xf32>
    %reduce_max3A_327 = arith.constant dense<0xFF800000> : vector<512xf32>
    %reduce_max3A_328 = vector.multi_reduction <maximumf>, %select_n3A_326, %reduce_max3A_327 [1] : vector<512x512xf32> to vector<512xf32>
    %broadcast_in_dim3A_329 = vector.shape_cast %reduce_max3A_328 : vector<512xf32> to vector<512x1xf32>
    %sub3A_330 = vector.broadcast %broadcast_in_dim3A_329 : vector<512x1xf32> to vector<512x512xf32>
    %sub3A_331 = arith.subf %select_n3A_326, %sub3A_330 : vector<512x512xf32>
    %exp3A_332 = math.exp %sub3A_331 : vector<512x512xf32>
    %reduce_sum3A_333 = arith.constant dense<0.000000e+00> : vector<512xf32>
    %reduce_sum3A_334 = vector.multi_reduction <add>, %exp3A_332, %reduce_sum3A_333 [1] : vector<512x512xf32> to vector<512xf32>
    %broadcast_in_dim3A_335 = vector.shape_cast %reduce_sum3A_334 : vector<512xf32> to vector<512x1xf32>
    %div3A_336 = vector.broadcast %broadcast_in_dim3A_335 : vector<512x1xf32> to vector<512x512xf32>
    %div3A_337 = arith.divf %exp3A_332, %div3A_336 : vector<512x512xf32>
    %dot_general3A_338 = arith.constant dense<0.000000e+00> : vector<512x64xf32>
    %dot_general3A_339 = tpu.matmul %div3A_337, %slice3A_318, %dot_general3A_338 {dimension_numbers = #tpu.dot_dimension_numbers<[1], [0], [0], [1], [0, 0, 1, 1], [], []>, transpose_lhs_hint = false} : vector<512x512xf32>, vector<512x64xf32>, vector<512x64xf32> -> vector<512x64xf32>
    %slice3A_340 = vector.extract_strided_slice %dot_general3A_125 {offsets = [0, 576], sizes = [512, 64], strides = [1, 1]} : vector<512x3072xf32> to vector<512x64xf32>
    %slice3A_341 = vector.extract_strided_slice %dot_general3A_125 {offsets = [0, 1600], sizes = [512, 64], strides = [1, 1]} : vector<512x3072xf32> to vector<512x64xf32>
    %slice3A_342 = vector.extract_strided_slice %dot_general3A_125 {offsets = [0, 2624], sizes = [512, 64], strides = [1, 1]} : vector<512x3072xf32> to vector<512x64xf32>
    %dot_general3A_343 = arith.constant dense<0.000000e+00> : vector<512x512xf32>
    %dot_general3A_344 = tpu.matmul %slice3A_340, %slice3A_341, %dot_general3A_343 {dimension_numbers = #tpu.dot_dimension_numbers<[1], [1], [0], [0], [0, 0, 1, 0], [], []>, transpose_lhs_hint = false} : vector<512x64xf32>, vector<512x64xf32>, vector<512x512xf32> -> vector<512x512xf32>
    %mul3A_345 = arith.constant 1.250000e-01 : f32
    %mul3A_346 = vector.broadcast %mul3A_345 : f32 to vector<512x512xf32>
    %mul3A_347 = arith.mulf %dot_general3A_344, %mul3A_346 : vector<512x512xf32>
    %jit3A_348 = arith.constant -1.000000e+09 : f32
    %broadcast_in_dim3A_349 = vector.broadcast %jit3A_348 : f32 to vector<512x512xf32>
    %select_n3A_350 = arith.select %and3A_109, %mul3A_347, %broadcast_in_dim3A_349 : vector<512x512xi1>, vector<512x512xf32>
    %reduce_max3A_351 = arith.constant dense<0xFF800000> : vector<512xf32>
    %reduce_max3A_352 = vector.multi_reduction <maximumf>, %select_n3A_350, %reduce_max3A_351 [1] : vector<512x512xf32> to vector<512xf32>
    %broadcast_in_dim3A_353 = vector.shape_cast %reduce_max3A_352 : vector<512xf32> to vector<512x1xf32>
    %sub3A_354 = vector.broadcast %broadcast_in_dim3A_353 : vector<512x1xf32> to vector<512x512xf32>
    %sub3A_355 = arith.subf %select_n3A_350, %sub3A_354 : vector<512x512xf32>
    %exp3A_356 = math.exp %sub3A_355 : vector<512x512xf32>
    %reduce_sum3A_357 = arith.constant dense<0.000000e+00> : vector<512xf32>
    %reduce_sum3A_358 = vector.multi_reduction <add>, %exp3A_356, %reduce_sum3A_357 [1] : vector<512x512xf32> to vector<512xf32>
    %broadcast_in_dim3A_359 = vector.shape_cast %reduce_sum3A_358 : vector<512xf32> to vector<512x1xf32>
    %div3A_360 = vector.broadcast %broadcast_in_dim3A_359 : vector<512x1xf32> to vector<512x512xf32>
    %div3A_361 = arith.divf %exp3A_356, %div3A_360 : vector<512x512xf32>
    %dot_general3A_362 = arith.constant dense<0.000000e+00> : vector<512x64xf32>
    %dot_general3A_363 = tpu.matmul %div3A_361, %slice3A_342, %dot_general3A_362 {dimension_numbers = #tpu.dot_dimension_numbers<[1], [0], [0], [1], [0, 0, 1, 1], [], []>, transpose_lhs_hint = false} : vector<512x512xf32>, vector<512x64xf32>, vector<512x64xf32> -> vector<512x64xf32>
    %slice3A_364 = vector.extract_strided_slice %dot_general3A_125 {offsets = [0, 640], sizes = [512, 64], strides = [1, 1]} : vector<512x3072xf32> to vector<512x64xf32>
    %slice3A_365 = vector.extract_strided_slice %dot_general3A_125 {offsets = [0, 1664], sizes = [512, 64], strides = [1, 1]} : vector<512x3072xf32> to vector<512x64xf32>
    %slice3A_366 = vector.extract_strided_slice %dot_general3A_125 {offsets = [0, 2688], sizes = [512, 64], strides = [1, 1]} : vector<512x3072xf32> to vector<512x64xf32>
    %dot_general3A_367 = arith.constant dense<0.000000e+00> : vector<512x512xf32>
    %dot_general3A_368 = tpu.matmul %slice3A_364, %slice3A_365, %dot_general3A_367 {dimension_numbers = #tpu.dot_dimension_numbers<[1], [1], [0], [0], [0, 0, 1, 0], [], []>, transpose_lhs_hint = false} : vector<512x64xf32>, vector<512x64xf32>, vector<512x512xf32> -> vector<512x512xf32>
    %mul3A_369 = arith.constant 1.250000e-01 : f32
    %mul3A_370 = vector.broadcast %mul3A_369 : f32 to vector<512x512xf32>
    %mul3A_371 = arith.mulf %dot_general3A_368, %mul3A_370 : vector<512x512xf32>
    %jit3A_372 = arith.constant -1.000000e+09 : f32
    %broadcast_in_dim3A_373 = vector.broadcast %jit3A_372 : f32 to vector<512x512xf32>
    %select_n3A_374 = arith.select %and3A_109, %mul3A_371, %broadcast_in_dim3A_373 : vector<512x512xi1>, vector<512x512xf32>
    %reduce_max3A_375 = arith.constant dense<0xFF800000> : vector<512xf32>
    %reduce_max3A_376 = vector.multi_reduction <maximumf>, %select_n3A_374, %reduce_max3A_375 [1] : vector<512x512xf32> to vector<512xf32>
    %broadcast_in_dim3A_377 = vector.shape_cast %reduce_max3A_376 : vector<512xf32> to vector<512x1xf32>
    %sub3A_378 = vector.broadcast %broadcast_in_dim3A_377 : vector<512x1xf32> to vector<512x512xf32>
    %sub3A_379 = arith.subf %select_n3A_374, %sub3A_378 : vector<512x512xf32>
    %exp3A_380 = math.exp %sub3A_379 : vector<512x512xf32>
    %reduce_sum3A_381 = arith.constant dense<0.000000e+00> : vector<512xf32>
    %reduce_sum3A_382 = vector.multi_reduction <add>, %exp3A_380, %reduce_sum3A_381 [1] : vector<512x512xf32> to vector<512xf32>
    %broadcast_in_dim3A_383 = vector.shape_cast %reduce_sum3A_382 : vector<512xf32> to vector<512x1xf32>
    %div3A_384 = vector.broadcast %broadcast_in_dim3A_383 : vector<512x1xf32> to vector<512x512xf32>
    %div3A_385 = arith.divf %exp3A_380, %div3A_384 : vector<512x512xf32>
    %dot_general3A_386 = arith.constant dense<0.000000e+00> : vector<512x64xf32>
    %dot_general3A_387 = tpu.matmul %div3A_385, %slice3A_366, %dot_general3A_386 {dimension_numbers = #tpu.dot_dimension_numbers<[1], [0], [0], [1], [0, 0, 1, 1], [], []>, transpose_lhs_hint = false} : vector<512x512xf32>, vector<512x64xf32>, vector<512x64xf32> -> vector<512x64xf32>
    %slice3A_388 = vector.extract_strided_slice %dot_general3A_125 {offsets = [0, 704], sizes = [512, 64], strides = [1, 1]} : vector<512x3072xf32> to vector<512x64xf32>
    %slice3A_389 = vector.extract_strided_slice %dot_general3A_125 {offsets = [0, 1728], sizes = [512, 64], strides = [1, 1]} : vector<512x3072xf32> to vector<512x64xf32>
    %slice3A_390 = vector.extract_strided_slice %dot_general3A_125 {offsets = [0, 2752], sizes = [512, 64], strides = [1, 1]} : vector<512x3072xf32> to vector<512x64xf32>
    %dot_general3A_391 = arith.constant dense<0.000000e+00> : vector<512x512xf32>
    %dot_general3A_392 = tpu.matmul %slice3A_388, %slice3A_389, %dot_general3A_391 {dimension_numbers = #tpu.dot_dimension_numbers<[1], [1], [0], [0], [0, 0, 1, 0], [], []>, transpose_lhs_hint = false} : vector<512x64xf32>, vector<512x64xf32>, vector<512x512xf32> -> vector<512x512xf32>
    %mul3A_393 = arith.constant 1.250000e-01 : f32
    %mul3A_394 = vector.broadcast %mul3A_393 : f32 to vector<512x512xf32>
    %mul3A_395 = arith.mulf %dot_general3A_392, %mul3A_394 : vector<512x512xf32>
    %jit3A_396 = arith.constant -1.000000e+09 : f32
    %broadcast_in_dim3A_397 = vector.broadcast %jit3A_396 : f32 to vector<512x512xf32>
    %select_n3A_398 = arith.select %and3A_109, %mul3A_395, %broadcast_in_dim3A_397 : vector<512x512xi1>, vector<512x512xf32>
    %reduce_max3A_399 = arith.constant dense<0xFF800000> : vector<512xf32>
    %reduce_max3A_400 = vector.multi_reduction <maximumf>, %select_n3A_398, %reduce_max3A_399 [1] : vector<512x512xf32> to vector<512xf32>
    %broadcast_in_dim3A_401 = vector.shape_cast %reduce_max3A_400 : vector<512xf32> to vector<512x1xf32>
    %sub3A_402 = vector.broadcast %broadcast_in_dim3A_401 : vector<512x1xf32> to vector<512x512xf32>
    %sub3A_403 = arith.subf %select_n3A_398, %sub3A_402 : vector<512x512xf32>
    %exp3A_404 = math.exp %sub3A_403 : vector<512x512xf32>
    %reduce_sum3A_405 = arith.constant dense<0.000000e+00> : vector<512xf32>
    %reduce_sum3A_406 = vector.multi_reduction <add>, %exp3A_404, %reduce_sum3A_405 [1] : vector<512x512xf32> to vector<512xf32>
    %broadcast_in_dim3A_407 = vector.shape_cast %reduce_sum3A_406 : vector<512xf32> to vector<512x1xf32>
    %div3A_408 = vector.broadcast %broadcast_in_dim3A_407 : vector<512x1xf32> to vector<512x512xf32>
    %div3A_409 = arith.divf %exp3A_404, %div3A_408 : vector<512x512xf32>
    %dot_general3A_410 = arith.constant dense<0.000000e+00> : vector<512x64xf32>
    %dot_general3A_411 = tpu.matmul %div3A_409, %slice3A_390, %dot_general3A_410 {dimension_numbers = #tpu.dot_dimension_numbers<[1], [0], [0], [1], [0, 0, 1, 1], [], []>, transpose_lhs_hint = false} : vector<512x512xf32>, vector<512x64xf32>, vector<512x64xf32> -> vector<512x64xf32>
    %slice3A_412 = vector.extract_strided_slice %dot_general3A_125 {offsets = [0, 768], sizes = [512, 64], strides = [1, 1]} : vector<512x3072xf32> to vector<512x64xf32>
    %slice3A_413 = vector.extract_strided_slice %dot_general3A_125 {offsets = [0, 1792], sizes = [512, 64], strides = [1, 1]} : vector<512x3072xf32> to vector<512x64xf32>
    %slice3A_414 = vector.extract_strided_slice %dot_general3A_125 {offsets = [0, 2816], sizes = [512, 64], strides = [1, 1]} : vector<512x3072xf32> to vector<512x64xf32>
    %dot_general3A_415 = arith.constant dense<0.000000e+00> : vector<512x512xf32>
    %dot_general3A_416 = tpu.matmul %slice3A_412, %slice3A_413, %dot_general3A_415 {dimension_numbers = #tpu.dot_dimension_numbers<[1], [1], [0], [0], [0, 0, 1, 0], [], []>, transpose_lhs_hint = false} : vector<512x64xf32>, vector<512x64xf32>, vector<512x512xf32> -> vector<512x512xf32>
    %mul3A_417 = arith.constant 1.250000e-01 : f32
    %mul3A_418 = vector.broadcast %mul3A_417 : f32 to vector<512x512xf32>
    %mul3A_419 = arith.mulf %dot_general3A_416, %mul3A_418 : vector<512x512xf32>
    %jit3A_420 = arith.constant -1.000000e+09 : f32
    %broadcast_in_dim3A_421 = vector.broadcast %jit3A_420 : f32 to vector<512x512xf32>
    %select_n3A_422 = arith.select %and3A_109, %mul3A_419, %broadcast_in_dim3A_421 : vector<512x512xi1>, vector<512x512xf32>
    %reduce_max3A_423 = arith.constant dense<0xFF800000> : vector<512xf32>
    %reduce_max3A_424 = vector.multi_reduction <maximumf>, %select_n3A_422, %reduce_max3A_423 [1] : vector<512x512xf32> to vector<512xf32>
    %broadcast_in_dim3A_425 = vector.shape_cast %reduce_max3A_424 : vector<512xf32> to vector<512x1xf32>
    %sub3A_426 = vector.broadcast %broadcast_in_dim3A_425 : vector<512x1xf32> to vector<512x512xf32>
    %sub3A_427 = arith.subf %select_n3A_422, %sub3A_426 : vector<512x512xf32>
    %exp3A_428 = math.exp %sub3A_427 : vector<512x512xf32>
    %reduce_sum3A_429 = arith.constant dense<0.000000e+00> : vector<512xf32>
    %reduce_sum3A_430 = vector.multi_reduction <add>, %exp3A_428, %reduce_sum3A_429 [1] : vector<512x512xf32> to vector<512xf32>
    %broadcast_in_dim3A_431 = vector.shape_cast %reduce_sum3A_430 : vector<512xf32> to vector<512x1xf32>
    %div3A_432 = vector.broadcast %broadcast_in_dim3A_431 : vector<512x1xf32> to vector<512x512xf32>
    %div3A_433 = arith.divf %exp3A_428, %div3A_432 : vector<512x512xf32>
    %dot_general3A_434 = arith.constant dense<0.000000e+00> : vector<512x64xf32>
    %dot_general3A_435 = tpu.matmul %div3A_433, %slice3A_414, %dot_general3A_434 {dimension_numbers = #tpu.dot_dimension_numbers<[1], [0], [0], [1], [0, 0, 1, 1], [], []>, transpose_lhs_hint = false} : vector<512x512xf32>, vector<512x64xf32>, vector<512x64xf32> -> vector<512x64xf32>
    %slice3A_436 = vector.extract_strided_slice %dot_general3A_125 {offsets = [0, 832], sizes = [512, 64], strides = [1, 1]} : vector<512x3072xf32> to vector<512x64xf32>
    %slice3A_437 = vector.extract_strided_slice %dot_general3A_125 {offsets = [0, 1856], sizes = [512, 64], strides = [1, 1]} : vector<512x3072xf32> to vector<512x64xf32>
    %slice3A_438 = vector.extract_strided_slice %dot_general3A_125 {offsets = [0, 2880], sizes = [512, 64], strides = [1, 1]} : vector<512x3072xf32> to vector<512x64xf32>
    %dot_general3A_439 = arith.constant dense<0.000000e+00> : vector<512x512xf32>
    %dot_general3A_440 = tpu.matmul %slice3A_436, %slice3A_437, %dot_general3A_439 {dimension_numbers = #tpu.dot_dimension_numbers<[1], [1], [0], [0], [0, 0, 1, 0], [], []>, transpose_lhs_hint = false} : vector<512x64xf32>, vector<512x64xf32>, vector<512x512xf32> -> vector<512x512xf32>
    %mul3A_441 = arith.constant 1.250000e-01 : f32
    %mul3A_442 = vector.broadcast %mul3A_441 : f32 to vector<512x512xf32>
    %mul3A_443 = arith.mulf %dot_general3A_440, %mul3A_442 : vector<512x512xf32>
    %jit3A_444 = arith.constant -1.000000e+09 : f32
    %broadcast_in_dim3A_445 = vector.broadcast %jit3A_444 : f32 to vector<512x512xf32>
    %select_n3A_446 = arith.select %and3A_109, %mul3A_443, %broadcast_in_dim3A_445 : vector<512x512xi1>, vector<512x512xf32>
    %reduce_max3A_447 = arith.constant dense<0xFF800000> : vector<512xf32>
    %reduce_max3A_448 = vector.multi_reduction <maximumf>, %select_n3A_446, %reduce_max3A_447 [1] : vector<512x512xf32> to vector<512xf32>
    %broadcast_in_dim3A_449 = vector.shape_cast %reduce_max3A_448 : vector<512xf32> to vector<512x1xf32>
    %sub3A_450 = vector.broadcast %broadcast_in_dim3A_449 : vector<512x1xf32> to vector<512x512xf32>
    %sub3A_451 = arith.subf %select_n3A_446, %sub3A_450 : vector<512x512xf32>
    %exp3A_452 = math.exp %sub3A_451 : vector<512x512xf32>
    %reduce_sum3A_453 = arith.constant dense<0.000000e+00> : vector<512xf32>
    %reduce_sum3A_454 = vector.multi_reduction <add>, %exp3A_452, %reduce_sum3A_453 [1] : vector<512x512xf32> to vector<512xf32>
    %broadcast_in_dim3A_455 = vector.shape_cast %reduce_sum3A_454 : vector<512xf32> to vector<512x1xf32>
    %div3A_456 = vector.broadcast %broadcast_in_dim3A_455 : vector<512x1xf32> to vector<512x512xf32>
    %div3A_457 = arith.divf %exp3A_452, %div3A_456 : vector<512x512xf32>
    %dot_general3A_458 = arith.constant dense<0.000000e+00> : vector<512x64xf32>
    %dot_general3A_459 = tpu.matmul %div3A_457, %slice3A_438, %dot_general3A_458 {dimension_numbers = #tpu.dot_dimension_numbers<[1], [0], [0], [1], [0, 0, 1, 1], [], []>, transpose_lhs_hint = false} : vector<512x512xf32>, vector<512x64xf32>, vector<512x64xf32> -> vector<512x64xf32>
    %slice3A_460 = vector.extract_strided_slice %dot_general3A_125 {offsets = [0, 896], sizes = [512, 64], strides = [1, 1]} : vector<512x3072xf32> to vector<512x64xf32>
    %slice3A_461 = vector.extract_strided_slice %dot_general3A_125 {offsets = [0, 1920], sizes = [512, 64], strides = [1, 1]} : vector<512x3072xf32> to vector<512x64xf32>
    %slice3A_462 = vector.extract_strided_slice %dot_general3A_125 {offsets = [0, 2944], sizes = [512, 64], strides = [1, 1]} : vector<512x3072xf32> to vector<512x64xf32>
    %dot_general3A_463 = arith.constant dense<0.000000e+00> : vector<512x512xf32>
    %dot_general3A_464 = tpu.matmul %slice3A_460, %slice3A_461, %dot_general3A_463 {dimension_numbers = #tpu.dot_dimension_numbers<[1], [1], [0], [0], [0, 0, 1, 0], [], []>, transpose_lhs_hint = false} : vector<512x64xf32>, vector<512x64xf32>, vector<512x512xf32> -> vector<512x512xf32>
    %mul3A_465 = arith.constant 1.250000e-01 : f32
    %mul3A_466 = vector.broadcast %mul3A_465 : f32 to vector<512x512xf32>
    %mul3A_467 = arith.mulf %dot_general3A_464, %mul3A_466 : vector<512x512xf32>
    %jit3A_468 = arith.constant -1.000000e+09 : f32
    %broadcast_in_dim3A_469 = vector.broadcast %jit3A_468 : f32 to vector<512x512xf32>
    %select_n3A_470 = arith.select %and3A_109, %mul3A_467, %broadcast_in_dim3A_469 : vector<512x512xi1>, vector<512x512xf32>
    %reduce_max3A_471 = arith.constant dense<0xFF800000> : vector<512xf32>
    %reduce_max3A_472 = vector.multi_reduction <maximumf>, %select_n3A_470, %reduce_max3A_471 [1] : vector<512x512xf32> to vector<512xf32>
    %broadcast_in_dim3A_473 = vector.shape_cast %reduce_max3A_472 : vector<512xf32> to vector<512x1xf32>
    %sub3A_474 = vector.broadcast %broadcast_in_dim3A_473 : vector<512x1xf32> to vector<512x512xf32>
    %sub3A_475 = arith.subf %select_n3A_470, %sub3A_474 : vector<512x512xf32>
    %exp3A_476 = math.exp %sub3A_475 : vector<512x512xf32>
    %reduce_sum3A_477 = arith.constant dense<0.000000e+00> : vector<512xf32>
    %reduce_sum3A_478 = vector.multi_reduction <add>, %exp3A_476, %reduce_sum3A_477 [1] : vector<512x512xf32> to vector<512xf32>
    %broadcast_in_dim3A_479 = vector.shape_cast %reduce_sum3A_478 : vector<512xf32> to vector<512x1xf32>
    %div3A_480 = vector.broadcast %broadcast_in_dim3A_479 : vector<512x1xf32> to vector<512x512xf32>
    %div3A_481 = arith.divf %exp3A_476, %div3A_480 : vector<512x512xf32>
    %dot_general3A_482 = arith.constant dense<0.000000e+00> : vector<512x64xf32>
    %dot_general3A_483 = tpu.matmul %div3A_481, %slice3A_462, %dot_general3A_482 {dimension_numbers = #tpu.dot_dimension_numbers<[1], [0], [0], [1], [0, 0, 1, 1], [], []>, transpose_lhs_hint = false} : vector<512x512xf32>, vector<512x64xf32>, vector<512x64xf32> -> vector<512x64xf32>
    %slice3A_484 = vector.extract_strided_slice %dot_general3A_125 {offsets = [0, 960], sizes = [512, 64], strides = [1, 1]} : vector<512x3072xf32> to vector<512x64xf32>
    %slice3A_485 = vector.extract_strided_slice %dot_general3A_125 {offsets = [0, 1984], sizes = [512, 64], strides = [1, 1]} : vector<512x3072xf32> to vector<512x64xf32>
    %slice3A_486 = vector.extract_strided_slice %dot_general3A_125 {offsets = [0, 3008], sizes = [512, 64], strides = [1, 1]} : vector<512x3072xf32> to vector<512x64xf32>
    %dot_general3A_487 = arith.constant dense<0.000000e+00> : vector<512x512xf32>
    %dot_general3A_488 = tpu.matmul %slice3A_484, %slice3A_485, %dot_general3A_487 {dimension_numbers = #tpu.dot_dimension_numbers<[1], [1], [0], [0], [0, 0, 1, 0], [], []>, transpose_lhs_hint = false} : vector<512x64xf32>, vector<512x64xf32>, vector<512x512xf32> -> vector<512x512xf32>
    %mul3A_489 = arith.constant 1.250000e-01 : f32
    %mul3A_490 = vector.broadcast %mul3A_489 : f32 to vector<512x512xf32>
    %mul3A_491 = arith.mulf %dot_general3A_488, %mul3A_490 : vector<512x512xf32>
    %jit3A_492 = arith.constant -1.000000e+09 : f32
    %broadcast_in_dim3A_493 = vector.broadcast %jit3A_492 : f32 to vector<512x512xf32>
    %select_n3A_494 = arith.select %and3A_109, %mul3A_491, %broadcast_in_dim3A_493 : vector<512x512xi1>, vector<512x512xf32>
    %reduce_max3A_495 = arith.constant dense<0xFF800000> : vector<512xf32>
    %reduce_max3A_496 = vector.multi_reduction <maximumf>, %select_n3A_494, %reduce_max3A_495 [1] : vector<512x512xf32> to vector<512xf32>
    %broadcast_in_dim3A_497 = vector.shape_cast %reduce_max3A_496 : vector<512xf32> to vector<512x1xf32>
    %sub3A_498 = vector.broadcast %broadcast_in_dim3A_497 : vector<512x1xf32> to vector<512x512xf32>
    %sub3A_499 = arith.subf %select_n3A_494, %sub3A_498 : vector<512x512xf32>
    %exp3A_500 = math.exp %sub3A_499 : vector<512x512xf32>
    %reduce_sum3A_501 = arith.constant dense<0.000000e+00> : vector<512xf32>
    %reduce_sum3A_502 = vector.multi_reduction <add>, %exp3A_500, %reduce_sum3A_501 [1] : vector<512x512xf32> to vector<512xf32>
    %broadcast_in_dim3A_503 = vector.shape_cast %reduce_sum3A_502 : vector<512xf32> to vector<512x1xf32>
    %div3A_504 = vector.broadcast %broadcast_in_dim3A_503 : vector<512x1xf32> to vector<512x512xf32>
    %div3A_505 = arith.divf %exp3A_500, %div3A_504 : vector<512x512xf32>
    %dot_general3A_506 = arith.constant dense<0.000000e+00> : vector<512x64xf32>
    %dot_general3A_507 = tpu.matmul %div3A_505, %slice3A_486, %dot_general3A_506 {dimension_numbers = #tpu.dot_dimension_numbers<[1], [0], [0], [1], [0, 0, 1, 1], [], []>, transpose_lhs_hint = false} : vector<512x512xf32>, vector<512x64xf32>, vector<512x64xf32> -> vector<512x64xf32>
    %concatenate3A = tpu.concatenate %dot_general3A_147, %dot_general3A_171, %dot_general3A_195, %dot_general3A_219, %dot_general3A_243, %dot_general3A_267, %dot_general3A_291, %dot_general3A_315, %dot_general3A_339, %dot_general3A_363, %dot_general3A_387, %dot_general3A_411, %dot_general3A_435, %dot_general3A_459, %dot_general3A_483, %dot_general3A_507 in 1 : vector<512x64xf32>, vector<512x64xf32>, vector<512x64xf32>, vector<512x64xf32>, vector<512x64xf32>, vector<512x64xf32>, vector<512x64xf32>, vector<512x64xf32>, vector<512x64xf32>, vector<512x64xf32>, vector<512x64xf32>, vector<512x64xf32>, vector<512x64xf32>, vector<512x64xf32>, vector<512x64xf32>, vector<512x64xf32> -> vector<512x1024xf32>
    %dot_general3A_508 = arith.constant dense<0.000000e+00> : vector<512x1024xf32>
    %dot_general3A_509 = tpu.matmul %concatenate3A, %get3A_52, %dot_general3A_508 {dimension_numbers = #tpu.dot_dimension_numbers<[1], [0], [0], [1], [0, 0, 1, 1], [], []>, transpose_lhs_hint = false} : vector<512x1024xf32>, vector<1024x1024xf32>, vector<512x1024xf32> -> vector<512x1024xf32>
    %add3A_510 = arith.addf %dot_general3A_509, %mul3A_123 : vector<512x1024xf32>
    %mul3A_511 = vector.broadcast %get3A_41 : vector<1x1024xf32> to vector<512x1024xf32>
    %mul3A_512 = arith.mulf %add3A_510, %mul3A_511 : vector<512x1024xf32>
    %mul3A_513 = arith.mulf %add3A_510, %add3A_510 : vector<512x1024xf32>
    %reduce_sum3A_514 = arith.constant dense<0.000000e+00> : vector<512xf32>
    %reduce_sum3A_515 = vector.multi_reduction <add>, %mul3A_513, %reduce_sum3A_514 [1] : vector<512x1024xf32> to vector<512xf32>
    %broadcast_in_dim3A_516 = vector.shape_cast %reduce_sum3A_515 : vector<512xf32> to vector<512x1xf32>
    %div3A_517 = arith.constant 1.024000e+03 : f32
    %div3A_518 = vector.broadcast %div3A_517 : f32 to vector<512x1xf32>
    %div3A_519 = arith.divf %broadcast_in_dim3A_516, %div3A_518 : vector<512x1xf32>
    %add3A_520 = arith.constant 9.99999997E-7 : f32
    %add3A_521 = vector.broadcast %add3A_520 : f32 to vector<512x1xf32>
    %add3A_522 = arith.addf %div3A_519, %add3A_521 : vector<512x1xf32>
    %rsqrt3A_523 = math.rsqrt %add3A_522 : vector<512x1xf32>
    %mul3A_524 = vector.broadcast %rsqrt3A_523 : vector<512x1xf32> to vector<512x1024xf32>
    %mul3A_525 = arith.mulf %mul3A_512, %mul3A_524 : vector<512x1024xf32>
    %dot_general3A_526 = arith.constant dense<0.000000e+00> : vector<512x8xf32>
    %dot_general3A_527 = tpu.matmul %mul3A_525, %get3A_46, %dot_general3A_526 {dimension_numbers = #tpu.dot_dimension_numbers<[1], [0], [0], [1], [0, 0, 1, 1], [], []>, transpose_lhs_hint = false} : vector<512x1024xf32>, vector<1024x8xf32>, vector<512x8xf32> -> vector<512x8xf32>
    %reduce_max3A_528 = arith.constant dense<0xFF800000> : vector<512xf32>
    %reduce_max3A_529 = vector.multi_reduction <maximumf>, %dot_general3A_527, %reduce_max3A_528 [1] : vector<512x8xf32> to vector<512xf32>
    %broadcast_in_dim3A_530 = vector.shape_cast %reduce_max3A_529 : vector<512xf32> to vector<512x1xf32>
    %sub3A_531 = vector.broadcast %broadcast_in_dim3A_530 : vector<512x1xf32> to vector<512x8xf32>
    %sub3A_532 = arith.subf %dot_general3A_527, %sub3A_531 : vector<512x8xf32>
    %exp3A_533 = math.exp %sub3A_532 : vector<512x8xf32>
    %reduce_sum3A_534 = arith.constant dense<0.000000e+00> : vector<512xf32>
    %reduce_sum3A_535 = vector.multi_reduction <add>, %exp3A_533, %reduce_sum3A_534 [1] : vector<512x8xf32> to vector<512xf32>
    %broadcast_in_dim3A_536 = vector.shape_cast %reduce_sum3A_535 : vector<512xf32> to vector<512x1xf32>
    %div3A_537 = vector.broadcast %broadcast_in_dim3A_536 : vector<512x1xf32> to vector<512x8xf32>
    %div3A_538 = arith.divf %exp3A_533, %div3A_537 : vector<512x8xf32>
    %reduce_max3A_539 = arith.constant dense<0xFF800000> : vector<512xf32>
    %reduce_max3A_540 = vector.multi_reduction <maximumf>, %div3A_538, %reduce_max3A_539 [1] : vector<512x8xf32> to vector<512xf32>
    %broadcast_in_dim3A_541 = vector.shape_cast %reduce_max3A_540 : vector<512xf32> to vector<512x1xf32>
    %eq3A_542 = vector.broadcast %broadcast_in_dim3A_541 : vector<512x1xf32> to vector<512x8xf32>
    %eq3A_543 = arith.cmpf oeq, %div3A_538, %eq3A_542 : vector<512x8xf32>
    %jit3A_544 = arith.constant 8 : i32
    %broadcast_in_dim3A_545 = vector.broadcast %jit3A_544 : i32 to vector<512x8xi32>
    %select_n3A_546 = arith.select %eq3A_543, %iota3A_111, %broadcast_in_dim3A_545 : vector<512x8xi1>, vector<512x8xi32>
    %reduce_min3A = arith.constant dense<2147483647> : vector<512xi32>
    %reduce_min3A_547 = vector.multi_reduction <minsi>, %select_n3A_546, %reduce_min3A [1] : vector<512x8xi32> to vector<512xi32>
    %broadcast_in_dim3A_548 = vector.shape_cast %reduce_min3A_547 : vector<512xi32> to vector<512x1xi32>
    %eq3A_549 = vector.broadcast %broadcast_in_dim3A_548 : vector<512x1xi32> to vector<512x8xi32>
    %eq3A_550 = arith.cmpi eq, %iota3A_111, %eq3A_549 : vector<512x8xi32>
    %convert_element_type3A_551 = arith.extui %eq3A_550 : vector<512x8xi1> to vector<512x8xi32>
    %convert_element_type3A_552 = arith.sitofp %convert_element_type3A_551 : vector<512x8xi32> to vector<512x8xf32>
    %eq3A_553 = vector.broadcast %broadcast_in_dim3A_548 : vector<512x1xi32> to vector<512x8xi32>
    %eq3A_554 = arith.cmpi eq, %iota3A_111, %eq3A_553 : vector<512x8xi32>
    %jit3A_555 = arith.constant -1.000000e+00 : f32
    %broadcast_in_dim3A_556 = vector.broadcast %jit3A_555 : f32 to vector<512x8xf32>
    %select_n3A_557 = arith.select %eq3A_554, %broadcast_in_dim3A_556, %div3A_538 : vector<512x8xi1>, vector<512x8xf32>
    %reduce_max3A_558 = arith.constant dense<0xFF800000> : vector<512xf32>
    %reduce_max3A_559 = vector.multi_reduction <maximumf>, %select_n3A_557, %reduce_max3A_558 [1] : vector<512x8xf32> to vector<512xf32>
    %broadcast_in_dim3A_560 = vector.shape_cast %reduce_max3A_559 : vector<512xf32> to vector<512x1xf32>
    %eq3A_561 = vector.broadcast %broadcast_in_dim3A_560 : vector<512x1xf32> to vector<512x8xf32>
    %eq3A_562 = arith.cmpf oeq, %select_n3A_557, %eq3A_561 : vector<512x8xf32>
    %jit3A_563 = arith.constant 8 : i32
    %broadcast_in_dim3A_564 = vector.broadcast %jit3A_563 : i32 to vector<512x8xi32>
    %select_n3A_565 = arith.select %eq3A_562, %iota3A_111, %broadcast_in_dim3A_564 : vector<512x8xi1>, vector<512x8xi32>
    %reduce_min3A_566 = arith.constant dense<2147483647> : vector<512xi32>
    %reduce_min3A_567 = vector.multi_reduction <minsi>, %select_n3A_565, %reduce_min3A_566 [1] : vector<512x8xi32> to vector<512xi32>
    %broadcast_in_dim3A_568 = vector.shape_cast %reduce_min3A_567 : vector<512xi32> to vector<512x1xi32>
    %eq3A_569 = vector.broadcast %broadcast_in_dim3A_568 : vector<512x1xi32> to vector<512x8xi32>
    %eq3A_570 = arith.cmpi eq, %iota3A_111, %eq3A_569 : vector<512x8xi32>
    %convert_element_type3A_571 = arith.extui %eq3A_570 : vector<512x8xi1> to vector<512x8xi32>
    %convert_element_type3A_572 = arith.sitofp %convert_element_type3A_571 : vector<512x8xi32> to vector<512x8xf32>
    %add3A_573 = arith.addf %broadcast_in_dim3A_541, %broadcast_in_dim3A_560 : vector<512x1xf32>
    %add3A_574 = arith.constant 9.99999971E-10 : f32
    %add3A_575 = vector.broadcast %add3A_574 : f32 to vector<512x1xf32>
    %add3A_576 = arith.addf %add3A_573, %add3A_575 : vector<512x1xf32>
    %div3A_577 = arith.divf %broadcast_in_dim3A_541, %add3A_576 : vector<512x1xf32>
    %div3A_578 = arith.divf %broadcast_in_dim3A_560, %add3A_576 : vector<512x1xf32>
    %dot_general3A_579 = arith.constant dense<0.000000e+00> : vector<512x8xf32>
    %dot_general3A_580 = tpu.matmul %convert_element_type3A_110, %convert_element_type3A_552, %dot_general3A_579 {dimension_numbers = #tpu.dot_dimension_numbers<[1], [0], [0], [1], [0, 0, 1, 1], [], []>, transpose_lhs_hint = false} : vector<512x512xf32>, vector<512x8xf32>, vector<512x8xf32> -> vector<512x8xf32>
    %mul3A_581 = arith.mulf %dot_general3A_580, %convert_element_type3A_552 : vector<512x8xf32>
    %reduce_sum3A_582 = arith.constant dense<0.000000e+00> : vector<512xf32>
    %reduce_sum3A_583 = vector.multi_reduction <add>, %mul3A_581, %reduce_sum3A_582 [1] : vector<512x8xf32> to vector<512xf32>
    %broadcast_in_dim3A_584 = vector.shape_cast %reduce_sum3A_583 : vector<512xf32> to vector<512x1xf32>
    %reduce_sum3A_585 = arith.constant dense<0.000000e+00> : vector<8xf32>
    %reduce_sum3A_586 = vector.multi_reduction <add>, %convert_element_type3A_552, %reduce_sum3A_585 [0] : vector<512x8xf32> to vector<8xf32>
    %broadcast_in_dim3A_587 = vector.shape_cast %reduce_sum3A_586 : vector<8xf32> to vector<1x8xf32>
    %dot_general3A_588 = arith.constant dense<0.000000e+00> : vector<512x8xf32>
    %dot_general3A_589 = tpu.matmul %convert_element_type3A_110, %convert_element_type3A_572, %dot_general3A_588 {dimension_numbers = #tpu.dot_dimension_numbers<[1], [0], [0], [1], [0, 0, 1, 1], [], []>, transpose_lhs_hint = false} : vector<512x512xf32>, vector<512x8xf32>, vector<512x8xf32> -> vector<512x8xf32>
    %add3A_590 = vector.broadcast %broadcast_in_dim3A_587 : vector<1x8xf32> to vector<512x8xf32>
    %add3A_591 = arith.addf %dot_general3A_589, %add3A_590 : vector<512x8xf32>
    %mul3A_592 = arith.mulf %add3A_591, %convert_element_type3A_572 : vector<512x8xf32>
    %reduce_sum3A_593 = arith.constant dense<0.000000e+00> : vector<512xf32>
    %reduce_sum3A_594 = vector.multi_reduction <add>, %mul3A_592, %reduce_sum3A_593 [1] : vector<512x8xf32> to vector<512xf32>
    %broadcast_in_dim3A_595 = vector.shape_cast %reduce_sum3A_594 : vector<512xf32> to vector<512x1xf32>
    %lt3A = arith.constant 1.600000e+02 : f32
    %lt3A_596 = vector.broadcast %lt3A : f32 to vector<512x1xf32>
    %lt3A_597 = arith.cmpf olt, %broadcast_in_dim3A_584, %lt3A_596 : vector<512x1xf32>
    %convert_element_type3A_598 = arith.extui %lt3A_597 : vector<512x1xi1> to vector<512x1xi32>
    %convert_element_type3A_599 = arith.sitofp %convert_element_type3A_598 : vector<512x1xi32> to vector<512x1xf32>
    %lt3A_600 = arith.constant 1.600000e+02 : f32
    %lt3A_601 = vector.broadcast %lt3A_600 : f32 to vector<512x1xf32>
    %lt3A_602 = arith.cmpf olt, %broadcast_in_dim3A_595, %lt3A_601 : vector<512x1xf32>
    %convert_element_type3A_603 = arith.extui %lt3A_602 : vector<512x1xi1> to vector<512x1xi32>
    %convert_element_type3A_604 = arith.sitofp %convert_element_type3A_603 : vector<512x1xi32> to vector<512x1xf32>
    %mul3A_605 = vector.broadcast %convert_element_type3A_599 : vector<512x1xf32> to vector<512x8xf32>
    %mul3A_606 = arith.mulf %mul3A_605, %convert_element_type3A_552 : vector<512x8xf32>
    %mul3A_607 = vector.broadcast %convert_element_type3A_604 : vector<512x1xf32> to vector<512x8xf32>
    %mul3A_608 = arith.mulf %mul3A_607, %convert_element_type3A_572 : vector<512x8xf32>
    %add3A_609 = arith.addf %mul3A_606, %mul3A_608 : vector<512x8xf32>
    %reduce_sum3A_610 = arith.constant dense<0.000000e+00> : vector<8xf32>
    %reduce_sum3A_611 = vector.multi_reduction <add>, %add3A_609, %reduce_sum3A_610 [0] : vector<512x8xf32> to vector<8xf32>
    %broadcast_in_dim3A_612 = vector.shape_cast %reduce_sum3A_611 : vector<8xf32> to vector<1x8xf32>
    %iota3A_613 = tpu.iota {dimensions = array<i32: 1>} : vector<512x1280xi32>
    %iota3A_614 = tpu.iota {dimensions = array<i32: 0>} : vector<512x1280xi32>
    %gt3A_615 = arith.constant 0.000000e+00 : f32
    %gt3A_616 = vector.broadcast %gt3A_615 : f32 to vector<512x1xf32>
    %gt3A_617 = arith.cmpf ogt, %convert_element_type3A_599, %gt3A_616 : vector<512x1xf32>
    %mul3A_618 = arith.constant 160 : i32
    %mul3A_619 = vector.broadcast %mul3A_618 : i32 to vector<512x1xi32>
    %mul3A_620 = arith.muli %broadcast_in_dim3A_548, %mul3A_619 : vector<512x1xi32>
    %convert_element_type3A_621 = arith.fptosi %broadcast_in_dim3A_584 : vector<512x1xf32> to vector<512x1xi32>
    %add3A_622 = arith.addi %mul3A_620, %convert_element_type3A_621 : vector<512x1xi32>
    %jit3A_623 = arith.constant -1 : i32
    %broadcast_in_dim3A_624 = vector.broadcast %jit3A_623 : i32 to vector<512x1xi32>
    %select_n3A_625 = arith.select %gt3A_617, %add3A_622, %broadcast_in_dim3A_624 : vector<512x1xi1>, vector<512x1xi32>
    %gt3A_626 = arith.constant 0.000000e+00 : f32
    %gt3A_627 = vector.broadcast %gt3A_626 : f32 to vector<512x1xf32>
    %gt3A_628 = arith.cmpf ogt, %convert_element_type3A_604, %gt3A_627 : vector<512x1xf32>
    %mul3A_629 = arith.constant 160 : i32
    %mul3A_630 = vector.broadcast %mul3A_629 : i32 to vector<512x1xi32>
    %mul3A_631 = arith.muli %broadcast_in_dim3A_568, %mul3A_630 : vector<512x1xi32>
    %convert_element_type3A_632 = arith.fptosi %broadcast_in_dim3A_595 : vector<512x1xf32> to vector<512x1xi32>
    %add3A_633 = arith.addi %mul3A_631, %convert_element_type3A_632 : vector<512x1xi32>
    %jit3A_634 = arith.constant -1 : i32
    %broadcast_in_dim3A_635 = vector.broadcast %jit3A_634 : i32 to vector<512x1xi32>
    %select_n3A_636 = arith.select %gt3A_628, %add3A_633, %broadcast_in_dim3A_635 : vector<512x1xi1>, vector<512x1xi32>
    %eq3A_637 = vector.broadcast %select_n3A_625 : vector<512x1xi32> to vector<512x1280xi32>
    %eq3A_638 = arith.cmpi eq, %iota3A_613, %eq3A_637 : vector<512x1280xi32>
    %eq3A_639 = vector.broadcast %select_n3A_636 : vector<512x1xi32> to vector<512x1280xi32>
    %eq3A_640 = arith.cmpi eq, %iota3A_613, %eq3A_639 : vector<512x1280xi32>
    %or3A = arith.ori %eq3A_638, %eq3A_640 : vector<512x1280xi1>
    %convert_element_type3A_641 = arith.extui %or3A : vector<512x1280xi1> to vector<512x1280xi32>
    %add3A_642 = arith.constant 1 : i32
    %add3A_643 = vector.broadcast %add3A_642 : i32 to vector<512x1280xi32>
    %add3A_644 = arith.addi %iota3A_614, %add3A_643 : vector<512x1280xi32>
    %mul3A_645 = arith.muli %convert_element_type3A_641, %add3A_644 : vector<512x1280xi32>
    %reduce_sum3A_646 = arith.constant dense<0> : vector<1280xi32>
    %reduce_sum3A_647 = vector.multi_reduction <add>, %mul3A_645, %reduce_sum3A_646 [0] : vector<512x1280xi32> to vector<1280xi32>
    %broadcast_in_dim3A_648 = vector.shape_cast %reduce_sum3A_647 : vector<1280xi32> to vector<1x1280xi32>
    %sub3A_649 = arith.constant 1 : i32
    %sub3A_650 = vector.broadcast %sub3A_649 : i32 to vector<1x1280xi32>
    %sub3A_651 = arith.subi %broadcast_in_dim3A_648, %sub3A_650 : vector<1x1280xi32>
    %max3A = arith.constant 0 : i32
    %max3A_652 = vector.broadcast %max3A : i32 to vector<1x1280xi32>
    %max3A_653 = arith.maxsi %sub3A_651, %max3A_652 : vector<1x1280xi32>
    %broadcast_in_dim3A_654 = arith.constant 0.000000e+00 : f32
    %broadcast_in_dim3A_655 = vector.broadcast %broadcast_in_dim3A_654 : f32 to vector<512x1xf32>
    %convert_element_type3A_656 = arith.sitofp %broadcast_in_dim3A_548 : vector<512x1xi32> to vector<512x1xf32>
    %mul3A_657 = arith.mulf %convert_element_type3A_599, %div3A_577 : vector<512x1xf32>
    %convert_element_type3A_658 = arith.sitofp %broadcast_in_dim3A_568 : vector<512x1xi32> to vector<512x1xf32>
    %mul3A_659 = arith.mulf %convert_element_type3A_604, %div3A_578 : vector<512x1xf32>
    %concatenate3A_660 = tpu.concatenate %convert_element_type3A_656, %broadcast_in_dim3A_584, %mul3A_657, %convert_element_type3A_658, %broadcast_in_dim3A_595, %mul3A_659, %broadcast_in_dim3A_655, %broadcast_in_dim3A_655 in 1 : vector<512x1xf32>, vector<512x1xf32>, vector<512x1xf32>, vector<512x1xf32>, vector<512x1xf32>, vector<512x1xf32>, vector<512x1xf32>, vector<512x1xf32> -> vector<512x8xf32>
    %swap3A = arith.constant 0 : index
    %swap3A_661 = arith.constant 0 : index
    %swap3A_662 = vector.load %arg8[%swap3A, %swap3A_661] : memref<512x1024xf32, #tpu.memory_space<vmem>>, vector<512x1024xf32>
    tpu.vector_store %arg8[%swap3A, %swap3A_661], %mul3A_525 {strides = array<i32>} : memref<512x1024xf32, #tpu.memory_space<vmem>>, vector<512x1024xf32>,
    %swap3A_663 = arith.constant 0 : index
    %swap3A_664 = arith.constant 0 : index
    %swap3A_665 = vector.load %arg9[%swap3A_663, %swap3A_664] : memref<512x8xf32, #tpu.memory_space<vmem>>, vector<512x8xf32>
    tpu.vector_store %arg9[%swap3A_663, %swap3A_664], %concatenate3A_660 {strides = array<i32>} : memref<512x8xf32, #tpu.memory_space<vmem>>, vector<512x8xf32>,
    %swap3A_666 = arith.constant 0 : index
    %swap3A_667 = arith.constant 0 : index
    %swap3A_668 = vector.load %arg10[%swap3A_666, %swap3A_667] : memref<1x1280xi32, #tpu.memory_space<vmem>>, vector<1x1280xi32>
    tpu.vector_store %arg10[%swap3A_666, %swap3A_667], %max3A_653 {strides = array<i32>} : memref<1x1280xi32, #tpu.memory_space<vmem>>, vector<1x1280xi32>,
    %swap3A_669 = arith.constant 0 : index
    %swap3A_670 = arith.constant 0 : index
    %swap3A_671 = vector.load %arg11[%swap3A_669, %swap3A_670] : memref<1x8xf32, #tpu.memory_space<vmem>>, vector<1x8xf32>
    tpu.vector_store %arg11[%swap3A_669, %swap3A_670], %broadcast_in_dim3A_612 {strides = array<i32>} : memref<1x8xf32, #tpu.memory_space<vmem>>, vector<1x8xf32>,
    return
  }
}

module attributes {stable_mosaic.version = 14 : i64} {
  func.func @_kc_body(%arg0: memref<512x1024xf32, #tpu.memory_space<vmem>>, %arg1: memref<512x8xf32, #tpu.memory_space<vmem>>, %arg2: memref<1280x1024xf32, #tpu.memory_space<vmem>>, %arg3: memref<1024x1xf32, #tpu.memory_space<vmem>>, %arg4: memref<1xf32, #tpu.memory_space<vmem>>, %arg5: memref<1024x8xf32, #tpu.memory_space<vmem>>, %arg6: memref<8xf32, #tpu.memory_space<vmem>>, %arg7: memref<1024x32xf32, #tpu.memory_space<vmem>>, %arg8: memref<32xf32, #tpu.memory_space<vmem>>, %arg9: memref<1024x64xf32, #tpu.memory_space<vmem>>, %arg10: memref<64xf32, #tpu.memory_space<vmem>>, %arg11: memref<2x8x1024x1024xf32, #tpu.memory_space<hbm>>, %arg12: memref<2x8x1024x1024xf32, #tpu.memory_space<hbm>>, %arg13: memref<8x64x1xf32, #tpu.memory_space<vmem>>, %arg14: memref<8x64x8xf32, #tpu.memory_space<vmem>>, %arg15: memref<8x64x32xf32, #tpu.memory_space<vmem>>, %arg16: memref<8x64x64xf32, #tpu.memory_space<vmem>>, %arg17: memref<3x1024x1024xf32, #tpu.memory_space<vmem>>, %arg18: memref<3x1024x1024xf32, #tpu.memory_space<vmem>>, %arg19: memref<3x!tpu.dma_semaphore, #tpu.memory_space<semaphore_mem>>, %arg20: memref<3x!tpu.dma_semaphore, #tpu.memory_space<semaphore_mem>>) attributes {dimension_semantics = [], scalar_prefetch = 0 : i64, scratch_operands = 4 : i64, tpu.core_type = #tpu.core_type<tc>} {
    %dma_start3A = arith.constant 1 : i32
    %dma_start3A_0 = arith.constant 0 : i32
    %dma_start3A_1 = arith.constant 0 : i32
    %dma_start3A_2 = arith.constant 0 : i32
    %dma_start3A_3 = tpu.memref_slice %arg19[%dma_start3A_2] : memref<3x!tpu.dma_semaphore, #tpu.memory_space<semaphore_mem>> -> memref<1x!tpu.dma_semaphore, #tpu.memory_space<semaphore_mem>>
    %dma_start3A_4 = tpu.memref_squeeze %dma_start3A_3 : memref<1x!tpu.dma_semaphore, #tpu.memory_space<semaphore_mem>> -> memref<!tpu.dma_semaphore, #tpu.memory_space<semaphore_mem>>
    %dma_start3A_5 = arith.constant 0 : i32
    %dma_start3A_6 = arith.constant 0 : i32
    %dma_start3A_7 = tpu.memref_slice %arg17[%dma_start3A_1, %dma_start3A_5, %dma_start3A_6] : memref<3x1024x1024xf32, #tpu.memory_space<vmem>> -> memref<1x1024x1024xf32, #tpu.memory_space<vmem>>
    %dma_start3A_8 = tpu.memref_squeeze %dma_start3A_7 : memref<1x1024x1024xf32, #tpu.memory_space<vmem>> -> memref<1024x1024xf32, #tpu.memory_space<vmem>>
    %dma_start3A_9 = arith.constant 0 : i32
    %dma_start3A_10 = arith.constant 0 : i32
    %dma_start3A_11 = tpu.memref_slice %arg11[%dma_start3A, %dma_start3A_0, %dma_start3A_9, %dma_start3A_10] : memref<2x8x1024x1024xf32, #tpu.memory_space<hbm>> -> memref<1x1x1024x1024xf32, #tpu.memory_space<hbm>>
    %dma_start3A_12 = tpu.memref_squeeze %dma_start3A_11 : memref<1x1x1024x1024xf32, #tpu.memory_space<hbm>> -> memref<1024x1024xf32, #tpu.memory_space<hbm>>
    tpu.enqueue_dma source(%dma_start3A_12 : memref<1024x1024xf32, #tpu.memory_space<hbm>>) target(%dma_start3A_8 : memref<1024x1024xf32, #tpu.memory_space<vmem>>) target_semaphore(%dma_start3A_4 : memref<!tpu.dma_semaphore, #tpu.memory_space<semaphore_mem>>)
    %dma_start3A_13 = arith.constant 1 : i32
    %dma_start3A_14 = arith.constant 0 : i32
    %dma_start3A_15 = arith.constant 0 : i32
    %dma_start3A_16 = arith.constant 0 : i32
    %dma_start3A_17 = tpu.memref_slice %arg20[%dma_start3A_16] : memref<3x!tpu.dma_semaphore, #tpu.memory_space<semaphore_mem>> -> memref<1x!tpu.dma_semaphore, #tpu.memory_space<semaphore_mem>>
    %dma_start3A_18 = tpu.memref_squeeze %dma_start3A_17 : memref<1x!tpu.dma_semaphore, #tpu.memory_space<semaphore_mem>> -> memref<!tpu.dma_semaphore, #tpu.memory_space<semaphore_mem>>
    %dma_start3A_19 = arith.constant 0 : i32
    %dma_start3A_20 = arith.constant 0 : i32
    %dma_start3A_21 = tpu.memref_slice %arg18[%dma_start3A_15, %dma_start3A_19, %dma_start3A_20] : memref<3x1024x1024xf32, #tpu.memory_space<vmem>> -> memref<1x1024x1024xf32, #tpu.memory_space<vmem>>
    %dma_start3A_22 = tpu.memref_squeeze %dma_start3A_21 : memref<1x1024x1024xf32, #tpu.memory_space<vmem>> -> memref<1024x1024xf32, #tpu.memory_space<vmem>>
    %dma_start3A_23 = arith.constant 0 : i32
    %dma_start3A_24 = arith.constant 0 : i32
    %dma_start3A_25 = tpu.memref_slice %arg12[%dma_start3A_13, %dma_start3A_14, %dma_start3A_23, %dma_start3A_24] : memref<2x8x1024x1024xf32, #tpu.memory_space<hbm>> -> memref<1x1x1024x1024xf32, #tpu.memory_space<hbm>>
    %dma_start3A_26 = tpu.memref_squeeze %dma_start3A_25 : memref<1x1x1024x1024xf32, #tpu.memory_space<hbm>> -> memref<1024x1024xf32, #tpu.memory_space<hbm>>
    tpu.enqueue_dma source(%dma_start3A_26 : memref<1024x1024xf32, #tpu.memory_space<hbm>>) target(%dma_start3A_22 : memref<1024x1024xf32, #tpu.memory_space<vmem>>) target_semaphore(%dma_start3A_18 : memref<!tpu.dma_semaphore, #tpu.memory_space<semaphore_mem>>)
    %dma_start3A_27 = arith.constant 1 : i32
    %dma_start3A_28 = arith.constant 1 : i32
    %dma_start3A_29 = arith.constant 1 : i32
    %dma_start3A_30 = arith.constant 1 : i32
    %dma_start3A_31 = tpu.memref_slice %arg19[%dma_start3A_30] : memref<3x!tpu.dma_semaphore, #tpu.memory_space<semaphore_mem>> -> memref<1x!tpu.dma_semaphore, #tpu.memory_space<semaphore_mem>>
    %dma_start3A_32 = tpu.memref_squeeze %dma_start3A_31 : memref<1x!tpu.dma_semaphore, #tpu.memory_space<semaphore_mem>> -> memref<!tpu.dma_semaphore, #tpu.memory_space<semaphore_mem>>
    %dma_start3A_33 = arith.constant 0 : i32
    %dma_start3A_34 = arith.constant 0 : i32
    %dma_start3A_35 = tpu.memref_slice %arg17[%dma_start3A_29, %dma_start3A_33, %dma_start3A_34] : memref<3x1024x1024xf32, #tpu.memory_space<vmem>> -> memref<1x1024x1024xf32, #tpu.memory_space<vmem>>
    %dma_start3A_36 = tpu.memref_squeeze %dma_start3A_35 : memref<1x1024x1024xf32, #tpu.memory_space<vmem>> -> memref<1024x1024xf32, #tpu.memory_space<vmem>>
    %dma_start3A_37 = arith.constant 0 : i32
    %dma_start3A_38 = arith.constant 0 : i32
    %dma_start3A_39 = tpu.memref_slice %arg11[%dma_start3A_27, %dma_start3A_28, %dma_start3A_37, %dma_start3A_38] : memref<2x8x1024x1024xf32, #tpu.memory_space<hbm>> -> memref<1x1x1024x1024xf32, #tpu.memory_space<hbm>>
    %dma_start3A_40 = tpu.memref_squeeze %dma_start3A_39 : memref<1x1x1024x1024xf32, #tpu.memory_space<hbm>> -> memref<1024x1024xf32, #tpu.memory_space<hbm>>
    tpu.enqueue_dma source(%dma_start3A_40 : memref<1024x1024xf32, #tpu.memory_space<hbm>>) target(%dma_start3A_36 : memref<1024x1024xf32, #tpu.memory_space<vmem>>) target_semaphore(%dma_start3A_32 : memref<!tpu.dma_semaphore, #tpu.memory_space<semaphore_mem>>)
    %dma_start3A_41 = arith.constant 1 : i32
    %dma_start3A_42 = arith.constant 1 : i32
    %dma_start3A_43 = arith.constant 1 : i32
    %dma_start3A_44 = arith.constant 1 : i32
    %dma_start3A_45 = tpu.memref_slice %arg20[%dma_start3A_44] : memref<3x!tpu.dma_semaphore, #tpu.memory_space<semaphore_mem>> -> memref<1x!tpu.dma_semaphore, #tpu.memory_space<semaphore_mem>>
    %dma_start3A_46 = tpu.memref_squeeze %dma_start3A_45 : memref<1x!tpu.dma_semaphore, #tpu.memory_space<semaphore_mem>> -> memref<!tpu.dma_semaphore, #tpu.memory_space<semaphore_mem>>
    %dma_start3A_47 = arith.constant 0 : i32
    %dma_start3A_48 = arith.constant 0 : i32
    %dma_start3A_49 = tpu.memref_slice %arg18[%dma_start3A_43, %dma_start3A_47, %dma_start3A_48] : memref<3x1024x1024xf32, #tpu.memory_space<vmem>> -> memref<1x1024x1024xf32, #tpu.memory_space<vmem>>
    %dma_start3A_50 = tpu.memref_squeeze %dma_start3A_49 : memref<1x1024x1024xf32, #tpu.memory_space<vmem>> -> memref<1024x1024xf32, #tpu.memory_space<vmem>>
    %dma_start3A_51 = arith.constant 0 : i32
    %dma_start3A_52 = arith.constant 0 : i32
    %dma_start3A_53 = tpu.memref_slice %arg12[%dma_start3A_41, %dma_start3A_42, %dma_start3A_51, %dma_start3A_52] : memref<2x8x1024x1024xf32, #tpu.memory_space<hbm>> -> memref<1x1x1024x1024xf32, #tpu.memory_space<hbm>>
    %dma_start3A_54 = tpu.memref_squeeze %dma_start3A_53 : memref<1x1x1024x1024xf32, #tpu.memory_space<hbm>> -> memref<1024x1024xf32, #tpu.memory_space<hbm>>
    tpu.enqueue_dma source(%dma_start3A_54 : memref<1024x1024xf32, #tpu.memory_space<hbm>>) target(%dma_start3A_50 : memref<1024x1024xf32, #tpu.memory_space<vmem>>) target_semaphore(%dma_start3A_46 : memref<!tpu.dma_semaphore, #tpu.memory_space<semaphore_mem>>)
    %get3A = arith.constant 0 : index
    %get3A_55 = arith.constant 0 : index
    %get3A_56 = vector.load %arg0[%get3A, %get3A_55] : memref<512x1024xf32, #tpu.memory_space<vmem>>, vector<512x1024xf32>
    %get3A_57 = arith.constant 0 : index
    %get3A_58 = arith.constant 0 : index
    %get3A_59 = vector.load %arg1[%get3A_57, %get3A_58] : memref<512x8xf32, #tpu.memory_space<vmem>>, vector<512x8xf32>
    %iota3A = tpu.iota {dimensions = array<i32: 1>} : vector<512x160xi32>
    %slice3A = vector.extract_strided_slice %get3A_59 {offsets = [0, 2], sizes = [512, 1], strides = [1, 1]} : vector<512x8xf32> to vector<512x1xf32>
    %slice3A_60 = vector.extract_strided_slice %get3A_59 {offsets = [0, 5], sizes = [512, 1], strides = [1, 1]} : vector<512x8xf32> to vector<512x1xf32>
    %slice3A_61 = vector.extract_strided_slice %get3A_59 {offsets = [0, 0], sizes = [512, 1], strides = [1, 1]} : vector<512x8xf32> to vector<512x1xf32>
    %convert_element_type3A = arith.fptosi %slice3A_61 : vector<512x1xf32> to vector<512x1xi32>
    %slice3A_62 = vector.extract_strided_slice %get3A_59 {offsets = [0, 3], sizes = [512, 1], strides = [1, 1]} : vector<512x8xf32> to vector<512x1xf32>
    %convert_element_type3A_63 = arith.fptosi %slice3A_62 : vector<512x1xf32> to vector<512x1xi32>
    %slice3A_64 = vector.extract_strided_slice %get3A_59 {offsets = [0, 1], sizes = [512, 1], strides = [1, 1]} : vector<512x8xf32> to vector<512x1xf32>
    %convert_element_type3A_65 = arith.fptosi %slice3A_64 : vector<512x1xf32> to vector<512x1xi32>
    %slice3A_66 = vector.extract_strided_slice %get3A_59 {offsets = [0, 4], sizes = [512, 1], strides = [1, 1]} : vector<512x8xf32> to vector<512x1xf32>
    %convert_element_type3A_67 = arith.fptosi %slice3A_66 : vector<512x1xf32> to vector<512x1xi32>
    %dma_start3A_68 = arith.constant 1 : i32
    %dma_start3A_69 = arith.constant 2 : i32
    %dma_start3A_70 = arith.constant 2 : i32
    %dma_start3A_71 = arith.constant 2 : i32
    %dma_start3A_72 = tpu.memref_slice %arg19[%dma_start3A_71] : memref<3x!tpu.dma_semaphore, #tpu.memory_space<semaphore_mem>> -> memref<1x!tpu.dma_semaphore, #tpu.memory_space<semaphore_mem>>
    %dma_start3A_73 = tpu.memref_squeeze %dma_start3A_72 : memref<1x!tpu.dma_semaphore, #tpu.memory_space<semaphore_mem>> -> memref<!tpu.dma_semaphore, #tpu.memory_space<semaphore_mem>>
    %dma_start3A_74 = arith.constant 0 : i32
    %dma_start3A_75 = arith.constant 0 : i32
    %dma_start3A_76 = tpu.memref_slice %arg17[%dma_start3A_70, %dma_start3A_74, %dma_start3A_75] : memref<3x1024x1024xf32, #tpu.memory_space<vmem>> -> memref<1x1024x1024xf32, #tpu.memory_space<vmem>>
    %dma_start3A_77 = tpu.memref_squeeze %dma_start3A_76 : memref<1x1024x1024xf32, #tpu.memory_space<vmem>> -> memref<1024x1024xf32, #tpu.memory_space<vmem>>
    %dma_start3A_78 = arith.constant 0 : i32
    %dma_start3A_79 = arith.constant 0 : i32
    %dma_start3A_80 = tpu.memref_slice %arg11[%dma_start3A_68, %dma_start3A_69, %dma_start3A_78, %dma_start3A_79] : memref<2x8x1024x1024xf32, #tpu.memory_space<hbm>> -> memref<1x1x1024x1024xf32, #tpu.memory_space<hbm>>
    %dma_start3A_81 = tpu.memref_squeeze %dma_start3A_80 : memref<1x1x1024x1024xf32, #tpu.memory_space<hbm>> -> memref<1024x1024xf32, #tpu.memory_space<hbm>>
    tpu.enqueue_dma source(%dma_start3A_81 : memref<1024x1024xf32, #tpu.memory_space<hbm>>) target(%dma_start3A_77 : memref<1024x1024xf32, #tpu.memory_space<vmem>>) target_semaphore(%dma_start3A_73 : memref<!tpu.dma_semaphore, #tpu.memory_space<semaphore_mem>>)
    %dma_start3A_82 = arith.constant 1 : i32
    %dma_start3A_83 = arith.constant 2 : i32
    %dma_start3A_84 = arith.constant 2 : i32
    %dma_start3A_85 = arith.constant 2 : i32
    %dma_start3A_86 = tpu.memref_slice %arg20[%dma_start3A_85] : memref<3x!tpu.dma_semaphore, #tpu.memory_space<semaphore_mem>> -> memref<1x!tpu.dma_semaphore, #tpu.memory_space<semaphore_mem>>
    %dma_start3A_87 = tpu.memref_squeeze %dma_start3A_86 : memref<1x!tpu.dma_semaphore, #tpu.memory_space<semaphore_mem>> -> memref<!tpu.dma_semaphore, #tpu.memory_space<semaphore_mem>>
    %dma_start3A_88 = arith.constant 0 : i32
    %dma_start3A_89 = arith.constant 0 : i32
    %dma_start3A_90 = tpu.memref_slice %arg18[%dma_start3A_84, %dma_start3A_88, %dma_start3A_89] : memref<3x1024x1024xf32, #tpu.memory_space<vmem>> -> memref<1x1024x1024xf32, #tpu.memory_space<vmem>>
    %dma_start3A_91 = tpu.memref_squeeze %dma_start3A_90 : memref<1x1024x1024xf32, #tpu.memory_space<vmem>> -> memref<1024x1024xf32, #tpu.memory_space<vmem>>
    %dma_start3A_92 = arith.constant 0 : i32
    %dma_start3A_93 = arith.constant 0 : i32
    %dma_start3A_94 = tpu.memref_slice %arg12[%dma_start3A_82, %dma_start3A_83, %dma_start3A_92, %dma_start3A_93] : memref<2x8x1024x1024xf32, #tpu.memory_space<hbm>> -> memref<1x1x1024x1024xf32, #tpu.memory_space<hbm>>
    %dma_start3A_95 = tpu.memref_squeeze %dma_start3A_94 : memref<1x1x1024x1024xf32, #tpu.memory_space<hbm>> -> memref<1024x1024xf32, #tpu.memory_space<hbm>>
    tpu.enqueue_dma source(%dma_start3A_95 : memref<1024x1024xf32, #tpu.memory_space<hbm>>) target(%dma_start3A_91 : memref<1024x1024xf32, #tpu.memory_space<vmem>>) target_semaphore(%dma_start3A_87 : memref<!tpu.dma_semaphore, #tpu.memory_space<semaphore_mem>>)
    %dma_wait3A = arith.constant 1 : i32
    %dma_wait3A_96 = arith.constant 0 : i32
    %dma_wait3A_97 = arith.constant 0 : i32
    %dma_wait3A_98 = arith.constant 0 : i32
    %dma_wait3A_99 = tpu.memref_slice %arg19[%dma_wait3A_98] : memref<3x!tpu.dma_semaphore, #tpu.memory_space<semaphore_mem>> -> memref<1x!tpu.dma_semaphore, #tpu.memory_space<semaphore_mem>>
    %dma_wait3A_100 = tpu.memref_squeeze %dma_wait3A_99 : memref<1x!tpu.dma_semaphore, #tpu.memory_space<semaphore_mem>> -> memref<!tpu.dma_semaphore, #tpu.memory_space<semaphore_mem>>
    %dma_wait3A_101 = arith.constant 0 : i32
    %dma_wait3A_102 = arith.constant 0 : i32
    %dma_wait3A_103 = tpu.memref_slice %arg17[%dma_wait3A_97, %dma_wait3A_101, %dma_wait3A_102] : memref<3x1024x1024xf32, #tpu.memory_space<vmem>> -> memref<1x1024x1024xf32, #tpu.memory_space<vmem>>
    %dma_wait3A_104 = tpu.memref_squeeze %dma_wait3A_103 : memref<1x1024x1024xf32, #tpu.memory_space<vmem>> -> memref<1024x1024xf32, #tpu.memory_space<vmem>>
    %dma_wait3A_105 = arith.constant 0 : i32
    %dma_wait3A_106 = arith.constant 0 : i32
    %dma_wait3A_107 = tpu.memref_slice %arg11[%dma_wait3A, %dma_wait3A_96, %dma_wait3A_105, %dma_wait3A_106] : memref<2x8x1024x1024xf32, #tpu.memory_space<hbm>> -> memref<1x1x1024x1024xf32, #tpu.memory_space<hbm>>
    %dma_wait3A_108 = tpu.memref_squeeze %dma_wait3A_107 : memref<1x1x1024x1024xf32, #tpu.memory_space<hbm>> -> memref<1024x1024xf32, #tpu.memory_space<hbm>>
    tpu.wait_dma2 semaphore(%dma_wait3A_100 : memref<!tpu.dma_semaphore, #tpu.memory_space<semaphore_mem>>) src(%dma_wait3A_108 : memref<1024x1024xf32, #tpu.memory_space<hbm>>) dst(%dma_wait3A_104 : memref<1024x1024xf32, #tpu.memory_space<vmem>>)
    %dma_wait3A_109 = arith.constant 1 : i32
    %dma_wait3A_110 = arith.constant 0 : i32
    %dma_wait3A_111 = arith.constant 0 : i32
    %dma_wait3A_112 = arith.constant 0 : i32
    %dma_wait3A_113 = tpu.memref_slice %arg20[%dma_wait3A_112] : memref<3x!tpu.dma_semaphore, #tpu.memory_space<semaphore_mem>> -> memref<1x!tpu.dma_semaphore, #tpu.memory_space<semaphore_mem>>
    %dma_wait3A_114 = tpu.memref_squeeze %dma_wait3A_113 : memref<1x!tpu.dma_semaphore, #tpu.memory_space<semaphore_mem>> -> memref<!tpu.dma_semaphore, #tpu.memory_space<semaphore_mem>>
    %dma_wait3A_115 = arith.constant 0 : i32
    %dma_wait3A_116 = arith.constant 0 : i32
    %dma_wait3A_117 = tpu.memref_slice %arg18[%dma_wait3A_111, %dma_wait3A_115, %dma_wait3A_116] : memref<3x1024x1024xf32, #tpu.memory_space<vmem>> -> memref<1x1024x1024xf32, #tpu.memory_space<vmem>>
    %dma_wait3A_118 = tpu.memref_squeeze %dma_wait3A_117 : memref<1x1024x1024xf32, #tpu.memory_space<vmem>> -> memref<1024x1024xf32, #tpu.memory_space<vmem>>
    %dma_wait3A_119 = arith.constant 0 : i32
    %dma_wait3A_120 = arith.constant 0 : i32
    %dma_wait3A_121 = tpu.memref_slice %arg12[%dma_wait3A_109, %dma_wait3A_110, %dma_wait3A_119, %dma_wait3A_120] : memref<2x8x1024x1024xf32, #tpu.memory_space<hbm>> -> memref<1x1x1024x1024xf32, #tpu.memory_space<hbm>>
    %dma_wait3A_122 = tpu.memref_squeeze %dma_wait3A_121 : memref<1x1x1024x1024xf32, #tpu.memory_space<hbm>> -> memref<1024x1024xf32, #tpu.memory_space<hbm>>
    tpu.wait_dma2 semaphore(%dma_wait3A_114 : memref<!tpu.dma_semaphore, #tpu.memory_space<semaphore_mem>>) src(%dma_wait3A_122 : memref<1024x1024xf32, #tpu.memory_space<hbm>>) dst(%dma_wait3A_118 : memref<1024x1024xf32, #tpu.memory_space<vmem>>)
    %get3A_123 = arith.constant 0 : index
    %get3A_124 = arith.constant 0 : index
    %get3A_125 = vector.load %arg2[%get3A_123, %get3A_124] : memref<1280x1024xf32, #tpu.memory_space<vmem>>, vector<160x1024xf32>
    %get3A_126 = arith.constant 0 : index
    %get3A_127 = arith.constant 0 : index
    %get3A_128 = arith.constant 0 : index
    %get3A_129 = vector.load %arg17[%get3A_126, %get3A_127, %get3A_128] : memref<3x1024x1024xf32, #tpu.memory_space<vmem>>, vector<1x1024x1024xf32>
    %get3A_130 = vector.shape_cast %get3A_129 : vector<1x1024x1024xf32> to vector<1024x1024xf32>
    %dot_general3A = arith.constant dense<0.000000e+00> : vector<160x1024xf32>
    %dot_general3A_131 = tpu.matmul %get3A_125, %get3A_130, %dot_general3A {dimension_numbers = #tpu.dot_dimension_numbers<[1], [0], [0], [1], [0, 0, 1, 1], [], []>, transpose_lhs_hint = false} : vector<160x1024xf32>, vector<1024x1024xf32>, vector<160x1024xf32> -> vector<160x1024xf32>
    %neg3A = arith.constant 0.000000e+00 : f32
    %neg3A_132 = vector.broadcast %neg3A : f32 to vector<160x1024xf32>
    %neg3A_133 = arith.subf %neg3A_132, %dot_general3A_131 : vector<160x1024xf32>
    %exp3A = math.exp %neg3A_133 : vector<160x1024xf32>
    %add3A = arith.constant 1.000000e+00 : f32
    %add3A_134 = vector.broadcast %add3A : f32 to vector<160x1024xf32>
    %add3A_135 = arith.addf %add3A_134, %exp3A : vector<160x1024xf32>
    %div3A = arith.constant 1.000000e+00 : f32
    %div3A_136 = vector.broadcast %div3A : f32 to vector<160x1024xf32>
    %div3A_137 = arith.divf %div3A_136, %add3A_135 : vector<160x1024xf32>
    %mul3A = arith.mulf %dot_general3A_131, %div3A_137 : vector<160x1024xf32>
    %get3A_138 = arith.constant 0 : index
    %get3A_139 = arith.constant 0 : index
    %get3A_140 = arith.constant 0 : index
    %get3A_141 = vector.load %arg18[%get3A_138, %get3A_139, %get3A_140] : memref<3x1024x1024xf32, #tpu.memory_space<vmem>>, vector<1x1024x1024xf32>
    %get3A_142 = vector.shape_cast %get3A_141 : vector<1x1024x1024xf32> to vector<1024x1024xf32>
    %dot_general3A_143 = arith.constant dense<0.000000e+00> : vector<160x1024xf32>
    %dot_general3A_144 = tpu.matmul %mul3A, %get3A_142, %dot_general3A_143 {dimension_numbers = #tpu.dot_dimension_numbers<[1], [0], [0], [1], [0, 0, 1, 1], [], []>, transpose_lhs_hint = false} : vector<160x1024xf32>, vector<1024x1024xf32>, vector<160x1024xf32> -> vector<160x1024xf32>
    %eq3A = arith.constant 0 : i32
    %eq3A_145 = vector.broadcast %eq3A : i32 to vector<512x1xi32>
    %eq3A_146 = arith.cmpi eq, %convert_element_type3A, %eq3A_145 : vector<512x1xi32>
    %eq3A_147 = vector.broadcast %convert_element_type3A_65 : vector<512x1xi32> to vector<512x160xi32>
    %eq3A_148 = arith.cmpi eq, %eq3A_147, %iota3A : vector<512x160xi32>
    %and3A = vector.broadcast %eq3A_146 : vector<512x1xi1> to vector<512x160xi1>
    %and3A_149 = arith.andi %and3A, %eq3A_148 : vector<512x160xi1>
    %convert_element_type3A_150 = arith.extui %and3A_149 : vector<512x160xi1> to vector<512x160xi32>
    %convert_element_type3A_151 = arith.sitofp %convert_element_type3A_150 : vector<512x160xi32> to vector<512x160xf32>
    %eq3A_152 = arith.constant 0 : i32
    %eq3A_153 = vector.broadcast %eq3A_152 : i32 to vector<512x1xi32>
    %eq3A_154 = arith.cmpi eq, %convert_element_type3A_63, %eq3A_153 : vector<512x1xi32>
    %eq3A_155 = vector.broadcast %convert_element_type3A_67 : vector<512x1xi32> to vector<512x160xi32>
    %eq3A_156 = arith.cmpi eq, %eq3A_155, %iota3A : vector<512x160xi32>
    %and3A_157 = vector.broadcast %eq3A_154 : vector<512x1xi1> to vector<512x160xi1>
    %and3A_158 = arith.andi %and3A_157, %eq3A_156 : vector<512x160xi1>
    %convert_element_type3A_159 = arith.extui %and3A_158 : vector<512x160xi1> to vector<512x160xi32>
    %convert_element_type3A_160 = arith.sitofp %convert_element_type3A_159 : vector<512x160xi32> to vector<512x160xf32>
    %mul3A_161 = vector.broadcast %slice3A : vector<512x1xf32> to vector<512x160xf32>
    %mul3A_162 = arith.mulf %mul3A_161, %convert_element_type3A_151 : vector<512x160xf32>
    %mul3A_163 = vector.broadcast %slice3A_60 : vector<512x1xf32> to vector<512x160xf32>
    %mul3A_164 = arith.mulf %mul3A_163, %convert_element_type3A_160 : vector<512x160xf32>
    %add3A_165 = arith.addf %mul3A_162, %mul3A_164 : vector<512x160xf32>
    %dot_general3A_166 = arith.constant dense<0.000000e+00> : vector<512x1024xf32>
    %dot_general3A_167 = tpu.matmul %add3A_165, %dot_general3A_144, %dot_general3A_166 {dimension_numbers = #tpu.dot_dimension_numbers<[1], [0], [0], [1], [0, 0, 1, 1], [], []>, transpose_lhs_hint = false} : vector<512x160xf32>, vector<160x1024xf32>, vector<512x1024xf32> -> vector<512x1024xf32>
    %dma_start3A_168 = arith.constant 1 : i32
    %dma_start3A_169 = arith.constant 3 : i32
    %dma_start3A_170 = arith.constant 0 : i32
    %dma_start3A_171 = arith.constant 0 : i32
    %dma_start3A_172 = tpu.memref_slice %arg19[%dma_start3A_171] : memref<3x!tpu.dma_semaphore, #tpu.memory_space<semaphore_mem>> -> memref<1x!tpu.dma_semaphore, #tpu.memory_space<semaphore_mem>>
    %dma_start3A_173 = tpu.memref_squeeze %dma_start3A_172 : memref<1x!tpu.dma_semaphore, #tpu.memory_space<semaphore_mem>> -> memref<!tpu.dma_semaphore, #tpu.memory_space<semaphore_mem>>
    %dma_start3A_174 = arith.constant 0 : i32
    %dma_start3A_175 = arith.constant 0 : i32
    %dma_start3A_176 = tpu.memref_slice %arg17[%dma_start3A_170, %dma_start3A_174, %dma_start3A_175] : memref<3x1024x1024xf32, #tpu.memory_space<vmem>> -> memref<1x1024x1024xf32, #tpu.memory_space<vmem>>
    %dma_start3A_177 = tpu.memref_squeeze %dma_start3A_176 : memref<1x1024x1024xf32, #tpu.memory_space<vmem>> -> memref<1024x1024xf32, #tpu.memory_space<vmem>>
    %dma_start3A_178 = arith.constant 0 : i32
    %dma_start3A_179 = arith.constant 0 : i32
    %dma_start3A_180 = tpu.memref_slice %arg11[%dma_start3A_168, %dma_start3A_169, %dma_start3A_178, %dma_start3A_179] : memref<2x8x1024x1024xf32, #tpu.memory_space<hbm>> -> memref<1x1x1024x1024xf32, #tpu.memory_space<hbm>>
    %dma_start3A_181 = tpu.memref_squeeze %dma_start3A_180 : memref<1x1x1024x1024xf32, #tpu.memory_space<hbm>> -> memref<1024x1024xf32, #tpu.memory_space<hbm>>
    tpu.enqueue_dma source(%dma_start3A_181 : memref<1024x1024xf32, #tpu.memory_space<hbm>>) target(%dma_start3A_177 : memref<1024x1024xf32, #tpu.memory_space<vmem>>) target_semaphore(%dma_start3A_173 : memref<!tpu.dma_semaphore, #tpu.memory_space<semaphore_mem>>)
    %dma_start3A_182 = arith.constant 1 : i32
    %dma_start3A_183 = arith.constant 3 : i32
    %dma_start3A_184 = arith.constant 0 : i32
    %dma_start3A_185 = arith.constant 0 : i32
    %dma_start3A_186 = tpu.memref_slice %arg20[%dma_start3A_185] : memref<3x!tpu.dma_semaphore, #tpu.memory_space<semaphore_mem>> -> memref<1x!tpu.dma_semaphore, #tpu.memory_space<semaphore_mem>>
    %dma_start3A_187 = tpu.memref_squeeze %dma_start3A_186 : memref<1x!tpu.dma_semaphore, #tpu.memory_space<semaphore_mem>> -> memref<!tpu.dma_semaphore, #tpu.memory_space<semaphore_mem>>
    %dma_start3A_188 = arith.constant 0 : i32
    %dma_start3A_189 = arith.constant 0 : i32
    %dma_start3A_190 = tpu.memref_slice %arg18[%dma_start3A_184, %dma_start3A_188, %dma_start3A_189] : memref<3x1024x1024xf32, #tpu.memory_space<vmem>> -> memref<1x1024x1024xf32, #tpu.memory_space<vmem>>
    %dma_start3A_191 = tpu.memref_squeeze %dma_start3A_190 : memref<1x1024x1024xf32, #tpu.memory_space<vmem>> -> memref<1024x1024xf32, #tpu.memory_space<vmem>>
    %dma_start3A_192 = arith.constant 0 : i32
    %dma_start3A_193 = arith.constant 0 : i32
    %dma_start3A_194 = tpu.memref_slice %arg12[%dma_start3A_182, %dma_start3A_183, %dma_start3A_192, %dma_start3A_193] : memref<2x8x1024x1024xf32, #tpu.memory_space<hbm>> -> memref<1x1x1024x1024xf32, #tpu.memory_space<hbm>>
    %dma_start3A_195 = tpu.memref_squeeze %dma_start3A_194 : memref<1x1x1024x1024xf32, #tpu.memory_space<hbm>> -> memref<1024x1024xf32, #tpu.memory_space<hbm>>
    tpu.enqueue_dma source(%dma_start3A_195 : memref<1024x1024xf32, #tpu.memory_space<hbm>>) target(%dma_start3A_191 : memref<1024x1024xf32, #tpu.memory_space<vmem>>) target_semaphore(%dma_start3A_187 : memref<!tpu.dma_semaphore, #tpu.memory_space<semaphore_mem>>)
    %dma_wait3A_196 = arith.constant 1 : i32
    %dma_wait3A_197 = arith.constant 1 : i32
    %dma_wait3A_198 = arith.constant 1 : i32
    %dma_wait3A_199 = arith.constant 1 : i32
    %dma_wait3A_200 = tpu.memref_slice %arg19[%dma_wait3A_199] : memref<3x!tpu.dma_semaphore, #tpu.memory_space<semaphore_mem>> -> memref<1x!tpu.dma_semaphore, #tpu.memory_space<semaphore_mem>>
    %dma_wait3A_201 = tpu.memref_squeeze %dma_wait3A_200 : memref<1x!tpu.dma_semaphore, #tpu.memory_space<semaphore_mem>> -> memref<!tpu.dma_semaphore, #tpu.memory_space<semaphore_mem>>
    %dma_wait3A_202 = arith.constant 0 : i32
    %dma_wait3A_203 = arith.constant 0 : i32
    %dma_wait3A_204 = tpu.memref_slice %arg17[%dma_wait3A_198, %dma_wait3A_202, %dma_wait3A_203] : memref<3x1024x1024xf32, #tpu.memory_space<vmem>> -> memref<1x1024x1024xf32, #tpu.memory_space<vmem>>
    %dma_wait3A_205 = tpu.memref_squeeze %dma_wait3A_204 : memref<1x1024x1024xf32, #tpu.memory_space<vmem>> -> memref<1024x1024xf32, #tpu.memory_space<vmem>>
    %dma_wait3A_206 = arith.constant 0 : i32
    %dma_wait3A_207 = arith.constant 0 : i32
    %dma_wait3A_208 = tpu.memref_slice %arg11[%dma_wait3A_196, %dma_wait3A_197, %dma_wait3A_206, %dma_wait3A_207] : memref<2x8x1024x1024xf32, #tpu.memory_space<hbm>> -> memref<1x1x1024x1024xf32, #tpu.memory_space<hbm>>
    %dma_wait3A_209 = tpu.memref_squeeze %dma_wait3A_208 : memref<1x1x1024x1024xf32, #tpu.memory_space<hbm>> -> memref<1024x1024xf32, #tpu.memory_space<hbm>>
    tpu.wait_dma2 semaphore(%dma_wait3A_201 : memref<!tpu.dma_semaphore, #tpu.memory_space<semaphore_mem>>) src(%dma_wait3A_209 : memref<1024x1024xf32, #tpu.memory_space<hbm>>) dst(%dma_wait3A_205 : memref<1024x1024xf32, #tpu.memory_space<vmem>>)
    %dma_wait3A_210 = arith.constant 1 : i32
    %dma_wait3A_211 = arith.constant 1 : i32
    %dma_wait3A_212 = arith.constant 1 : i32
    %dma_wait3A_213 = arith.constant 1 : i32
    %dma_wait3A_214 = tpu.memref_slice %arg20[%dma_wait3A_213] : memref<3x!tpu.dma_semaphore, #tpu.memory_space<semaphore_mem>> -> memref<1x!tpu.dma_semaphore, #tpu.memory_space<semaphore_mem>>
    %dma_wait3A_215 = tpu.memref_squeeze %dma_wait3A_214 : memref<1x!tpu.dma_semaphore, #tpu.memory_space<semaphore_mem>> -> memref<!tpu.dma_semaphore, #tpu.memory_space<semaphore_mem>>
    %dma_wait3A_216 = arith.constant 0 : i32
    %dma_wait3A_217 = arith.constant 0 : i32
    %dma_wait3A_218 = tpu.memref_slice %arg18[%dma_wait3A_212, %dma_wait3A_216, %dma_wait3A_217] : memref<3x1024x1024xf32, #tpu.memory_space<vmem>> -> memref<1x1024x1024xf32, #tpu.memory_space<vmem>>
    %dma_wait3A_219 = tpu.memref_squeeze %dma_wait3A_218 : memref<1x1024x1024xf32, #tpu.memory_space<vmem>> -> memref<1024x1024xf32, #tpu.memory_space<vmem>>
    %dma_wait3A_220 = arith.constant 0 : i32
    %dma_wait3A_221 = arith.constant 0 : i32
    %dma_wait3A_222 = tpu.memref_slice %arg12[%dma_wait3A_210, %dma_wait3A_211, %dma_wait3A_220, %dma_wait3A_221] : memref<2x8x1024x1024xf32, #tpu.memory_space<hbm>> -> memref<1x1x1024x1024xf32, #tpu.memory_space<hbm>>
    %dma_wait3A_223 = tpu.memref_squeeze %dma_wait3A_222 : memref<1x1x1024x1024xf32, #tpu.memory_space<hbm>> -> memref<1024x1024xf32, #tpu.memory_space<hbm>>
    tpu.wait_dma2 semaphore(%dma_wait3A_215 : memref<!tpu.dma_semaphore, #tpu.memory_space<semaphore_mem>>) src(%dma_wait3A_223 : memref<1024x1024xf32, #tpu.memory_space<hbm>>) dst(%dma_wait3A_219 : memref<1024x1024xf32, #tpu.memory_space<vmem>>)
    %get3A_224 = arith.constant 160 : index
    %get3A_225 = arith.constant 0 : index
    %get3A_226 = vector.load %arg2[%get3A_224, %get3A_225] : memref<1280x1024xf32, #tpu.memory_space<vmem>>, vector<160x1024xf32>
    %get3A_227 = arith.constant 1 : index
    %get3A_228 = arith.constant 0 : index
    %get3A_229 = arith.constant 0 : index
    %get3A_230 = vector.load %arg17[%get3A_227, %get3A_228, %get3A_229] : memref<3x1024x1024xf32, #tpu.memory_space<vmem>>, vector<1x1024x1024xf32>
    %get3A_231 = vector.shape_cast %get3A_230 : vector<1x1024x1024xf32> to vector<1024x1024xf32>
    %dot_general3A_232 = arith.constant dense<0.000000e+00> : vector<160x1024xf32>
    %dot_general3A_233 = tpu.matmul %get3A_226, %get3A_231, %dot_general3A_232 {dimension_numbers = #tpu.dot_dimension_numbers<[1], [0], [0], [1], [0, 0, 1, 1], [], []>, transpose_lhs_hint = false} : vector<160x1024xf32>, vector<1024x1024xf32>, vector<160x1024xf32> -> vector<160x1024xf32>
    %neg3A_234 = arith.constant 0.000000e+00 : f32
    %neg3A_235 = vector.broadcast %neg3A_234 : f32 to vector<160x1024xf32>
    %neg3A_236 = arith.subf %neg3A_235, %dot_general3A_233 : vector<160x1024xf32>
    %exp3A_237 = math.exp %neg3A_236 : vector<160x1024xf32>
    %add3A_238 = arith.constant 1.000000e+00 : f32
    %add3A_239 = vector.broadcast %add3A_238 : f32 to vector<160x1024xf32>
    %add3A_240 = arith.addf %add3A_239, %exp3A_237 : vector<160x1024xf32>
    %div3A_241 = arith.constant 1.000000e+00 : f32
    %div3A_242 = vector.broadcast %div3A_241 : f32 to vector<160x1024xf32>
    %div3A_243 = arith.divf %div3A_242, %add3A_240 : vector<160x1024xf32>
    %mul3A_244 = arith.mulf %dot_general3A_233, %div3A_243 : vector<160x1024xf32>
    %get3A_245 = arith.constant 1 : index
    %get3A_246 = arith.constant 0 : index
    %get3A_247 = arith.constant 0 : index
    %get3A_248 = vector.load %arg18[%get3A_245, %get3A_246, %get3A_247] : memref<3x1024x1024xf32, #tpu.memory_space<vmem>>, vector<1x1024x1024xf32>
    %get3A_249 = vector.shape_cast %get3A_248 : vector<1x1024x1024xf32> to vector<1024x1024xf32>
    %dot_general3A_250 = arith.constant dense<0.000000e+00> : vector<160x1024xf32>
    %dot_general3A_251 = tpu.matmul %mul3A_244, %get3A_249, %dot_general3A_250 {dimension_numbers = #tpu.dot_dimension_numbers<[1], [0], [0], [1], [0, 0, 1, 1], [], []>, transpose_lhs_hint = false} : vector<160x1024xf32>, vector<1024x1024xf32>, vector<160x1024xf32> -> vector<160x1024xf32>
    %eq3A_252 = arith.constant 1 : i32
    %eq3A_253 = vector.broadcast %eq3A_252 : i32 to vector<512x1xi32>
    %eq3A_254 = arith.cmpi eq, %convert_element_type3A, %eq3A_253 : vector<512x1xi32>
    %eq3A_255 = vector.broadcast %convert_element_type3A_65 : vector<512x1xi32> to vector<512x160xi32>
    %eq3A_256 = arith.cmpi eq, %eq3A_255, %iota3A : vector<512x160xi32>
    %and3A_257 = vector.broadcast %eq3A_254 : vector<512x1xi1> to vector<512x160xi1>
    %and3A_258 = arith.andi %and3A_257, %eq3A_256 : vector<512x160xi1>
    %convert_element_type3A_259 = arith.extui %and3A_258 : vector<512x160xi1> to vector<512x160xi32>
    %convert_element_type3A_260 = arith.sitofp %convert_element_type3A_259 : vector<512x160xi32> to vector<512x160xf32>
    %eq3A_261 = arith.constant 1 : i32
    %eq3A_262 = vector.broadcast %eq3A_261 : i32 to vector<512x1xi32>
    %eq3A_263 = arith.cmpi eq, %convert_element_type3A_63, %eq3A_262 : vector<512x1xi32>
    %eq3A_264 = vector.broadcast %convert_element_type3A_67 : vector<512x1xi32> to vector<512x160xi32>
    %eq3A_265 = arith.cmpi eq, %eq3A_264, %iota3A : vector<512x160xi32>
    %and3A_266 = vector.broadcast %eq3A_263 : vector<512x1xi1> to vector<512x160xi1>
    %and3A_267 = arith.andi %and3A_266, %eq3A_265 : vector<512x160xi1>
    %convert_element_type3A_268 = arith.extui %and3A_267 : vector<512x160xi1> to vector<512x160xi32>
    %convert_element_type3A_269 = arith.sitofp %convert_element_type3A_268 : vector<512x160xi32> to vector<512x160xf32>
    %mul3A_270 = vector.broadcast %slice3A : vector<512x1xf32> to vector<512x160xf32>
    %mul3A_271 = arith.mulf %mul3A_270, %convert_element_type3A_260 : vector<512x160xf32>
    %mul3A_272 = vector.broadcast %slice3A_60 : vector<512x1xf32> to vector<512x160xf32>
    %mul3A_273 = arith.mulf %mul3A_272, %convert_element_type3A_269 : vector<512x160xf32>
    %add3A_274 = arith.addf %mul3A_271, %mul3A_273 : vector<512x160xf32>
    %dot_general3A_275 = arith.constant dense<0.000000e+00> : vector<512x1024xf32>
    %dot_general3A_276 = tpu.matmul %add3A_274, %dot_general3A_251, %dot_general3A_275 {dimension_numbers = #tpu.dot_dimension_numbers<[1], [0], [0], [1], [0, 0, 1, 1], [], []>, transpose_lhs_hint = false} : vector<512x160xf32>, vector<160x1024xf32>, vector<512x1024xf32> -> vector<512x1024xf32>
    %add3A_277 = arith.addf %dot_general3A_167, %dot_general3A_276 : vector<512x1024xf32>
    %dma_start3A_278 = arith.constant 1 : i32
    %dma_start3A_279 = arith.constant 4 : i32
    %dma_start3A_280 = arith.constant 1 : i32
    %dma_start3A_281 = arith.constant 1 : i32
    %dma_start3A_282 = tpu.memref_slice %arg19[%dma_start3A_281] : memref<3x!tpu.dma_semaphore, #tpu.memory_space<semaphore_mem>> -> memref<1x!tpu.dma_semaphore, #tpu.memory_space<semaphore_mem>>
    %dma_start3A_283 = tpu.memref_squeeze %dma_start3A_282 : memref<1x!tpu.dma_semaphore, #tpu.memory_space<semaphore_mem>> -> memref<!tpu.dma_semaphore, #tpu.memory_space<semaphore_mem>>
    %dma_start3A_284 = arith.constant 0 : i32
    %dma_start3A_285 = arith.constant 0 : i32
    %dma_start3A_286 = tpu.memref_slice %arg17[%dma_start3A_280, %dma_start3A_284, %dma_start3A_285] : memref<3x1024x1024xf32, #tpu.memory_space<vmem>> -> memref<1x1024x1024xf32, #tpu.memory_space<vmem>>
    %dma_start3A_287 = tpu.memref_squeeze %dma_start3A_286 : memref<1x1024x1024xf32, #tpu.memory_space<vmem>> -> memref<1024x1024xf32, #tpu.memory_space<vmem>>
    %dma_start3A_288 = arith.constant 0 : i32
    %dma_start3A_289 = arith.constant 0 : i32
    %dma_start3A_290 = tpu.memref_slice %arg11[%dma_start3A_278, %dma_start3A_279, %dma_start3A_288, %dma_start3A_289] : memref<2x8x1024x1024xf32, #tpu.memory_space<hbm>> -> memref<1x1x1024x1024xf32, #tpu.memory_space<hbm>>
    %dma_start3A_291 = tpu.memref_squeeze %dma_start3A_290 : memref<1x1x1024x1024xf32, #tpu.memory_space<hbm>> -> memref<1024x1024xf32, #tpu.memory_space<hbm>>
    tpu.enqueue_dma source(%dma_start3A_291 : memref<1024x1024xf32, #tpu.memory_space<hbm>>) target(%dma_start3A_287 : memref<1024x1024xf32, #tpu.memory_space<vmem>>) target_semaphore(%dma_start3A_283 : memref<!tpu.dma_semaphore, #tpu.memory_space<semaphore_mem>>)
    %dma_start3A_292 = arith.constant 1 : i32
    %dma_start3A_293 = arith.constant 4 : i32
    %dma_start3A_294 = arith.constant 1 : i32
    %dma_start3A_295 = arith.constant 1 : i32
    %dma_start3A_296 = tpu.memref_slice %arg20[%dma_start3A_295] : memref<3x!tpu.dma_semaphore, #tpu.memory_space<semaphore_mem>> -> memref<1x!tpu.dma_semaphore, #tpu.memory_space<semaphore_mem>>
    %dma_start3A_297 = tpu.memref_squeeze %dma_start3A_296 : memref<1x!tpu.dma_semaphore, #tpu.memory_space<semaphore_mem>> -> memref<!tpu.dma_semaphore, #tpu.memory_space<semaphore_mem>>
    %dma_start3A_298 = arith.constant 0 : i32
    %dma_start3A_299 = arith.constant 0 : i32
    %dma_start3A_300 = tpu.memref_slice %arg18[%dma_start3A_294, %dma_start3A_298, %dma_start3A_299] : memref<3x1024x1024xf32, #tpu.memory_space<vmem>> -> memref<1x1024x1024xf32, #tpu.memory_space<vmem>>
    %dma_start3A_301 = tpu.memref_squeeze %dma_start3A_300 : memref<1x1024x1024xf32, #tpu.memory_space<vmem>> -> memref<1024x1024xf32, #tpu.memory_space<vmem>>
    %dma_start3A_302 = arith.constant 0 : i32
    %dma_start3A_303 = arith.constant 0 : i32
    %dma_start3A_304 = tpu.memref_slice %arg12[%dma_start3A_292, %dma_start3A_293, %dma_start3A_302, %dma_start3A_303] : memref<2x8x1024x1024xf32, #tpu.memory_space<hbm>> -> memref<1x1x1024x1024xf32, #tpu.memory_space<hbm>>
    %dma_start3A_305 = tpu.memref_squeeze %dma_start3A_304 : memref<1x1x1024x1024xf32, #tpu.memory_space<hbm>> -> memref<1024x1024xf32, #tpu.memory_space<hbm>>
    tpu.enqueue_dma source(%dma_start3A_305 : memref<1024x1024xf32, #tpu.memory_space<hbm>>) target(%dma_start3A_301 : memref<1024x1024xf32, #tpu.memory_space<vmem>>) target_semaphore(%dma_start3A_297 : memref<!tpu.dma_semaphore, #tpu.memory_space<semaphore_mem>>)
    %dma_wait3A_306 = arith.constant 1 : i32
    %dma_wait3A_307 = arith.constant 2 : i32
    %dma_wait3A_308 = arith.constant 2 : i32
    %dma_wait3A_309 = arith.constant 2 : i32
    %dma_wait3A_310 = tpu.memref_slice %arg19[%dma_wait3A_309] : memref<3x!tpu.dma_semaphore, #tpu.memory_space<semaphore_mem>> -> memref<1x!tpu.dma_semaphore, #tpu.memory_space<semaphore_mem>>
    %dma_wait3A_311 = tpu.memref_squeeze %dma_wait3A_310 : memref<1x!tpu.dma_semaphore, #tpu.memory_space<semaphore_mem>> -> memref<!tpu.dma_semaphore, #tpu.memory_space<semaphore_mem>>
    %dma_wait3A_312 = arith.constant 0 : i32
    %dma_wait3A_313 = arith.constant 0 : i32
    %dma_wait3A_314 = tpu.memref_slice %arg17[%dma_wait3A_308, %dma_wait3A_312, %dma_wait3A_313] : memref<3x1024x1024xf32, #tpu.memory_space<vmem>> -> memref<1x1024x1024xf32, #tpu.memory_space<vmem>>
    %dma_wait3A_315 = tpu.memref_squeeze %dma_wait3A_314 : memref<1x1024x1024xf32, #tpu.memory_space<vmem>> -> memref<1024x1024xf32, #tpu.memory_space<vmem>>
    %dma_wait3A_316 = arith.constant 0 : i32
    %dma_wait3A_317 = arith.constant 0 : i32
    %dma_wait3A_318 = tpu.memref_slice %arg11[%dma_wait3A_306, %dma_wait3A_307, %dma_wait3A_316, %dma_wait3A_317] : memref<2x8x1024x1024xf32, #tpu.memory_space<hbm>> -> memref<1x1x1024x1024xf32, #tpu.memory_space<hbm>>
    %dma_wait3A_319 = tpu.memref_squeeze %dma_wait3A_318 : memref<1x1x1024x1024xf32, #tpu.memory_space<hbm>> -> memref<1024x1024xf32, #tpu.memory_space<hbm>>
    tpu.wait_dma2 semaphore(%dma_wait3A_311 : memref<!tpu.dma_semaphore, #tpu.memory_space<semaphore_mem>>) src(%dma_wait3A_319 : memref<1024x1024xf32, #tpu.memory_space<hbm>>) dst(%dma_wait3A_315 : memref<1024x1024xf32, #tpu.memory_space<vmem>>)
    %dma_wait3A_320 = arith.constant 1 : i32
    %dma_wait3A_321 = arith.constant 2 : i32
    %dma_wait3A_322 = arith.constant 2 : i32
    %dma_wait3A_323 = arith.constant 2 : i32
    %dma_wait3A_324 = tpu.memref_slice %arg20[%dma_wait3A_323] : memref<3x!tpu.dma_semaphore, #tpu.memory_space<semaphore_mem>> -> memref<1x!tpu.dma_semaphore, #tpu.memory_space<semaphore_mem>>
    %dma_wait3A_325 = tpu.memref_squeeze %dma_wait3A_324 : memref<1x!tpu.dma_semaphore, #tpu.memory_space<semaphore_mem>> -> memref<!tpu.dma_semaphore, #tpu.memory_space<semaphore_mem>>
    %dma_wait3A_326 = arith.constant 0 : i32
    %dma_wait3A_327 = arith.constant 0 : i32
    %dma_wait3A_328 = tpu.memref_slice %arg18[%dma_wait3A_322, %dma_wait3A_326, %dma_wait3A_327] : memref<3x1024x1024xf32, #tpu.memory_space<vmem>> -> memref<1x1024x1024xf32, #tpu.memory_space<vmem>>
    %dma_wait3A_329 = tpu.memref_squeeze %dma_wait3A_328 : memref<1x1024x1024xf32, #tpu.memory_space<vmem>> -> memref<1024x1024xf32, #tpu.memory_space<vmem>>
    %dma_wait3A_330 = arith.constant 0 : i32
    %dma_wait3A_331 = arith.constant 0 : i32
    %dma_wait3A_332 = tpu.memref_slice %arg12[%dma_wait3A_320, %dma_wait3A_321, %dma_wait3A_330, %dma_wait3A_331] : memref<2x8x1024x1024xf32, #tpu.memory_space<hbm>> -> memref<1x1x1024x1024xf32, #tpu.memory_space<hbm>>
    %dma_wait3A_333 = tpu.memref_squeeze %dma_wait3A_332 : memref<1x1x1024x1024xf32, #tpu.memory_space<hbm>> -> memref<1024x1024xf32, #tpu.memory_space<hbm>>
    tpu.wait_dma2 semaphore(%dma_wait3A_325 : memref<!tpu.dma_semaphore, #tpu.memory_space<semaphore_mem>>) src(%dma_wait3A_333 : memref<1024x1024xf32, #tpu.memory_space<hbm>>) dst(%dma_wait3A_329 : memref<1024x1024xf32, #tpu.memory_space<vmem>>)
    %get3A_334 = arith.constant 320 : index
    %get3A_335 = arith.constant 0 : index
    %get3A_336 = vector.load %arg2[%get3A_334, %get3A_335] : memref<1280x1024xf32, #tpu.memory_space<vmem>>, vector<160x1024xf32>
    %get3A_337 = arith.constant 2 : index
    %get3A_338 = arith.constant 0 : index
    %get3A_339 = arith.constant 0 : index
    %get3A_340 = vector.load %arg17[%get3A_337, %get3A_338, %get3A_339] : memref<3x1024x1024xf32, #tpu.memory_space<vmem>>, vector<1x1024x1024xf32>
    %get3A_341 = vector.shape_cast %get3A_340 : vector<1x1024x1024xf32> to vector<1024x1024xf32>
    %dot_general3A_342 = arith.constant dense<0.000000e+00> : vector<160x1024xf32>
    %dot_general3A_343 = tpu.matmul %get3A_336, %get3A_341, %dot_general3A_342 {dimension_numbers = #tpu.dot_dimension_numbers<[1], [0], [0], [1], [0, 0, 1, 1], [], []>, transpose_lhs_hint = false} : vector<160x1024xf32>, vector<1024x1024xf32>, vector<160x1024xf32> -> vector<160x1024xf32>
    %neg3A_344 = arith.constant 0.000000e+00 : f32
    %neg3A_345 = vector.broadcast %neg3A_344 : f32 to vector<160x1024xf32>
    %neg3A_346 = arith.subf %neg3A_345, %dot_general3A_343 : vector<160x1024xf32>
    %exp3A_347 = math.exp %neg3A_346 : vector<160x1024xf32>
    %add3A_348 = arith.constant 1.000000e+00 : f32
    %add3A_349 = vector.broadcast %add3A_348 : f32 to vector<160x1024xf32>
    %add3A_350 = arith.addf %add3A_349, %exp3A_347 : vector<160x1024xf32>
    %div3A_351 = arith.constant 1.000000e+00 : f32
    %div3A_352 = vector.broadcast %div3A_351 : f32 to vector<160x1024xf32>
    %div3A_353 = arith.divf %div3A_352, %add3A_350 : vector<160x1024xf32>
    %mul3A_354 = arith.mulf %dot_general3A_343, %div3A_353 : vector<160x1024xf32>
    %get3A_355 = arith.constant 2 : index
    %get3A_356 = arith.constant 0 : index
    %get3A_357 = arith.constant 0 : index
    %get3A_358 = vector.load %arg18[%get3A_355, %get3A_356, %get3A_357] : memref<3x1024x1024xf32, #tpu.memory_space<vmem>>, vector<1x1024x1024xf32>
    %get3A_359 = vector.shape_cast %get3A_358 : vector<1x1024x1024xf32> to vector<1024x1024xf32>
    %dot_general3A_360 = arith.constant dense<0.000000e+00> : vector<160x1024xf32>
    %dot_general3A_361 = tpu.matmul %mul3A_354, %get3A_359, %dot_general3A_360 {dimension_numbers = #tpu.dot_dimension_numbers<[1], [0], [0], [1], [0, 0, 1, 1], [], []>, transpose_lhs_hint = false} : vector<160x1024xf32>, vector<1024x1024xf32>, vector<160x1024xf32> -> vector<160x1024xf32>
    %eq3A_362 = arith.constant 2 : i32
    %eq3A_363 = vector.broadcast %eq3A_362 : i32 to vector<512x1xi32>
    %eq3A_364 = arith.cmpi eq, %convert_element_type3A, %eq3A_363 : vector<512x1xi32>
    %eq3A_365 = vector.broadcast %convert_element_type3A_65 : vector<512x1xi32> to vector<512x160xi32>
    %eq3A_366 = arith.cmpi eq, %eq3A_365, %iota3A : vector<512x160xi32>
    %and3A_367 = vector.broadcast %eq3A_364 : vector<512x1xi1> to vector<512x160xi1>
    %and3A_368 = arith.andi %and3A_367, %eq3A_366 : vector<512x160xi1>
    %convert_element_type3A_369 = arith.extui %and3A_368 : vector<512x160xi1> to vector<512x160xi32>
    %convert_element_type3A_370 = arith.sitofp %convert_element_type3A_369 : vector<512x160xi32> to vector<512x160xf32>
    %eq3A_371 = arith.constant 2 : i32
    %eq3A_372 = vector.broadcast %eq3A_371 : i32 to vector<512x1xi32>
    %eq3A_373 = arith.cmpi eq, %convert_element_type3A_63, %eq3A_372 : vector<512x1xi32>
    %eq3A_374 = vector.broadcast %convert_element_type3A_67 : vector<512x1xi32> to vector<512x160xi32>
    %eq3A_375 = arith.cmpi eq, %eq3A_374, %iota3A : vector<512x160xi32>
    %and3A_376 = vector.broadcast %eq3A_373 : vector<512x1xi1> to vector<512x160xi1>
    %and3A_377 = arith.andi %and3A_376, %eq3A_375 : vector<512x160xi1>
    %convert_element_type3A_378 = arith.extui %and3A_377 : vector<512x160xi1> to vector<512x160xi32>
    %convert_element_type3A_379 = arith.sitofp %convert_element_type3A_378 : vector<512x160xi32> to vector<512x160xf32>
    %mul3A_380 = vector.broadcast %slice3A : vector<512x1xf32> to vector<512x160xf32>
    %mul3A_381 = arith.mulf %mul3A_380, %convert_element_type3A_370 : vector<512x160xf32>
    %mul3A_382 = vector.broadcast %slice3A_60 : vector<512x1xf32> to vector<512x160xf32>
    %mul3A_383 = arith.mulf %mul3A_382, %convert_element_type3A_379 : vector<512x160xf32>
    %add3A_384 = arith.addf %mul3A_381, %mul3A_383 : vector<512x160xf32>
    %dot_general3A_385 = arith.constant dense<0.000000e+00> : vector<512x1024xf32>
    %dot_general3A_386 = tpu.matmul %add3A_384, %dot_general3A_361, %dot_general3A_385 {dimension_numbers = #tpu.dot_dimension_numbers<[1], [0], [0], [1], [0, 0, 1, 1], [], []>, transpose_lhs_hint = false} : vector<512x160xf32>, vector<160x1024xf32>, vector<512x1024xf32> -> vector<512x1024xf32>
    %add3A_387 = arith.addf %add3A_277, %dot_general3A_386 : vector<512x1024xf32>
    %dma_start3A_388 = arith.constant 1 : i32
    %dma_start3A_389 = arith.constant 5 : i32
    %dma_start3A_390 = arith.constant 2 : i32
    %dma_start3A_391 = arith.constant 2 : i32
    %dma_start3A_392 = tpu.memref_slice %arg19[%dma_start3A_391] : memref<3x!tpu.dma_semaphore, #tpu.memory_space<semaphore_mem>> -> memref<1x!tpu.dma_semaphore, #tpu.memory_space<semaphore_mem>>
    %dma_start3A_393 = tpu.memref_squeeze %dma_start3A_392 : memref<1x!tpu.dma_semaphore, #tpu.memory_space<semaphore_mem>> -> memref<!tpu.dma_semaphore, #tpu.memory_space<semaphore_mem>>
    %dma_start3A_394 = arith.constant 0 : i32
    %dma_start3A_395 = arith.constant 0 : i32
    %dma_start3A_396 = tpu.memref_slice %arg17[%dma_start3A_390, %dma_start3A_394, %dma_start3A_395] : memref<3x1024x1024xf32, #tpu.memory_space<vmem>> -> memref<1x1024x1024xf32, #tpu.memory_space<vmem>>
    %dma_start3A_397 = tpu.memref_squeeze %dma_start3A_396 : memref<1x1024x1024xf32, #tpu.memory_space<vmem>> -> memref<1024x1024xf32, #tpu.memory_space<vmem>>
    %dma_start3A_398 = arith.constant 0 : i32
    %dma_start3A_399 = arith.constant 0 : i32
    %dma_start3A_400 = tpu.memref_slice %arg11[%dma_start3A_388, %dma_start3A_389, %dma_start3A_398, %dma_start3A_399] : memref<2x8x1024x1024xf32, #tpu.memory_space<hbm>> -> memref<1x1x1024x1024xf32, #tpu.memory_space<hbm>>
    %dma_start3A_401 = tpu.memref_squeeze %dma_start3A_400 : memref<1x1x1024x1024xf32, #tpu.memory_space<hbm>> -> memref<1024x1024xf32, #tpu.memory_space<hbm>>
    tpu.enqueue_dma source(%dma_start3A_401 : memref<1024x1024xf32, #tpu.memory_space<hbm>>) target(%dma_start3A_397 : memref<1024x1024xf32, #tpu.memory_space<vmem>>) target_semaphore(%dma_start3A_393 : memref<!tpu.dma_semaphore, #tpu.memory_space<semaphore_mem>>)
    %dma_start3A_402 = arith.constant 1 : i32
    %dma_start3A_403 = arith.constant 5 : i32
    %dma_start3A_404 = arith.constant 2 : i32
    %dma_start3A_405 = arith.constant 2 : i32
    %dma_start3A_406 = tpu.memref_slice %arg20[%dma_start3A_405] : memref<3x!tpu.dma_semaphore, #tpu.memory_space<semaphore_mem>> -> memref<1x!tpu.dma_semaphore, #tpu.memory_space<semaphore_mem>>
    %dma_start3A_407 = tpu.memref_squeeze %dma_start3A_406 : memref<1x!tpu.dma_semaphore, #tpu.memory_space<semaphore_mem>> -> memref<!tpu.dma_semaphore, #tpu.memory_space<semaphore_mem>>
    %dma_start3A_408 = arith.constant 0 : i32
    %dma_start3A_409 = arith.constant 0 : i32
    %dma_start3A_410 = tpu.memref_slice %arg18[%dma_start3A_404, %dma_start3A_408, %dma_start3A_409] : memref<3x1024x1024xf32, #tpu.memory_space<vmem>> -> memref<1x1024x1024xf32, #tpu.memory_space<vmem>>
    %dma_start3A_411 = tpu.memref_squeeze %dma_start3A_410 : memref<1x1024x1024xf32, #tpu.memory_space<vmem>> -> memref<1024x1024xf32, #tpu.memory_space<vmem>>
    %dma_start3A_412 = arith.constant 0 : i32
    %dma_start3A_413 = arith.constant 0 : i32
    %dma_start3A_414 = tpu.memref_slice %arg12[%dma_start3A_402, %dma_start3A_403, %dma_start3A_412, %dma_start3A_413] : memref<2x8x1024x1024xf32, #tpu.memory_space<hbm>> -> memref<1x1x1024x1024xf32, #tpu.memory_space<hbm>>
    %dma_start3A_415 = tpu.memref_squeeze %dma_start3A_414 : memref<1x1x1024x1024xf32, #tpu.memory_space<hbm>> -> memref<1024x1024xf32, #tpu.memory_space<hbm>>
    tpu.enqueue_dma source(%dma_start3A_415 : memref<1024x1024xf32, #tpu.memory_space<hbm>>) target(%dma_start3A_411 : memref<1024x1024xf32, #tpu.memory_space<vmem>>) target_semaphore(%dma_start3A_407 : memref<!tpu.dma_semaphore, #tpu.memory_space<semaphore_mem>>)
    %dma_wait3A_416 = arith.constant 1 : i32
    %dma_wait3A_417 = arith.constant 3 : i32
    %dma_wait3A_418 = arith.constant 0 : i32
    %dma_wait3A_419 = arith.constant 0 : i32
    %dma_wait3A_420 = tpu.memref_slice %arg19[%dma_wait3A_419] : memref<3x!tpu.dma_semaphore, #tpu.memory_space<semaphore_mem>> -> memref<1x!tpu.dma_semaphore, #tpu.memory_space<semaphore_mem>>
    %dma_wait3A_421 = tpu.memref_squeeze %dma_wait3A_420 : memref<1x!tpu.dma_semaphore, #tpu.memory_space<semaphore_mem>> -> memref<!tpu.dma_semaphore, #tpu.memory_space<semaphore_mem>>
    %dma_wait3A_422 = arith.constant 0 : i32
    %dma_wait3A_423 = arith.constant 0 : i32
    %dma_wait3A_424 = tpu.memref_slice %arg17[%dma_wait3A_418, %dma_wait3A_422, %dma_wait3A_423] : memref<3x1024x1024xf32, #tpu.memory_space<vmem>> -> memref<1x1024x1024xf32, #tpu.memory_space<vmem>>
    %dma_wait3A_425 = tpu.memref_squeeze %dma_wait3A_424 : memref<1x1024x1024xf32, #tpu.memory_space<vmem>> -> memref<1024x1024xf32, #tpu.memory_space<vmem>>
    %dma_wait3A_426 = arith.constant 0 : i32
    %dma_wait3A_427 = arith.constant 0 : i32
    %dma_wait3A_428 = tpu.memref_slice %arg11[%dma_wait3A_416, %dma_wait3A_417, %dma_wait3A_426, %dma_wait3A_427] : memref<2x8x1024x1024xf32, #tpu.memory_space<hbm>> -> memref<1x1x1024x1024xf32, #tpu.memory_space<hbm>>
    %dma_wait3A_429 = tpu.memref_squeeze %dma_wait3A_428 : memref<1x1x1024x1024xf32, #tpu.memory_space<hbm>> -> memref<1024x1024xf32, #tpu.memory_space<hbm>>
    tpu.wait_dma2 semaphore(%dma_wait3A_421 : memref<!tpu.dma_semaphore, #tpu.memory_space<semaphore_mem>>) src(%dma_wait3A_429 : memref<1024x1024xf32, #tpu.memory_space<hbm>>) dst(%dma_wait3A_425 : memref<1024x1024xf32, #tpu.memory_space<vmem>>)
    %dma_wait3A_430 = arith.constant 1 : i32
    %dma_wait3A_431 = arith.constant 3 : i32
    %dma_wait3A_432 = arith.constant 0 : i32
    %dma_wait3A_433 = arith.constant 0 : i32
    %dma_wait3A_434 = tpu.memref_slice %arg20[%dma_wait3A_433] : memref<3x!tpu.dma_semaphore, #tpu.memory_space<semaphore_mem>> -> memref<1x!tpu.dma_semaphore, #tpu.memory_space<semaphore_mem>>
    %dma_wait3A_435 = tpu.memref_squeeze %dma_wait3A_434 : memref<1x!tpu.dma_semaphore, #tpu.memory_space<semaphore_mem>> -> memref<!tpu.dma_semaphore, #tpu.memory_space<semaphore_mem>>
    %dma_wait3A_436 = arith.constant 0 : i32
    %dma_wait3A_437 = arith.constant 0 : i32
    %dma_wait3A_438 = tpu.memref_slice %arg18[%dma_wait3A_432, %dma_wait3A_436, %dma_wait3A_437] : memref<3x1024x1024xf32, #tpu.memory_space<vmem>> -> memref<1x1024x1024xf32, #tpu.memory_space<vmem>>
    %dma_wait3A_439 = tpu.memref_squeeze %dma_wait3A_438 : memref<1x1024x1024xf32, #tpu.memory_space<vmem>> -> memref<1024x1024xf32, #tpu.memory_space<vmem>>
    %dma_wait3A_440 = arith.constant 0 : i32
    %dma_wait3A_441 = arith.constant 0 : i32
    %dma_wait3A_442 = tpu.memref_slice %arg12[%dma_wait3A_430, %dma_wait3A_431, %dma_wait3A_440, %dma_wait3A_441] : memref<2x8x1024x1024xf32, #tpu.memory_space<hbm>> -> memref<1x1x1024x1024xf32, #tpu.memory_space<hbm>>
    %dma_wait3A_443 = tpu.memref_squeeze %dma_wait3A_442 : memref<1x1x1024x1024xf32, #tpu.memory_space<hbm>> -> memref<1024x1024xf32, #tpu.memory_space<hbm>>
    tpu.wait_dma2 semaphore(%dma_wait3A_435 : memref<!tpu.dma_semaphore, #tpu.memory_space<semaphore_mem>>) src(%dma_wait3A_443 : memref<1024x1024xf32, #tpu.memory_space<hbm>>) dst(%dma_wait3A_439 : memref<1024x1024xf32, #tpu.memory_space<vmem>>)
    %get3A_444 = arith.constant 480 : index
    %get3A_445 = arith.constant 0 : index
    %get3A_446 = vector.load %arg2[%get3A_444, %get3A_445] : memref<1280x1024xf32, #tpu.memory_space<vmem>>, vector<160x1024xf32>
    %get3A_447 = arith.constant 0 : index
    %get3A_448 = arith.constant 0 : index
    %get3A_449 = arith.constant 0 : index
    %get3A_450 = vector.load %arg17[%get3A_447, %get3A_448, %get3A_449] : memref<3x1024x1024xf32, #tpu.memory_space<vmem>>, vector<1x1024x1024xf32>
    %get3A_451 = vector.shape_cast %get3A_450 : vector<1x1024x1024xf32> to vector<1024x1024xf32>
    %dot_general3A_452 = arith.constant dense<0.000000e+00> : vector<160x1024xf32>
    %dot_general3A_453 = tpu.matmul %get3A_446, %get3A_451, %dot_general3A_452 {dimension_numbers = #tpu.dot_dimension_numbers<[1], [0], [0], [1], [0, 0, 1, 1], [], []>, transpose_lhs_hint = false} : vector<160x1024xf32>, vector<1024x1024xf32>, vector<160x1024xf32> -> vector<160x1024xf32>
    %neg3A_454 = arith.constant 0.000000e+00 : f32
    %neg3A_455 = vector.broadcast %neg3A_454 : f32 to vector<160x1024xf32>
    %neg3A_456 = arith.subf %neg3A_455, %dot_general3A_453 : vector<160x1024xf32>
    %exp3A_457 = math.exp %neg3A_456 : vector<160x1024xf32>
    %add3A_458 = arith.constant 1.000000e+00 : f32
    %add3A_459 = vector.broadcast %add3A_458 : f32 to vector<160x1024xf32>
    %add3A_460 = arith.addf %add3A_459, %exp3A_457 : vector<160x1024xf32>
    %div3A_461 = arith.constant 1.000000e+00 : f32
    %div3A_462 = vector.broadcast %div3A_461 : f32 to vector<160x1024xf32>
    %div3A_463 = arith.divf %div3A_462, %add3A_460 : vector<160x1024xf32>
    %mul3A_464 = arith.mulf %dot_general3A_453, %div3A_463 : vector<160x1024xf32>
    %get3A_465 = arith.constant 0 : index
    %get3A_466 = arith.constant 0 : index
    %get3A_467 = arith.constant 0 : index
    %get3A_468 = vector.load %arg18[%get3A_465, %get3A_466, %get3A_467] : memref<3x1024x1024xf32, #tpu.memory_space<vmem>>, vector<1x1024x1024xf32>
    %get3A_469 = vector.shape_cast %get3A_468 : vector<1x1024x1024xf32> to vector<1024x1024xf32>
    %dot_general3A_470 = arith.constant dense<0.000000e+00> : vector<160x1024xf32>
    %dot_general3A_471 = tpu.matmul %mul3A_464, %get3A_469, %dot_general3A_470 {dimension_numbers = #tpu.dot_dimension_numbers<[1], [0], [0], [1], [0, 0, 1, 1], [], []>, transpose_lhs_hint = false} : vector<160x1024xf32>, vector<1024x1024xf32>, vector<160x1024xf32> -> vector<160x1024xf32>
    %eq3A_472 = arith.constant 3 : i32
    %eq3A_473 = vector.broadcast %eq3A_472 : i32 to vector<512x1xi32>
    %eq3A_474 = arith.cmpi eq, %convert_element_type3A, %eq3A_473 : vector<512x1xi32>
    %eq3A_475 = vector.broadcast %convert_element_type3A_65 : vector<512x1xi32> to vector<512x160xi32>
    %eq3A_476 = arith.cmpi eq, %eq3A_475, %iota3A : vector<512x160xi32>
    %and3A_477 = vector.broadcast %eq3A_474 : vector<512x1xi1> to vector<512x160xi1>
    %and3A_478 = arith.andi %and3A_477, %eq3A_476 : vector<512x160xi1>
    %convert_element_type3A_479 = arith.extui %and3A_478 : vector<512x160xi1> to vector<512x160xi32>
    %convert_element_type3A_480 = arith.sitofp %convert_element_type3A_479 : vector<512x160xi32> to vector<512x160xf32>
    %eq3A_481 = arith.constant 3 : i32
    %eq3A_482 = vector.broadcast %eq3A_481 : i32 to vector<512x1xi32>
    %eq3A_483 = arith.cmpi eq, %convert_element_type3A_63, %eq3A_482 : vector<512x1xi32>
    %eq3A_484 = vector.broadcast %convert_element_type3A_67 : vector<512x1xi32> to vector<512x160xi32>
    %eq3A_485 = arith.cmpi eq, %eq3A_484, %iota3A : vector<512x160xi32>
    %and3A_486 = vector.broadcast %eq3A_483 : vector<512x1xi1> to vector<512x160xi1>
    %and3A_487 = arith.andi %and3A_486, %eq3A_485 : vector<512x160xi1>
    %convert_element_type3A_488 = arith.extui %and3A_487 : vector<512x160xi1> to vector<512x160xi32>
    %convert_element_type3A_489 = arith.sitofp %convert_element_type3A_488 : vector<512x160xi32> to vector<512x160xf32>
    %mul3A_490 = vector.broadcast %slice3A : vector<512x1xf32> to vector<512x160xf32>
    %mul3A_491 = arith.mulf %mul3A_490, %convert_element_type3A_480 : vector<512x160xf32>
    %mul3A_492 = vector.broadcast %slice3A_60 : vector<512x1xf32> to vector<512x160xf32>
    %mul3A_493 = arith.mulf %mul3A_492, %convert_element_type3A_489 : vector<512x160xf32>
    %add3A_494 = arith.addf %mul3A_491, %mul3A_493 : vector<512x160xf32>
    %dot_general3A_495 = arith.constant dense<0.000000e+00> : vector<512x1024xf32>
    %dot_general3A_496 = tpu.matmul %add3A_494, %dot_general3A_471, %dot_general3A_495 {dimension_numbers = #tpu.dot_dimension_numbers<[1], [0], [0], [1], [0, 0, 1, 1], [], []>, transpose_lhs_hint = false} : vector<512x160xf32>, vector<160x1024xf32>, vector<512x1024xf32> -> vector<512x1024xf32>
    %add3A_497 = arith.addf %add3A_387, %dot_general3A_496 : vector<512x1024xf32>
    %dma_start3A_498 = arith.constant 1 : i32
    %dma_start3A_499 = arith.constant 6 : i32
    %dma_start3A_500 = arith.constant 0 : i32
    %dma_start3A_501 = arith.constant 0 : i32
    %dma_start3A_502 = tpu.memref_slice %arg19[%dma_start3A_501] : memref<3x!tpu.dma_semaphore, #tpu.memory_space<semaphore_mem>> -> memref<1x!tpu.dma_semaphore, #tpu.memory_space<semaphore_mem>>
    %dma_start3A_503 = tpu.memref_squeeze %dma_start3A_502 : memref<1x!tpu.dma_semaphore, #tpu.memory_space<semaphore_mem>> -> memref<!tpu.dma_semaphore, #tpu.memory_space<semaphore_mem>>
    %dma_start3A_504 = arith.constant 0 : i32
    %dma_start3A_505 = arith.constant 0 : i32
    %dma_start3A_506 = tpu.memref_slice %arg17[%dma_start3A_500, %dma_start3A_504, %dma_start3A_505] : memref<3x1024x1024xf32, #tpu.memory_space<vmem>> -> memref<1x1024x1024xf32, #tpu.memory_space<vmem>>
    %dma_start3A_507 = tpu.memref_squeeze %dma_start3A_506 : memref<1x1024x1024xf32, #tpu.memory_space<vmem>> -> memref<1024x1024xf32, #tpu.memory_space<vmem>>
    %dma_start3A_508 = arith.constant 0 : i32
    %dma_start3A_509 = arith.constant 0 : i32
    %dma_start3A_510 = tpu.memref_slice %arg11[%dma_start3A_498, %dma_start3A_499, %dma_start3A_508, %dma_start3A_509] : memref<2x8x1024x1024xf32, #tpu.memory_space<hbm>> -> memref<1x1x1024x1024xf32, #tpu.memory_space<hbm>>
    %dma_start3A_511 = tpu.memref_squeeze %dma_start3A_510 : memref<1x1x1024x1024xf32, #tpu.memory_space<hbm>> -> memref<1024x1024xf32, #tpu.memory_space<hbm>>
    tpu.enqueue_dma source(%dma_start3A_511 : memref<1024x1024xf32, #tpu.memory_space<hbm>>) target(%dma_start3A_507 : memref<1024x1024xf32, #tpu.memory_space<vmem>>) target_semaphore(%dma_start3A_503 : memref<!tpu.dma_semaphore, #tpu.memory_space<semaphore_mem>>)
    %dma_start3A_512 = arith.constant 1 : i32
    %dma_start3A_513 = arith.constant 6 : i32
    %dma_start3A_514 = arith.constant 0 : i32
    %dma_start3A_515 = arith.constant 0 : i32
    %dma_start3A_516 = tpu.memref_slice %arg20[%dma_start3A_515] : memref<3x!tpu.dma_semaphore, #tpu.memory_space<semaphore_mem>> -> memref<1x!tpu.dma_semaphore, #tpu.memory_space<semaphore_mem>>
    %dma_start3A_517 = tpu.memref_squeeze %dma_start3A_516 : memref<1x!tpu.dma_semaphore, #tpu.memory_space<semaphore_mem>> -> memref<!tpu.dma_semaphore, #tpu.memory_space<semaphore_mem>>
    %dma_start3A_518 = arith.constant 0 : i32
    %dma_start3A_519 = arith.constant 0 : i32
    %dma_start3A_520 = tpu.memref_slice %arg18[%dma_start3A_514, %dma_start3A_518, %dma_start3A_519] : memref<3x1024x1024xf32, #tpu.memory_space<vmem>> -> memref<1x1024x1024xf32, #tpu.memory_space<vmem>>
    %dma_start3A_521 = tpu.memref_squeeze %dma_start3A_520 : memref<1x1024x1024xf32, #tpu.memory_space<vmem>> -> memref<1024x1024xf32, #tpu.memory_space<vmem>>
    %dma_start3A_522 = arith.constant 0 : i32
    %dma_start3A_523 = arith.constant 0 : i32
    %dma_start3A_524 = tpu.memref_slice %arg12[%dma_start3A_512, %dma_start3A_513, %dma_start3A_522, %dma_start3A_523] : memref<2x8x1024x1024xf32, #tpu.memory_space<hbm>> -> memref<1x1x1024x1024xf32, #tpu.memory_space<hbm>>
    %dma_start3A_525 = tpu.memref_squeeze %dma_start3A_524 : memref<1x1x1024x1024xf32, #tpu.memory_space<hbm>> -> memref<1024x1024xf32, #tpu.memory_space<hbm>>
    tpu.enqueue_dma source(%dma_start3A_525 : memref<1024x1024xf32, #tpu.memory_space<hbm>>) target(%dma_start3A_521 : memref<1024x1024xf32, #tpu.memory_space<vmem>>) target_semaphore(%dma_start3A_517 : memref<!tpu.dma_semaphore, #tpu.memory_space<semaphore_mem>>)
    %dma_wait3A_526 = arith.constant 1 : i32
    %dma_wait3A_527 = arith.constant 4 : i32
    %dma_wait3A_528 = arith.constant 1 : i32
    %dma_wait3A_529 = arith.constant 1 : i32
    %dma_wait3A_530 = tpu.memref_slice %arg19[%dma_wait3A_529] : memref<3x!tpu.dma_semaphore, #tpu.memory_space<semaphore_mem>> -> memref<1x!tpu.dma_semaphore, #tpu.memory_space<semaphore_mem>>
    %dma_wait3A_531 = tpu.memref_squeeze %dma_wait3A_530 : memref<1x!tpu.dma_semaphore, #tpu.memory_space<semaphore_mem>> -> memref<!tpu.dma_semaphore, #tpu.memory_space<semaphore_mem>>
    %dma_wait3A_532 = arith.constant 0 : i32
    %dma_wait3A_533 = arith.constant 0 : i32
    %dma_wait3A_534 = tpu.memref_slice %arg17[%dma_wait3A_528, %dma_wait3A_532, %dma_wait3A_533] : memref<3x1024x1024xf32, #tpu.memory_space<vmem>> -> memref<1x1024x1024xf32, #tpu.memory_space<vmem>>
    %dma_wait3A_535 = tpu.memref_squeeze %dma_wait3A_534 : memref<1x1024x1024xf32, #tpu.memory_space<vmem>> -> memref<1024x1024xf32, #tpu.memory_space<vmem>>
    %dma_wait3A_536 = arith.constant 0 : i32
    %dma_wait3A_537 = arith.constant 0 : i32
    %dma_wait3A_538 = tpu.memref_slice %arg11[%dma_wait3A_526, %dma_wait3A_527, %dma_wait3A_536, %dma_wait3A_537] : memref<2x8x1024x1024xf32, #tpu.memory_space<hbm>> -> memref<1x1x1024x1024xf32, #tpu.memory_space<hbm>>
    %dma_wait3A_539 = tpu.memref_squeeze %dma_wait3A_538 : memref<1x1x1024x1024xf32, #tpu.memory_space<hbm>> -> memref<1024x1024xf32, #tpu.memory_space<hbm>>
    tpu.wait_dma2 semaphore(%dma_wait3A_531 : memref<!tpu.dma_semaphore, #tpu.memory_space<semaphore_mem>>) src(%dma_wait3A_539 : memref<1024x1024xf32, #tpu.memory_space<hbm>>) dst(%dma_wait3A_535 : memref<1024x1024xf32, #tpu.memory_space<vmem>>)
    %dma_wait3A_540 = arith.constant 1 : i32
    %dma_wait3A_541 = arith.constant 4 : i32
    %dma_wait3A_542 = arith.constant 1 : i32
    %dma_wait3A_543 = arith.constant 1 : i32
    %dma_wait3A_544 = tpu.memref_slice %arg20[%dma_wait3A_543] : memref<3x!tpu.dma_semaphore, #tpu.memory_space<semaphore_mem>> -> memref<1x!tpu.dma_semaphore, #tpu.memory_space<semaphore_mem>>
    %dma_wait3A_545 = tpu.memref_squeeze %dma_wait3A_544 : memref<1x!tpu.dma_semaphore, #tpu.memory_space<semaphore_mem>> -> memref<!tpu.dma_semaphore, #tpu.memory_space<semaphore_mem>>
    %dma_wait3A_546 = arith.constant 0 : i32
    %dma_wait3A_547 = arith.constant 0 : i32
    %dma_wait3A_548 = tpu.memref_slice %arg18[%dma_wait3A_542, %dma_wait3A_546, %dma_wait3A_547] : memref<3x1024x1024xf32, #tpu.memory_space<vmem>> -> memref<1x1024x1024xf32, #tpu.memory_space<vmem>>
    %dma_wait3A_549 = tpu.memref_squeeze %dma_wait3A_548 : memref<1x1024x1024xf32, #tpu.memory_space<vmem>> -> memref<1024x1024xf32, #tpu.memory_space<vmem>>
    %dma_wait3A_550 = arith.constant 0 : i32
    %dma_wait3A_551 = arith.constant 0 : i32
    %dma_wait3A_552 = tpu.memref_slice %arg12[%dma_wait3A_540, %dma_wait3A_541, %dma_wait3A_550, %dma_wait3A_551] : memref<2x8x1024x1024xf32, #tpu.memory_space<hbm>> -> memref<1x1x1024x1024xf32, #tpu.memory_space<hbm>>
    %dma_wait3A_553 = tpu.memref_squeeze %dma_wait3A_552 : memref<1x1x1024x1024xf32, #tpu.memory_space<hbm>> -> memref<1024x1024xf32, #tpu.memory_space<hbm>>
    tpu.wait_dma2 semaphore(%dma_wait3A_545 : memref<!tpu.dma_semaphore, #tpu.memory_space<semaphore_mem>>) src(%dma_wait3A_553 : memref<1024x1024xf32, #tpu.memory_space<hbm>>) dst(%dma_wait3A_549 : memref<1024x1024xf32, #tpu.memory_space<vmem>>)
    %get3A_554 = arith.constant 640 : index
    %get3A_555 = arith.constant 0 : index
    %get3A_556 = vector.load %arg2[%get3A_554, %get3A_555] : memref<1280x1024xf32, #tpu.memory_space<vmem>>, vector<160x1024xf32>
    %get3A_557 = arith.constant 1 : index
    %get3A_558 = arith.constant 0 : index
    %get3A_559 = arith.constant 0 : index
    %get3A_560 = vector.load %arg17[%get3A_557, %get3A_558, %get3A_559] : memref<3x1024x1024xf32, #tpu.memory_space<vmem>>, vector<1x1024x1024xf32>
    %get3A_561 = vector.shape_cast %get3A_560 : vector<1x1024x1024xf32> to vector<1024x1024xf32>
    %dot_general3A_562 = arith.constant dense<0.000000e+00> : vector<160x1024xf32>
    %dot_general3A_563 = tpu.matmul %get3A_556, %get3A_561, %dot_general3A_562 {dimension_numbers = #tpu.dot_dimension_numbers<[1], [0], [0], [1], [0, 0, 1, 1], [], []>, transpose_lhs_hint = false} : vector<160x1024xf32>, vector<1024x1024xf32>, vector<160x1024xf32> -> vector<160x1024xf32>
    %neg3A_564 = arith.constant 0.000000e+00 : f32
    %neg3A_565 = vector.broadcast %neg3A_564 : f32 to vector<160x1024xf32>
    %neg3A_566 = arith.subf %neg3A_565, %dot_general3A_563 : vector<160x1024xf32>
    %exp3A_567 = math.exp %neg3A_566 : vector<160x1024xf32>
    %add3A_568 = arith.constant 1.000000e+00 : f32
    %add3A_569 = vector.broadcast %add3A_568 : f32 to vector<160x1024xf32>
    %add3A_570 = arith.addf %add3A_569, %exp3A_567 : vector<160x1024xf32>
    %div3A_571 = arith.constant 1.000000e+00 : f32
    %div3A_572 = vector.broadcast %div3A_571 : f32 to vector<160x1024xf32>
    %div3A_573 = arith.divf %div3A_572, %add3A_570 : vector<160x1024xf32>
    %mul3A_574 = arith.mulf %dot_general3A_563, %div3A_573 : vector<160x1024xf32>
    %get3A_575 = arith.constant 1 : index
    %get3A_576 = arith.constant 0 : index
    %get3A_577 = arith.constant 0 : index
    %get3A_578 = vector.load %arg18[%get3A_575, %get3A_576, %get3A_577] : memref<3x1024x1024xf32, #tpu.memory_space<vmem>>, vector<1x1024x1024xf32>
    %get3A_579 = vector.shape_cast %get3A_578 : vector<1x1024x1024xf32> to vector<1024x1024xf32>
    %dot_general3A_580 = arith.constant dense<0.000000e+00> : vector<160x1024xf32>
    %dot_general3A_581 = tpu.matmul %mul3A_574, %get3A_579, %dot_general3A_580 {dimension_numbers = #tpu.dot_dimension_numbers<[1], [0], [0], [1], [0, 0, 1, 1], [], []>, transpose_lhs_hint = false} : vector<160x1024xf32>, vector<1024x1024xf32>, vector<160x1024xf32> -> vector<160x1024xf32>
    %eq3A_582 = arith.constant 4 : i32
    %eq3A_583 = vector.broadcast %eq3A_582 : i32 to vector<512x1xi32>
    %eq3A_584 = arith.cmpi eq, %convert_element_type3A, %eq3A_583 : vector<512x1xi32>
    %eq3A_585 = vector.broadcast %convert_element_type3A_65 : vector<512x1xi32> to vector<512x160xi32>
    %eq3A_586 = arith.cmpi eq, %eq3A_585, %iota3A : vector<512x160xi32>
    %and3A_587 = vector.broadcast %eq3A_584 : vector<512x1xi1> to vector<512x160xi1>
    %and3A_588 = arith.andi %and3A_587, %eq3A_586 : vector<512x160xi1>
    %convert_element_type3A_589 = arith.extui %and3A_588 : vector<512x160xi1> to vector<512x160xi32>
    %convert_element_type3A_590 = arith.sitofp %convert_element_type3A_589 : vector<512x160xi32> to vector<512x160xf32>
    %eq3A_591 = arith.constant 4 : i32
    %eq3A_592 = vector.broadcast %eq3A_591 : i32 to vector<512x1xi32>
    %eq3A_593 = arith.cmpi eq, %convert_element_type3A_63, %eq3A_592 : vector<512x1xi32>
    %eq3A_594 = vector.broadcast %convert_element_type3A_67 : vector<512x1xi32> to vector<512x160xi32>
    %eq3A_595 = arith.cmpi eq, %eq3A_594, %iota3A : vector<512x160xi32>
    %and3A_596 = vector.broadcast %eq3A_593 : vector<512x1xi1> to vector<512x160xi1>
    %and3A_597 = arith.andi %and3A_596, %eq3A_595 : vector<512x160xi1>
    %convert_element_type3A_598 = arith.extui %and3A_597 : vector<512x160xi1> to vector<512x160xi32>
    %convert_element_type3A_599 = arith.sitofp %convert_element_type3A_598 : vector<512x160xi32> to vector<512x160xf32>
    %mul3A_600 = vector.broadcast %slice3A : vector<512x1xf32> to vector<512x160xf32>
    %mul3A_601 = arith.mulf %mul3A_600, %convert_element_type3A_590 : vector<512x160xf32>
    %mul3A_602 = vector.broadcast %slice3A_60 : vector<512x1xf32> to vector<512x160xf32>
    %mul3A_603 = arith.mulf %mul3A_602, %convert_element_type3A_599 : vector<512x160xf32>
    %add3A_604 = arith.addf %mul3A_601, %mul3A_603 : vector<512x160xf32>
    %dot_general3A_605 = arith.constant dense<0.000000e+00> : vector<512x1024xf32>
    %dot_general3A_606 = tpu.matmul %add3A_604, %dot_general3A_581, %dot_general3A_605 {dimension_numbers = #tpu.dot_dimension_numbers<[1], [0], [0], [1], [0, 0, 1, 1], [], []>, transpose_lhs_hint = false} : vector<512x160xf32>, vector<160x1024xf32>, vector<512x1024xf32> -> vector<512x1024xf32>
    %add3A_607 = arith.addf %add3A_497, %dot_general3A_606 : vector<512x1024xf32>
    %dma_start3A_608 = arith.constant 1 : i32
    %dma_start3A_609 = arith.constant 7 : i32
    %dma_start3A_610 = arith.constant 1 : i32
    %dma_start3A_611 = arith.constant 1 : i32
    %dma_start3A_612 = tpu.memref_slice %arg19[%dma_start3A_611] : memref<3x!tpu.dma_semaphore, #tpu.memory_space<semaphore_mem>> -> memref<1x!tpu.dma_semaphore, #tpu.memory_space<semaphore_mem>>
    %dma_start3A_613 = tpu.memref_squeeze %dma_start3A_612 : memref<1x!tpu.dma_semaphore, #tpu.memory_space<semaphore_mem>> -> memref<!tpu.dma_semaphore, #tpu.memory_space<semaphore_mem>>
    %dma_start3A_614 = arith.constant 0 : i32
    %dma_start3A_615 = arith.constant 0 : i32
    %dma_start3A_616 = tpu.memref_slice %arg17[%dma_start3A_610, %dma_start3A_614, %dma_start3A_615] : memref<3x1024x1024xf32, #tpu.memory_space<vmem>> -> memref<1x1024x1024xf32, #tpu.memory_space<vmem>>
    %dma_start3A_617 = tpu.memref_squeeze %dma_start3A_616 : memref<1x1024x1024xf32, #tpu.memory_space<vmem>> -> memref<1024x1024xf32, #tpu.memory_space<vmem>>
    %dma_start3A_618 = arith.constant 0 : i32
    %dma_start3A_619 = arith.constant 0 : i32
    %dma_start3A_620 = tpu.memref_slice %arg11[%dma_start3A_608, %dma_start3A_609, %dma_start3A_618, %dma_start3A_619] : memref<2x8x1024x1024xf32, #tpu.memory_space<hbm>> -> memref<1x1x1024x1024xf32, #tpu.memory_space<hbm>>
    %dma_start3A_621 = tpu.memref_squeeze %dma_start3A_620 : memref<1x1x1024x1024xf32, #tpu.memory_space<hbm>> -> memref<1024x1024xf32, #tpu.memory_space<hbm>>
    tpu.enqueue_dma source(%dma_start3A_621 : memref<1024x1024xf32, #tpu.memory_space<hbm>>) target(%dma_start3A_617 : memref<1024x1024xf32, #tpu.memory_space<vmem>>) target_semaphore(%dma_start3A_613 : memref<!tpu.dma_semaphore, #tpu.memory_space<semaphore_mem>>)
    %dma_start3A_622 = arith.constant 1 : i32
    %dma_start3A_623 = arith.constant 7 : i32
    %dma_start3A_624 = arith.constant 1 : i32
    %dma_start3A_625 = arith.constant 1 : i32
    %dma_start3A_626 = tpu.memref_slice %arg20[%dma_start3A_625] : memref<3x!tpu.dma_semaphore, #tpu.memory_space<semaphore_mem>> -> memref<1x!tpu.dma_semaphore, #tpu.memory_space<semaphore_mem>>
    %dma_start3A_627 = tpu.memref_squeeze %dma_start3A_626 : memref<1x!tpu.dma_semaphore, #tpu.memory_space<semaphore_mem>> -> memref<!tpu.dma_semaphore, #tpu.memory_space<semaphore_mem>>
    %dma_start3A_628 = arith.constant 0 : i32
    %dma_start3A_629 = arith.constant 0 : i32
    %dma_start3A_630 = tpu.memref_slice %arg18[%dma_start3A_624, %dma_start3A_628, %dma_start3A_629] : memref<3x1024x1024xf32, #tpu.memory_space<vmem>> -> memref<1x1024x1024xf32, #tpu.memory_space<vmem>>
    %dma_start3A_631 = tpu.memref_squeeze %dma_start3A_630 : memref<1x1024x1024xf32, #tpu.memory_space<vmem>> -> memref<1024x1024xf32, #tpu.memory_space<vmem>>
    %dma_start3A_632 = arith.constant 0 : i32
    %dma_start3A_633 = arith.constant 0 : i32
    %dma_start3A_634 = tpu.memref_slice %arg12[%dma_start3A_622, %dma_start3A_623, %dma_start3A_632, %dma_start3A_633] : memref<2x8x1024x1024xf32, #tpu.memory_space<hbm>> -> memref<1x1x1024x1024xf32, #tpu.memory_space<hbm>>
    %dma_start3A_635 = tpu.memref_squeeze %dma_start3A_634 : memref<1x1x1024x1024xf32, #tpu.memory_space<hbm>> -> memref<1024x1024xf32, #tpu.memory_space<hbm>>
    tpu.enqueue_dma source(%dma_start3A_635 : memref<1024x1024xf32, #tpu.memory_space<hbm>>) target(%dma_start3A_631 : memref<1024x1024xf32, #tpu.memory_space<vmem>>) target_semaphore(%dma_start3A_627 : memref<!tpu.dma_semaphore, #tpu.memory_space<semaphore_mem>>)
    %dma_wait3A_636 = arith.constant 1 : i32
    %dma_wait3A_637 = arith.constant 5 : i32
    %dma_wait3A_638 = arith.constant 2 : i32
    %dma_wait3A_639 = arith.constant 2 : i32
    %dma_wait3A_640 = tpu.memref_slice %arg19[%dma_wait3A_639] : memref<3x!tpu.dma_semaphore, #tpu.memory_space<semaphore_mem>> -> memref<1x!tpu.dma_semaphore, #tpu.memory_space<semaphore_mem>>
    %dma_wait3A_641 = tpu.memref_squeeze %dma_wait3A_640 : memref<1x!tpu.dma_semaphore, #tpu.memory_space<semaphore_mem>> -> memref<!tpu.dma_semaphore, #tpu.memory_space<semaphore_mem>>
    %dma_wait3A_642 = arith.constant 0 : i32
    %dma_wait3A_643 = arith.constant 0 : i32
    %dma_wait3A_644 = tpu.memref_slice %arg17[%dma_wait3A_638, %dma_wait3A_642, %dma_wait3A_643] : memref<3x1024x1024xf32, #tpu.memory_space<vmem>> -> memref<1x1024x1024xf32, #tpu.memory_space<vmem>>
    %dma_wait3A_645 = tpu.memref_squeeze %dma_wait3A_644 : memref<1x1024x1024xf32, #tpu.memory_space<vmem>> -> memref<1024x1024xf32, #tpu.memory_space<vmem>>
    %dma_wait3A_646 = arith.constant 0 : i32
    %dma_wait3A_647 = arith.constant 0 : i32
    %dma_wait3A_648 = tpu.memref_slice %arg11[%dma_wait3A_636, %dma_wait3A_637, %dma_wait3A_646, %dma_wait3A_647] : memref<2x8x1024x1024xf32, #tpu.memory_space<hbm>> -> memref<1x1x1024x1024xf32, #tpu.memory_space<hbm>>
    %dma_wait3A_649 = tpu.memref_squeeze %dma_wait3A_648 : memref<1x1x1024x1024xf32, #tpu.memory_space<hbm>> -> memref<1024x1024xf32, #tpu.memory_space<hbm>>
    tpu.wait_dma2 semaphore(%dma_wait3A_641 : memref<!tpu.dma_semaphore, #tpu.memory_space<semaphore_mem>>) src(%dma_wait3A_649 : memref<1024x1024xf32, #tpu.memory_space<hbm>>) dst(%dma_wait3A_645 : memref<1024x1024xf32, #tpu.memory_space<vmem>>)
    %dma_wait3A_650 = arith.constant 1 : i32
    %dma_wait3A_651 = arith.constant 5 : i32
    %dma_wait3A_652 = arith.constant 2 : i32
    %dma_wait3A_653 = arith.constant 2 : i32
    %dma_wait3A_654 = tpu.memref_slice %arg20[%dma_wait3A_653] : memref<3x!tpu.dma_semaphore, #tpu.memory_space<semaphore_mem>> -> memref<1x!tpu.dma_semaphore, #tpu.memory_space<semaphore_mem>>
    %dma_wait3A_655 = tpu.memref_squeeze %dma_wait3A_654 : memref<1x!tpu.dma_semaphore, #tpu.memory_space<semaphore_mem>> -> memref<!tpu.dma_semaphore, #tpu.memory_space<semaphore_mem>>
    %dma_wait3A_656 = arith.constant 0 : i32
    %dma_wait3A_657 = arith.constant 0 : i32
    %dma_wait3A_658 = tpu.memref_slice %arg18[%dma_wait3A_652, %dma_wait3A_656, %dma_wait3A_657] : memref<3x1024x1024xf32, #tpu.memory_space<vmem>> -> memref<1x1024x1024xf32, #tpu.memory_space<vmem>>
    %dma_wait3A_659 = tpu.memref_squeeze %dma_wait3A_658 : memref<1x1024x1024xf32, #tpu.memory_space<vmem>> -> memref<1024x1024xf32, #tpu.memory_space<vmem>>
    %dma_wait3A_660 = arith.constant 0 : i32
    %dma_wait3A_661 = arith.constant 0 : i32
    %dma_wait3A_662 = tpu.memref_slice %arg12[%dma_wait3A_650, %dma_wait3A_651, %dma_wait3A_660, %dma_wait3A_661] : memref<2x8x1024x1024xf32, #tpu.memory_space<hbm>> -> memref<1x1x1024x1024xf32, #tpu.memory_space<hbm>>
    %dma_wait3A_663 = tpu.memref_squeeze %dma_wait3A_662 : memref<1x1x1024x1024xf32, #tpu.memory_space<hbm>> -> memref<1024x1024xf32, #tpu.memory_space<hbm>>
    tpu.wait_dma2 semaphore(%dma_wait3A_655 : memref<!tpu.dma_semaphore, #tpu.memory_space<semaphore_mem>>) src(%dma_wait3A_663 : memref<1024x1024xf32, #tpu.memory_space<hbm>>) dst(%dma_wait3A_659 : memref<1024x1024xf32, #tpu.memory_space<vmem>>)
    %get3A_664 = arith.constant 800 : index
    %get3A_665 = arith.constant 0 : index
    %get3A_666 = vector.load %arg2[%get3A_664, %get3A_665] : memref<1280x1024xf32, #tpu.memory_space<vmem>>, vector<160x1024xf32>
    %get3A_667 = arith.constant 2 : index
    %get3A_668 = arith.constant 0 : index
    %get3A_669 = arith.constant 0 : index
    %get3A_670 = vector.load %arg17[%get3A_667, %get3A_668, %get3A_669] : memref<3x1024x1024xf32, #tpu.memory_space<vmem>>, vector<1x1024x1024xf32>
    %get3A_671 = vector.shape_cast %get3A_670 : vector<1x1024x1024xf32> to vector<1024x1024xf32>
    %dot_general3A_672 = arith.constant dense<0.000000e+00> : vector<160x1024xf32>
    %dot_general3A_673 = tpu.matmul %get3A_666, %get3A_671, %dot_general3A_672 {dimension_numbers = #tpu.dot_dimension_numbers<[1], [0], [0], [1], [0, 0, 1, 1], [], []>, transpose_lhs_hint = false} : vector<160x1024xf32>, vector<1024x1024xf32>, vector<160x1024xf32> -> vector<160x1024xf32>
    %neg3A_674 = arith.constant 0.000000e+00 : f32
    %neg3A_675 = vector.broadcast %neg3A_674 : f32 to vector<160x1024xf32>
    %neg3A_676 = arith.subf %neg3A_675, %dot_general3A_673 : vector<160x1024xf32>
    %exp3A_677 = math.exp %neg3A_676 : vector<160x1024xf32>
    %add3A_678 = arith.constant 1.000000e+00 : f32
    %add3A_679 = vector.broadcast %add3A_678 : f32 to vector<160x1024xf32>
    %add3A_680 = arith.addf %add3A_679, %exp3A_677 : vector<160x1024xf32>
    %div3A_681 = arith.constant 1.000000e+00 : f32
    %div3A_682 = vector.broadcast %div3A_681 : f32 to vector<160x1024xf32>
    %div3A_683 = arith.divf %div3A_682, %add3A_680 : vector<160x1024xf32>
    %mul3A_684 = arith.mulf %dot_general3A_673, %div3A_683 : vector<160x1024xf32>
    %get3A_685 = arith.constant 2 : index
    %get3A_686 = arith.constant 0 : index
    %get3A_687 = arith.constant 0 : index
    %get3A_688 = vector.load %arg18[%get3A_685, %get3A_686, %get3A_687] : memref<3x1024x1024xf32, #tpu.memory_space<vmem>>, vector<1x1024x1024xf32>
    %get3A_689 = vector.shape_cast %get3A_688 : vector<1x1024x1024xf32> to vector<1024x1024xf32>
    %dot_general3A_690 = arith.constant dense<0.000000e+00> : vector<160x1024xf32>
    %dot_general3A_691 = tpu.matmul %mul3A_684, %get3A_689, %dot_general3A_690 {dimension_numbers = #tpu.dot_dimension_numbers<[1], [0], [0], [1], [0, 0, 1, 1], [], []>, transpose_lhs_hint = false} : vector<160x1024xf32>, vector<1024x1024xf32>, vector<160x1024xf32> -> vector<160x1024xf32>
    %eq3A_692 = arith.constant 5 : i32
    %eq3A_693 = vector.broadcast %eq3A_692 : i32 to vector<512x1xi32>
    %eq3A_694 = arith.cmpi eq, %convert_element_type3A, %eq3A_693 : vector<512x1xi32>
    %eq3A_695 = vector.broadcast %convert_element_type3A_65 : vector<512x1xi32> to vector<512x160xi32>
    %eq3A_696 = arith.cmpi eq, %eq3A_695, %iota3A : vector<512x160xi32>
    %and3A_697 = vector.broadcast %eq3A_694 : vector<512x1xi1> to vector<512x160xi1>
    %and3A_698 = arith.andi %and3A_697, %eq3A_696 : vector<512x160xi1>
    %convert_element_type3A_699 = arith.extui %and3A_698 : vector<512x160xi1> to vector<512x160xi32>
    %convert_element_type3A_700 = arith.sitofp %convert_element_type3A_699 : vector<512x160xi32> to vector<512x160xf32>
    %eq3A_701 = arith.constant 5 : i32
    %eq3A_702 = vector.broadcast %eq3A_701 : i32 to vector<512x1xi32>
    %eq3A_703 = arith.cmpi eq, %convert_element_type3A_63, %eq3A_702 : vector<512x1xi32>
    %eq3A_704 = vector.broadcast %convert_element_type3A_67 : vector<512x1xi32> to vector<512x160xi32>
    %eq3A_705 = arith.cmpi eq, %eq3A_704, %iota3A : vector<512x160xi32>
    %and3A_706 = vector.broadcast %eq3A_703 : vector<512x1xi1> to vector<512x160xi1>
    %and3A_707 = arith.andi %and3A_706, %eq3A_705 : vector<512x160xi1>
    %convert_element_type3A_708 = arith.extui %and3A_707 : vector<512x160xi1> to vector<512x160xi32>
    %convert_element_type3A_709 = arith.sitofp %convert_element_type3A_708 : vector<512x160xi32> to vector<512x160xf32>
    %mul3A_710 = vector.broadcast %slice3A : vector<512x1xf32> to vector<512x160xf32>
    %mul3A_711 = arith.mulf %mul3A_710, %convert_element_type3A_700 : vector<512x160xf32>
    %mul3A_712 = vector.broadcast %slice3A_60 : vector<512x1xf32> to vector<512x160xf32>
    %mul3A_713 = arith.mulf %mul3A_712, %convert_element_type3A_709 : vector<512x160xf32>
    %add3A_714 = arith.addf %mul3A_711, %mul3A_713 : vector<512x160xf32>
    %dot_general3A_715 = arith.constant dense<0.000000e+00> : vector<512x1024xf32>
    %dot_general3A_716 = tpu.matmul %add3A_714, %dot_general3A_691, %dot_general3A_715 {dimension_numbers = #tpu.dot_dimension_numbers<[1], [0], [0], [1], [0, 0, 1, 1], [], []>, transpose_lhs_hint = false} : vector<512x160xf32>, vector<160x1024xf32>, vector<512x1024xf32> -> vector<512x1024xf32>
    %add3A_717 = arith.addf %add3A_607, %dot_general3A_716 : vector<512x1024xf32>
    %dma_wait3A_718 = arith.constant 1 : i32
    %dma_wait3A_719 = arith.constant 6 : i32
    %dma_wait3A_720 = arith.constant 0 : i32
    %dma_wait3A_721 = arith.constant 0 : i32
    %dma_wait3A_722 = tpu.memref_slice %arg19[%dma_wait3A_721] : memref<3x!tpu.dma_semaphore, #tpu.memory_space<semaphore_mem>> -> memref<1x!tpu.dma_semaphore, #tpu.memory_space<semaphore_mem>>
    %dma_wait3A_723 = tpu.memref_squeeze %dma_wait3A_722 : memref<1x!tpu.dma_semaphore, #tpu.memory_space<semaphore_mem>> -> memref<!tpu.dma_semaphore, #tpu.memory_space<semaphore_mem>>
    %dma_wait3A_724 = arith.constant 0 : i32
    %dma_wait3A_725 = arith.constant 0 : i32
    %dma_wait3A_726 = tpu.memref_slice %arg17[%dma_wait3A_720, %dma_wait3A_724, %dma_wait3A_725] : memref<3x1024x1024xf32, #tpu.memory_space<vmem>> -> memref<1x1024x1024xf32, #tpu.memory_space<vmem>>
    %dma_wait3A_727 = tpu.memref_squeeze %dma_wait3A_726 : memref<1x1024x1024xf32, #tpu.memory_space<vmem>> -> memref<1024x1024xf32, #tpu.memory_space<vmem>>
    %dma_wait3A_728 = arith.constant 0 : i32
    %dma_wait3A_729 = arith.constant 0 : i32
    %dma_wait3A_730 = tpu.memref_slice %arg11[%dma_wait3A_718, %dma_wait3A_719, %dma_wait3A_728, %dma_wait3A_729] : memref<2x8x1024x1024xf32, #tpu.memory_space<hbm>> -> memref<1x1x1024x1024xf32, #tpu.memory_space<hbm>>
    %dma_wait3A_731 = tpu.memref_squeeze %dma_wait3A_730 : memref<1x1x1024x1024xf32, #tpu.memory_space<hbm>> -> memref<1024x1024xf32, #tpu.memory_space<hbm>>
    tpu.wait_dma2 semaphore(%dma_wait3A_723 : memref<!tpu.dma_semaphore, #tpu.memory_space<semaphore_mem>>) src(%dma_wait3A_731 : memref<1024x1024xf32, #tpu.memory_space<hbm>>) dst(%dma_wait3A_727 : memref<1024x1024xf32, #tpu.memory_space<vmem>>)
    %dma_wait3A_732 = arith.constant 1 : i32
    %dma_wait3A_733 = arith.constant 6 : i32
    %dma_wait3A_734 = arith.constant 0 : i32
    %dma_wait3A_735 = arith.constant 0 : i32
    %dma_wait3A_736 = tpu.memref_slice %arg20[%dma_wait3A_735] : memref<3x!tpu.dma_semaphore, #tpu.memory_space<semaphore_mem>> -> memref<1x!tpu.dma_semaphore, #tpu.memory_space<semaphore_mem>>
    %dma_wait3A_737 = tpu.memref_squeeze %dma_wait3A_736 : memref<1x!tpu.dma_semaphore, #tpu.memory_space<semaphore_mem>> -> memref<!tpu.dma_semaphore, #tpu.memory_space<semaphore_mem>>
    %dma_wait3A_738 = arith.constant 0 : i32
    %dma_wait3A_739 = arith.constant 0 : i32
    %dma_wait3A_740 = tpu.memref_slice %arg18[%dma_wait3A_734, %dma_wait3A_738, %dma_wait3A_739] : memref<3x1024x1024xf32, #tpu.memory_space<vmem>> -> memref<1x1024x1024xf32, #tpu.memory_space<vmem>>
    %dma_wait3A_741 = tpu.memref_squeeze %dma_wait3A_740 : memref<1x1024x1024xf32, #tpu.memory_space<vmem>> -> memref<1024x1024xf32, #tpu.memory_space<vmem>>
    %dma_wait3A_742 = arith.constant 0 : i32
    %dma_wait3A_743 = arith.constant 0 : i32
    %dma_wait3A_744 = tpu.memref_slice %arg12[%dma_wait3A_732, %dma_wait3A_733, %dma_wait3A_742, %dma_wait3A_743] : memref<2x8x1024x1024xf32, #tpu.memory_space<hbm>> -> memref<1x1x1024x1024xf32, #tpu.memory_space<hbm>>
    %dma_wait3A_745 = tpu.memref_squeeze %dma_wait3A_744 : memref<1x1x1024x1024xf32, #tpu.memory_space<hbm>> -> memref<1024x1024xf32, #tpu.memory_space<hbm>>
    tpu.wait_dma2 semaphore(%dma_wait3A_737 : memref<!tpu.dma_semaphore, #tpu.memory_space<semaphore_mem>>) src(%dma_wait3A_745 : memref<1024x1024xf32, #tpu.memory_space<hbm>>) dst(%dma_wait3A_741 : memref<1024x1024xf32, #tpu.memory_space<vmem>>)
    %get3A_746 = arith.constant 960 : index
    %get3A_747 = arith.constant 0 : index
    %get3A_748 = vector.load %arg2[%get3A_746, %get3A_747] : memref<1280x1024xf32, #tpu.memory_space<vmem>>, vector<160x1024xf32>
    %get3A_749 = arith.constant 0 : index
    %get3A_750 = arith.constant 0 : index
    %get3A_751 = arith.constant 0 : index
    %get3A_752 = vector.load %arg17[%get3A_749, %get3A_750, %get3A_751] : memref<3x1024x1024xf32, #tpu.memory_space<vmem>>, vector<1x1024x1024xf32>
    %get3A_753 = vector.shape_cast %get3A_752 : vector<1x1024x1024xf32> to vector<1024x1024xf32>
    %dot_general3A_754 = arith.constant dense<0.000000e+00> : vector<160x1024xf32>
    %dot_general3A_755 = tpu.matmul %get3A_748, %get3A_753, %dot_general3A_754 {dimension_numbers = #tpu.dot_dimension_numbers<[1], [0], [0], [1], [0, 0, 1, 1], [], []>, transpose_lhs_hint = false} : vector<160x1024xf32>, vector<1024x1024xf32>, vector<160x1024xf32> -> vector<160x1024xf32>
    %neg3A_756 = arith.constant 0.000000e+00 : f32
    %neg3A_757 = vector.broadcast %neg3A_756 : f32 to vector<160x1024xf32>
    %neg3A_758 = arith.subf %neg3A_757, %dot_general3A_755 : vector<160x1024xf32>
    %exp3A_759 = math.exp %neg3A_758 : vector<160x1024xf32>
    %add3A_760 = arith.constant 1.000000e+00 : f32
    %add3A_761 = vector.broadcast %add3A_760 : f32 to vector<160x1024xf32>
    %add3A_762 = arith.addf %add3A_761, %exp3A_759 : vector<160x1024xf32>
    %div3A_763 = arith.constant 1.000000e+00 : f32
    %div3A_764 = vector.broadcast %div3A_763 : f32 to vector<160x1024xf32>
    %div3A_765 = arith.divf %div3A_764, %add3A_762 : vector<160x1024xf32>
    %mul3A_766 = arith.mulf %dot_general3A_755, %div3A_765 : vector<160x1024xf32>
    %get3A_767 = arith.constant 0 : index
    %get3A_768 = arith.constant 0 : index
    %get3A_769 = arith.constant 0 : index
    %get3A_770 = vector.load %arg18[%get3A_767, %get3A_768, %get3A_769] : memref<3x1024x1024xf32, #tpu.memory_space<vmem>>, vector<1x1024x1024xf32>
    %get3A_771 = vector.shape_cast %get3A_770 : vector<1x1024x1024xf32> to vector<1024x1024xf32>
    %dot_general3A_772 = arith.constant dense<0.000000e+00> : vector<160x1024xf32>
    %dot_general3A_773 = tpu.matmul %mul3A_766, %get3A_771, %dot_general3A_772 {dimension_numbers = #tpu.dot_dimension_numbers<[1], [0], [0], [1], [0, 0, 1, 1], [], []>, transpose_lhs_hint = false} : vector<160x1024xf32>, vector<1024x1024xf32>, vector<160x1024xf32> -> vector<160x1024xf32>
    %eq3A_774 = arith.constant 6 : i32
    %eq3A_775 = vector.broadcast %eq3A_774 : i32 to vector<512x1xi32>
    %eq3A_776 = arith.cmpi eq, %convert_element_type3A, %eq3A_775 : vector<512x1xi32>
    %eq3A_777 = vector.broadcast %convert_element_type3A_65 : vector<512x1xi32> to vector<512x160xi32>
    %eq3A_778 = arith.cmpi eq, %eq3A_777, %iota3A : vector<512x160xi32>
    %and3A_779 = vector.broadcast %eq3A_776 : vector<512x1xi1> to vector<512x160xi1>
    %and3A_780 = arith.andi %and3A_779, %eq3A_778 : vector<512x160xi1>
    %convert_element_type3A_781 = arith.extui %and3A_780 : vector<512x160xi1> to vector<512x160xi32>
    %convert_element_type3A_782 = arith.sitofp %convert_element_type3A_781 : vector<512x160xi32> to vector<512x160xf32>
    %eq3A_783 = arith.constant 6 : i32
    %eq3A_784 = vector.broadcast %eq3A_783 : i32 to vector<512x1xi32>
    %eq3A_785 = arith.cmpi eq, %convert_element_type3A_63, %eq3A_784 : vector<512x1xi32>
    %eq3A_786 = vector.broadcast %convert_element_type3A_67 : vector<512x1xi32> to vector<512x160xi32>
    %eq3A_787 = arith.cmpi eq, %eq3A_786, %iota3A : vector<512x160xi32>
    %and3A_788 = vector.broadcast %eq3A_785 : vector<512x1xi1> to vector<512x160xi1>
    %and3A_789 = arith.andi %and3A_788, %eq3A_787 : vector<512x160xi1>
    %convert_element_type3A_790 = arith.extui %and3A_789 : vector<512x160xi1> to vector<512x160xi32>
    %convert_element_type3A_791 = arith.sitofp %convert_element_type3A_790 : vector<512x160xi32> to vector<512x160xf32>
    %mul3A_792 = vector.broadcast %slice3A : vector<512x1xf32> to vector<512x160xf32>
    %mul3A_793 = arith.mulf %mul3A_792, %convert_element_type3A_782 : vector<512x160xf32>
    %mul3A_794 = vector.broadcast %slice3A_60 : vector<512x1xf32> to vector<512x160xf32>
    %mul3A_795 = arith.mulf %mul3A_794, %convert_element_type3A_791 : vector<512x160xf32>
    %add3A_796 = arith.addf %mul3A_793, %mul3A_795 : vector<512x160xf32>
    %dot_general3A_797 = arith.constant dense<0.000000e+00> : vector<512x1024xf32>
    %dot_general3A_798 = tpu.matmul %add3A_796, %dot_general3A_773, %dot_general3A_797 {dimension_numbers = #tpu.dot_dimension_numbers<[1], [0], [0], [1], [0, 0, 1, 1], [], []>, transpose_lhs_hint = false} : vector<512x160xf32>, vector<160x1024xf32>, vector<512x1024xf32> -> vector<512x1024xf32>
    %add3A_799 = arith.addf %add3A_717, %dot_general3A_798 : vector<512x1024xf32>
    %dma_wait3A_800 = arith.constant 1 : i32
    %dma_wait3A_801 = arith.constant 7 : i32
    %dma_wait3A_802 = arith.constant 1 : i32
    %dma_wait3A_803 = arith.constant 1 : i32
    %dma_wait3A_804 = tpu.memref_slice %arg19[%dma_wait3A_803] : memref<3x!tpu.dma_semaphore, #tpu.memory_space<semaphore_mem>> -> memref<1x!tpu.dma_semaphore, #tpu.memory_space<semaphore_mem>>
    %dma_wait3A_805 = tpu.memref_squeeze %dma_wait3A_804 : memref<1x!tpu.dma_semaphore, #tpu.memory_space<semaphore_mem>> -> memref<!tpu.dma_semaphore, #tpu.memory_space<semaphore_mem>>
    %dma_wait3A_806 = arith.constant 0 : i32
    %dma_wait3A_807 = arith.constant 0 : i32
    %dma_wait3A_808 = tpu.memref_slice %arg17[%dma_wait3A_802, %dma_wait3A_806, %dma_wait3A_807] : memref<3x1024x1024xf32, #tpu.memory_space<vmem>> -> memref<1x1024x1024xf32, #tpu.memory_space<vmem>>
    %dma_wait3A_809 = tpu.memref_squeeze %dma_wait3A_808 : memref<1x1024x1024xf32, #tpu.memory_space<vmem>> -> memref<1024x1024xf32, #tpu.memory_space<vmem>>
    %dma_wait3A_810 = arith.constant 0 : i32
    %dma_wait3A_811 = arith.constant 0 : i32
    %dma_wait3A_812 = tpu.memref_slice %arg11[%dma_wait3A_800, %dma_wait3A_801, %dma_wait3A_810, %dma_wait3A_811] : memref<2x8x1024x1024xf32, #tpu.memory_space<hbm>> -> memref<1x1x1024x1024xf32, #tpu.memory_space<hbm>>
    %dma_wait3A_813 = tpu.memref_squeeze %dma_wait3A_812 : memref<1x1x1024x1024xf32, #tpu.memory_space<hbm>> -> memref<1024x1024xf32, #tpu.memory_space<hbm>>
    tpu.wait_dma2 semaphore(%dma_wait3A_805 : memref<!tpu.dma_semaphore, #tpu.memory_space<semaphore_mem>>) src(%dma_wait3A_813 : memref<1024x1024xf32, #tpu.memory_space<hbm>>) dst(%dma_wait3A_809 : memref<1024x1024xf32, #tpu.memory_space<vmem>>)
    %dma_wait3A_814 = arith.constant 1 : i32
    %dma_wait3A_815 = arith.constant 7 : i32
    %dma_wait3A_816 = arith.constant 1 : i32
    %dma_wait3A_817 = arith.constant 1 : i32
    %dma_wait3A_818 = tpu.memref_slice %arg20[%dma_wait3A_817] : memref<3x!tpu.dma_semaphore, #tpu.memory_space<semaphore_mem>> -> memref<1x!tpu.dma_semaphore, #tpu.memory_space<semaphore_mem>>
    %dma_wait3A_819 = tpu.memref_squeeze %dma_wait3A_818 : memref<1x!tpu.dma_semaphore, #tpu.memory_space<semaphore_mem>> -> memref<!tpu.dma_semaphore, #tpu.memory_space<semaphore_mem>>
    %dma_wait3A_820 = arith.constant 0 : i32
    %dma_wait3A_821 = arith.constant 0 : i32
    %dma_wait3A_822 = tpu.memref_slice %arg18[%dma_wait3A_816, %dma_wait3A_820, %dma_wait3A_821] : memref<3x1024x1024xf32, #tpu.memory_space<vmem>> -> memref<1x1024x1024xf32, #tpu.memory_space<vmem>>
    %dma_wait3A_823 = tpu.memref_squeeze %dma_wait3A_822 : memref<1x1024x1024xf32, #tpu.memory_space<vmem>> -> memref<1024x1024xf32, #tpu.memory_space<vmem>>
    %dma_wait3A_824 = arith.constant 0 : i32
    %dma_wait3A_825 = arith.constant 0 : i32
    %dma_wait3A_826 = tpu.memref_slice %arg12[%dma_wait3A_814, %dma_wait3A_815, %dma_wait3A_824, %dma_wait3A_825] : memref<2x8x1024x1024xf32, #tpu.memory_space<hbm>> -> memref<1x1x1024x1024xf32, #tpu.memory_space<hbm>>
    %dma_wait3A_827 = tpu.memref_squeeze %dma_wait3A_826 : memref<1x1x1024x1024xf32, #tpu.memory_space<hbm>> -> memref<1024x1024xf32, #tpu.memory_space<hbm>>
    tpu.wait_dma2 semaphore(%dma_wait3A_819 : memref<!tpu.dma_semaphore, #tpu.memory_space<semaphore_mem>>) src(%dma_wait3A_827 : memref<1024x1024xf32, #tpu.memory_space<hbm>>) dst(%dma_wait3A_823 : memref<1024x1024xf32, #tpu.memory_space<vmem>>)
    %get3A_828 = arith.constant 1120 : index
    %get3A_829 = arith.constant 0 : index
    %get3A_830 = vector.load %arg2[%get3A_828, %get3A_829] : memref<1280x1024xf32, #tpu.memory_space<vmem>>, vector<160x1024xf32>
    %get3A_831 = arith.constant 1 : index
    %get3A_832 = arith.constant 0 : index
    %get3A_833 = arith.constant 0 : index
    %get3A_834 = vector.load %arg17[%get3A_831, %get3A_832, %get3A_833] : memref<3x1024x1024xf32, #tpu.memory_space<vmem>>, vector<1x1024x1024xf32>
    %get3A_835 = vector.shape_cast %get3A_834 : vector<1x1024x1024xf32> to vector<1024x1024xf32>
    %dot_general3A_836 = arith.constant dense<0.000000e+00> : vector<160x1024xf32>
    %dot_general3A_837 = tpu.matmul %get3A_830, %get3A_835, %dot_general3A_836 {dimension_numbers = #tpu.dot_dimension_numbers<[1], [0], [0], [1], [0, 0, 1, 1], [], []>, transpose_lhs_hint = false} : vector<160x1024xf32>, vector<1024x1024xf32>, vector<160x1024xf32> -> vector<160x1024xf32>
    %neg3A_838 = arith.constant 0.000000e+00 : f32
    %neg3A_839 = vector.broadcast %neg3A_838 : f32 to vector<160x1024xf32>
    %neg3A_840 = arith.subf %neg3A_839, %dot_general3A_837 : vector<160x1024xf32>
    %exp3A_841 = math.exp %neg3A_840 : vector<160x1024xf32>
    %add3A_842 = arith.constant 1.000000e+00 : f32
    %add3A_843 = vector.broadcast %add3A_842 : f32 to vector<160x1024xf32>
    %add3A_844 = arith.addf %add3A_843, %exp3A_841 : vector<160x1024xf32>
    %div3A_845 = arith.constant 1.000000e+00 : f32
    %div3A_846 = vector.broadcast %div3A_845 : f32 to vector<160x1024xf32>
    %div3A_847 = arith.divf %div3A_846, %add3A_844 : vector<160x1024xf32>
    %mul3A_848 = arith.mulf %dot_general3A_837, %div3A_847 : vector<160x1024xf32>
    %get3A_849 = arith.constant 1 : index
    %get3A_850 = arith.constant 0 : index
    %get3A_851 = arith.constant 0 : index
    %get3A_852 = vector.load %arg18[%get3A_849, %get3A_850, %get3A_851] : memref<3x1024x1024xf32, #tpu.memory_space<vmem>>, vector<1x1024x1024xf32>
    %get3A_853 = vector.shape_cast %get3A_852 : vector<1x1024x1024xf32> to vector<1024x1024xf32>
    %dot_general3A_854 = arith.constant dense<0.000000e+00> : vector<160x1024xf32>
    %dot_general3A_855 = tpu.matmul %mul3A_848, %get3A_853, %dot_general3A_854 {dimension_numbers = #tpu.dot_dimension_numbers<[1], [0], [0], [1], [0, 0, 1, 1], [], []>, transpose_lhs_hint = false} : vector<160x1024xf32>, vector<1024x1024xf32>, vector<160x1024xf32> -> vector<160x1024xf32>
    %eq3A_856 = arith.constant 7 : i32
    %eq3A_857 = vector.broadcast %eq3A_856 : i32 to vector<512x1xi32>
    %eq3A_858 = arith.cmpi eq, %convert_element_type3A, %eq3A_857 : vector<512x1xi32>
    %eq3A_859 = vector.broadcast %convert_element_type3A_65 : vector<512x1xi32> to vector<512x160xi32>
    %eq3A_860 = arith.cmpi eq, %eq3A_859, %iota3A : vector<512x160xi32>
    %and3A_861 = vector.broadcast %eq3A_858 : vector<512x1xi1> to vector<512x160xi1>
    %and3A_862 = arith.andi %and3A_861, %eq3A_860 : vector<512x160xi1>
    %convert_element_type3A_863 = arith.extui %and3A_862 : vector<512x160xi1> to vector<512x160xi32>
    %convert_element_type3A_864 = arith.sitofp %convert_element_type3A_863 : vector<512x160xi32> to vector<512x160xf32>
    %eq3A_865 = arith.constant 7 : i32
    %eq3A_866 = vector.broadcast %eq3A_865 : i32 to vector<512x1xi32>
    %eq3A_867 = arith.cmpi eq, %convert_element_type3A_63, %eq3A_866 : vector<512x1xi32>
    %eq3A_868 = vector.broadcast %convert_element_type3A_67 : vector<512x1xi32> to vector<512x160xi32>
    %eq3A_869 = arith.cmpi eq, %eq3A_868, %iota3A : vector<512x160xi32>
    %and3A_870 = vector.broadcast %eq3A_867 : vector<512x1xi1> to vector<512x160xi1>
    %and3A_871 = arith.andi %and3A_870, %eq3A_869 : vector<512x160xi1>
    %convert_element_type3A_872 = arith.extui %and3A_871 : vector<512x160xi1> to vector<512x160xi32>
    %convert_element_type3A_873 = arith.sitofp %convert_element_type3A_872 : vector<512x160xi32> to vector<512x160xf32>
    %mul3A_874 = vector.broadcast %slice3A : vector<512x1xf32> to vector<512x160xf32>
    %mul3A_875 = arith.mulf %mul3A_874, %convert_element_type3A_864 : vector<512x160xf32>
    %mul3A_876 = vector.broadcast %slice3A_60 : vector<512x1xf32> to vector<512x160xf32>
    %mul3A_877 = arith.mulf %mul3A_876, %convert_element_type3A_873 : vector<512x160xf32>
    %add3A_878 = arith.addf %mul3A_875, %mul3A_877 : vector<512x160xf32>
    %dot_general3A_879 = arith.constant dense<0.000000e+00> : vector<512x1024xf32>
    %dot_general3A_880 = tpu.matmul %add3A_878, %dot_general3A_855, %dot_general3A_879 {dimension_numbers = #tpu.dot_dimension_numbers<[1], [0], [0], [1], [0, 0, 1, 1], [], []>, transpose_lhs_hint = false} : vector<512x160xf32>, vector<160x1024xf32>, vector<512x1024xf32> -> vector<512x1024xf32>
    %add3A_881 = arith.addf %add3A_799, %dot_general3A_880 : vector<512x1024xf32>
    %mul3A_882 = arith.constant 2.000000e+00 : f32
    %mul3A_883 = vector.broadcast %mul3A_882 : f32 to vector<512x1024xf32>
    %mul3A_884 = arith.mulf %mul3A_883, %get3A_56 : vector<512x1024xf32>
    %add3A_885 = arith.addf %mul3A_884, %add3A_881 : vector<512x1024xf32>
    %get3A_886 = arith.constant 0 : index
    %get3A_887 = arith.constant 0 : index
    %get3A_888 = vector.load %arg3[%get3A_886, %get3A_887] : memref<1024x1xf32, #tpu.memory_space<vmem>>, vector<1024x1xf32>
    %dot_general3A_889 = arith.constant dense<0.000000e+00> : vector<512x1xf32>
    %dot_general3A_890 = tpu.matmul %add3A_885, %get3A_888, %dot_general3A_889 {dimension_numbers = #tpu.dot_dimension_numbers<[1], [0], [0], [1], [0, 0, 1, 1], [], []>, transpose_lhs_hint = false} : vector<512x1024xf32>, vector<1024x1xf32>, vector<512x1xf32> -> vector<512x1xf32>
    %get3A_891 = arith.constant 0 : index
    %get3A_892 = vector.load %arg4[%get3A_891] : memref<1xf32, #tpu.memory_space<vmem>>, vector<1xf32>
    %broadcast_in_dim3A = vector.shape_cast %get3A_892 : vector<1xf32> to vector<1x1xf32>
    %add3A_893 = vector.broadcast %broadcast_in_dim3A : vector<1x1xf32> to vector<512x1xf32>
    %add3A_894 = arith.addf %dot_general3A_890, %add3A_893 : vector<512x1xf32>
    %reshape3A = vector.shape_cast %add3A_894 : vector<512x1xf32> to vector<8x64x1xf32>
    %swap3A = arith.constant 0 : index
    %swap3A_895 = arith.constant 0 : index
    %swap3A_896 = arith.constant 0 : index
    %swap3A_897 = vector.load %arg13[%swap3A, %swap3A_895, %swap3A_896] : memref<8x64x1xf32, #tpu.memory_space<vmem>>, vector<8x64x1xf32>
    tpu.vector_store %arg13[%swap3A, %swap3A_895, %swap3A_896], %reshape3A {strides = array<i32>} : memref<8x64x1xf32, #tpu.memory_space<vmem>>, vector<8x64x1xf32>,
    %get3A_898 = arith.constant 0 : index
    %get3A_899 = arith.constant 0 : index
    %get3A_900 = vector.load %arg5[%get3A_898, %get3A_899] : memref<1024x8xf32, #tpu.memory_space<vmem>>, vector<1024x8xf32>
    %dot_general3A_901 = arith.constant dense<0.000000e+00> : vector<512x8xf32>
    %dot_general3A_902 = tpu.matmul %add3A_885, %get3A_900, %dot_general3A_901 {dimension_numbers = #tpu.dot_dimension_numbers<[1], [0], [0], [1], [0, 0, 1, 1], [], []>, transpose_lhs_hint = false} : vector<512x1024xf32>, vector<1024x8xf32>, vector<512x8xf32> -> vector<512x8xf32>
    %get3A_903 = arith.constant 0 : index
    %get3A_904 = vector.load %arg6[%get3A_903] : memref<8xf32, #tpu.memory_space<vmem>>, vector<8xf32>
    %broadcast_in_dim3A_905 = vector.shape_cast %get3A_904 : vector<8xf32> to vector<1x8xf32>
    %add3A_906 = vector.broadcast %broadcast_in_dim3A_905 : vector<1x8xf32> to vector<512x8xf32>
    %add3A_907 = arith.addf %dot_general3A_902, %add3A_906 : vector<512x8xf32>
    %reshape3A_908 = vector.shape_cast %add3A_907 : vector<512x8xf32> to vector<8x64x8xf32>
    %swap3A_909 = arith.constant 0 : index
    %swap3A_910 = arith.constant 0 : index
    %swap3A_911 = arith.constant 0 : index
    %swap3A_912 = vector.load %arg14[%swap3A_909, %swap3A_910, %swap3A_911] : memref<8x64x8xf32, #tpu.memory_space<vmem>>, vector<8x64x8xf32>
    tpu.vector_store %arg14[%swap3A_909, %swap3A_910, %swap3A_911], %reshape3A_908 {strides = array<i32>} : memref<8x64x8xf32, #tpu.memory_space<vmem>>, vector<8x64x8xf32>,
    %get3A_913 = arith.constant 0 : index
    %get3A_914 = arith.constant 0 : index
    %get3A_915 = vector.load %arg7[%get3A_913, %get3A_914] : memref<1024x32xf32, #tpu.memory_space<vmem>>, vector<1024x32xf32>
    %dot_general3A_916 = arith.constant dense<0.000000e+00> : vector<512x32xf32>
    %dot_general3A_917 = tpu.matmul %add3A_885, %get3A_915, %dot_general3A_916 {dimension_numbers = #tpu.dot_dimension_numbers<[1], [0], [0], [1], [0, 0, 1, 1], [], []>, transpose_lhs_hint = false} : vector<512x1024xf32>, vector<1024x32xf32>, vector<512x32xf32> -> vector<512x32xf32>
    %get3A_918 = arith.constant 0 : index
    %get3A_919 = vector.load %arg8[%get3A_918] : memref<32xf32, #tpu.memory_space<vmem>>, vector<32xf32>
    %broadcast_in_dim3A_920 = vector.shape_cast %get3A_919 : vector<32xf32> to vector<1x32xf32>
    %add3A_921 = vector.broadcast %broadcast_in_dim3A_920 : vector<1x32xf32> to vector<512x32xf32>
    %add3A_922 = arith.addf %dot_general3A_917, %add3A_921 : vector<512x32xf32>
    %reshape3A_923 = vector.shape_cast %add3A_922 : vector<512x32xf32> to vector<8x64x32xf32>
    %swap3A_924 = arith.constant 0 : index
    %swap3A_925 = arith.constant 0 : index
    %swap3A_926 = arith.constant 0 : index
    %swap3A_927 = vector.load %arg15[%swap3A_924, %swap3A_925, %swap3A_926] : memref<8x64x32xf32, #tpu.memory_space<vmem>>, vector<8x64x32xf32>
    tpu.vector_store %arg15[%swap3A_924, %swap3A_925, %swap3A_926], %reshape3A_923 {strides = array<i32>} : memref<8x64x32xf32, #tpu.memory_space<vmem>>, vector<8x64x32xf32>,
    %get3A_928 = arith.constant 0 : index
    %get3A_929 = arith.constant 0 : index
    %get3A_930 = vector.load %arg9[%get3A_928, %get3A_929] : memref<1024x64xf32, #tpu.memory_space<vmem>>, vector<1024x64xf32>
    %dot_general3A_931 = arith.constant dense<0.000000e+00> : vector<512x64xf32>
    %dot_general3A_932 = tpu.matmul %add3A_885, %get3A_930, %dot_general3A_931 {dimension_numbers = #tpu.dot_dimension_numbers<[1], [0], [0], [1], [0, 0, 1, 1], [], []>, transpose_lhs_hint = false} : vector<512x1024xf32>, vector<1024x64xf32>, vector<512x64xf32> -> vector<512x64xf32>
    %get3A_933 = arith.constant 0 : index
    %get3A_934 = vector.load %arg10[%get3A_933] : memref<64xf32, #tpu.memory_space<vmem>>, vector<64xf32>
    %broadcast_in_dim3A_935 = vector.shape_cast %get3A_934 : vector<64xf32> to vector<1x64xf32>
    %add3A_936 = vector.broadcast %broadcast_in_dim3A_935 : vector<1x64xf32> to vector<512x64xf32>
    %add3A_937 = arith.addf %dot_general3A_932, %add3A_936 : vector<512x64xf32>
    %reshape3A_938 = vector.shape_cast %add3A_937 : vector<512x64xf32> to vector<8x64x64xf32>
    %swap3A_939 = arith.constant 0 : index
    %swap3A_940 = arith.constant 0 : index
    %swap3A_941 = arith.constant 0 : index
    %swap3A_942 = vector.load %arg16[%swap3A_939, %swap3A_940, %swap3A_941] : memref<8x64x64xf32, #tpu.memory_space<vmem>>, vector<8x64x64xf32>
    tpu.vector_store %arg16[%swap3A_939, %swap3A_940, %swap3A_941], %reshape3A_938 {strides = array<i32>} : memref<8x64x64xf32, #tpu.memory_space<vmem>>, vector<8x64x64xf32>,
    return
  }
}

module attributes {stable_mosaic.version = 14 : i64} {
  func.func @_kb_body(%arg0: memref<512x1024xf32, #tpu.memory_space<vmem>>, %arg1: memref<512x8xf32, #tpu.memory_space<vmem>>, %arg2: memref<1280x1024xf32, #tpu.memory_space<vmem>>, %arg3: memref<2x1024xf32, #tpu.memory_space<vmem>>, %arg4: memref<2x1024xf32, #tpu.memory_space<vmem>>, %arg5: memref<2x1024x8xf32, #tpu.memory_space<vmem>>, %arg6: memref<2x1024x3072xf32, #tpu.memory_space<hbm>>, %arg7: memref<2x1024x1024xf32, #tpu.memory_space<hbm>>, %arg8: memref<2x8x1024x1024xf32, #tpu.memory_space<hbm>>, %arg9: memref<2x8x1024x1024xf32, #tpu.memory_space<hbm>>, %arg10: memref<512x1024xf32, #tpu.memory_space<vmem>>, %arg11: memref<512x8xf32, #tpu.memory_space<vmem>>, %arg12: memref<1x1280xi32, #tpu.memory_space<vmem>>, %arg13: memref<1x8xf32, #tpu.memory_space<vmem>>, %arg14: memref<1024x3072xf32, #tpu.memory_space<vmem>>, %arg15: memref<1024x1024xf32, #tpu.memory_space<vmem>>, %arg16: memref<3x1024x1024xf32, #tpu.memory_space<vmem>>, %arg17: memref<3x1024x1024xf32, #tpu.memory_space<vmem>>, %arg18: memref<!tpu.dma_semaphore, #tpu.memory_space<semaphore_mem>>, %arg19: memref<!tpu.dma_semaphore, #tpu.memory_space<semaphore_mem>>, %arg20: memref<3x!tpu.dma_semaphore, #tpu.memory_space<semaphore_mem>>, %arg21: memref<3x!tpu.dma_semaphore, #tpu.memory_space<semaphore_mem>>) attributes {dimension_semantics = [], scalar_prefetch = 0 : i64, scratch_operands = 8 : i64, tpu.core_type = #tpu.core_type<tc>} {
    %dma_start3A = arith.constant 0 : i32
    %dma_start3A_0 = arith.constant 0 : i32
    %dma_start3A_1 = arith.constant 0 : i32
    %dma_start3A_2 = arith.constant 0 : i32
    %dma_start3A_3 = tpu.memref_slice %arg20[%dma_start3A_2] : memref<3x!tpu.dma_semaphore, #tpu.memory_space<semaphore_mem>> -> memref<1x!tpu.dma_semaphore, #tpu.memory_space<semaphore_mem>>
    %dma_start3A_4 = tpu.memref_squeeze %dma_start3A_3 : memref<1x!tpu.dma_semaphore, #tpu.memory_space<semaphore_mem>> -> memref<!tpu.dma_semaphore, #tpu.memory_space<semaphore_mem>>
    %dma_start3A_5 = arith.constant 0 : i32
    %dma_start3A_6 = arith.constant 0 : i32
    %dma_start3A_7 = tpu.memref_slice %arg16[%dma_start3A_1, %dma_start3A_5, %dma_start3A_6] : memref<3x1024x1024xf32, #tpu.memory_space<vmem>> -> memref<1x1024x1024xf32, #tpu.memory_space<vmem>>
    %dma_start3A_8 = tpu.memref_squeeze %dma_start3A_7 : memref<1x1024x1024xf32, #tpu.memory_space<vmem>> -> memref<1024x1024xf32, #tpu.memory_space<vmem>>
    %dma_start3A_9 = arith.constant 0 : i32
    %dma_start3A_10 = arith.constant 0 : i32
    %dma_start3A_11 = tpu.memref_slice %arg8[%dma_start3A, %dma_start3A_0, %dma_start3A_9, %dma_start3A_10] : memref<2x8x1024x1024xf32, #tpu.memory_space<hbm>> -> memref<1x1x1024x1024xf32, #tpu.memory_space<hbm>>
    %dma_start3A_12 = tpu.memref_squeeze %dma_start3A_11 : memref<1x1x1024x1024xf32, #tpu.memory_space<hbm>> -> memref<1024x1024xf32, #tpu.memory_space<hbm>>
    tpu.enqueue_dma source(%dma_start3A_12 : memref<1024x1024xf32, #tpu.memory_space<hbm>>) target(%dma_start3A_8 : memref<1024x1024xf32, #tpu.memory_space<vmem>>) target_semaphore(%dma_start3A_4 : memref<!tpu.dma_semaphore, #tpu.memory_space<semaphore_mem>>)
    %dma_start3A_13 = arith.constant 0 : i32
    %dma_start3A_14 = arith.constant 0 : i32
    %dma_start3A_15 = arith.constant 0 : i32
    %dma_start3A_16 = arith.constant 0 : i32
    %dma_start3A_17 = tpu.memref_slice %arg21[%dma_start3A_16] : memref<3x!tpu.dma_semaphore, #tpu.memory_space<semaphore_mem>> -> memref<1x!tpu.dma_semaphore, #tpu.memory_space<semaphore_mem>>
    %dma_start3A_18 = tpu.memref_squeeze %dma_start3A_17 : memref<1x!tpu.dma_semaphore, #tpu.memory_space<semaphore_mem>> -> memref<!tpu.dma_semaphore, #tpu.memory_space<semaphore_mem>>
    %dma_start3A_19 = arith.constant 0 : i32
    %dma_start3A_20 = arith.constant 0 : i32
    %dma_start3A_21 = tpu.memref_slice %arg17[%dma_start3A_15, %dma_start3A_19, %dma_start3A_20] : memref<3x1024x1024xf32, #tpu.memory_space<vmem>> -> memref<1x1024x1024xf32, #tpu.memory_space<vmem>>
    %dma_start3A_22 = tpu.memref_squeeze %dma_start3A_21 : memref<1x1024x1024xf32, #tpu.memory_space<vmem>> -> memref<1024x1024xf32, #tpu.memory_space<vmem>>
    %dma_start3A_23 = arith.constant 0 : i32
    %dma_start3A_24 = arith.constant 0 : i32
    %dma_start3A_25 = tpu.memref_slice %arg9[%dma_start3A_13, %dma_start3A_14, %dma_start3A_23, %dma_start3A_24] : memref<2x8x1024x1024xf32, #tpu.memory_space<hbm>> -> memref<1x1x1024x1024xf32, #tpu.memory_space<hbm>>
    %dma_start3A_26 = tpu.memref_squeeze %dma_start3A_25 : memref<1x1x1024x1024xf32, #tpu.memory_space<hbm>> -> memref<1024x1024xf32, #tpu.memory_space<hbm>>
    tpu.enqueue_dma source(%dma_start3A_26 : memref<1024x1024xf32, #tpu.memory_space<hbm>>) target(%dma_start3A_22 : memref<1024x1024xf32, #tpu.memory_space<vmem>>) target_semaphore(%dma_start3A_18 : memref<!tpu.dma_semaphore, #tpu.memory_space<semaphore_mem>>)
    %dma_start3A_27 = arith.constant 0 : i32
    %dma_start3A_28 = arith.constant 1 : i32
    %dma_start3A_29 = arith.constant 1 : i32
    %dma_start3A_30 = arith.constant 1 : i32
    %dma_start3A_31 = tpu.memref_slice %arg20[%dma_start3A_30] : memref<3x!tpu.dma_semaphore, #tpu.memory_space<semaphore_mem>> -> memref<1x!tpu.dma_semaphore, #tpu.memory_space<semaphore_mem>>
    %dma_start3A_32 = tpu.memref_squeeze %dma_start3A_31 : memref<1x!tpu.dma_semaphore, #tpu.memory_space<semaphore_mem>> -> memref<!tpu.dma_semaphore, #tpu.memory_space<semaphore_mem>>
    %dma_start3A_33 = arith.constant 0 : i32
    %dma_start3A_34 = arith.constant 0 : i32
    %dma_start3A_35 = tpu.memref_slice %arg16[%dma_start3A_29, %dma_start3A_33, %dma_start3A_34] : memref<3x1024x1024xf32, #tpu.memory_space<vmem>> -> memref<1x1024x1024xf32, #tpu.memory_space<vmem>>
    %dma_start3A_36 = tpu.memref_squeeze %dma_start3A_35 : memref<1x1024x1024xf32, #tpu.memory_space<vmem>> -> memref<1024x1024xf32, #tpu.memory_space<vmem>>
    %dma_start3A_37 = arith.constant 0 : i32
    %dma_start3A_38 = arith.constant 0 : i32
    %dma_start3A_39 = tpu.memref_slice %arg8[%dma_start3A_27, %dma_start3A_28, %dma_start3A_37, %dma_start3A_38] : memref<2x8x1024x1024xf32, #tpu.memory_space<hbm>> -> memref<1x1x1024x1024xf32, #tpu.memory_space<hbm>>
    %dma_start3A_40 = tpu.memref_squeeze %dma_start3A_39 : memref<1x1x1024x1024xf32, #tpu.memory_space<hbm>> -> memref<1024x1024xf32, #tpu.memory_space<hbm>>
    tpu.enqueue_dma source(%dma_start3A_40 : memref<1024x1024xf32, #tpu.memory_space<hbm>>) target(%dma_start3A_36 : memref<1024x1024xf32, #tpu.memory_space<vmem>>) target_semaphore(%dma_start3A_32 : memref<!tpu.dma_semaphore, #tpu.memory_space<semaphore_mem>>)
    %dma_start3A_41 = arith.constant 0 : i32
    %dma_start3A_42 = arith.constant 1 : i32
    %dma_start3A_43 = arith.constant 1 : i32
    %dma_start3A_44 = arith.constant 1 : i32
    %dma_start3A_45 = tpu.memref_slice %arg21[%dma_start3A_44] : memref<3x!tpu.dma_semaphore, #tpu.memory_space<semaphore_mem>> -> memref<1x!tpu.dma_semaphore, #tpu.memory_space<semaphore_mem>>
    %dma_start3A_46 = tpu.memref_squeeze %dma_start3A_45 : memref<1x!tpu.dma_semaphore, #tpu.memory_space<semaphore_mem>> -> memref<!tpu.dma_semaphore, #tpu.memory_space<semaphore_mem>>
    %dma_start3A_47 = arith.constant 0 : i32
    %dma_start3A_48 = arith.constant 0 : i32
    %dma_start3A_49 = tpu.memref_slice %arg17[%dma_start3A_43, %dma_start3A_47, %dma_start3A_48] : memref<3x1024x1024xf32, #tpu.memory_space<vmem>> -> memref<1x1024x1024xf32, #tpu.memory_space<vmem>>
    %dma_start3A_50 = tpu.memref_squeeze %dma_start3A_49 : memref<1x1024x1024xf32, #tpu.memory_space<vmem>> -> memref<1024x1024xf32, #tpu.memory_space<vmem>>
    %dma_start3A_51 = arith.constant 0 : i32
    %dma_start3A_52 = arith.constant 0 : i32
    %dma_start3A_53 = tpu.memref_slice %arg9[%dma_start3A_41, %dma_start3A_42, %dma_start3A_51, %dma_start3A_52] : memref<2x8x1024x1024xf32, #tpu.memory_space<hbm>> -> memref<1x1x1024x1024xf32, #tpu.memory_space<hbm>>
    %dma_start3A_54 = tpu.memref_squeeze %dma_start3A_53 : memref<1x1x1024x1024xf32, #tpu.memory_space<hbm>> -> memref<1024x1024xf32, #tpu.memory_space<hbm>>
    tpu.enqueue_dma source(%dma_start3A_54 : memref<1024x1024xf32, #tpu.memory_space<hbm>>) target(%dma_start3A_50 : memref<1024x1024xf32, #tpu.memory_space<vmem>>) target_semaphore(%dma_start3A_46 : memref<!tpu.dma_semaphore, #tpu.memory_space<semaphore_mem>>)
    %dma_start3A_55 = arith.constant 1 : i32
    %dma_start3A_56 = arith.constant 0 : i32
    %dma_start3A_57 = arith.constant 0 : i32
    %dma_start3A_58 = tpu.memref_slice %arg6[%dma_start3A_55, %dma_start3A_56, %dma_start3A_57] : memref<2x1024x3072xf32, #tpu.memory_space<hbm>> -> memref<1x1024x3072xf32, #tpu.memory_space<hbm>>
    %dma_start3A_59 = tpu.memref_squeeze %dma_start3A_58 : memref<1x1024x3072xf32, #tpu.memory_space<hbm>> -> memref<1024x3072xf32, #tpu.memory_space<hbm>>
    tpu.enqueue_dma source(%dma_start3A_59 : memref<1024x3072xf32, #tpu.memory_space<hbm>>) target(%arg14 : memref<1024x3072xf32, #tpu.memory_space<vmem>>) target_semaphore(%arg18 : memref<!tpu.dma_semaphore, #tpu.memory_space<semaphore_mem>>)
    %dma_start3A_60 = arith.constant 1 : i32
    %dma_start3A_61 = arith.constant 0 : i32
    %dma_start3A_62 = arith.constant 0 : i32
    %dma_start3A_63 = tpu.memref_slice %arg7[%dma_start3A_60, %dma_start3A_61, %dma_start3A_62] : memref<2x1024x1024xf32, #tpu.memory_space<hbm>> -> memref<1x1024x1024xf32, #tpu.memory_space<hbm>>
    %dma_start3A_64 = tpu.memref_squeeze %dma_start3A_63 : memref<1x1024x1024xf32, #tpu.memory_space<hbm>> -> memref<1024x1024xf32, #tpu.memory_space<hbm>>
    tpu.enqueue_dma source(%dma_start3A_64 : memref<1024x1024xf32, #tpu.memory_space<hbm>>) target(%arg15 : memref<1024x1024xf32, #tpu.memory_space<vmem>>) target_semaphore(%arg19 : memref<!tpu.dma_semaphore, #tpu.memory_space<semaphore_mem>>)
    %get3A = arith.constant 0 : index
    %get3A_65 = arith.constant 0 : index
    %get3A_66 = vector.load %arg0[%get3A, %get3A_65] : memref<512x1024xf32, #tpu.memory_space<vmem>>, vector<512x1024xf32>
    %get3A_67 = arith.constant 0 : index
    %get3A_68 = arith.constant 0 : index
    %get3A_69 = vector.load %arg1[%get3A_67, %get3A_68] : memref<512x8xf32, #tpu.memory_space<vmem>>, vector<512x8xf32>
    %iota3A = tpu.iota {dimensions = array<i32: 1>} : vector<512x160xi32>
    %slice3A = vector.extract_strided_slice %get3A_69 {offsets = [0, 2], sizes = [512, 1], strides = [1, 1]} : vector<512x8xf32> to vector<512x1xf32>
    %slice3A_70 = vector.extract_strided_slice %get3A_69 {offsets = [0, 5], sizes = [512, 1], strides = [1, 1]} : vector<512x8xf32> to vector<512x1xf32>
    %slice3A_71 = vector.extract_strided_slice %get3A_69 {offsets = [0, 0], sizes = [512, 1], strides = [1, 1]} : vector<512x8xf32> to vector<512x1xf32>
    %convert_element_type3A = arith.fptosi %slice3A_71 : vector<512x1xf32> to vector<512x1xi32>
    %slice3A_72 = vector.extract_strided_slice %get3A_69 {offsets = [0, 3], sizes = [512, 1], strides = [1, 1]} : vector<512x8xf32> to vector<512x1xf32>
    %convert_element_type3A_73 = arith.fptosi %slice3A_72 : vector<512x1xf32> to vector<512x1xi32>
    %slice3A_74 = vector.extract_strided_slice %get3A_69 {offsets = [0, 1], sizes = [512, 1], strides = [1, 1]} : vector<512x8xf32> to vector<512x1xf32>
    %convert_element_type3A_75 = arith.fptosi %slice3A_74 : vector<512x1xf32> to vector<512x1xi32>
    %slice3A_76 = vector.extract_strided_slice %get3A_69 {offsets = [0, 4], sizes = [512, 1], strides = [1, 1]} : vector<512x8xf32> to vector<512x1xf32>
    %convert_element_type3A_77 = arith.fptosi %slice3A_76 : vector<512x1xf32> to vector<512x1xi32>
    %dma_start3A_78 = arith.constant 0 : i32
    %dma_start3A_79 = arith.constant 2 : i32
    %dma_start3A_80 = arith.constant 2 : i32
    %dma_start3A_81 = arith.constant 2 : i32
    %dma_start3A_82 = tpu.memref_slice %arg20[%dma_start3A_81] : memref<3x!tpu.dma_semaphore, #tpu.memory_space<semaphore_mem>> -> memref<1x!tpu.dma_semaphore, #tpu.memory_space<semaphore_mem>>
    %dma_start3A_83 = tpu.memref_squeeze %dma_start3A_82 : memref<1x!tpu.dma_semaphore, #tpu.memory_space<semaphore_mem>> -> memref<!tpu.dma_semaphore, #tpu.memory_space<semaphore_mem>>
    %dma_start3A_84 = arith.constant 0 : i32
    %dma_start3A_85 = arith.constant 0 : i32
    %dma_start3A_86 = tpu.memref_slice %arg16[%dma_start3A_80, %dma_start3A_84, %dma_start3A_85] : memref<3x1024x1024xf32, #tpu.memory_space<vmem>> -> memref<1x1024x1024xf32, #tpu.memory_space<vmem>>
    %dma_start3A_87 = tpu.memref_squeeze %dma_start3A_86 : memref<1x1024x1024xf32, #tpu.memory_space<vmem>> -> memref<1024x1024xf32, #tpu.memory_space<vmem>>
    %dma_start3A_88 = arith.constant 0 : i32
    %dma_start3A_89 = arith.constant 0 : i32
    %dma_start3A_90 = tpu.memref_slice %arg8[%dma_start3A_78, %dma_start3A_79, %dma_start3A_88, %dma_start3A_89] : memref<2x8x1024x1024xf32, #tpu.memory_space<hbm>> -> memref<1x1x1024x1024xf32, #tpu.memory_space<hbm>>
    %dma_start3A_91 = tpu.memref_squeeze %dma_start3A_90 : memref<1x1x1024x1024xf32, #tpu.memory_space<hbm>> -> memref<1024x1024xf32, #tpu.memory_space<hbm>>
    tpu.enqueue_dma source(%dma_start3A_91 : memref<1024x1024xf32, #tpu.memory_space<hbm>>) target(%dma_start3A_87 : memref<1024x1024xf32, #tpu.memory_space<vmem>>) target_semaphore(%dma_start3A_83 : memref<!tpu.dma_semaphore, #tpu.memory_space<semaphore_mem>>)
    %dma_start3A_92 = arith.constant 0 : i32
    %dma_start3A_93 = arith.constant 2 : i32
    %dma_start3A_94 = arith.constant 2 : i32
    %dma_start3A_95 = arith.constant 2 : i32
    %dma_start3A_96 = tpu.memref_slice %arg21[%dma_start3A_95] : memref<3x!tpu.dma_semaphore, #tpu.memory_space<semaphore_mem>> -> memref<1x!tpu.dma_semaphore, #tpu.memory_space<semaphore_mem>>
    %dma_start3A_97 = tpu.memref_squeeze %dma_start3A_96 : memref<1x!tpu.dma_semaphore, #tpu.memory_space<semaphore_mem>> -> memref<!tpu.dma_semaphore, #tpu.memory_space<semaphore_mem>>
    %dma_start3A_98 = arith.constant 0 : i32
    %dma_start3A_99 = arith.constant 0 : i32
    %dma_start3A_100 = tpu.memref_slice %arg17[%dma_start3A_94, %dma_start3A_98, %dma_start3A_99] : memref<3x1024x1024xf32, #tpu.memory_space<vmem>> -> memref<1x1024x1024xf32, #tpu.memory_space<vmem>>
    %dma_start3A_101 = tpu.memref_squeeze %dma_start3A_100 : memref<1x1024x1024xf32, #tpu.memory_space<vmem>> -> memref<1024x1024xf32, #tpu.memory_space<vmem>>
    %dma_start3A_102 = arith.constant 0 : i32
    %dma_start3A_103 = arith.constant 0 : i32
    %dma_start3A_104 = tpu.memref_slice %arg9[%dma_start3A_92, %dma_start3A_93, %dma_start3A_102, %dma_start3A_103] : memref<2x8x1024x1024xf32, #tpu.memory_space<hbm>> -> memref<1x1x1024x1024xf32, #tpu.memory_space<hbm>>
    %dma_start3A_105 = tpu.memref_squeeze %dma_start3A_104 : memref<1x1x1024x1024xf32, #tpu.memory_space<hbm>> -> memref<1024x1024xf32, #tpu.memory_space<hbm>>
    tpu.enqueue_dma source(%dma_start3A_105 : memref<1024x1024xf32, #tpu.memory_space<hbm>>) target(%dma_start3A_101 : memref<1024x1024xf32, #tpu.memory_space<vmem>>) target_semaphore(%dma_start3A_97 : memref<!tpu.dma_semaphore, #tpu.memory_space<semaphore_mem>>)
    %dma_wait3A = arith.constant 0 : i32
    %dma_wait3A_106 = arith.constant 0 : i32
    %dma_wait3A_107 = arith.constant 0 : i32
    %dma_wait3A_108 = arith.constant 0 : i32
    %dma_wait3A_109 = tpu.memref_slice %arg20[%dma_wait3A_108] : memref<3x!tpu.dma_semaphore, #tpu.memory_space<semaphore_mem>> -> memref<1x!tpu.dma_semaphore, #tpu.memory_space<semaphore_mem>>
    %dma_wait3A_110 = tpu.memref_squeeze %dma_wait3A_109 : memref<1x!tpu.dma_semaphore, #tpu.memory_space<semaphore_mem>> -> memref<!tpu.dma_semaphore, #tpu.memory_space<semaphore_mem>>
    %dma_wait3A_111 = arith.constant 0 : i32
    %dma_wait3A_112 = arith.constant 0 : i32
    %dma_wait3A_113 = tpu.memref_slice %arg16[%dma_wait3A_107, %dma_wait3A_111, %dma_wait3A_112] : memref<3x1024x1024xf32, #tpu.memory_space<vmem>> -> memref<1x1024x1024xf32, #tpu.memory_space<vmem>>
    %dma_wait3A_114 = tpu.memref_squeeze %dma_wait3A_113 : memref<1x1024x1024xf32, #tpu.memory_space<vmem>> -> memref<1024x1024xf32, #tpu.memory_space<vmem>>
    %dma_wait3A_115 = arith.constant 0 : i32
    %dma_wait3A_116 = arith.constant 0 : i32
    %dma_wait3A_117 = tpu.memref_slice %arg8[%dma_wait3A, %dma_wait3A_106, %dma_wait3A_115, %dma_wait3A_116] : memref<2x8x1024x1024xf32, #tpu.memory_space<hbm>> -> memref<1x1x1024x1024xf32, #tpu.memory_space<hbm>>
    %dma_wait3A_118 = tpu.memref_squeeze %dma_wait3A_117 : memref<1x1x1024x1024xf32, #tpu.memory_space<hbm>> -> memref<1024x1024xf32, #tpu.memory_space<hbm>>
    tpu.wait_dma2 semaphore(%dma_wait3A_110 : memref<!tpu.dma_semaphore, #tpu.memory_space<semaphore_mem>>) src(%dma_wait3A_118 : memref<1024x1024xf32, #tpu.memory_space<hbm>>) dst(%dma_wait3A_114 : memref<1024x1024xf32, #tpu.memory_space<vmem>>)
    %dma_wait3A_119 = arith.constant 0 : i32
    %dma_wait3A_120 = arith.constant 0 : i32
    %dma_wait3A_121 = arith.constant 0 : i32
    %dma_wait3A_122 = arith.constant 0 : i32
    %dma_wait3A_123 = tpu.memref_slice %arg21[%dma_wait3A_122] : memref<3x!tpu.dma_semaphore, #tpu.memory_space<semaphore_mem>> -> memref<1x!tpu.dma_semaphore, #tpu.memory_space<semaphore_mem>>
    %dma_wait3A_124 = tpu.memref_squeeze %dma_wait3A_123 : memref<1x!tpu.dma_semaphore, #tpu.memory_space<semaphore_mem>> -> memref<!tpu.dma_semaphore, #tpu.memory_space<semaphore_mem>>
    %dma_wait3A_125 = arith.constant 0 : i32
    %dma_wait3A_126 = arith.constant 0 : i32
    %dma_wait3A_127 = tpu.memref_slice %arg17[%dma_wait3A_121, %dma_wait3A_125, %dma_wait3A_126] : memref<3x1024x1024xf32, #tpu.memory_space<vmem>> -> memref<1x1024x1024xf32, #tpu.memory_space<vmem>>
    %dma_wait3A_128 = tpu.memref_squeeze %dma_wait3A_127 : memref<1x1024x1024xf32, #tpu.memory_space<vmem>> -> memref<1024x1024xf32, #tpu.memory_space<vmem>>
    %dma_wait3A_129 = arith.constant 0 : i32
    %dma_wait3A_130 = arith.constant 0 : i32
    %dma_wait3A_131 = tpu.memref_slice %arg9[%dma_wait3A_119, %dma_wait3A_120, %dma_wait3A_129, %dma_wait3A_130] : memref<2x8x1024x1024xf32, #tpu.memory_space<hbm>> -> memref<1x1x1024x1024xf32, #tpu.memory_space<hbm>>
    %dma_wait3A_132 = tpu.memref_squeeze %dma_wait3A_131 : memref<1x1x1024x1024xf32, #tpu.memory_space<hbm>> -> memref<1024x1024xf32, #tpu.memory_space<hbm>>
    tpu.wait_dma2 semaphore(%dma_wait3A_124 : memref<!tpu.dma_semaphore, #tpu.memory_space<semaphore_mem>>) src(%dma_wait3A_132 : memref<1024x1024xf32, #tpu.memory_space<hbm>>) dst(%dma_wait3A_128 : memref<1024x1024xf32, #tpu.memory_space<vmem>>)
    %get3A_133 = arith.constant 0 : index
    %get3A_134 = arith.constant 0 : index
    %get3A_135 = vector.load %arg2[%get3A_133, %get3A_134] : memref<1280x1024xf32, #tpu.memory_space<vmem>>, vector<160x1024xf32>
    %get3A_136 = arith.constant 0 : index
    %get3A_137 = arith.constant 0 : index
    %get3A_138 = arith.constant 0 : index
    %get3A_139 = vector.load %arg16[%get3A_136, %get3A_137, %get3A_138] : memref<3x1024x1024xf32, #tpu.memory_space<vmem>>, vector<1x1024x1024xf32>
    %get3A_140 = vector.shape_cast %get3A_139 : vector<1x1024x1024xf32> to vector<1024x1024xf32>
    %dot_general3A = arith.constant dense<0.000000e+00> : vector<160x1024xf32>
    %dot_general3A_141 = tpu.matmul %get3A_135, %get3A_140, %dot_general3A {dimension_numbers = #tpu.dot_dimension_numbers<[1], [0], [0], [1], [0, 0, 1, 1], [], []>, transpose_lhs_hint = false} : vector<160x1024xf32>, vector<1024x1024xf32>, vector<160x1024xf32> -> vector<160x1024xf32>
    %neg3A = arith.constant 0.000000e+00 : f32
    %neg3A_142 = vector.broadcast %neg3A : f32 to vector<160x1024xf32>
    %neg3A_143 = arith.subf %neg3A_142, %dot_general3A_141 : vector<160x1024xf32>
    %exp3A = math.exp %neg3A_143 : vector<160x1024xf32>
    %add3A = arith.constant 1.000000e+00 : f32
    %add3A_144 = vector.broadcast %add3A : f32 to vector<160x1024xf32>
    %add3A_145 = arith.addf %add3A_144, %exp3A : vector<160x1024xf32>
    %div3A = arith.constant 1.000000e+00 : f32
    %div3A_146 = vector.broadcast %div3A : f32 to vector<160x1024xf32>
    %div3A_147 = arith.divf %div3A_146, %add3A_145 : vector<160x1024xf32>
    %mul3A = arith.mulf %dot_general3A_141, %div3A_147 : vector<160x1024xf32>
    %get3A_148 = arith.constant 0 : index
    %get3A_149 = arith.constant 0 : index
    %get3A_150 = arith.constant 0 : index
    %get3A_151 = vector.load %arg17[%get3A_148, %get3A_149, %get3A_150] : memref<3x1024x1024xf32, #tpu.memory_space<vmem>>, vector<1x1024x1024xf32>
    %get3A_152 = vector.shape_cast %get3A_151 : vector<1x1024x1024xf32> to vector<1024x1024xf32>
    %dot_general3A_153 = arith.constant dense<0.000000e+00> : vector<160x1024xf32>
    %dot_general3A_154 = tpu.matmul %mul3A, %get3A_152, %dot_general3A_153 {dimension_numbers = #tpu.dot_dimension_numbers<[1], [0], [0], [1], [0, 0, 1, 1], [], []>, transpose_lhs_hint = false} : vector<160x1024xf32>, vector<1024x1024xf32>, vector<160x1024xf32> -> vector<160x1024xf32>
    %eq3A = arith.constant 0 : i32
    %eq3A_155 = vector.broadcast %eq3A : i32 to vector<512x1xi32>
    %eq3A_156 = arith.cmpi eq, %convert_element_type3A, %eq3A_155 : vector<512x1xi32>
    %eq3A_157 = vector.broadcast %convert_element_type3A_75 : vector<512x1xi32> to vector<512x160xi32>
    %eq3A_158 = arith.cmpi eq, %eq3A_157, %iota3A : vector<512x160xi32>
    %and3A = vector.broadcast %eq3A_156 : vector<512x1xi1> to vector<512x160xi1>
    %and3A_159 = arith.andi %and3A, %eq3A_158 : vector<512x160xi1>
    %convert_element_type3A_160 = arith.extui %and3A_159 : vector<512x160xi1> to vector<512x160xi32>
    %convert_element_type3A_161 = arith.sitofp %convert_element_type3A_160 : vector<512x160xi32> to vector<512x160xf32>
    %eq3A_162 = arith.constant 0 : i32
    %eq3A_163 = vector.broadcast %eq3A_162 : i32 to vector<512x1xi32>
    %eq3A_164 = arith.cmpi eq, %convert_element_type3A_73, %eq3A_163 : vector<512x1xi32>
    %eq3A_165 = vector.broadcast %convert_element_type3A_77 : vector<512x1xi32> to vector<512x160xi32>
    %eq3A_166 = arith.cmpi eq, %eq3A_165, %iota3A : vector<512x160xi32>
    %and3A_167 = vector.broadcast %eq3A_164 : vector<512x1xi1> to vector<512x160xi1>
    %and3A_168 = arith.andi %and3A_167, %eq3A_166 : vector<512x160xi1>
    %convert_element_type3A_169 = arith.extui %and3A_168 : vector<512x160xi1> to vector<512x160xi32>
    %convert_element_type3A_170 = arith.sitofp %convert_element_type3A_169 : vector<512x160xi32> to vector<512x160xf32>
    %mul3A_171 = vector.broadcast %slice3A : vector<512x1xf32> to vector<512x160xf32>
    %mul3A_172 = arith.mulf %mul3A_171, %convert_element_type3A_161 : vector<512x160xf32>
    %mul3A_173 = vector.broadcast %slice3A_70 : vector<512x1xf32> to vector<512x160xf32>
    %mul3A_174 = arith.mulf %mul3A_173, %convert_element_type3A_170 : vector<512x160xf32>
    %add3A_175 = arith.addf %mul3A_172, %mul3A_174 : vector<512x160xf32>
    %dot_general3A_176 = arith.constant dense<0.000000e+00> : vector<512x1024xf32>
    %dot_general3A_177 = tpu.matmul %add3A_175, %dot_general3A_154, %dot_general3A_176 {dimension_numbers = #tpu.dot_dimension_numbers<[1], [0], [0], [1], [0, 0, 1, 1], [], []>, transpose_lhs_hint = false} : vector<512x160xf32>, vector<160x1024xf32>, vector<512x1024xf32> -> vector<512x1024xf32>
    %dma_start3A_178 = arith.constant 0 : i32
    %dma_start3A_179 = arith.constant 3 : i32
    %dma_start3A_180 = arith.constant 0 : i32
    %dma_start3A_181 = arith.constant 0 : i32
    %dma_start3A_182 = tpu.memref_slice %arg20[%dma_start3A_181] : memref<3x!tpu.dma_semaphore, #tpu.memory_space<semaphore_mem>> -> memref<1x!tpu.dma_semaphore, #tpu.memory_space<semaphore_mem>>
    %dma_start3A_183 = tpu.memref_squeeze %dma_start3A_182 : memref<1x!tpu.dma_semaphore, #tpu.memory_space<semaphore_mem>> -> memref<!tpu.dma_semaphore, #tpu.memory_space<semaphore_mem>>
    %dma_start3A_184 = arith.constant 0 : i32
    %dma_start3A_185 = arith.constant 0 : i32
    %dma_start3A_186 = tpu.memref_slice %arg16[%dma_start3A_180, %dma_start3A_184, %dma_start3A_185] : memref<3x1024x1024xf32, #tpu.memory_space<vmem>> -> memref<1x1024x1024xf32, #tpu.memory_space<vmem>>
    %dma_start3A_187 = tpu.memref_squeeze %dma_start3A_186 : memref<1x1024x1024xf32, #tpu.memory_space<vmem>> -> memref<1024x1024xf32, #tpu.memory_space<vmem>>
    %dma_start3A_188 = arith.constant 0 : i32
    %dma_start3A_189 = arith.constant 0 : i32
    %dma_start3A_190 = tpu.memref_slice %arg8[%dma_start3A_178, %dma_start3A_179, %dma_start3A_188, %dma_start3A_189] : memref<2x8x1024x1024xf32, #tpu.memory_space<hbm>> -> memref<1x1x1024x1024xf32, #tpu.memory_space<hbm>>
    %dma_start3A_191 = tpu.memref_squeeze %dma_start3A_190 : memref<1x1x1024x1024xf32, #tpu.memory_space<hbm>> -> memref<1024x1024xf32, #tpu.memory_space<hbm>>
    tpu.enqueue_dma source(%dma_start3A_191 : memref<1024x1024xf32, #tpu.memory_space<hbm>>) target(%dma_start3A_187 : memref<1024x1024xf32, #tpu.memory_space<vmem>>) target_semaphore(%dma_start3A_183 : memref<!tpu.dma_semaphore, #tpu.memory_space<semaphore_mem>>)
    %dma_start3A_192 = arith.constant 0 : i32
    %dma_start3A_193 = arith.constant 3 : i32
    %dma_start3A_194 = arith.constant 0 : i32
    %dma_start3A_195 = arith.constant 0 : i32
    %dma_start3A_196 = tpu.memref_slice %arg21[%dma_start3A_195] : memref<3x!tpu.dma_semaphore, #tpu.memory_space<semaphore_mem>> -> memref<1x!tpu.dma_semaphore, #tpu.memory_space<semaphore_mem>>
    %dma_start3A_197 = tpu.memref_squeeze %dma_start3A_196 : memref<1x!tpu.dma_semaphore, #tpu.memory_space<semaphore_mem>> -> memref<!tpu.dma_semaphore, #tpu.memory_space<semaphore_mem>>
    %dma_start3A_198 = arith.constant 0 : i32
    %dma_start3A_199 = arith.constant 0 : i32
    %dma_start3A_200 = tpu.memref_slice %arg17[%dma_start3A_194, %dma_start3A_198, %dma_start3A_199] : memref<3x1024x1024xf32, #tpu.memory_space<vmem>> -> memref<1x1024x1024xf32, #tpu.memory_space<vmem>>
    %dma_start3A_201 = tpu.memref_squeeze %dma_start3A_200 : memref<1x1024x1024xf32, #tpu.memory_space<vmem>> -> memref<1024x1024xf32, #tpu.memory_space<vmem>>
    %dma_start3A_202 = arith.constant 0 : i32
    %dma_start3A_203 = arith.constant 0 : i32
    %dma_start3A_204 = tpu.memref_slice %arg9[%dma_start3A_192, %dma_start3A_193, %dma_start3A_202, %dma_start3A_203] : memref<2x8x1024x1024xf32, #tpu.memory_space<hbm>> -> memref<1x1x1024x1024xf32, #tpu.memory_space<hbm>>
    %dma_start3A_205 = tpu.memref_squeeze %dma_start3A_204 : memref<1x1x1024x1024xf32, #tpu.memory_space<hbm>> -> memref<1024x1024xf32, #tpu.memory_space<hbm>>
    tpu.enqueue_dma source(%dma_start3A_205 : memref<1024x1024xf32, #tpu.memory_space<hbm>>) target(%dma_start3A_201 : memref<1024x1024xf32, #tpu.memory_space<vmem>>) target_semaphore(%dma_start3A_197 : memref<!tpu.dma_semaphore, #tpu.memory_space<semaphore_mem>>)
    %dma_wait3A_206 = arith.constant 0 : i32
    %dma_wait3A_207 = arith.constant 1 : i32
    %dma_wait3A_208 = arith.constant 1 : i32
    %dma_wait3A_209 = arith.constant 1 : i32
    %dma_wait3A_210 = tpu.memref_slice %arg20[%dma_wait3A_209] : memref<3x!tpu.dma_semaphore, #tpu.memory_space<semaphore_mem>> -> memref<1x!tpu.dma_semaphore, #tpu.memory_space<semaphore_mem>>
    %dma_wait3A_211 = tpu.memref_squeeze %dma_wait3A_210 : memref<1x!tpu.dma_semaphore, #tpu.memory_space<semaphore_mem>> -> memref<!tpu.dma_semaphore, #tpu.memory_space<semaphore_mem>>
    %dma_wait3A_212 = arith.constant 0 : i32
    %dma_wait3A_213 = arith.constant 0 : i32
    %dma_wait3A_214 = tpu.memref_slice %arg16[%dma_wait3A_208, %dma_wait3A_212, %dma_wait3A_213] : memref<3x1024x1024xf32, #tpu.memory_space<vmem>> -> memref<1x1024x1024xf32, #tpu.memory_space<vmem>>
    %dma_wait3A_215 = tpu.memref_squeeze %dma_wait3A_214 : memref<1x1024x1024xf32, #tpu.memory_space<vmem>> -> memref<1024x1024xf32, #tpu.memory_space<vmem>>
    %dma_wait3A_216 = arith.constant 0 : i32
    %dma_wait3A_217 = arith.constant 0 : i32
    %dma_wait3A_218 = tpu.memref_slice %arg8[%dma_wait3A_206, %dma_wait3A_207, %dma_wait3A_216, %dma_wait3A_217] : memref<2x8x1024x1024xf32, #tpu.memory_space<hbm>> -> memref<1x1x1024x1024xf32, #tpu.memory_space<hbm>>
    %dma_wait3A_219 = tpu.memref_squeeze %dma_wait3A_218 : memref<1x1x1024x1024xf32, #tpu.memory_space<hbm>> -> memref<1024x1024xf32, #tpu.memory_space<hbm>>
    tpu.wait_dma2 semaphore(%dma_wait3A_211 : memref<!tpu.dma_semaphore, #tpu.memory_space<semaphore_mem>>) src(%dma_wait3A_219 : memref<1024x1024xf32, #tpu.memory_space<hbm>>) dst(%dma_wait3A_215 : memref<1024x1024xf32, #tpu.memory_space<vmem>>)
    %dma_wait3A_220 = arith.constant 0 : i32
    %dma_wait3A_221 = arith.constant 1 : i32
    %dma_wait3A_222 = arith.constant 1 : i32
    %dma_wait3A_223 = arith.constant 1 : i32
    %dma_wait3A_224 = tpu.memref_slice %arg21[%dma_wait3A_223] : memref<3x!tpu.dma_semaphore, #tpu.memory_space<semaphore_mem>> -> memref<1x!tpu.dma_semaphore, #tpu.memory_space<semaphore_mem>>
    %dma_wait3A_225 = tpu.memref_squeeze %dma_wait3A_224 : memref<1x!tpu.dma_semaphore, #tpu.memory_space<semaphore_mem>> -> memref<!tpu.dma_semaphore, #tpu.memory_space<semaphore_mem>>
    %dma_wait3A_226 = arith.constant 0 : i32
    %dma_wait3A_227 = arith.constant 0 : i32
    %dma_wait3A_228 = tpu.memref_slice %arg17[%dma_wait3A_222, %dma_wait3A_226, %dma_wait3A_227] : memref<3x1024x1024xf32, #tpu.memory_space<vmem>> -> memref<1x1024x1024xf32, #tpu.memory_space<vmem>>
    %dma_wait3A_229 = tpu.memref_squeeze %dma_wait3A_228 : memref<1x1024x1024xf32, #tpu.memory_space<vmem>> -> memref<1024x1024xf32, #tpu.memory_space<vmem>>
    %dma_wait3A_230 = arith.constant 0 : i32
    %dma_wait3A_231 = arith.constant 0 : i32
    %dma_wait3A_232 = tpu.memref_slice %arg9[%dma_wait3A_220, %dma_wait3A_221, %dma_wait3A_230, %dma_wait3A_231] : memref<2x8x1024x1024xf32, #tpu.memory_space<hbm>> -> memref<1x1x1024x1024xf32, #tpu.memory_space<hbm>>
    %dma_wait3A_233 = tpu.memref_squeeze %dma_wait3A_232 : memref<1x1x1024x1024xf32, #tpu.memory_space<hbm>> -> memref<1024x1024xf32, #tpu.memory_space<hbm>>
    tpu.wait_dma2 semaphore(%dma_wait3A_225 : memref<!tpu.dma_semaphore, #tpu.memory_space<semaphore_mem>>) src(%dma_wait3A_233 : memref<1024x1024xf32, #tpu.memory_space<hbm>>) dst(%dma_wait3A_229 : memref<1024x1024xf32, #tpu.memory_space<vmem>>)
    %get3A_234 = arith.constant 160 : index
    %get3A_235 = arith.constant 0 : index
    %get3A_236 = vector.load %arg2[%get3A_234, %get3A_235] : memref<1280x1024xf32, #tpu.memory_space<vmem>>, vector<160x1024xf32>
    %get3A_237 = arith.constant 1 : index
    %get3A_238 = arith.constant 0 : index
    %get3A_239 = arith.constant 0 : index
    %get3A_240 = vector.load %arg16[%get3A_237, %get3A_238, %get3A_239] : memref<3x1024x1024xf32, #tpu.memory_space<vmem>>, vector<1x1024x1024xf32>
    %get3A_241 = vector.shape_cast %get3A_240 : vector<1x1024x1024xf32> to vector<1024x1024xf32>
    %dot_general3A_242 = arith.constant dense<0.000000e+00> : vector<160x1024xf32>
    %dot_general3A_243 = tpu.matmul %get3A_236, %get3A_241, %dot_general3A_242 {dimension_numbers = #tpu.dot_dimension_numbers<[1], [0], [0], [1], [0, 0, 1, 1], [], []>, transpose_lhs_hint = false} : vector<160x1024xf32>, vector<1024x1024xf32>, vector<160x1024xf32> -> vector<160x1024xf32>
    %neg3A_244 = arith.constant 0.000000e+00 : f32
    %neg3A_245 = vector.broadcast %neg3A_244 : f32 to vector<160x1024xf32>
    %neg3A_246 = arith.subf %neg3A_245, %dot_general3A_243 : vector<160x1024xf32>
    %exp3A_247 = math.exp %neg3A_246 : vector<160x1024xf32>
    %add3A_248 = arith.constant 1.000000e+00 : f32
    %add3A_249 = vector.broadcast %add3A_248 : f32 to vector<160x1024xf32>
    %add3A_250 = arith.addf %add3A_249, %exp3A_247 : vector<160x1024xf32>
    %div3A_251 = arith.constant 1.000000e+00 : f32
    %div3A_252 = vector.broadcast %div3A_251 : f32 to vector<160x1024xf32>
    %div3A_253 = arith.divf %div3A_252, %add3A_250 : vector<160x1024xf32>
    %mul3A_254 = arith.mulf %dot_general3A_243, %div3A_253 : vector<160x1024xf32>
    %get3A_255 = arith.constant 1 : index
    %get3A_256 = arith.constant 0 : index
    %get3A_257 = arith.constant 0 : index
    %get3A_258 = vector.load %arg17[%get3A_255, %get3A_256, %get3A_257] : memref<3x1024x1024xf32, #tpu.memory_space<vmem>>, vector<1x1024x1024xf32>
    %get3A_259 = vector.shape_cast %get3A_258 : vector<1x1024x1024xf32> to vector<1024x1024xf32>
    %dot_general3A_260 = arith.constant dense<0.000000e+00> : vector<160x1024xf32>
    %dot_general3A_261 = tpu.matmul %mul3A_254, %get3A_259, %dot_general3A_260 {dimension_numbers = #tpu.dot_dimension_numbers<[1], [0], [0], [1], [0, 0, 1, 1], [], []>, transpose_lhs_hint = false} : vector<160x1024xf32>, vector<1024x1024xf32>, vector<160x1024xf32> -> vector<160x1024xf32>
    %eq3A_262 = arith.constant 1 : i32
    %eq3A_263 = vector.broadcast %eq3A_262 : i32 to vector<512x1xi32>
    %eq3A_264 = arith.cmpi eq, %convert_element_type3A, %eq3A_263 : vector<512x1xi32>
    %eq3A_265 = vector.broadcast %convert_element_type3A_75 : vector<512x1xi32> to vector<512x160xi32>
    %eq3A_266 = arith.cmpi eq, %eq3A_265, %iota3A : vector<512x160xi32>
    %and3A_267 = vector.broadcast %eq3A_264 : vector<512x1xi1> to vector<512x160xi1>
    %and3A_268 = arith.andi %and3A_267, %eq3A_266 : vector<512x160xi1>
    %convert_element_type3A_269 = arith.extui %and3A_268 : vector<512x160xi1> to vector<512x160xi32>
    %convert_element_type3A_270 = arith.sitofp %convert_element_type3A_269 : vector<512x160xi32> to vector<512x160xf32>
    %eq3A_271 = arith.constant 1 : i32
    %eq3A_272 = vector.broadcast %eq3A_271 : i32 to vector<512x1xi32>
    %eq3A_273 = arith.cmpi eq, %convert_element_type3A_73, %eq3A_272 : vector<512x1xi32>
    %eq3A_274 = vector.broadcast %convert_element_type3A_77 : vector<512x1xi32> to vector<512x160xi32>
    %eq3A_275 = arith.cmpi eq, %eq3A_274, %iota3A : vector<512x160xi32>
    %and3A_276 = vector.broadcast %eq3A_273 : vector<512x1xi1> to vector<512x160xi1>
    %and3A_277 = arith.andi %and3A_276, %eq3A_275 : vector<512x160xi1>
    %convert_element_type3A_278 = arith.extui %and3A_277 : vector<512x160xi1> to vector<512x160xi32>
    %convert_element_type3A_279 = arith.sitofp %convert_element_type3A_278 : vector<512x160xi32> to vector<512x160xf32>
    %mul3A_280 = vector.broadcast %slice3A : vector<512x1xf32> to vector<512x160xf32>
    %mul3A_281 = arith.mulf %mul3A_280, %convert_element_type3A_270 : vector<512x160xf32>
    %mul3A_282 = vector.broadcast %slice3A_70 : vector<512x1xf32> to vector<512x160xf32>
    %mul3A_283 = arith.mulf %mul3A_282, %convert_element_type3A_279 : vector<512x160xf32>
    %add3A_284 = arith.addf %mul3A_281, %mul3A_283 : vector<512x160xf32>
    %dot_general3A_285 = arith.constant dense<0.000000e+00> : vector<512x1024xf32>
    %dot_general3A_286 = tpu.matmul %add3A_284, %dot_general3A_261, %dot_general3A_285 {dimension_numbers = #tpu.dot_dimension_numbers<[1], [0], [0], [1], [0, 0, 1, 1], [], []>, transpose_lhs_hint = false} : vector<512x160xf32>, vector<160x1024xf32>, vector<512x1024xf32> -> vector<512x1024xf32>
    %add3A_287 = arith.addf %dot_general3A_177, %dot_general3A_286 : vector<512x1024xf32>
    %dma_start3A_288 = arith.constant 0 : i32
    %dma_start3A_289 = arith.constant 4 : i32
    %dma_start3A_290 = arith.constant 1 : i32
    %dma_start3A_291 = arith.constant 1 : i32
    %dma_start3A_292 = tpu.memref_slice %arg20[%dma_start3A_291] : memref<3x!tpu.dma_semaphore, #tpu.memory_space<semaphore_mem>> -> memref<1x!tpu.dma_semaphore, #tpu.memory_space<semaphore_mem>>
    %dma_start3A_293 = tpu.memref_squeeze %dma_start3A_292 : memref<1x!tpu.dma_semaphore, #tpu.memory_space<semaphore_mem>> -> memref<!tpu.dma_semaphore, #tpu.memory_space<semaphore_mem>>
    %dma_start3A_294 = arith.constant 0 : i32
    %dma_start3A_295 = arith.constant 0 : i32
    %dma_start3A_296 = tpu.memref_slice %arg16[%dma_start3A_290, %dma_start3A_294, %dma_start3A_295] : memref<3x1024x1024xf32, #tpu.memory_space<vmem>> -> memref<1x1024x1024xf32, #tpu.memory_space<vmem>>
    %dma_start3A_297 = tpu.memref_squeeze %dma_start3A_296 : memref<1x1024x1024xf32, #tpu.memory_space<vmem>> -> memref<1024x1024xf32, #tpu.memory_space<vmem>>
    %dma_start3A_298 = arith.constant 0 : i32
    %dma_start3A_299 = arith.constant 0 : i32
    %dma_start3A_300 = tpu.memref_slice %arg8[%dma_start3A_288, %dma_start3A_289, %dma_start3A_298, %dma_start3A_299] : memref<2x8x1024x1024xf32, #tpu.memory_space<hbm>> -> memref<1x1x1024x1024xf32, #tpu.memory_space<hbm>>
    %dma_start3A_301 = tpu.memref_squeeze %dma_start3A_300 : memref<1x1x1024x1024xf32, #tpu.memory_space<hbm>> -> memref<1024x1024xf32, #tpu.memory_space<hbm>>
    tpu.enqueue_dma source(%dma_start3A_301 : memref<1024x1024xf32, #tpu.memory_space<hbm>>) target(%dma_start3A_297 : memref<1024x1024xf32, #tpu.memory_space<vmem>>) target_semaphore(%dma_start3A_293 : memref<!tpu.dma_semaphore, #tpu.memory_space<semaphore_mem>>)
    %dma_start3A_302 = arith.constant 0 : i32
    %dma_start3A_303 = arith.constant 4 : i32
    %dma_start3A_304 = arith.constant 1 : i32
    %dma_start3A_305 = arith.constant 1 : i32
    %dma_start3A_306 = tpu.memref_slice %arg21[%dma_start3A_305] : memref<3x!tpu.dma_semaphore, #tpu.memory_space<semaphore_mem>> -> memref<1x!tpu.dma_semaphore, #tpu.memory_space<semaphore_mem>>
    %dma_start3A_307 = tpu.memref_squeeze %dma_start3A_306 : memref<1x!tpu.dma_semaphore, #tpu.memory_space<semaphore_mem>> -> memref<!tpu.dma_semaphore, #tpu.memory_space<semaphore_mem>>
    %dma_start3A_308 = arith.constant 0 : i32
    %dma_start3A_309 = arith.constant 0 : i32
    %dma_start3A_310 = tpu.memref_slice %arg17[%dma_start3A_304, %dma_start3A_308, %dma_start3A_309] : memref<3x1024x1024xf32, #tpu.memory_space<vmem>> -> memref<1x1024x1024xf32, #tpu.memory_space<vmem>>
    %dma_start3A_311 = tpu.memref_squeeze %dma_start3A_310 : memref<1x1024x1024xf32, #tpu.memory_space<vmem>> -> memref<1024x1024xf32, #tpu.memory_space<vmem>>
    %dma_start3A_312 = arith.constant 0 : i32
    %dma_start3A_313 = arith.constant 0 : i32
    %dma_start3A_314 = tpu.memref_slice %arg9[%dma_start3A_302, %dma_start3A_303, %dma_start3A_312, %dma_start3A_313] : memref<2x8x1024x1024xf32, #tpu.memory_space<hbm>> -> memref<1x1x1024x1024xf32, #tpu.memory_space<hbm>>
    %dma_start3A_315 = tpu.memref_squeeze %dma_start3A_314 : memref<1x1x1024x1024xf32, #tpu.memory_space<hbm>> -> memref<1024x1024xf32, #tpu.memory_space<hbm>>
    tpu.enqueue_dma source(%dma_start3A_315 : memref<1024x1024xf32, #tpu.memory_space<hbm>>) target(%dma_start3A_311 : memref<1024x1024xf32, #tpu.memory_space<vmem>>) target_semaphore(%dma_start3A_307 : memref<!tpu.dma_semaphore, #tpu.memory_space<semaphore_mem>>)
    %dma_wait3A_316 = arith.constant 0 : i32
    %dma_wait3A_317 = arith.constant 2 : i32
    %dma_wait3A_318 = arith.constant 2 : i32
    %dma_wait3A_319 = arith.constant 2 : i32
    %dma_wait3A_320 = tpu.memref_slice %arg20[%dma_wait3A_319] : memref<3x!tpu.dma_semaphore, #tpu.memory_space<semaphore_mem>> -> memref<1x!tpu.dma_semaphore, #tpu.memory_space<semaphore_mem>>
    %dma_wait3A_321 = tpu.memref_squeeze %dma_wait3A_320 : memref<1x!tpu.dma_semaphore, #tpu.memory_space<semaphore_mem>> -> memref<!tpu.dma_semaphore, #tpu.memory_space<semaphore_mem>>
    %dma_wait3A_322 = arith.constant 0 : i32
    %dma_wait3A_323 = arith.constant 0 : i32
    %dma_wait3A_324 = tpu.memref_slice %arg16[%dma_wait3A_318, %dma_wait3A_322, %dma_wait3A_323] : memref<3x1024x1024xf32, #tpu.memory_space<vmem>> -> memref<1x1024x1024xf32, #tpu.memory_space<vmem>>
    %dma_wait3A_325 = tpu.memref_squeeze %dma_wait3A_324 : memref<1x1024x1024xf32, #tpu.memory_space<vmem>> -> memref<1024x1024xf32, #tpu.memory_space<vmem>>
    %dma_wait3A_326 = arith.constant 0 : i32
    %dma_wait3A_327 = arith.constant 0 : i32
    %dma_wait3A_328 = tpu.memref_slice %arg8[%dma_wait3A_316, %dma_wait3A_317, %dma_wait3A_326, %dma_wait3A_327] : memref<2x8x1024x1024xf32, #tpu.memory_space<hbm>> -> memref<1x1x1024x1024xf32, #tpu.memory_space<hbm>>
    %dma_wait3A_329 = tpu.memref_squeeze %dma_wait3A_328 : memref<1x1x1024x1024xf32, #tpu.memory_space<hbm>> -> memref<1024x1024xf32, #tpu.memory_space<hbm>>
    tpu.wait_dma2 semaphore(%dma_wait3A_321 : memref<!tpu.dma_semaphore, #tpu.memory_space<semaphore_mem>>) src(%dma_wait3A_329 : memref<1024x1024xf32, #tpu.memory_space<hbm>>) dst(%dma_wait3A_325 : memref<1024x1024xf32, #tpu.memory_space<vmem>>)
    %dma_wait3A_330 = arith.constant 0 : i32
    %dma_wait3A_331 = arith.constant 2 : i32
    %dma_wait3A_332 = arith.constant 2 : i32
    %dma_wait3A_333 = arith.constant 2 : i32
    %dma_wait3A_334 = tpu.memref_slice %arg21[%dma_wait3A_333] : memref<3x!tpu.dma_semaphore, #tpu.memory_space<semaphore_mem>> -> memref<1x!tpu.dma_semaphore, #tpu.memory_space<semaphore_mem>>
    %dma_wait3A_335 = tpu.memref_squeeze %dma_wait3A_334 : memref<1x!tpu.dma_semaphore, #tpu.memory_space<semaphore_mem>> -> memref<!tpu.dma_semaphore, #tpu.memory_space<semaphore_mem>>
    %dma_wait3A_336 = arith.constant 0 : i32
    %dma_wait3A_337 = arith.constant 0 : i32
    %dma_wait3A_338 = tpu.memref_slice %arg17[%dma_wait3A_332, %dma_wait3A_336, %dma_wait3A_337] : memref<3x1024x1024xf32, #tpu.memory_space<vmem>> -> memref<1x1024x1024xf32, #tpu.memory_space<vmem>>
    %dma_wait3A_339 = tpu.memref_squeeze %dma_wait3A_338 : memref<1x1024x1024xf32, #tpu.memory_space<vmem>> -> memref<1024x1024xf32, #tpu.memory_space<vmem>>
    %dma_wait3A_340 = arith.constant 0 : i32
    %dma_wait3A_341 = arith.constant 0 : i32
    %dma_wait3A_342 = tpu.memref_slice %arg9[%dma_wait3A_330, %dma_wait3A_331, %dma_wait3A_340, %dma_wait3A_341] : memref<2x8x1024x1024xf32, #tpu.memory_space<hbm>> -> memref<1x1x1024x1024xf32, #tpu.memory_space<hbm>>
    %dma_wait3A_343 = tpu.memref_squeeze %dma_wait3A_342 : memref<1x1x1024x1024xf32, #tpu.memory_space<hbm>> -> memref<1024x1024xf32, #tpu.memory_space<hbm>>
    tpu.wait_dma2 semaphore(%dma_wait3A_335 : memref<!tpu.dma_semaphore, #tpu.memory_space<semaphore_mem>>) src(%dma_wait3A_343 : memref<1024x1024xf32, #tpu.memory_space<hbm>>) dst(%dma_wait3A_339 : memref<1024x1024xf32, #tpu.memory_space<vmem>>)
    %get3A_344 = arith.constant 320 : index
    %get3A_345 = arith.constant 0 : index
    %get3A_346 = vector.load %arg2[%get3A_344, %get3A_345] : memref<1280x1024xf32, #tpu.memory_space<vmem>>, vector<160x1024xf32>
    %get3A_347 = arith.constant 2 : index
    %get3A_348 = arith.constant 0 : index
    %get3A_349 = arith.constant 0 : index
    %get3A_350 = vector.load %arg16[%get3A_347, %get3A_348, %get3A_349] : memref<3x1024x1024xf32, #tpu.memory_space<vmem>>, vector<1x1024x1024xf32>
    %get3A_351 = vector.shape_cast %get3A_350 : vector<1x1024x1024xf32> to vector<1024x1024xf32>
    %dot_general3A_352 = arith.constant dense<0.000000e+00> : vector<160x1024xf32>
    %dot_general3A_353 = tpu.matmul %get3A_346, %get3A_351, %dot_general3A_352 {dimension_numbers = #tpu.dot_dimension_numbers<[1], [0], [0], [1], [0, 0, 1, 1], [], []>, transpose_lhs_hint = false} : vector<160x1024xf32>, vector<1024x1024xf32>, vector<160x1024xf32> -> vector<160x1024xf32>
    %neg3A_354 = arith.constant 0.000000e+00 : f32
    %neg3A_355 = vector.broadcast %neg3A_354 : f32 to vector<160x1024xf32>
    %neg3A_356 = arith.subf %neg3A_355, %dot_general3A_353 : vector<160x1024xf32>
    %exp3A_357 = math.exp %neg3A_356 : vector<160x1024xf32>
    %add3A_358 = arith.constant 1.000000e+00 : f32
    %add3A_359 = vector.broadcast %add3A_358 : f32 to vector<160x1024xf32>
    %add3A_360 = arith.addf %add3A_359, %exp3A_357 : vector<160x1024xf32>
    %div3A_361 = arith.constant 1.000000e+00 : f32
    %div3A_362 = vector.broadcast %div3A_361 : f32 to vector<160x1024xf32>
    %div3A_363 = arith.divf %div3A_362, %add3A_360 : vector<160x1024xf32>
    %mul3A_364 = arith.mulf %dot_general3A_353, %div3A_363 : vector<160x1024xf32>
    %get3A_365 = arith.constant 2 : index
    %get3A_366 = arith.constant 0 : index
    %get3A_367 = arith.constant 0 : index
    %get3A_368 = vector.load %arg17[%get3A_365, %get3A_366, %get3A_367] : memref<3x1024x1024xf32, #tpu.memory_space<vmem>>, vector<1x1024x1024xf32>
    %get3A_369 = vector.shape_cast %get3A_368 : vector<1x1024x1024xf32> to vector<1024x1024xf32>
    %dot_general3A_370 = arith.constant dense<0.000000e+00> : vector<160x1024xf32>
    %dot_general3A_371 = tpu.matmul %mul3A_364, %get3A_369, %dot_general3A_370 {dimension_numbers = #tpu.dot_dimension_numbers<[1], [0], [0], [1], [0, 0, 1, 1], [], []>, transpose_lhs_hint = false} : vector<160x1024xf32>, vector<1024x1024xf32>, vector<160x1024xf32> -> vector<160x1024xf32>
    %eq3A_372 = arith.constant 2 : i32
    %eq3A_373 = vector.broadcast %eq3A_372 : i32 to vector<512x1xi32>
    %eq3A_374 = arith.cmpi eq, %convert_element_type3A, %eq3A_373 : vector<512x1xi32>
    %eq3A_375 = vector.broadcast %convert_element_type3A_75 : vector<512x1xi32> to vector<512x160xi32>
    %eq3A_376 = arith.cmpi eq, %eq3A_375, %iota3A : vector<512x160xi32>
    %and3A_377 = vector.broadcast %eq3A_374 : vector<512x1xi1> to vector<512x160xi1>
    %and3A_378 = arith.andi %and3A_377, %eq3A_376 : vector<512x160xi1>
    %convert_element_type3A_379 = arith.extui %and3A_378 : vector<512x160xi1> to vector<512x160xi32>
    %convert_element_type3A_380 = arith.sitofp %convert_element_type3A_379 : vector<512x160xi32> to vector<512x160xf32>
    %eq3A_381 = arith.constant 2 : i32
    %eq3A_382 = vector.broadcast %eq3A_381 : i32 to vector<512x1xi32>
    %eq3A_383 = arith.cmpi eq, %convert_element_type3A_73, %eq3A_382 : vector<512x1xi32>
    %eq3A_384 = vector.broadcast %convert_element_type3A_77 : vector<512x1xi32> to vector<512x160xi32>
    %eq3A_385 = arith.cmpi eq, %eq3A_384, %iota3A : vector<512x160xi32>
    %and3A_386 = vector.broadcast %eq3A_383 : vector<512x1xi1> to vector<512x160xi1>
    %and3A_387 = arith.andi %and3A_386, %eq3A_385 : vector<512x160xi1>
    %convert_element_type3A_388 = arith.extui %and3A_387 : vector<512x160xi1> to vector<512x160xi32>
    %convert_element_type3A_389 = arith.sitofp %convert_element_type3A_388 : vector<512x160xi32> to vector<512x160xf32>
    %mul3A_390 = vector.broadcast %slice3A : vector<512x1xf32> to vector<512x160xf32>
    %mul3A_391 = arith.mulf %mul3A_390, %convert_element_type3A_380 : vector<512x160xf32>
    %mul3A_392 = vector.broadcast %slice3A_70 : vector<512x1xf32> to vector<512x160xf32>
    %mul3A_393 = arith.mulf %mul3A_392, %convert_element_type3A_389 : vector<512x160xf32>
    %add3A_394 = arith.addf %mul3A_391, %mul3A_393 : vector<512x160xf32>
    %dot_general3A_395 = arith.constant dense<0.000000e+00> : vector<512x1024xf32>
    %dot_general3A_396 = tpu.matmul %add3A_394, %dot_general3A_371, %dot_general3A_395 {dimension_numbers = #tpu.dot_dimension_numbers<[1], [0], [0], [1], [0, 0, 1, 1], [], []>, transpose_lhs_hint = false} : vector<512x160xf32>, vector<160x1024xf32>, vector<512x1024xf32> -> vector<512x1024xf32>
    %add3A_397 = arith.addf %add3A_287, %dot_general3A_396 : vector<512x1024xf32>
    %dma_start3A_398 = arith.constant 0 : i32
    %dma_start3A_399 = arith.constant 5 : i32
    %dma_start3A_400 = arith.constant 2 : i32
    %dma_start3A_401 = arith.constant 2 : i32
    %dma_start3A_402 = tpu.memref_slice %arg20[%dma_start3A_401] : memref<3x!tpu.dma_semaphore, #tpu.memory_space<semaphore_mem>> -> memref<1x!tpu.dma_semaphore, #tpu.memory_space<semaphore_mem>>
    %dma_start3A_403 = tpu.memref_squeeze %dma_start3A_402 : memref<1x!tpu.dma_semaphore, #tpu.memory_space<semaphore_mem>> -> memref<!tpu.dma_semaphore, #tpu.memory_space<semaphore_mem>>
    %dma_start3A_404 = arith.constant 0 : i32
    %dma_start3A_405 = arith.constant 0 : i32
    %dma_start3A_406 = tpu.memref_slice %arg16[%dma_start3A_400, %dma_start3A_404, %dma_start3A_405] : memref<3x1024x1024xf32, #tpu.memory_space<vmem>> -> memref<1x1024x1024xf32, #tpu.memory_space<vmem>>
    %dma_start3A_407 = tpu.memref_squeeze %dma_start3A_406 : memref<1x1024x1024xf32, #tpu.memory_space<vmem>> -> memref<1024x1024xf32, #tpu.memory_space<vmem>>
    %dma_start3A_408 = arith.constant 0 : i32
    %dma_start3A_409 = arith.constant 0 : i32
    %dma_start3A_410 = tpu.memref_slice %arg8[%dma_start3A_398, %dma_start3A_399, %dma_start3A_408, %dma_start3A_409] : memref<2x8x1024x1024xf32, #tpu.memory_space<hbm>> -> memref<1x1x1024x1024xf32, #tpu.memory_space<hbm>>
    %dma_start3A_411 = tpu.memref_squeeze %dma_start3A_410 : memref<1x1x1024x1024xf32, #tpu.memory_space<hbm>> -> memref<1024x1024xf32, #tpu.memory_space<hbm>>
    tpu.enqueue_dma source(%dma_start3A_411 : memref<1024x1024xf32, #tpu.memory_space<hbm>>) target(%dma_start3A_407 : memref<1024x1024xf32, #tpu.memory_space<vmem>>) target_semaphore(%dma_start3A_403 : memref<!tpu.dma_semaphore, #tpu.memory_space<semaphore_mem>>)
    %dma_start3A_412 = arith.constant 0 : i32
    %dma_start3A_413 = arith.constant 5 : i32
    %dma_start3A_414 = arith.constant 2 : i32
    %dma_start3A_415 = arith.constant 2 : i32
    %dma_start3A_416 = tpu.memref_slice %arg21[%dma_start3A_415] : memref<3x!tpu.dma_semaphore, #tpu.memory_space<semaphore_mem>> -> memref<1x!tpu.dma_semaphore, #tpu.memory_space<semaphore_mem>>
    %dma_start3A_417 = tpu.memref_squeeze %dma_start3A_416 : memref<1x!tpu.dma_semaphore, #tpu.memory_space<semaphore_mem>> -> memref<!tpu.dma_semaphore, #tpu.memory_space<semaphore_mem>>
    %dma_start3A_418 = arith.constant 0 : i32
    %dma_start3A_419 = arith.constant 0 : i32
    %dma_start3A_420 = tpu.memref_slice %arg17[%dma_start3A_414, %dma_start3A_418, %dma_start3A_419] : memref<3x1024x1024xf32, #tpu.memory_space<vmem>> -> memref<1x1024x1024xf32, #tpu.memory_space<vmem>>
    %dma_start3A_421 = tpu.memref_squeeze %dma_start3A_420 : memref<1x1024x1024xf32, #tpu.memory_space<vmem>> -> memref<1024x1024xf32, #tpu.memory_space<vmem>>
    %dma_start3A_422 = arith.constant 0 : i32
    %dma_start3A_423 = arith.constant 0 : i32
    %dma_start3A_424 = tpu.memref_slice %arg9[%dma_start3A_412, %dma_start3A_413, %dma_start3A_422, %dma_start3A_423] : memref<2x8x1024x1024xf32, #tpu.memory_space<hbm>> -> memref<1x1x1024x1024xf32, #tpu.memory_space<hbm>>
    %dma_start3A_425 = tpu.memref_squeeze %dma_start3A_424 : memref<1x1x1024x1024xf32, #tpu.memory_space<hbm>> -> memref<1024x1024xf32, #tpu.memory_space<hbm>>
    tpu.enqueue_dma source(%dma_start3A_425 : memref<1024x1024xf32, #tpu.memory_space<hbm>>) target(%dma_start3A_421 : memref<1024x1024xf32, #tpu.memory_space<vmem>>) target_semaphore(%dma_start3A_417 : memref<!tpu.dma_semaphore, #tpu.memory_space<semaphore_mem>>)
    %dma_wait3A_426 = arith.constant 0 : i32
    %dma_wait3A_427 = arith.constant 3 : i32
    %dma_wait3A_428 = arith.constant 0 : i32
    %dma_wait3A_429 = arith.constant 0 : i32
    %dma_wait3A_430 = tpu.memref_slice %arg20[%dma_wait3A_429] : memref<3x!tpu.dma_semaphore, #tpu.memory_space<semaphore_mem>> -> memref<1x!tpu.dma_semaphore, #tpu.memory_space<semaphore_mem>>
    %dma_wait3A_431 = tpu.memref_squeeze %dma_wait3A_430 : memref<1x!tpu.dma_semaphore, #tpu.memory_space<semaphore_mem>> -> memref<!tpu.dma_semaphore, #tpu.memory_space<semaphore_mem>>
    %dma_wait3A_432 = arith.constant 0 : i32
    %dma_wait3A_433 = arith.constant 0 : i32
    %dma_wait3A_434 = tpu.memref_slice %arg16[%dma_wait3A_428, %dma_wait3A_432, %dma_wait3A_433] : memref<3x1024x1024xf32, #tpu.memory_space<vmem>> -> memref<1x1024x1024xf32, #tpu.memory_space<vmem>>
    %dma_wait3A_435 = tpu.memref_squeeze %dma_wait3A_434 : memref<1x1024x1024xf32, #tpu.memory_space<vmem>> -> memref<1024x1024xf32, #tpu.memory_space<vmem>>
    %dma_wait3A_436 = arith.constant 0 : i32
    %dma_wait3A_437 = arith.constant 0 : i32
    %dma_wait3A_438 = tpu.memref_slice %arg8[%dma_wait3A_426, %dma_wait3A_427, %dma_wait3A_436, %dma_wait3A_437] : memref<2x8x1024x1024xf32, #tpu.memory_space<hbm>> -> memref<1x1x1024x1024xf32, #tpu.memory_space<hbm>>
    %dma_wait3A_439 = tpu.memref_squeeze %dma_wait3A_438 : memref<1x1x1024x1024xf32, #tpu.memory_space<hbm>> -> memref<1024x1024xf32, #tpu.memory_space<hbm>>
    tpu.wait_dma2 semaphore(%dma_wait3A_431 : memref<!tpu.dma_semaphore, #tpu.memory_space<semaphore_mem>>) src(%dma_wait3A_439 : memref<1024x1024xf32, #tpu.memory_space<hbm>>) dst(%dma_wait3A_435 : memref<1024x1024xf32, #tpu.memory_space<vmem>>)
    %dma_wait3A_440 = arith.constant 0 : i32
    %dma_wait3A_441 = arith.constant 3 : i32
    %dma_wait3A_442 = arith.constant 0 : i32
    %dma_wait3A_443 = arith.constant 0 : i32
    %dma_wait3A_444 = tpu.memref_slice %arg21[%dma_wait3A_443] : memref<3x!tpu.dma_semaphore, #tpu.memory_space<semaphore_mem>> -> memref<1x!tpu.dma_semaphore, #tpu.memory_space<semaphore_mem>>
    %dma_wait3A_445 = tpu.memref_squeeze %dma_wait3A_444 : memref<1x!tpu.dma_semaphore, #tpu.memory_space<semaphore_mem>> -> memref<!tpu.dma_semaphore, #tpu.memory_space<semaphore_mem>>
    %dma_wait3A_446 = arith.constant 0 : i32
    %dma_wait3A_447 = arith.constant 0 : i32
    %dma_wait3A_448 = tpu.memref_slice %arg17[%dma_wait3A_442, %dma_wait3A_446, %dma_wait3A_447] : memref<3x1024x1024xf32, #tpu.memory_space<vmem>> -> memref<1x1024x1024xf32, #tpu.memory_space<vmem>>
    %dma_wait3A_449 = tpu.memref_squeeze %dma_wait3A_448 : memref<1x1024x1024xf32, #tpu.memory_space<vmem>> -> memref<1024x1024xf32, #tpu.memory_space<vmem>>
    %dma_wait3A_450 = arith.constant 0 : i32
    %dma_wait3A_451 = arith.constant 0 : i32
    %dma_wait3A_452 = tpu.memref_slice %arg9[%dma_wait3A_440, %dma_wait3A_441, %dma_wait3A_450, %dma_wait3A_451] : memref<2x8x1024x1024xf32, #tpu.memory_space<hbm>> -> memref<1x1x1024x1024xf32, #tpu.memory_space<hbm>>
    %dma_wait3A_453 = tpu.memref_squeeze %dma_wait3A_452 : memref<1x1x1024x1024xf32, #tpu.memory_space<hbm>> -> memref<1024x1024xf32, #tpu.memory_space<hbm>>
    tpu.wait_dma2 semaphore(%dma_wait3A_445 : memref<!tpu.dma_semaphore, #tpu.memory_space<semaphore_mem>>) src(%dma_wait3A_453 : memref<1024x1024xf32, #tpu.memory_space<hbm>>) dst(%dma_wait3A_449 : memref<1024x1024xf32, #tpu.memory_space<vmem>>)
    %get3A_454 = arith.constant 480 : index
    %get3A_455 = arith.constant 0 : index
    %get3A_456 = vector.load %arg2[%get3A_454, %get3A_455] : memref<1280x1024xf32, #tpu.memory_space<vmem>>, vector<160x1024xf32>
    %get3A_457 = arith.constant 0 : index
    %get3A_458 = arith.constant 0 : index
    %get3A_459 = arith.constant 0 : index
    %get3A_460 = vector.load %arg16[%get3A_457, %get3A_458, %get3A_459] : memref<3x1024x1024xf32, #tpu.memory_space<vmem>>, vector<1x1024x1024xf32>
    %get3A_461 = vector.shape_cast %get3A_460 : vector<1x1024x1024xf32> to vector<1024x1024xf32>
    %dot_general3A_462 = arith.constant dense<0.000000e+00> : vector<160x1024xf32>
    %dot_general3A_463 = tpu.matmul %get3A_456, %get3A_461, %dot_general3A_462 {dimension_numbers = #tpu.dot_dimension_numbers<[1], [0], [0], [1], [0, 0, 1, 1], [], []>, transpose_lhs_hint = false} : vector<160x1024xf32>, vector<1024x1024xf32>, vector<160x1024xf32> -> vector<160x1024xf32>
    %neg3A_464 = arith.constant 0.000000e+00 : f32
    %neg3A_465 = vector.broadcast %neg3A_464 : f32 to vector<160x1024xf32>
    %neg3A_466 = arith.subf %neg3A_465, %dot_general3A_463 : vector<160x1024xf32>
    %exp3A_467 = math.exp %neg3A_466 : vector<160x1024xf32>
    %add3A_468 = arith.constant 1.000000e+00 : f32
    %add3A_469 = vector.broadcast %add3A_468 : f32 to vector<160x1024xf32>
    %add3A_470 = arith.addf %add3A_469, %exp3A_467 : vector<160x1024xf32>
    %div3A_471 = arith.constant 1.000000e+00 : f32
    %div3A_472 = vector.broadcast %div3A_471 : f32 to vector<160x1024xf32>
    %div3A_473 = arith.divf %div3A_472, %add3A_470 : vector<160x1024xf32>
    %mul3A_474 = arith.mulf %dot_general3A_463, %div3A_473 : vector<160x1024xf32>
    %get3A_475 = arith.constant 0 : index
    %get3A_476 = arith.constant 0 : index
    %get3A_477 = arith.constant 0 : index
    %get3A_478 = vector.load %arg17[%get3A_475, %get3A_476, %get3A_477] : memref<3x1024x1024xf32, #tpu.memory_space<vmem>>, vector<1x1024x1024xf32>
    %get3A_479 = vector.shape_cast %get3A_478 : vector<1x1024x1024xf32> to vector<1024x1024xf32>
    %dot_general3A_480 = arith.constant dense<0.000000e+00> : vector<160x1024xf32>
    %dot_general3A_481 = tpu.matmul %mul3A_474, %get3A_479, %dot_general3A_480 {dimension_numbers = #tpu.dot_dimension_numbers<[1], [0], [0], [1], [0, 0, 1, 1], [], []>, transpose_lhs_hint = false} : vector<160x1024xf32>, vector<1024x1024xf32>, vector<160x1024xf32> -> vector<160x1024xf32>
    %eq3A_482 = arith.constant 3 : i32
    %eq3A_483 = vector.broadcast %eq3A_482 : i32 to vector<512x1xi32>
    %eq3A_484 = arith.cmpi eq, %convert_element_type3A, %eq3A_483 : vector<512x1xi32>
    %eq3A_485 = vector.broadcast %convert_element_type3A_75 : vector<512x1xi32> to vector<512x160xi32>
    %eq3A_486 = arith.cmpi eq, %eq3A_485, %iota3A : vector<512x160xi32>
    %and3A_487 = vector.broadcast %eq3A_484 : vector<512x1xi1> to vector<512x160xi1>
    %and3A_488 = arith.andi %and3A_487, %eq3A_486 : vector<512x160xi1>
    %convert_element_type3A_489 = arith.extui %and3A_488 : vector<512x160xi1> to vector<512x160xi32>
    %convert_element_type3A_490 = arith.sitofp %convert_element_type3A_489 : vector<512x160xi32> to vector<512x160xf32>
    %eq3A_491 = arith.constant 3 : i32
    %eq3A_492 = vector.broadcast %eq3A_491 : i32 to vector<512x1xi32>
    %eq3A_493 = arith.cmpi eq, %convert_element_type3A_73, %eq3A_492 : vector<512x1xi32>
    %eq3A_494 = vector.broadcast %convert_element_type3A_77 : vector<512x1xi32> to vector<512x160xi32>
    %eq3A_495 = arith.cmpi eq, %eq3A_494, %iota3A : vector<512x160xi32>
    %and3A_496 = vector.broadcast %eq3A_493 : vector<512x1xi1> to vector<512x160xi1>
    %and3A_497 = arith.andi %and3A_496, %eq3A_495 : vector<512x160xi1>
    %convert_element_type3A_498 = arith.extui %and3A_497 : vector<512x160xi1> to vector<512x160xi32>
    %convert_element_type3A_499 = arith.sitofp %convert_element_type3A_498 : vector<512x160xi32> to vector<512x160xf32>
    %mul3A_500 = vector.broadcast %slice3A : vector<512x1xf32> to vector<512x160xf32>
    %mul3A_501 = arith.mulf %mul3A_500, %convert_element_type3A_490 : vector<512x160xf32>
    %mul3A_502 = vector.broadcast %slice3A_70 : vector<512x1xf32> to vector<512x160xf32>
    %mul3A_503 = arith.mulf %mul3A_502, %convert_element_type3A_499 : vector<512x160xf32>
    %add3A_504 = arith.addf %mul3A_501, %mul3A_503 : vector<512x160xf32>
    %dot_general3A_505 = arith.constant dense<0.000000e+00> : vector<512x1024xf32>
    %dot_general3A_506 = tpu.matmul %add3A_504, %dot_general3A_481, %dot_general3A_505 {dimension_numbers = #tpu.dot_dimension_numbers<[1], [0], [0], [1], [0, 0, 1, 1], [], []>, transpose_lhs_hint = false} : vector<512x160xf32>, vector<160x1024xf32>, vector<512x1024xf32> -> vector<512x1024xf32>
    %add3A_507 = arith.addf %add3A_397, %dot_general3A_506 : vector<512x1024xf32>
    %dma_start3A_508 = arith.constant 0 : i32
    %dma_start3A_509 = arith.constant 6 : i32
    %dma_start3A_510 = arith.constant 0 : i32
    %dma_start3A_511 = arith.constant 0 : i32
    %dma_start3A_512 = tpu.memref_slice %arg20[%dma_start3A_511] : memref<3x!tpu.dma_semaphore, #tpu.memory_space<semaphore_mem>> -> memref<1x!tpu.dma_semaphore, #tpu.memory_space<semaphore_mem>>
    %dma_start3A_513 = tpu.memref_squeeze %dma_start3A_512 : memref<1x!tpu.dma_semaphore, #tpu.memory_space<semaphore_mem>> -> memref<!tpu.dma_semaphore, #tpu.memory_space<semaphore_mem>>
    %dma_start3A_514 = arith.constant 0 : i32
    %dma_start3A_515 = arith.constant 0 : i32
    %dma_start3A_516 = tpu.memref_slice %arg16[%dma_start3A_510, %dma_start3A_514, %dma_start3A_515] : memref<3x1024x1024xf32, #tpu.memory_space<vmem>> -> memref<1x1024x1024xf32, #tpu.memory_space<vmem>>
    %dma_start3A_517 = tpu.memref_squeeze %dma_start3A_516 : memref<1x1024x1024xf32, #tpu.memory_space<vmem>> -> memref<1024x1024xf32, #tpu.memory_space<vmem>>
    %dma_start3A_518 = arith.constant 0 : i32
    %dma_start3A_519 = arith.constant 0 : i32
    %dma_start3A_520 = tpu.memref_slice %arg8[%dma_start3A_508, %dma_start3A_509, %dma_start3A_518, %dma_start3A_519] : memref<2x8x1024x1024xf32, #tpu.memory_space<hbm>> -> memref<1x1x1024x1024xf32, #tpu.memory_space<hbm>>
    %dma_start3A_521 = tpu.memref_squeeze %dma_start3A_520 : memref<1x1x1024x1024xf32, #tpu.memory_space<hbm>> -> memref<1024x1024xf32, #tpu.memory_space<hbm>>
    tpu.enqueue_dma source(%dma_start3A_521 : memref<1024x1024xf32, #tpu.memory_space<hbm>>) target(%dma_start3A_517 : memref<1024x1024xf32, #tpu.memory_space<vmem>>) target_semaphore(%dma_start3A_513 : memref<!tpu.dma_semaphore, #tpu.memory_space<semaphore_mem>>)
    %dma_start3A_522 = arith.constant 0 : i32
    %dma_start3A_523 = arith.constant 6 : i32
    %dma_start3A_524 = arith.constant 0 : i32
    %dma_start3A_525 = arith.constant 0 : i32
    %dma_start3A_526 = tpu.memref_slice %arg21[%dma_start3A_525] : memref<3x!tpu.dma_semaphore, #tpu.memory_space<semaphore_mem>> -> memref<1x!tpu.dma_semaphore, #tpu.memory_space<semaphore_mem>>
    %dma_start3A_527 = tpu.memref_squeeze %dma_start3A_526 : memref<1x!tpu.dma_semaphore, #tpu.memory_space<semaphore_mem>> -> memref<!tpu.dma_semaphore, #tpu.memory_space<semaphore_mem>>
    %dma_start3A_528 = arith.constant 0 : i32
    %dma_start3A_529 = arith.constant 0 : i32
    %dma_start3A_530 = tpu.memref_slice %arg17[%dma_start3A_524, %dma_start3A_528, %dma_start3A_529] : memref<3x1024x1024xf32, #tpu.memory_space<vmem>> -> memref<1x1024x1024xf32, #tpu.memory_space<vmem>>
    %dma_start3A_531 = tpu.memref_squeeze %dma_start3A_530 : memref<1x1024x1024xf32, #tpu.memory_space<vmem>> -> memref<1024x1024xf32, #tpu.memory_space<vmem>>
    %dma_start3A_532 = arith.constant 0 : i32
    %dma_start3A_533 = arith.constant 0 : i32
    %dma_start3A_534 = tpu.memref_slice %arg9[%dma_start3A_522, %dma_start3A_523, %dma_start3A_532, %dma_start3A_533] : memref<2x8x1024x1024xf32, #tpu.memory_space<hbm>> -> memref<1x1x1024x1024xf32, #tpu.memory_space<hbm>>
    %dma_start3A_535 = tpu.memref_squeeze %dma_start3A_534 : memref<1x1x1024x1024xf32, #tpu.memory_space<hbm>> -> memref<1024x1024xf32, #tpu.memory_space<hbm>>
    tpu.enqueue_dma source(%dma_start3A_535 : memref<1024x1024xf32, #tpu.memory_space<hbm>>) target(%dma_start3A_531 : memref<1024x1024xf32, #tpu.memory_space<vmem>>) target_semaphore(%dma_start3A_527 : memref<!tpu.dma_semaphore, #tpu.memory_space<semaphore_mem>>)
    %dma_wait3A_536 = arith.constant 0 : i32
    %dma_wait3A_537 = arith.constant 4 : i32
    %dma_wait3A_538 = arith.constant 1 : i32
    %dma_wait3A_539 = arith.constant 1 : i32
    %dma_wait3A_540 = tpu.memref_slice %arg20[%dma_wait3A_539] : memref<3x!tpu.dma_semaphore, #tpu.memory_space<semaphore_mem>> -> memref<1x!tpu.dma_semaphore, #tpu.memory_space<semaphore_mem>>
    %dma_wait3A_541 = tpu.memref_squeeze %dma_wait3A_540 : memref<1x!tpu.dma_semaphore, #tpu.memory_space<semaphore_mem>> -> memref<!tpu.dma_semaphore, #tpu.memory_space<semaphore_mem>>
    %dma_wait3A_542 = arith.constant 0 : i32
    %dma_wait3A_543 = arith.constant 0 : i32
    %dma_wait3A_544 = tpu.memref_slice %arg16[%dma_wait3A_538, %dma_wait3A_542, %dma_wait3A_543] : memref<3x1024x1024xf32, #tpu.memory_space<vmem>> -> memref<1x1024x1024xf32, #tpu.memory_space<vmem>>
    %dma_wait3A_545 = tpu.memref_squeeze %dma_wait3A_544 : memref<1x1024x1024xf32, #tpu.memory_space<vmem>> -> memref<1024x1024xf32, #tpu.memory_space<vmem>>
    %dma_wait3A_546 = arith.constant 0 : i32
    %dma_wait3A_547 = arith.constant 0 : i32
    %dma_wait3A_548 = tpu.memref_slice %arg8[%dma_wait3A_536, %dma_wait3A_537, %dma_wait3A_546, %dma_wait3A_547] : memref<2x8x1024x1024xf32, #tpu.memory_space<hbm>> -> memref<1x1x1024x1024xf32, #tpu.memory_space<hbm>>
    %dma_wait3A_549 = tpu.memref_squeeze %dma_wait3A_548 : memref<1x1x1024x1024xf32, #tpu.memory_space<hbm>> -> memref<1024x1024xf32, #tpu.memory_space<hbm>>
    tpu.wait_dma2 semaphore(%dma_wait3A_541 : memref<!tpu.dma_semaphore, #tpu.memory_space<semaphore_mem>>) src(%dma_wait3A_549 : memref<1024x1024xf32, #tpu.memory_space<hbm>>) dst(%dma_wait3A_545 : memref<1024x1024xf32, #tpu.memory_space<vmem>>)
    %dma_wait3A_550 = arith.constant 0 : i32
    %dma_wait3A_551 = arith.constant 4 : i32
    %dma_wait3A_552 = arith.constant 1 : i32
    %dma_wait3A_553 = arith.constant 1 : i32
    %dma_wait3A_554 = tpu.memref_slice %arg21[%dma_wait3A_553] : memref<3x!tpu.dma_semaphore, #tpu.memory_space<semaphore_mem>> -> memref<1x!tpu.dma_semaphore, #tpu.memory_space<semaphore_mem>>
    %dma_wait3A_555 = tpu.memref_squeeze %dma_wait3A_554 : memref<1x!tpu.dma_semaphore, #tpu.memory_space<semaphore_mem>> -> memref<!tpu.dma_semaphore, #tpu.memory_space<semaphore_mem>>
    %dma_wait3A_556 = arith.constant 0 : i32
    %dma_wait3A_557 = arith.constant 0 : i32
    %dma_wait3A_558 = tpu.memref_slice %arg17[%dma_wait3A_552, %dma_wait3A_556, %dma_wait3A_557] : memref<3x1024x1024xf32, #tpu.memory_space<vmem>> -> memref<1x1024x1024xf32, #tpu.memory_space<vmem>>
    %dma_wait3A_559 = tpu.memref_squeeze %dma_wait3A_558 : memref<1x1024x1024xf32, #tpu.memory_space<vmem>> -> memref<1024x1024xf32, #tpu.memory_space<vmem>>
    %dma_wait3A_560 = arith.constant 0 : i32
    %dma_wait3A_561 = arith.constant 0 : i32
    %dma_wait3A_562 = tpu.memref_slice %arg9[%dma_wait3A_550, %dma_wait3A_551, %dma_wait3A_560, %dma_wait3A_561] : memref<2x8x1024x1024xf32, #tpu.memory_space<hbm>> -> memref<1x1x1024x1024xf32, #tpu.memory_space<hbm>>
    %dma_wait3A_563 = tpu.memref_squeeze %dma_wait3A_562 : memref<1x1x1024x1024xf32, #tpu.memory_space<hbm>> -> memref<1024x1024xf32, #tpu.memory_space<hbm>>
    tpu.wait_dma2 semaphore(%dma_wait3A_555 : memref<!tpu.dma_semaphore, #tpu.memory_space<semaphore_mem>>) src(%dma_wait3A_563 : memref<1024x1024xf32, #tpu.memory_space<hbm>>) dst(%dma_wait3A_559 : memref<1024x1024xf32, #tpu.memory_space<vmem>>)
    %get3A_564 = arith.constant 640 : index
    %get3A_565 = arith.constant 0 : index
    %get3A_566 = vector.load %arg2[%get3A_564, %get3A_565] : memref<1280x1024xf32, #tpu.memory_space<vmem>>, vector<160x1024xf32>
    %get3A_567 = arith.constant 1 : index
    %get3A_568 = arith.constant 0 : index
    %get3A_569 = arith.constant 0 : index
    %get3A_570 = vector.load %arg16[%get3A_567, %get3A_568, %get3A_569] : memref<3x1024x1024xf32, #tpu.memory_space<vmem>>, vector<1x1024x1024xf32>
    %get3A_571 = vector.shape_cast %get3A_570 : vector<1x1024x1024xf32> to vector<1024x1024xf32>
    %dot_general3A_572 = arith.constant dense<0.000000e+00> : vector<160x1024xf32>
    %dot_general3A_573 = tpu.matmul %get3A_566, %get3A_571, %dot_general3A_572 {dimension_numbers = #tpu.dot_dimension_numbers<[1], [0], [0], [1], [0, 0, 1, 1], [], []>, transpose_lhs_hint = false} : vector<160x1024xf32>, vector<1024x1024xf32>, vector<160x1024xf32> -> vector<160x1024xf32>
    %neg3A_574 = arith.constant 0.000000e+00 : f32
    %neg3A_575 = vector.broadcast %neg3A_574 : f32 to vector<160x1024xf32>
    %neg3A_576 = arith.subf %neg3A_575, %dot_general3A_573 : vector<160x1024xf32>
    %exp3A_577 = math.exp %neg3A_576 : vector<160x1024xf32>
    %add3A_578 = arith.constant 1.000000e+00 : f32
    %add3A_579 = vector.broadcast %add3A_578 : f32 to vector<160x1024xf32>
    %add3A_580 = arith.addf %add3A_579, %exp3A_577 : vector<160x1024xf32>
    %div3A_581 = arith.constant 1.000000e+00 : f32
    %div3A_582 = vector.broadcast %div3A_581 : f32 to vector<160x1024xf32>
    %div3A_583 = arith.divf %div3A_582, %add3A_580 : vector<160x1024xf32>
    %mul3A_584 = arith.mulf %dot_general3A_573, %div3A_583 : vector<160x1024xf32>
    %get3A_585 = arith.constant 1 : index
    %get3A_586 = arith.constant 0 : index
    %get3A_587 = arith.constant 0 : index
    %get3A_588 = vector.load %arg17[%get3A_585, %get3A_586, %get3A_587] : memref<3x1024x1024xf32, #tpu.memory_space<vmem>>, vector<1x1024x1024xf32>
    %get3A_589 = vector.shape_cast %get3A_588 : vector<1x1024x1024xf32> to vector<1024x1024xf32>
    %dot_general3A_590 = arith.constant dense<0.000000e+00> : vector<160x1024xf32>
    %dot_general3A_591 = tpu.matmul %mul3A_584, %get3A_589, %dot_general3A_590 {dimension_numbers = #tpu.dot_dimension_numbers<[1], [0], [0], [1], [0, 0, 1, 1], [], []>, transpose_lhs_hint = false} : vector<160x1024xf32>, vector<1024x1024xf32>, vector<160x1024xf32> -> vector<160x1024xf32>
    %eq3A_592 = arith.constant 4 : i32
    %eq3A_593 = vector.broadcast %eq3A_592 : i32 to vector<512x1xi32>
    %eq3A_594 = arith.cmpi eq, %convert_element_type3A, %eq3A_593 : vector<512x1xi32>
    %eq3A_595 = vector.broadcast %convert_element_type3A_75 : vector<512x1xi32> to vector<512x160xi32>
    %eq3A_596 = arith.cmpi eq, %eq3A_595, %iota3A : vector<512x160xi32>
    %and3A_597 = vector.broadcast %eq3A_594 : vector<512x1xi1> to vector<512x160xi1>
    %and3A_598 = arith.andi %and3A_597, %eq3A_596 : vector<512x160xi1>
    %convert_element_type3A_599 = arith.extui %and3A_598 : vector<512x160xi1> to vector<512x160xi32>
    %convert_element_type3A_600 = arith.sitofp %convert_element_type3A_599 : vector<512x160xi32> to vector<512x160xf32>
    %eq3A_601 = arith.constant 4 : i32
    %eq3A_602 = vector.broadcast %eq3A_601 : i32 to vector<512x1xi32>
    %eq3A_603 = arith.cmpi eq, %convert_element_type3A_73, %eq3A_602 : vector<512x1xi32>
    %eq3A_604 = vector.broadcast %convert_element_type3A_77 : vector<512x1xi32> to vector<512x160xi32>
    %eq3A_605 = arith.cmpi eq, %eq3A_604, %iota3A : vector<512x160xi32>
    %and3A_606 = vector.broadcast %eq3A_603 : vector<512x1xi1> to vector<512x160xi1>
    %and3A_607 = arith.andi %and3A_606, %eq3A_605 : vector<512x160xi1>
    %convert_element_type3A_608 = arith.extui %and3A_607 : vector<512x160xi1> to vector<512x160xi32>
    %convert_element_type3A_609 = arith.sitofp %convert_element_type3A_608 : vector<512x160xi32> to vector<512x160xf32>
    %mul3A_610 = vector.broadcast %slice3A : vector<512x1xf32> to vector<512x160xf32>
    %mul3A_611 = arith.mulf %mul3A_610, %convert_element_type3A_600 : vector<512x160xf32>
    %mul3A_612 = vector.broadcast %slice3A_70 : vector<512x1xf32> to vector<512x160xf32>
    %mul3A_613 = arith.mulf %mul3A_612, %convert_element_type3A_609 : vector<512x160xf32>
    %add3A_614 = arith.addf %mul3A_611, %mul3A_613 : vector<512x160xf32>
    %dot_general3A_615 = arith.constant dense<0.000000e+00> : vector<512x1024xf32>
    %dot_general3A_616 = tpu.matmul %add3A_614, %dot_general3A_591, %dot_general3A_615 {dimension_numbers = #tpu.dot_dimension_numbers<[1], [0], [0], [1], [0, 0, 1, 1], [], []>, transpose_lhs_hint = false} : vector<512x160xf32>, vector<160x1024xf32>, vector<512x1024xf32> -> vector<512x1024xf32>
    %add3A_617 = arith.addf %add3A_507, %dot_general3A_616 : vector<512x1024xf32>
    %dma_start3A_618 = arith.constant 0 : i32
    %dma_start3A_619 = arith.constant 7 : i32
    %dma_start3A_620 = arith.constant 1 : i32
    %dma_start3A_621 = arith.constant 1 : i32
    %dma_start3A_622 = tpu.memref_slice %arg20[%dma_start3A_621] : memref<3x!tpu.dma_semaphore, #tpu.memory_space<semaphore_mem>> -> memref<1x!tpu.dma_semaphore, #tpu.memory_space<semaphore_mem>>
    %dma_start3A_623 = tpu.memref_squeeze %dma_start3A_622 : memref<1x!tpu.dma_semaphore, #tpu.memory_space<semaphore_mem>> -> memref<!tpu.dma_semaphore, #tpu.memory_space<semaphore_mem>>
    %dma_start3A_624 = arith.constant 0 : i32
    %dma_start3A_625 = arith.constant 0 : i32
    %dma_start3A_626 = tpu.memref_slice %arg16[%dma_start3A_620, %dma_start3A_624, %dma_start3A_625] : memref<3x1024x1024xf32, #tpu.memory_space<vmem>> -> memref<1x1024x1024xf32, #tpu.memory_space<vmem>>
    %dma_start3A_627 = tpu.memref_squeeze %dma_start3A_626 : memref<1x1024x1024xf32, #tpu.memory_space<vmem>> -> memref<1024x1024xf32, #tpu.memory_space<vmem>>
    %dma_start3A_628 = arith.constant 0 : i32
    %dma_start3A_629 = arith.constant 0 : i32
    %dma_start3A_630 = tpu.memref_slice %arg8[%dma_start3A_618, %dma_start3A_619, %dma_start3A_628, %dma_start3A_629] : memref<2x8x1024x1024xf32, #tpu.memory_space<hbm>> -> memref<1x1x1024x1024xf32, #tpu.memory_space<hbm>>
    %dma_start3A_631 = tpu.memref_squeeze %dma_start3A_630 : memref<1x1x1024x1024xf32, #tpu.memory_space<hbm>> -> memref<1024x1024xf32, #tpu.memory_space<hbm>>
    tpu.enqueue_dma source(%dma_start3A_631 : memref<1024x1024xf32, #tpu.memory_space<hbm>>) target(%dma_start3A_627 : memref<1024x1024xf32, #tpu.memory_space<vmem>>) target_semaphore(%dma_start3A_623 : memref<!tpu.dma_semaphore, #tpu.memory_space<semaphore_mem>>)
    %dma_start3A_632 = arith.constant 0 : i32
    %dma_start3A_633 = arith.constant 7 : i32
    %dma_start3A_634 = arith.constant 1 : i32
    %dma_start3A_635 = arith.constant 1 : i32
    %dma_start3A_636 = tpu.memref_slice %arg21[%dma_start3A_635] : memref<3x!tpu.dma_semaphore, #tpu.memory_space<semaphore_mem>> -> memref<1x!tpu.dma_semaphore, #tpu.memory_space<semaphore_mem>>
    %dma_start3A_637 = tpu.memref_squeeze %dma_start3A_636 : memref<1x!tpu.dma_semaphore, #tpu.memory_space<semaphore_mem>> -> memref<!tpu.dma_semaphore, #tpu.memory_space<semaphore_mem>>
    %dma_start3A_638 = arith.constant 0 : i32
    %dma_start3A_639 = arith.constant 0 : i32
    %dma_start3A_640 = tpu.memref_slice %arg17[%dma_start3A_634, %dma_start3A_638, %dma_start3A_639] : memref<3x1024x1024xf32, #tpu.memory_space<vmem>> -> memref<1x1024x1024xf32, #tpu.memory_space<vmem>>
    %dma_start3A_641 = tpu.memref_squeeze %dma_start3A_640 : memref<1x1024x1024xf32, #tpu.memory_space<vmem>> -> memref<1024x1024xf32, #tpu.memory_space<vmem>>
    %dma_start3A_642 = arith.constant 0 : i32
    %dma_start3A_643 = arith.constant 0 : i32
    %dma_start3A_644 = tpu.memref_slice %arg9[%dma_start3A_632, %dma_start3A_633, %dma_start3A_642, %dma_start3A_643] : memref<2x8x1024x1024xf32, #tpu.memory_space<hbm>> -> memref<1x1x1024x1024xf32, #tpu.memory_space<hbm>>
    %dma_start3A_645 = tpu.memref_squeeze %dma_start3A_644 : memref<1x1x1024x1024xf32, #tpu.memory_space<hbm>> -> memref<1024x1024xf32, #tpu.memory_space<hbm>>
    tpu.enqueue_dma source(%dma_start3A_645 : memref<1024x1024xf32, #tpu.memory_space<hbm>>) target(%dma_start3A_641 : memref<1024x1024xf32, #tpu.memory_space<vmem>>) target_semaphore(%dma_start3A_637 : memref<!tpu.dma_semaphore, #tpu.memory_space<semaphore_mem>>)
    %dma_wait3A_646 = arith.constant 0 : i32
    %dma_wait3A_647 = arith.constant 5 : i32
    %dma_wait3A_648 = arith.constant 2 : i32
    %dma_wait3A_649 = arith.constant 2 : i32
    %dma_wait3A_650 = tpu.memref_slice %arg20[%dma_wait3A_649] : memref<3x!tpu.dma_semaphore, #tpu.memory_space<semaphore_mem>> -> memref<1x!tpu.dma_semaphore, #tpu.memory_space<semaphore_mem>>
    %dma_wait3A_651 = tpu.memref_squeeze %dma_wait3A_650 : memref<1x!tpu.dma_semaphore, #tpu.memory_space<semaphore_mem>> -> memref<!tpu.dma_semaphore, #tpu.memory_space<semaphore_mem>>
    %dma_wait3A_652 = arith.constant 0 : i32
    %dma_wait3A_653 = arith.constant 0 : i32
    %dma_wait3A_654 = tpu.memref_slice %arg16[%dma_wait3A_648, %dma_wait3A_652, %dma_wait3A_653] : memref<3x1024x1024xf32, #tpu.memory_space<vmem>> -> memref<1x1024x1024xf32, #tpu.memory_space<vmem>>
    %dma_wait3A_655 = tpu.memref_squeeze %dma_wait3A_654 : memref<1x1024x1024xf32, #tpu.memory_space<vmem>> -> memref<1024x1024xf32, #tpu.memory_space<vmem>>
    %dma_wait3A_656 = arith.constant 0 : i32
    %dma_wait3A_657 = arith.constant 0 : i32
    %dma_wait3A_658 = tpu.memref_slice %arg8[%dma_wait3A_646, %dma_wait3A_647, %dma_wait3A_656, %dma_wait3A_657] : memref<2x8x1024x1024xf32, #tpu.memory_space<hbm>> -> memref<1x1x1024x1024xf32, #tpu.memory_space<hbm>>
    %dma_wait3A_659 = tpu.memref_squeeze %dma_wait3A_658 : memref<1x1x1024x1024xf32, #tpu.memory_space<hbm>> -> memref<1024x1024xf32, #tpu.memory_space<hbm>>
    tpu.wait_dma2 semaphore(%dma_wait3A_651 : memref<!tpu.dma_semaphore, #tpu.memory_space<semaphore_mem>>) src(%dma_wait3A_659 : memref<1024x1024xf32, #tpu.memory_space<hbm>>) dst(%dma_wait3A_655 : memref<1024x1024xf32, #tpu.memory_space<vmem>>)
    %dma_wait3A_660 = arith.constant 0 : i32
    %dma_wait3A_661 = arith.constant 5 : i32
    %dma_wait3A_662 = arith.constant 2 : i32
    %dma_wait3A_663 = arith.constant 2 : i32
    %dma_wait3A_664 = tpu.memref_slice %arg21[%dma_wait3A_663] : memref<3x!tpu.dma_semaphore, #tpu.memory_space<semaphore_mem>> -> memref<1x!tpu.dma_semaphore, #tpu.memory_space<semaphore_mem>>
    %dma_wait3A_665 = tpu.memref_squeeze %dma_wait3A_664 : memref<1x!tpu.dma_semaphore, #tpu.memory_space<semaphore_mem>> -> memref<!tpu.dma_semaphore, #tpu.memory_space<semaphore_mem>>
    %dma_wait3A_666 = arith.constant 0 : i32
    %dma_wait3A_667 = arith.constant 0 : i32
    %dma_wait3A_668 = tpu.memref_slice %arg17[%dma_wait3A_662, %dma_wait3A_666, %dma_wait3A_667] : memref<3x1024x1024xf32, #tpu.memory_space<vmem>> -> memref<1x1024x1024xf32, #tpu.memory_space<vmem>>
    %dma_wait3A_669 = tpu.memref_squeeze %dma_wait3A_668 : memref<1x1024x1024xf32, #tpu.memory_space<vmem>> -> memref<1024x1024xf32, #tpu.memory_space<vmem>>
    %dma_wait3A_670 = arith.constant 0 : i32
    %dma_wait3A_671 = arith.constant 0 : i32
    %dma_wait3A_672 = tpu.memref_slice %arg9[%dma_wait3A_660, %dma_wait3A_661, %dma_wait3A_670, %dma_wait3A_671] : memref<2x8x1024x1024xf32, #tpu.memory_space<hbm>> -> memref<1x1x1024x1024xf32, #tpu.memory_space<hbm>>
    %dma_wait3A_673 = tpu.memref_squeeze %dma_wait3A_672 : memref<1x1x1024x1024xf32, #tpu.memory_space<hbm>> -> memref<1024x1024xf32, #tpu.memory_space<hbm>>
    tpu.wait_dma2 semaphore(%dma_wait3A_665 : memref<!tpu.dma_semaphore, #tpu.memory_space<semaphore_mem>>) src(%dma_wait3A_673 : memref<1024x1024xf32, #tpu.memory_space<hbm>>) dst(%dma_wait3A_669 : memref<1024x1024xf32, #tpu.memory_space<vmem>>)
    %get3A_674 = arith.constant 800 : index
    %get3A_675 = arith.constant 0 : index
    %get3A_676 = vector.load %arg2[%get3A_674, %get3A_675] : memref<1280x1024xf32, #tpu.memory_space<vmem>>, vector<160x1024xf32>
    %get3A_677 = arith.constant 2 : index
    %get3A_678 = arith.constant 0 : index
    %get3A_679 = arith.constant 0 : index
    %get3A_680 = vector.load %arg16[%get3A_677, %get3A_678, %get3A_679] : memref<3x1024x1024xf32, #tpu.memory_space<vmem>>, vector<1x1024x1024xf32>
    %get3A_681 = vector.shape_cast %get3A_680 : vector<1x1024x1024xf32> to vector<1024x1024xf32>
    %dot_general3A_682 = arith.constant dense<0.000000e+00> : vector<160x1024xf32>
    %dot_general3A_683 = tpu.matmul %get3A_676, %get3A_681, %dot_general3A_682 {dimension_numbers = #tpu.dot_dimension_numbers<[1], [0], [0], [1], [0, 0, 1, 1], [], []>, transpose_lhs_hint = false} : vector<160x1024xf32>, vector<1024x1024xf32>, vector<160x1024xf32> -> vector<160x1024xf32>
    %neg3A_684 = arith.constant 0.000000e+00 : f32
    %neg3A_685 = vector.broadcast %neg3A_684 : f32 to vector<160x1024xf32>
    %neg3A_686 = arith.subf %neg3A_685, %dot_general3A_683 : vector<160x1024xf32>
    %exp3A_687 = math.exp %neg3A_686 : vector<160x1024xf32>
    %add3A_688 = arith.constant 1.000000e+00 : f32
    %add3A_689 = vector.broadcast %add3A_688 : f32 to vector<160x1024xf32>
    %add3A_690 = arith.addf %add3A_689, %exp3A_687 : vector<160x1024xf32>
    %div3A_691 = arith.constant 1.000000e+00 : f32
    %div3A_692 = vector.broadcast %div3A_691 : f32 to vector<160x1024xf32>
    %div3A_693 = arith.divf %div3A_692, %add3A_690 : vector<160x1024xf32>
    %mul3A_694 = arith.mulf %dot_general3A_683, %div3A_693 : vector<160x1024xf32>
    %get3A_695 = arith.constant 2 : index
    %get3A_696 = arith.constant 0 : index
    %get3A_697 = arith.constant 0 : index
    %get3A_698 = vector.load %arg17[%get3A_695, %get3A_696, %get3A_697] : memref<3x1024x1024xf32, #tpu.memory_space<vmem>>, vector<1x1024x1024xf32>
    %get3A_699 = vector.shape_cast %get3A_698 : vector<1x1024x1024xf32> to vector<1024x1024xf32>
    %dot_general3A_700 = arith.constant dense<0.000000e+00> : vector<160x1024xf32>
    %dot_general3A_701 = tpu.matmul %mul3A_694, %get3A_699, %dot_general3A_700 {dimension_numbers = #tpu.dot_dimension_numbers<[1], [0], [0], [1], [0, 0, 1, 1], [], []>, transpose_lhs_hint = false} : vector<160x1024xf32>, vector<1024x1024xf32>, vector<160x1024xf32> -> vector<160x1024xf32>
    %eq3A_702 = arith.constant 5 : i32
    %eq3A_703 = vector.broadcast %eq3A_702 : i32 to vector<512x1xi32>
    %eq3A_704 = arith.cmpi eq, %convert_element_type3A, %eq3A_703 : vector<512x1xi32>
    %eq3A_705 = vector.broadcast %convert_element_type3A_75 : vector<512x1xi32> to vector<512x160xi32>
    %eq3A_706 = arith.cmpi eq, %eq3A_705, %iota3A : vector<512x160xi32>
    %and3A_707 = vector.broadcast %eq3A_704 : vector<512x1xi1> to vector<512x160xi1>
    %and3A_708 = arith.andi %and3A_707, %eq3A_706 : vector<512x160xi1>
    %convert_element_type3A_709 = arith.extui %and3A_708 : vector<512x160xi1> to vector<512x160xi32>
    %convert_element_type3A_710 = arith.sitofp %convert_element_type3A_709 : vector<512x160xi32> to vector<512x160xf32>
    %eq3A_711 = arith.constant 5 : i32
    %eq3A_712 = vector.broadcast %eq3A_711 : i32 to vector<512x1xi32>
    %eq3A_713 = arith.cmpi eq, %convert_element_type3A_73, %eq3A_712 : vector<512x1xi32>
    %eq3A_714 = vector.broadcast %convert_element_type3A_77 : vector<512x1xi32> to vector<512x160xi32>
    %eq3A_715 = arith.cmpi eq, %eq3A_714, %iota3A : vector<512x160xi32>
    %and3A_716 = vector.broadcast %eq3A_713 : vector<512x1xi1> to vector<512x160xi1>
    %and3A_717 = arith.andi %and3A_716, %eq3A_715 : vector<512x160xi1>
    %convert_element_type3A_718 = arith.extui %and3A_717 : vector<512x160xi1> to vector<512x160xi32>
    %convert_element_type3A_719 = arith.sitofp %convert_element_type3A_718 : vector<512x160xi32> to vector<512x160xf32>
    %mul3A_720 = vector.broadcast %slice3A : vector<512x1xf32> to vector<512x160xf32>
    %mul3A_721 = arith.mulf %mul3A_720, %convert_element_type3A_710 : vector<512x160xf32>
    %mul3A_722 = vector.broadcast %slice3A_70 : vector<512x1xf32> to vector<512x160xf32>
    %mul3A_723 = arith.mulf %mul3A_722, %convert_element_type3A_719 : vector<512x160xf32>
    %add3A_724 = arith.addf %mul3A_721, %mul3A_723 : vector<512x160xf32>
    %dot_general3A_725 = arith.constant dense<0.000000e+00> : vector<512x1024xf32>
    %dot_general3A_726 = tpu.matmul %add3A_724, %dot_general3A_701, %dot_general3A_725 {dimension_numbers = #tpu.dot_dimension_numbers<[1], [0], [0], [1], [0, 0, 1, 1], [], []>, transpose_lhs_hint = false} : vector<512x160xf32>, vector<160x1024xf32>, vector<512x1024xf32> -> vector<512x1024xf32>
    %add3A_727 = arith.addf %add3A_617, %dot_general3A_726 : vector<512x1024xf32>
    %dma_wait3A_728 = arith.constant 0 : i32
    %dma_wait3A_729 = arith.constant 6 : i32
    %dma_wait3A_730 = arith.constant 0 : i32
    %dma_wait3A_731 = arith.constant 0 : i32
    %dma_wait3A_732 = tpu.memref_slice %arg20[%dma_wait3A_731] : memref<3x!tpu.dma_semaphore, #tpu.memory_space<semaphore_mem>> -> memref<1x!tpu.dma_semaphore, #tpu.memory_space<semaphore_mem>>
    %dma_wait3A_733 = tpu.memref_squeeze %dma_wait3A_732 : memref<1x!tpu.dma_semaphore, #tpu.memory_space<semaphore_mem>> -> memref<!tpu.dma_semaphore, #tpu.memory_space<semaphore_mem>>
    %dma_wait3A_734 = arith.constant 0 : i32
    %dma_wait3A_735 = arith.constant 0 : i32
    %dma_wait3A_736 = tpu.memref_slice %arg16[%dma_wait3A_730, %dma_wait3A_734, %dma_wait3A_735] : memref<3x1024x1024xf32, #tpu.memory_space<vmem>> -> memref<1x1024x1024xf32, #tpu.memory_space<vmem>>
    %dma_wait3A_737 = tpu.memref_squeeze %dma_wait3A_736 : memref<1x1024x1024xf32, #tpu.memory_space<vmem>> -> memref<1024x1024xf32, #tpu.memory_space<vmem>>
    %dma_wait3A_738 = arith.constant 0 : i32
    %dma_wait3A_739 = arith.constant 0 : i32
    %dma_wait3A_740 = tpu.memref_slice %arg8[%dma_wait3A_728, %dma_wait3A_729, %dma_wait3A_738, %dma_wait3A_739] : memref<2x8x1024x1024xf32, #tpu.memory_space<hbm>> -> memref<1x1x1024x1024xf32, #tpu.memory_space<hbm>>
    %dma_wait3A_741 = tpu.memref_squeeze %dma_wait3A_740 : memref<1x1x1024x1024xf32, #tpu.memory_space<hbm>> -> memref<1024x1024xf32, #tpu.memory_space<hbm>>
    tpu.wait_dma2 semaphore(%dma_wait3A_733 : memref<!tpu.dma_semaphore, #tpu.memory_space<semaphore_mem>>) src(%dma_wait3A_741 : memref<1024x1024xf32, #tpu.memory_space<hbm>>) dst(%dma_wait3A_737 : memref<1024x1024xf32, #tpu.memory_space<vmem>>)
    %dma_wait3A_742 = arith.constant 0 : i32
    %dma_wait3A_743 = arith.constant 6 : i32
    %dma_wait3A_744 = arith.constant 0 : i32
    %dma_wait3A_745 = arith.constant 0 : i32
    %dma_wait3A_746 = tpu.memref_slice %arg21[%dma_wait3A_745] : memref<3x!tpu.dma_semaphore, #tpu.memory_space<semaphore_mem>> -> memref<1x!tpu.dma_semaphore, #tpu.memory_space<semaphore_mem>>
    %dma_wait3A_747 = tpu.memref_squeeze %dma_wait3A_746 : memref<1x!tpu.dma_semaphore, #tpu.memory_space<semaphore_mem>> -> memref<!tpu.dma_semaphore, #tpu.memory_space<semaphore_mem>>
    %dma_wait3A_748 = arith.constant 0 : i32
    %dma_wait3A_749 = arith.constant 0 : i32
    %dma_wait3A_750 = tpu.memref_slice %arg17[%dma_wait3A_744, %dma_wait3A_748, %dma_wait3A_749] : memref<3x1024x1024xf32, #tpu.memory_space<vmem>> -> memref<1x1024x1024xf32, #tpu.memory_space<vmem>>
    %dma_wait3A_751 = tpu.memref_squeeze %dma_wait3A_750 : memref<1x1024x1024xf32, #tpu.memory_space<vmem>> -> memref<1024x1024xf32, #tpu.memory_space<vmem>>
    %dma_wait3A_752 = arith.constant 0 : i32
    %dma_wait3A_753 = arith.constant 0 : i32
    %dma_wait3A_754 = tpu.memref_slice %arg9[%dma_wait3A_742, %dma_wait3A_743, %dma_wait3A_752, %dma_wait3A_753] : memref<2x8x1024x1024xf32, #tpu.memory_space<hbm>> -> memref<1x1x1024x1024xf32, #tpu.memory_space<hbm>>
    %dma_wait3A_755 = tpu.memref_squeeze %dma_wait3A_754 : memref<1x1x1024x1024xf32, #tpu.memory_space<hbm>> -> memref<1024x1024xf32, #tpu.memory_space<hbm>>
    tpu.wait_dma2 semaphore(%dma_wait3A_747 : memref<!tpu.dma_semaphore, #tpu.memory_space<semaphore_mem>>) src(%dma_wait3A_755 : memref<1024x1024xf32, #tpu.memory_space<hbm>>) dst(%dma_wait3A_751 : memref<1024x1024xf32, #tpu.memory_space<vmem>>)
    %get3A_756 = arith.constant 960 : index
    %get3A_757 = arith.constant 0 : index
    %get3A_758 = vector.load %arg2[%get3A_756, %get3A_757] : memref<1280x1024xf32, #tpu.memory_space<vmem>>, vector<160x1024xf32>
    %get3A_759 = arith.constant 0 : index
    %get3A_760 = arith.constant 0 : index
    %get3A_761 = arith.constant 0 : index
    %get3A_762 = vector.load %arg16[%get3A_759, %get3A_760, %get3A_761] : memref<3x1024x1024xf32, #tpu.memory_space<vmem>>, vector<1x1024x1024xf32>
    %get3A_763 = vector.shape_cast %get3A_762 : vector<1x1024x1024xf32> to vector<1024x1024xf32>
    %dot_general3A_764 = arith.constant dense<0.000000e+00> : vector<160x1024xf32>
    %dot_general3A_765 = tpu.matmul %get3A_758, %get3A_763, %dot_general3A_764 {dimension_numbers = #tpu.dot_dimension_numbers<[1], [0], [0], [1], [0, 0, 1, 1], [], []>, transpose_lhs_hint = false} : vector<160x1024xf32>, vector<1024x1024xf32>, vector<160x1024xf32> -> vector<160x1024xf32>
    %neg3A_766 = arith.constant 0.000000e+00 : f32
    %neg3A_767 = vector.broadcast %neg3A_766 : f32 to vector<160x1024xf32>
    %neg3A_768 = arith.subf %neg3A_767, %dot_general3A_765 : vector<160x1024xf32>
    %exp3A_769 = math.exp %neg3A_768 : vector<160x1024xf32>
    %add3A_770 = arith.constant 1.000000e+00 : f32
    %add3A_771 = vector.broadcast %add3A_770 : f32 to vector<160x1024xf32>
    %add3A_772 = arith.addf %add3A_771, %exp3A_769 : vector<160x1024xf32>
    %div3A_773 = arith.constant 1.000000e+00 : f32
    %div3A_774 = vector.broadcast %div3A_773 : f32 to vector<160x1024xf32>
    %div3A_775 = arith.divf %div3A_774, %add3A_772 : vector<160x1024xf32>
    %mul3A_776 = arith.mulf %dot_general3A_765, %div3A_775 : vector<160x1024xf32>
    %get3A_777 = arith.constant 0 : index
    %get3A_778 = arith.constant 0 : index
    %get3A_779 = arith.constant 0 : index
    %get3A_780 = vector.load %arg17[%get3A_777, %get3A_778, %get3A_779] : memref<3x1024x1024xf32, #tpu.memory_space<vmem>>, vector<1x1024x1024xf32>
    %get3A_781 = vector.shape_cast %get3A_780 : vector<1x1024x1024xf32> to vector<1024x1024xf32>
    %dot_general3A_782 = arith.constant dense<0.000000e+00> : vector<160x1024xf32>
    %dot_general3A_783 = tpu.matmul %mul3A_776, %get3A_781, %dot_general3A_782 {dimension_numbers = #tpu.dot_dimension_numbers<[1], [0], [0], [1], [0, 0, 1, 1], [], []>, transpose_lhs_hint = false} : vector<160x1024xf32>, vector<1024x1024xf32>, vector<160x1024xf32> -> vector<160x1024xf32>
    %eq3A_784 = arith.constant 6 : i32
    %eq3A_785 = vector.broadcast %eq3A_784 : i32 to vector<512x1xi32>
    %eq3A_786 = arith.cmpi eq, %convert_element_type3A, %eq3A_785 : vector<512x1xi32>
    %eq3A_787 = vector.broadcast %convert_element_type3A_75 : vector<512x1xi32> to vector<512x160xi32>
    %eq3A_788 = arith.cmpi eq, %eq3A_787, %iota3A : vector<512x160xi32>
    %and3A_789 = vector.broadcast %eq3A_786 : vector<512x1xi1> to vector<512x160xi1>
    %and3A_790 = arith.andi %and3A_789, %eq3A_788 : vector<512x160xi1>
    %convert_element_type3A_791 = arith.extui %and3A_790 : vector<512x160xi1> to vector<512x160xi32>
    %convert_element_type3A_792 = arith.sitofp %convert_element_type3A_791 : vector<512x160xi32> to vector<512x160xf32>
    %eq3A_793 = arith.constant 6 : i32
    %eq3A_794 = vector.broadcast %eq3A_793 : i32 to vector<512x1xi32>
    %eq3A_795 = arith.cmpi eq, %convert_element_type3A_73, %eq3A_794 : vector<512x1xi32>
    %eq3A_796 = vector.broadcast %convert_element_type3A_77 : vector<512x1xi32> to vector<512x160xi32>
    %eq3A_797 = arith.cmpi eq, %eq3A_796, %iota3A : vector<512x160xi32>
    %and3A_798 = vector.broadcast %eq3A_795 : vector<512x1xi1> to vector<512x160xi1>
    %and3A_799 = arith.andi %and3A_798, %eq3A_797 : vector<512x160xi1>
    %convert_element_type3A_800 = arith.extui %and3A_799 : vector<512x160xi1> to vector<512x160xi32>
    %convert_element_type3A_801 = arith.sitofp %convert_element_type3A_800 : vector<512x160xi32> to vector<512x160xf32>
    %mul3A_802 = vector.broadcast %slice3A : vector<512x1xf32> to vector<512x160xf32>
    %mul3A_803 = arith.mulf %mul3A_802, %convert_element_type3A_792 : vector<512x160xf32>
    %mul3A_804 = vector.broadcast %slice3A_70 : vector<512x1xf32> to vector<512x160xf32>
    %mul3A_805 = arith.mulf %mul3A_804, %convert_element_type3A_801 : vector<512x160xf32>
    %add3A_806 = arith.addf %mul3A_803, %mul3A_805 : vector<512x160xf32>
    %dot_general3A_807 = arith.constant dense<0.000000e+00> : vector<512x1024xf32>
    %dot_general3A_808 = tpu.matmul %add3A_806, %dot_general3A_783, %dot_general3A_807 {dimension_numbers = #tpu.dot_dimension_numbers<[1], [0], [0], [1], [0, 0, 1, 1], [], []>, transpose_lhs_hint = false} : vector<512x160xf32>, vector<160x1024xf32>, vector<512x1024xf32> -> vector<512x1024xf32>
    %add3A_809 = arith.addf %add3A_727, %dot_general3A_808 : vector<512x1024xf32>
    %dma_wait3A_810 = arith.constant 0 : i32
    %dma_wait3A_811 = arith.constant 7 : i32
    %dma_wait3A_812 = arith.constant 1 : i32
    %dma_wait3A_813 = arith.constant 1 : i32
    %dma_wait3A_814 = tpu.memref_slice %arg20[%dma_wait3A_813] : memref<3x!tpu.dma_semaphore, #tpu.memory_space<semaphore_mem>> -> memref<1x!tpu.dma_semaphore, #tpu.memory_space<semaphore_mem>>
    %dma_wait3A_815 = tpu.memref_squeeze %dma_wait3A_814 : memref<1x!tpu.dma_semaphore, #tpu.memory_space<semaphore_mem>> -> memref<!tpu.dma_semaphore, #tpu.memory_space<semaphore_mem>>
    %dma_wait3A_816 = arith.constant 0 : i32
    %dma_wait3A_817 = arith.constant 0 : i32
    %dma_wait3A_818 = tpu.memref_slice %arg16[%dma_wait3A_812, %dma_wait3A_816, %dma_wait3A_817] : memref<3x1024x1024xf32, #tpu.memory_space<vmem>> -> memref<1x1024x1024xf32, #tpu.memory_space<vmem>>
    %dma_wait3A_819 = tpu.memref_squeeze %dma_wait3A_818 : memref<1x1024x1024xf32, #tpu.memory_space<vmem>> -> memref<1024x1024xf32, #tpu.memory_space<vmem>>
    %dma_wait3A_820 = arith.constant 0 : i32
    %dma_wait3A_821 = arith.constant 0 : i32
    %dma_wait3A_822 = tpu.memref_slice %arg8[%dma_wait3A_810, %dma_wait3A_811, %dma_wait3A_820, %dma_wait3A_821] : memref<2x8x1024x1024xf32, #tpu.memory_space<hbm>> -> memref<1x1x1024x1024xf32, #tpu.memory_space<hbm>>
    %dma_wait3A_823 = tpu.memref_squeeze %dma_wait3A_822 : memref<1x1x1024x1024xf32, #tpu.memory_space<hbm>> -> memref<1024x1024xf32, #tpu.memory_space<hbm>>
    tpu.wait_dma2 semaphore(%dma_wait3A_815 : memref<!tpu.dma_semaphore, #tpu.memory_space<semaphore_mem>>) src(%dma_wait3A_823 : memref<1024x1024xf32, #tpu.memory_space<hbm>>) dst(%dma_wait3A_819 : memref<1024x1024xf32, #tpu.memory_space<vmem>>)
    %dma_wait3A_824 = arith.constant 0 : i32
    %dma_wait3A_825 = arith.constant 7 : i32
    %dma_wait3A_826 = arith.constant 1 : i32
    %dma_wait3A_827 = arith.constant 1 : i32
    %dma_wait3A_828 = tpu.memref_slice %arg21[%dma_wait3A_827] : memref<3x!tpu.dma_semaphore, #tpu.memory_space<semaphore_mem>> -> memref<1x!tpu.dma_semaphore, #tpu.memory_space<semaphore_mem>>
    %dma_wait3A_829 = tpu.memref_squeeze %dma_wait3A_828 : memref<1x!tpu.dma_semaphore, #tpu.memory_space<semaphore_mem>> -> memref<!tpu.dma_semaphore, #tpu.memory_space<semaphore_mem>>
    %dma_wait3A_830 = arith.constant 0 : i32
    %dma_wait3A_831 = arith.constant 0 : i32
    %dma_wait3A_832 = tpu.memref_slice %arg17[%dma_wait3A_826, %dma_wait3A_830, %dma_wait3A_831] : memref<3x1024x1024xf32, #tpu.memory_space<vmem>> -> memref<1x1024x1024xf32, #tpu.memory_space<vmem>>
    %dma_wait3A_833 = tpu.memref_squeeze %dma_wait3A_832 : memref<1x1024x1024xf32, #tpu.memory_space<vmem>> -> memref<1024x1024xf32, #tpu.memory_space<vmem>>
    %dma_wait3A_834 = arith.constant 0 : i32
    %dma_wait3A_835 = arith.constant 0 : i32
    %dma_wait3A_836 = tpu.memref_slice %arg9[%dma_wait3A_824, %dma_wait3A_825, %dma_wait3A_834, %dma_wait3A_835] : memref<2x8x1024x1024xf32, #tpu.memory_space<hbm>> -> memref<1x1x1024x1024xf32, #tpu.memory_space<hbm>>
    %dma_wait3A_837 = tpu.memref_squeeze %dma_wait3A_836 : memref<1x1x1024x1024xf32, #tpu.memory_space<hbm>> -> memref<1024x1024xf32, #tpu.memory_space<hbm>>
    tpu.wait_dma2 semaphore(%dma_wait3A_829 : memref<!tpu.dma_semaphore, #tpu.memory_space<semaphore_mem>>) src(%dma_wait3A_837 : memref<1024x1024xf32, #tpu.memory_space<hbm>>) dst(%dma_wait3A_833 : memref<1024x1024xf32, #tpu.memory_space<vmem>>)
    %get3A_838 = arith.constant 1120 : index
    %get3A_839 = arith.constant 0 : index
    %get3A_840 = vector.load %arg2[%get3A_838, %get3A_839] : memref<1280x1024xf32, #tpu.memory_space<vmem>>, vector<160x1024xf32>
    %get3A_841 = arith.constant 1 : index
    %get3A_842 = arith.constant 0 : index
    %get3A_843 = arith.constant 0 : index
    %get3A_844 = vector.load %arg16[%get3A_841, %get3A_842, %get3A_843] : memref<3x1024x1024xf32, #tpu.memory_space<vmem>>, vector<1x1024x1024xf32>
    %get3A_845 = vector.shape_cast %get3A_844 : vector<1x1024x1024xf32> to vector<1024x1024xf32>
    %dot_general3A_846 = arith.constant dense<0.000000e+00> : vector<160x1024xf32>
    %dot_general3A_847 = tpu.matmul %get3A_840, %get3A_845, %dot_general3A_846 {dimension_numbers = #tpu.dot_dimension_numbers<[1], [0], [0], [1], [0, 0, 1, 1], [], []>, transpose_lhs_hint = false} : vector<160x1024xf32>, vector<1024x1024xf32>, vector<160x1024xf32> -> vector<160x1024xf32>
    %neg3A_848 = arith.constant 0.000000e+00 : f32
    %neg3A_849 = vector.broadcast %neg3A_848 : f32 to vector<160x1024xf32>
    %neg3A_850 = arith.subf %neg3A_849, %dot_general3A_847 : vector<160x1024xf32>
    %exp3A_851 = math.exp %neg3A_850 : vector<160x1024xf32>
    %add3A_852 = arith.constant 1.000000e+00 : f32
    %add3A_853 = vector.broadcast %add3A_852 : f32 to vector<160x1024xf32>
    %add3A_854 = arith.addf %add3A_853, %exp3A_851 : vector<160x1024xf32>
    %div3A_855 = arith.constant 1.000000e+00 : f32
    %div3A_856 = vector.broadcast %div3A_855 : f32 to vector<160x1024xf32>
    %div3A_857 = arith.divf %div3A_856, %add3A_854 : vector<160x1024xf32>
    %mul3A_858 = arith.mulf %dot_general3A_847, %div3A_857 : vector<160x1024xf32>
    %get3A_859 = arith.constant 1 : index
    %get3A_860 = arith.constant 0 : index
    %get3A_861 = arith.constant 0 : index
    %get3A_862 = vector.load %arg17[%get3A_859, %get3A_860, %get3A_861] : memref<3x1024x1024xf32, #tpu.memory_space<vmem>>, vector<1x1024x1024xf32>
    %get3A_863 = vector.shape_cast %get3A_862 : vector<1x1024x1024xf32> to vector<1024x1024xf32>
    %dot_general3A_864 = arith.constant dense<0.000000e+00> : vector<160x1024xf32>
    %dot_general3A_865 = tpu.matmul %mul3A_858, %get3A_863, %dot_general3A_864 {dimension_numbers = #tpu.dot_dimension_numbers<[1], [0], [0], [1], [0, 0, 1, 1], [], []>, transpose_lhs_hint = false} : vector<160x1024xf32>, vector<1024x1024xf32>, vector<160x1024xf32> -> vector<160x1024xf32>
    %eq3A_866 = arith.constant 7 : i32
    %eq3A_867 = vector.broadcast %eq3A_866 : i32 to vector<512x1xi32>
    %eq3A_868 = arith.cmpi eq, %convert_element_type3A, %eq3A_867 : vector<512x1xi32>
    %eq3A_869 = vector.broadcast %convert_element_type3A_75 : vector<512x1xi32> to vector<512x160xi32>
    %eq3A_870 = arith.cmpi eq, %eq3A_869, %iota3A : vector<512x160xi32>
    %and3A_871 = vector.broadcast %eq3A_868 : vector<512x1xi1> to vector<512x160xi1>
    %and3A_872 = arith.andi %and3A_871, %eq3A_870 : vector<512x160xi1>
    %convert_element_type3A_873 = arith.extui %and3A_872 : vector<512x160xi1> to vector<512x160xi32>
    %convert_element_type3A_874 = arith.sitofp %convert_element_type3A_873 : vector<512x160xi32> to vector<512x160xf32>
    %eq3A_875 = arith.constant 7 : i32
    %eq3A_876 = vector.broadcast %eq3A_875 : i32 to vector<512x1xi32>
    %eq3A_877 = arith.cmpi eq, %convert_element_type3A_73, %eq3A_876 : vector<512x1xi32>
    %eq3A_878 = vector.broadcast %convert_element_type3A_77 : vector<512x1xi32> to vector<512x160xi32>
    %eq3A_879 = arith.cmpi eq, %eq3A_878, %iota3A : vector<512x160xi32>
    %and3A_880 = vector.broadcast %eq3A_877 : vector<512x1xi1> to vector<512x160xi1>
    %and3A_881 = arith.andi %and3A_880, %eq3A_879 : vector<512x160xi1>
    %convert_element_type3A_882 = arith.extui %and3A_881 : vector<512x160xi1> to vector<512x160xi32>
    %convert_element_type3A_883 = arith.sitofp %convert_element_type3A_882 : vector<512x160xi32> to vector<512x160xf32>
    %mul3A_884 = vector.broadcast %slice3A : vector<512x1xf32> to vector<512x160xf32>
    %mul3A_885 = arith.mulf %mul3A_884, %convert_element_type3A_874 : vector<512x160xf32>
    %mul3A_886 = vector.broadcast %slice3A_70 : vector<512x1xf32> to vector<512x160xf32>
    %mul3A_887 = arith.mulf %mul3A_886, %convert_element_type3A_883 : vector<512x160xf32>
    %add3A_888 = arith.addf %mul3A_885, %mul3A_887 : vector<512x160xf32>
    %dot_general3A_889 = arith.constant dense<0.000000e+00> : vector<512x1024xf32>
    %dot_general3A_890 = tpu.matmul %add3A_888, %dot_general3A_865, %dot_general3A_889 {dimension_numbers = #tpu.dot_dimension_numbers<[1], [0], [0], [1], [0, 0, 1, 1], [], []>, transpose_lhs_hint = false} : vector<512x160xf32>, vector<160x1024xf32>, vector<512x1024xf32> -> vector<512x1024xf32>
    %add3A_891 = arith.addf %add3A_809, %dot_general3A_890 : vector<512x1024xf32>
    %mul3A_892 = arith.constant 2.000000e+00 : f32
    %mul3A_893 = vector.broadcast %mul3A_892 : f32 to vector<512x1024xf32>
    %mul3A_894 = arith.mulf %mul3A_893, %get3A_66 : vector<512x1024xf32>
    %add3A_895 = arith.addf %mul3A_894, %add3A_891 : vector<512x1024xf32>
    %dma_wait3A_896 = arith.constant 1 : i32
    %dma_wait3A_897 = arith.constant 0 : i32
    %dma_wait3A_898 = arith.constant 0 : i32
    %dma_wait3A_899 = tpu.memref_slice %arg6[%dma_wait3A_896, %dma_wait3A_897, %dma_wait3A_898] : memref<2x1024x3072xf32, #tpu.memory_space<hbm>> -> memref<1x1024x3072xf32, #tpu.memory_space<hbm>>
    %dma_wait3A_900 = tpu.memref_squeeze %dma_wait3A_899 : memref<1x1024x3072xf32, #tpu.memory_space<hbm>> -> memref<1024x3072xf32, #tpu.memory_space<hbm>>
    tpu.wait_dma2 semaphore(%arg18 : memref<!tpu.dma_semaphore, #tpu.memory_space<semaphore_mem>>) src(%dma_wait3A_900 : memref<1024x3072xf32, #tpu.memory_space<hbm>>) dst(%arg14 : memref<1024x3072xf32, #tpu.memory_space<vmem>>)
    %dma_wait3A_901 = arith.constant 1 : i32
    %dma_wait3A_902 = arith.constant 0 : i32
    %dma_wait3A_903 = arith.constant 0 : i32
    %dma_wait3A_904 = tpu.memref_slice %arg7[%dma_wait3A_901, %dma_wait3A_902, %dma_wait3A_903] : memref<2x1024x1024xf32, #tpu.memory_space<hbm>> -> memref<1x1024x1024xf32, #tpu.memory_space<hbm>>
    %dma_wait3A_905 = tpu.memref_squeeze %dma_wait3A_904 : memref<1x1024x1024xf32, #tpu.memory_space<hbm>> -> memref<1024x1024xf32, #tpu.memory_space<hbm>>
    tpu.wait_dma2 semaphore(%arg19 : memref<!tpu.dma_semaphore, #tpu.memory_space<semaphore_mem>>) src(%dma_wait3A_905 : memref<1024x1024xf32, #tpu.memory_space<hbm>>) dst(%arg15 : memref<1024x1024xf32, #tpu.memory_space<vmem>>)
    %get3A_906 = arith.constant 1 : index
    %get3A_907 = arith.constant 0 : index
    %get3A_908 = vector.load %arg3[%get3A_906, %get3A_907] : memref<2x1024xf32, #tpu.memory_space<vmem>>, vector<1x1024xf32>
    %get3A_909 = arith.constant 1 : index
    %get3A_910 = arith.constant 0 : index
    %get3A_911 = vector.load %arg4[%get3A_909, %get3A_910] : memref<2x1024xf32, #tpu.memory_space<vmem>>, vector<1x1024xf32>
    %get3A_912 = arith.constant 1 : index
    %get3A_913 = arith.constant 0 : index
    %get3A_914 = arith.constant 0 : index
    %get3A_915 = vector.load %arg5[%get3A_912, %get3A_913, %get3A_914] : memref<2x1024x8xf32, #tpu.memory_space<vmem>>, vector<1x1024x8xf32>
    %get3A_916 = vector.shape_cast %get3A_915 : vector<1x1024x8xf32> to vector<1024x8xf32>
    %get3A_917 = arith.constant 0 : index
    %get3A_918 = arith.constant 0 : index
    %get3A_919 = vector.load %arg14[%get3A_917, %get3A_918] : memref<1024x3072xf32, #tpu.memory_space<vmem>>, vector<1024x3072xf32>
    %get3A_920 = arith.constant 0 : index
    %get3A_921 = arith.constant 0 : index
    %get3A_922 = vector.load %arg15[%get3A_920, %get3A_921] : memref<1024x1024xf32, #tpu.memory_space<vmem>>, vector<1024x1024xf32>
    %iota3A_923 = tpu.iota {dimensions = array<i32: 0>} : vector<512x512xi32>
    %iota3A_924 = tpu.iota {dimensions = array<i32: 1>} : vector<512x512xi32>
    %jit3A = arith.constant 64 : i32
    %div3A_925 = vector.broadcast %jit3A : i32 to vector<512x512xi32>
    %div3A_926 = arith.divsi %iota3A_923, %div3A_925 : vector<512x512xi32>
    %sign3A = arith.constant 0 : i32
    %sign3A_927 = vector.broadcast %sign3A : i32 to vector<512x512xi32>
    %sign3A_928 = arith.cmpi sgt, %iota3A_923, %sign3A_927 : vector<512x512xi32>
    %sign3A_929 = arith.extui %sign3A_928 : vector<512x512xi1> to vector<512x512xi32>
    %sign3A_930 = arith.constant 0 : i32
    %sign3A_931 = vector.broadcast %sign3A_930 : i32 to vector<512x512xi32>
    %sign3A_932 = arith.cmpi slt, %iota3A_923, %sign3A_931 : vector<512x512xi32>
    %sign3A_933 = arith.extui %sign3A_932 : vector<512x512xi1> to vector<512x512xi32>
    %sign3A_934 = arith.subi %sign3A_929, %sign3A_933 : vector<512x512xi32>
    %sign3A_935 = arith.constant 0 : i32
    %sign3A_936 = arith.cmpi sgt, %jit3A, %sign3A_935 : i32
    %sign3A_937 = arith.extui %sign3A_936 : i1 to i32
    %sign3A_938 = arith.constant 0 : i32
    %sign3A_939 = arith.cmpi slt, %jit3A, %sign3A_938 : i32
    %sign3A_940 = arith.extui %sign3A_939 : i1 to i32
    %sign3A_941 = arith.subi %sign3A_937, %sign3A_940 : i32
    %ne3A = vector.broadcast %sign3A_941 : i32 to vector<512x512xi32>
    %ne3A_942 = arith.cmpi ne, %sign3A_934, %ne3A : vector<512x512xi32>
    %rem3A = vector.broadcast %jit3A : i32 to vector<512x512xi32>
    %rem3A_943 = arith.remsi %iota3A_923, %rem3A : vector<512x512xi32>
    %ne3A_944 = arith.constant 0 : i32
    %ne3A_945 = vector.broadcast %ne3A_944 : i32 to vector<512x512xi32>
    %ne3A_946 = arith.cmpi ne, %rem3A_943, %ne3A_945 : vector<512x512xi32>
    %and3A_947 = arith.andi %ne3A_942, %ne3A_946 : vector<512x512xi1>
    %sub3A = arith.constant 1 : i32
    %sub3A_948 = vector.broadcast %sub3A : i32 to vector<512x512xi32>
    %sub3A_949 = arith.subi %div3A_926, %sub3A_948 : vector<512x512xi32>
    %select_n3A = arith.select %and3A_947, %sub3A_949, %div3A_926 : vector<512x512xi1>, vector<512x512xi32>
    %jit3A_950 = arith.constant 64 : i32
    %div3A_951 = vector.broadcast %jit3A_950 : i32 to vector<512x512xi32>
    %div3A_952 = arith.divsi %iota3A_924, %div3A_951 : vector<512x512xi32>
    %sign3A_953 = arith.constant 0 : i32
    %sign3A_954 = vector.broadcast %sign3A_953 : i32 to vector<512x512xi32>
    %sign3A_955 = arith.cmpi sgt, %iota3A_924, %sign3A_954 : vector<512x512xi32>
    %sign3A_956 = arith.extui %sign3A_955 : vector<512x512xi1> to vector<512x512xi32>
    %sign3A_957 = arith.constant 0 : i32
    %sign3A_958 = vector.broadcast %sign3A_957 : i32 to vector<512x512xi32>
    %sign3A_959 = arith.cmpi slt, %iota3A_924, %sign3A_958 : vector<512x512xi32>
    %sign3A_960 = arith.extui %sign3A_959 : vector<512x512xi1> to vector<512x512xi32>
    %sign3A_961 = arith.subi %sign3A_956, %sign3A_960 : vector<512x512xi32>
    %sign3A_962 = arith.constant 0 : i32
    %sign3A_963 = arith.cmpi sgt, %jit3A_950, %sign3A_962 : i32
    %sign3A_964 = arith.extui %sign3A_963 : i1 to i32
    %sign3A_965 = arith.constant 0 : i32
    %sign3A_966 = arith.cmpi slt, %jit3A_950, %sign3A_965 : i32
    %sign3A_967 = arith.extui %sign3A_966 : i1 to i32
    %sign3A_968 = arith.subi %sign3A_964, %sign3A_967 : i32
    %ne3A_969 = vector.broadcast %sign3A_968 : i32 to vector<512x512xi32>
    %ne3A_970 = arith.cmpi ne, %sign3A_961, %ne3A_969 : vector<512x512xi32>
    %rem3A_971 = vector.broadcast %jit3A_950 : i32 to vector<512x512xi32>
    %rem3A_972 = arith.remsi %iota3A_924, %rem3A_971 : vector<512x512xi32>
    %ne3A_973 = arith.constant 0 : i32
    %ne3A_974 = vector.broadcast %ne3A_973 : i32 to vector<512x512xi32>
    %ne3A_975 = arith.cmpi ne, %rem3A_972, %ne3A_974 : vector<512x512xi32>
    %and3A_976 = arith.andi %ne3A_970, %ne3A_975 : vector<512x512xi1>
    %sub3A_977 = arith.constant 1 : i32
    %sub3A_978 = vector.broadcast %sub3A_977 : i32 to vector<512x512xi32>
    %sub3A_979 = arith.subi %div3A_952, %sub3A_978 : vector<512x512xi32>
    %select_n3A_980 = arith.select %and3A_976, %sub3A_979, %div3A_952 : vector<512x512xi1>, vector<512x512xi32>
    %eq3A_981 = arith.cmpi eq, %select_n3A, %select_n3A_980 : vector<512x512xi32>
    %ge3A = arith.cmpi sge, %iota3A_923, %iota3A_924 : vector<512x512xi32>
    %and3A_982 = arith.andi %eq3A_981, %ge3A : vector<512x512xi1>
    %gt3A = arith.cmpi sgt, %iota3A_923, %iota3A_924 : vector<512x512xi32>
    %convert_element_type3A_983 = arith.extui %gt3A : vector<512x512xi1> to vector<512x512xi32>
    %convert_element_type3A_984 = arith.sitofp %convert_element_type3A_983 : vector<512x512xi32> to vector<512x512xf32>
    %iota3A_985 = tpu.iota {dimensions = array<i32: 1>} : vector<512x8xi32>
    %mul3A_986 = vector.broadcast %get3A_908 : vector<1x1024xf32> to vector<512x1024xf32>
    %mul3A_987 = arith.mulf %add3A_895, %mul3A_986 : vector<512x1024xf32>
    %mul3A_988 = arith.mulf %add3A_895, %add3A_895 : vector<512x1024xf32>
    %reduce_sum3A = arith.constant dense<0.000000e+00> : vector<512xf32>
    %reduce_sum3A_989 = vector.multi_reduction <add>, %mul3A_988, %reduce_sum3A [1] : vector<512x1024xf32> to vector<512xf32>
    %broadcast_in_dim3A = vector.shape_cast %reduce_sum3A_989 : vector<512xf32> to vector<512x1xf32>
    %div3A_990 = arith.constant 1.024000e+03 : f32
    %div3A_991 = vector.broadcast %div3A_990 : f32 to vector<512x1xf32>
    %div3A_992 = arith.divf %broadcast_in_dim3A, %div3A_991 : vector<512x1xf32>
    %add3A_993 = arith.constant 9.99999997E-7 : f32
    %add3A_994 = vector.broadcast %add3A_993 : f32 to vector<512x1xf32>
    %add3A_995 = arith.addf %div3A_992, %add3A_994 : vector<512x1xf32>
    %rsqrt3A = math.rsqrt %add3A_995 : vector<512x1xf32>
    %mul3A_996 = vector.broadcast %rsqrt3A : vector<512x1xf32> to vector<512x1024xf32>
    %mul3A_997 = arith.mulf %mul3A_987, %mul3A_996 : vector<512x1024xf32>
    %dot_general3A_998 = arith.constant dense<0.000000e+00> : vector<512x3072xf32>
    %dot_general3A_999 = tpu.matmul %mul3A_997, %get3A_919, %dot_general3A_998 {dimension_numbers = #tpu.dot_dimension_numbers<[1], [0], [0], [1], [0, 0, 1, 1], [], []>, transpose_lhs_hint = false} : vector<512x1024xf32>, vector<1024x3072xf32>, vector<512x3072xf32> -> vector<512x3072xf32>
    %slice3A_1000 = vector.extract_strided_slice %dot_general3A_999 {offsets = [0, 0], sizes = [512, 64], strides = [1, 1]} : vector<512x3072xf32> to vector<512x64xf32>
    %slice3A_1001 = vector.extract_strided_slice %dot_general3A_999 {offsets = [0, 1024], sizes = [512, 64], strides = [1, 1]} : vector<512x3072xf32> to vector<512x64xf32>
    %slice3A_1002 = vector.extract_strided_slice %dot_general3A_999 {offsets = [0, 2048], sizes = [512, 64], strides = [1, 1]} : vector<512x3072xf32> to vector<512x64xf32>
    %dot_general3A_1003 = arith.constant dense<0.000000e+00> : vector<512x512xf32>
    %dot_general3A_1004 = tpu.matmul %slice3A_1000, %slice3A_1001, %dot_general3A_1003 {dimension_numbers = #tpu.dot_dimension_numbers<[1], [1], [0], [0], [0, 0, 1, 0], [], []>, transpose_lhs_hint = false} : vector<512x64xf32>, vector<512x64xf32>, vector<512x512xf32> -> vector<512x512xf32>
    %mul3A_1005 = arith.constant 1.250000e-01 : f32
    %mul3A_1006 = vector.broadcast %mul3A_1005 : f32 to vector<512x512xf32>
    %mul3A_1007 = arith.mulf %dot_general3A_1004, %mul3A_1006 : vector<512x512xf32>
    %jit3A_1008 = arith.constant -1.000000e+09 : f32
    %broadcast_in_dim3A_1009 = vector.broadcast %jit3A_1008 : f32 to vector<512x512xf32>
    %select_n3A_1010 = arith.select %and3A_982, %mul3A_1007, %broadcast_in_dim3A_1009 : vector<512x512xi1>, vector<512x512xf32>
    %reduce_max3A = arith.constant dense<0xFF800000> : vector<512xf32>
    %reduce_max3A_1011 = vector.multi_reduction <maximumf>, %select_n3A_1010, %reduce_max3A [1] : vector<512x512xf32> to vector<512xf32>
    %broadcast_in_dim3A_1012 = vector.shape_cast %reduce_max3A_1011 : vector<512xf32> to vector<512x1xf32>
    %sub3A_1013 = vector.broadcast %broadcast_in_dim3A_1012 : vector<512x1xf32> to vector<512x512xf32>
    %sub3A_1014 = arith.subf %select_n3A_1010, %sub3A_1013 : vector<512x512xf32>
    %exp3A_1015 = math.exp %sub3A_1014 : vector<512x512xf32>
    %reduce_sum3A_1016 = arith.constant dense<0.000000e+00> : vector<512xf32>
    %reduce_sum3A_1017 = vector.multi_reduction <add>, %exp3A_1015, %reduce_sum3A_1016 [1] : vector<512x512xf32> to vector<512xf32>
    %broadcast_in_dim3A_1018 = vector.shape_cast %reduce_sum3A_1017 : vector<512xf32> to vector<512x1xf32>
    %div3A_1019 = vector.broadcast %broadcast_in_dim3A_1018 : vector<512x1xf32> to vector<512x512xf32>
    %div3A_1020 = arith.divf %exp3A_1015, %div3A_1019 : vector<512x512xf32>
    %dot_general3A_1021 = arith.constant dense<0.000000e+00> : vector<512x64xf32>
    %dot_general3A_1022 = tpu.matmul %div3A_1020, %slice3A_1002, %dot_general3A_1021 {dimension_numbers = #tpu.dot_dimension_numbers<[1], [0], [0], [1], [0, 0, 1, 1], [], []>, transpose_lhs_hint = false} : vector<512x512xf32>, vector<512x64xf32>, vector<512x64xf32> -> vector<512x64xf32>
    %slice3A_1023 = vector.extract_strided_slice %dot_general3A_999 {offsets = [0, 64], sizes = [512, 64], strides = [1, 1]} : vector<512x3072xf32> to vector<512x64xf32>
    %slice3A_1024 = vector.extract_strided_slice %dot_general3A_999 {offsets = [0, 1088], sizes = [512, 64], strides = [1, 1]} : vector<512x3072xf32> to vector<512x64xf32>
    %slice3A_1025 = vector.extract_strided_slice %dot_general3A_999 {offsets = [0, 2112], sizes = [512, 64], strides = [1, 1]} : vector<512x3072xf32> to vector<512x64xf32>
    %dot_general3A_1026 = arith.constant dense<0.000000e+00> : vector<512x512xf32>
    %dot_general3A_1027 = tpu.matmul %slice3A_1023, %slice3A_1024, %dot_general3A_1026 {dimension_numbers = #tpu.dot_dimension_numbers<[1], [1], [0], [0], [0, 0, 1, 0], [], []>, transpose_lhs_hint = false} : vector<512x64xf32>, vector<512x64xf32>, vector<512x512xf32> -> vector<512x512xf32>
    %mul3A_1028 = arith.constant 1.250000e-01 : f32
    %mul3A_1029 = vector.broadcast %mul3A_1028 : f32 to vector<512x512xf32>
    %mul3A_1030 = arith.mulf %dot_general3A_1027, %mul3A_1029 : vector<512x512xf32>
    %jit3A_1031 = arith.constant -1.000000e+09 : f32
    %broadcast_in_dim3A_1032 = vector.broadcast %jit3A_1031 : f32 to vector<512x512xf32>
    %select_n3A_1033 = arith.select %and3A_982, %mul3A_1030, %broadcast_in_dim3A_1032 : vector<512x512xi1>, vector<512x512xf32>
    %reduce_max3A_1034 = arith.constant dense<0xFF800000> : vector<512xf32>
    %reduce_max3A_1035 = vector.multi_reduction <maximumf>, %select_n3A_1033, %reduce_max3A_1034 [1] : vector<512x512xf32> to vector<512xf32>
    %broadcast_in_dim3A_1036 = vector.shape_cast %reduce_max3A_1035 : vector<512xf32> to vector<512x1xf32>
    %sub3A_1037 = vector.broadcast %broadcast_in_dim3A_1036 : vector<512x1xf32> to vector<512x512xf32>
    %sub3A_1038 = arith.subf %select_n3A_1033, %sub3A_1037 : vector<512x512xf32>
    %exp3A_1039 = math.exp %sub3A_1038 : vector<512x512xf32>
    %reduce_sum3A_1040 = arith.constant dense<0.000000e+00> : vector<512xf32>
    %reduce_sum3A_1041 = vector.multi_reduction <add>, %exp3A_1039, %reduce_sum3A_1040 [1] : vector<512x512xf32> to vector<512xf32>
    %broadcast_in_dim3A_1042 = vector.shape_cast %reduce_sum3A_1041 : vector<512xf32> to vector<512x1xf32>
    %div3A_1043 = vector.broadcast %broadcast_in_dim3A_1042 : vector<512x1xf32> to vector<512x512xf32>
    %div3A_1044 = arith.divf %exp3A_1039, %div3A_1043 : vector<512x512xf32>
    %dot_general3A_1045 = arith.constant dense<0.000000e+00> : vector<512x64xf32>
    %dot_general3A_1046 = tpu.matmul %div3A_1044, %slice3A_1025, %dot_general3A_1045 {dimension_numbers = #tpu.dot_dimension_numbers<[1], [0], [0], [1], [0, 0, 1, 1], [], []>, transpose_lhs_hint = false} : vector<512x512xf32>, vector<512x64xf32>, vector<512x64xf32> -> vector<512x64xf32>
    %slice3A_1047 = vector.extract_strided_slice %dot_general3A_999 {offsets = [0, 128], sizes = [512, 64], strides = [1, 1]} : vector<512x3072xf32> to vector<512x64xf32>
    %slice3A_1048 = vector.extract_strided_slice %dot_general3A_999 {offsets = [0, 1152], sizes = [512, 64], strides = [1, 1]} : vector<512x3072xf32> to vector<512x64xf32>
    %slice3A_1049 = vector.extract_strided_slice %dot_general3A_999 {offsets = [0, 2176], sizes = [512, 64], strides = [1, 1]} : vector<512x3072xf32> to vector<512x64xf32>
    %dot_general3A_1050 = arith.constant dense<0.000000e+00> : vector<512x512xf32>
    %dot_general3A_1051 = tpu.matmul %slice3A_1047, %slice3A_1048, %dot_general3A_1050 {dimension_numbers = #tpu.dot_dimension_numbers<[1], [1], [0], [0], [0, 0, 1, 0], [], []>, transpose_lhs_hint = false} : vector<512x64xf32>, vector<512x64xf32>, vector<512x512xf32> -> vector<512x512xf32>
    %mul3A_1052 = arith.constant 1.250000e-01 : f32
    %mul3A_1053 = vector.broadcast %mul3A_1052 : f32 to vector<512x512xf32>
    %mul3A_1054 = arith.mulf %dot_general3A_1051, %mul3A_1053 : vector<512x512xf32>
    %jit3A_1055 = arith.constant -1.000000e+09 : f32
    %broadcast_in_dim3A_1056 = vector.broadcast %jit3A_1055 : f32 to vector<512x512xf32>
    %select_n3A_1057 = arith.select %and3A_982, %mul3A_1054, %broadcast_in_dim3A_1056 : vector<512x512xi1>, vector<512x512xf32>
    %reduce_max3A_1058 = arith.constant dense<0xFF800000> : vector<512xf32>
    %reduce_max3A_1059 = vector.multi_reduction <maximumf>, %select_n3A_1057, %reduce_max3A_1058 [1] : vector<512x512xf32> to vector<512xf32>
    %broadcast_in_dim3A_1060 = vector.shape_cast %reduce_max3A_1059 : vector<512xf32> to vector<512x1xf32>
    %sub3A_1061 = vector.broadcast %broadcast_in_dim3A_1060 : vector<512x1xf32> to vector<512x512xf32>
    %sub3A_1062 = arith.subf %select_n3A_1057, %sub3A_1061 : vector<512x512xf32>
    %exp3A_1063 = math.exp %sub3A_1062 : vector<512x512xf32>
    %reduce_sum3A_1064 = arith.constant dense<0.000000e+00> : vector<512xf32>
    %reduce_sum3A_1065 = vector.multi_reduction <add>, %exp3A_1063, %reduce_sum3A_1064 [1] : vector<512x512xf32> to vector<512xf32>
    %broadcast_in_dim3A_1066 = vector.shape_cast %reduce_sum3A_1065 : vector<512xf32> to vector<512x1xf32>
    %div3A_1067 = vector.broadcast %broadcast_in_dim3A_1066 : vector<512x1xf32> to vector<512x512xf32>
    %div3A_1068 = arith.divf %exp3A_1063, %div3A_1067 : vector<512x512xf32>
    %dot_general3A_1069 = arith.constant dense<0.000000e+00> : vector<512x64xf32>
    %dot_general3A_1070 = tpu.matmul %div3A_1068, %slice3A_1049, %dot_general3A_1069 {dimension_numbers = #tpu.dot_dimension_numbers<[1], [0], [0], [1], [0, 0, 1, 1], [], []>, transpose_lhs_hint = false} : vector<512x512xf32>, vector<512x64xf32>, vector<512x64xf32> -> vector<512x64xf32>
    %slice3A_1071 = vector.extract_strided_slice %dot_general3A_999 {offsets = [0, 192], sizes = [512, 64], strides = [1, 1]} : vector<512x3072xf32> to vector<512x64xf32>
    %slice3A_1072 = vector.extract_strided_slice %dot_general3A_999 {offsets = [0, 1216], sizes = [512, 64], strides = [1, 1]} : vector<512x3072xf32> to vector<512x64xf32>
    %slice3A_1073 = vector.extract_strided_slice %dot_general3A_999 {offsets = [0, 2240], sizes = [512, 64], strides = [1, 1]} : vector<512x3072xf32> to vector<512x64xf32>
    %dot_general3A_1074 = arith.constant dense<0.000000e+00> : vector<512x512xf32>
    %dot_general3A_1075 = tpu.matmul %slice3A_1071, %slice3A_1072, %dot_general3A_1074 {dimension_numbers = #tpu.dot_dimension_numbers<[1], [1], [0], [0], [0, 0, 1, 0], [], []>, transpose_lhs_hint = false} : vector<512x64xf32>, vector<512x64xf32>, vector<512x512xf32> -> vector<512x512xf32>
    %mul3A_1076 = arith.constant 1.250000e-01 : f32
    %mul3A_1077 = vector.broadcast %mul3A_1076 : f32 to vector<512x512xf32>
    %mul3A_1078 = arith.mulf %dot_general3A_1075, %mul3A_1077 : vector<512x512xf32>
    %jit3A_1079 = arith.constant -1.000000e+09 : f32
    %broadcast_in_dim3A_1080 = vector.broadcast %jit3A_1079 : f32 to vector<512x512xf32>
    %select_n3A_1081 = arith.select %and3A_982, %mul3A_1078, %broadcast_in_dim3A_1080 : vector<512x512xi1>, vector<512x512xf32>
    %reduce_max3A_1082 = arith.constant dense<0xFF800000> : vector<512xf32>
    %reduce_max3A_1083 = vector.multi_reduction <maximumf>, %select_n3A_1081, %reduce_max3A_1082 [1] : vector<512x512xf32> to vector<512xf32>
    %broadcast_in_dim3A_1084 = vector.shape_cast %reduce_max3A_1083 : vector<512xf32> to vector<512x1xf32>
    %sub3A_1085 = vector.broadcast %broadcast_in_dim3A_1084 : vector<512x1xf32> to vector<512x512xf32>
    %sub3A_1086 = arith.subf %select_n3A_1081, %sub3A_1085 : vector<512x512xf32>
    %exp3A_1087 = math.exp %sub3A_1086 : vector<512x512xf32>
    %reduce_sum3A_1088 = arith.constant dense<0.000000e+00> : vector<512xf32>
    %reduce_sum3A_1089 = vector.multi_reduction <add>, %exp3A_1087, %reduce_sum3A_1088 [1] : vector<512x512xf32> to vector<512xf32>
    %broadcast_in_dim3A_1090 = vector.shape_cast %reduce_sum3A_1089 : vector<512xf32> to vector<512x1xf32>
    %div3A_1091 = vector.broadcast %broadcast_in_dim3A_1090 : vector<512x1xf32> to vector<512x512xf32>
    %div3A_1092 = arith.divf %exp3A_1087, %div3A_1091 : vector<512x512xf32>
    %dot_general3A_1093 = arith.constant dense<0.000000e+00> : vector<512x64xf32>
    %dot_general3A_1094 = tpu.matmul %div3A_1092, %slice3A_1073, %dot_general3A_1093 {dimension_numbers = #tpu.dot_dimension_numbers<[1], [0], [0], [1], [0, 0, 1, 1], [], []>, transpose_lhs_hint = false} : vector<512x512xf32>, vector<512x64xf32>, vector<512x64xf32> -> vector<512x64xf32>
    %slice3A_1095 = vector.extract_strided_slice %dot_general3A_999 {offsets = [0, 256], sizes = [512, 64], strides = [1, 1]} : vector<512x3072xf32> to vector<512x64xf32>
    %slice3A_1096 = vector.extract_strided_slice %dot_general3A_999 {offsets = [0, 1280], sizes = [512, 64], strides = [1, 1]} : vector<512x3072xf32> to vector<512x64xf32>
    %slice3A_1097 = vector.extract_strided_slice %dot_general3A_999 {offsets = [0, 2304], sizes = [512, 64], strides = [1, 1]} : vector<512x3072xf32> to vector<512x64xf32>
    %dot_general3A_1098 = arith.constant dense<0.000000e+00> : vector<512x512xf32>
    %dot_general3A_1099 = tpu.matmul %slice3A_1095, %slice3A_1096, %dot_general3A_1098 {dimension_numbers = #tpu.dot_dimension_numbers<[1], [1], [0], [0], [0, 0, 1, 0], [], []>, transpose_lhs_hint = false} : vector<512x64xf32>, vector<512x64xf32>, vector<512x512xf32> -> vector<512x512xf32>
    %mul3A_1100 = arith.constant 1.250000e-01 : f32
    %mul3A_1101 = vector.broadcast %mul3A_1100 : f32 to vector<512x512xf32>
    %mul3A_1102 = arith.mulf %dot_general3A_1099, %mul3A_1101 : vector<512x512xf32>
    %jit3A_1103 = arith.constant -1.000000e+09 : f32
    %broadcast_in_dim3A_1104 = vector.broadcast %jit3A_1103 : f32 to vector<512x512xf32>
    %select_n3A_1105 = arith.select %and3A_982, %mul3A_1102, %broadcast_in_dim3A_1104 : vector<512x512xi1>, vector<512x512xf32>
    %reduce_max3A_1106 = arith.constant dense<0xFF800000> : vector<512xf32>
    %reduce_max3A_1107 = vector.multi_reduction <maximumf>, %select_n3A_1105, %reduce_max3A_1106 [1] : vector<512x512xf32> to vector<512xf32>
    %broadcast_in_dim3A_1108 = vector.shape_cast %reduce_max3A_1107 : vector<512xf32> to vector<512x1xf32>
    %sub3A_1109 = vector.broadcast %broadcast_in_dim3A_1108 : vector<512x1xf32> to vector<512x512xf32>
    %sub3A_1110 = arith.subf %select_n3A_1105, %sub3A_1109 : vector<512x512xf32>
    %exp3A_1111 = math.exp %sub3A_1110 : vector<512x512xf32>
    %reduce_sum3A_1112 = arith.constant dense<0.000000e+00> : vector<512xf32>
    %reduce_sum3A_1113 = vector.multi_reduction <add>, %exp3A_1111, %reduce_sum3A_1112 [1] : vector<512x512xf32> to vector<512xf32>
    %broadcast_in_dim3A_1114 = vector.shape_cast %reduce_sum3A_1113 : vector<512xf32> to vector<512x1xf32>
    %div3A_1115 = vector.broadcast %broadcast_in_dim3A_1114 : vector<512x1xf32> to vector<512x512xf32>
    %div3A_1116 = arith.divf %exp3A_1111, %div3A_1115 : vector<512x512xf32>
    %dot_general3A_1117 = arith.constant dense<0.000000e+00> : vector<512x64xf32>
    %dot_general3A_1118 = tpu.matmul %div3A_1116, %slice3A_1097, %dot_general3A_1117 {dimension_numbers = #tpu.dot_dimension_numbers<[1], [0], [0], [1], [0, 0, 1, 1], [], []>, transpose_lhs_hint = false} : vector<512x512xf32>, vector<512x64xf32>, vector<512x64xf32> -> vector<512x64xf32>
    %slice3A_1119 = vector.extract_strided_slice %dot_general3A_999 {offsets = [0, 320], sizes = [512, 64], strides = [1, 1]} : vector<512x3072xf32> to vector<512x64xf32>
    %slice3A_1120 = vector.extract_strided_slice %dot_general3A_999 {offsets = [0, 1344], sizes = [512, 64], strides = [1, 1]} : vector<512x3072xf32> to vector<512x64xf32>
    %slice3A_1121 = vector.extract_strided_slice %dot_general3A_999 {offsets = [0, 2368], sizes = [512, 64], strides = [1, 1]} : vector<512x3072xf32> to vector<512x64xf32>
    %dot_general3A_1122 = arith.constant dense<0.000000e+00> : vector<512x512xf32>
    %dot_general3A_1123 = tpu.matmul %slice3A_1119, %slice3A_1120, %dot_general3A_1122 {dimension_numbers = #tpu.dot_dimension_numbers<[1], [1], [0], [0], [0, 0, 1, 0], [], []>, transpose_lhs_hint = false} : vector<512x64xf32>, vector<512x64xf32>, vector<512x512xf32> -> vector<512x512xf32>
    %mul3A_1124 = arith.constant 1.250000e-01 : f32
    %mul3A_1125 = vector.broadcast %mul3A_1124 : f32 to vector<512x512xf32>
    %mul3A_1126 = arith.mulf %dot_general3A_1123, %mul3A_1125 : vector<512x512xf32>
    %jit3A_1127 = arith.constant -1.000000e+09 : f32
    %broadcast_in_dim3A_1128 = vector.broadcast %jit3A_1127 : f32 to vector<512x512xf32>
    %select_n3A_1129 = arith.select %and3A_982, %mul3A_1126, %broadcast_in_dim3A_1128 : vector<512x512xi1>, vector<512x512xf32>
    %reduce_max3A_1130 = arith.constant dense<0xFF800000> : vector<512xf32>
    %reduce_max3A_1131 = vector.multi_reduction <maximumf>, %select_n3A_1129, %reduce_max3A_1130 [1] : vector<512x512xf32> to vector<512xf32>
    %broadcast_in_dim3A_1132 = vector.shape_cast %reduce_max3A_1131 : vector<512xf32> to vector<512x1xf32>
    %sub3A_1133 = vector.broadcast %broadcast_in_dim3A_1132 : vector<512x1xf32> to vector<512x512xf32>
    %sub3A_1134 = arith.subf %select_n3A_1129, %sub3A_1133 : vector<512x512xf32>
    %exp3A_1135 = math.exp %sub3A_1134 : vector<512x512xf32>
    %reduce_sum3A_1136 = arith.constant dense<0.000000e+00> : vector<512xf32>
    %reduce_sum3A_1137 = vector.multi_reduction <add>, %exp3A_1135, %reduce_sum3A_1136 [1] : vector<512x512xf32> to vector<512xf32>
    %broadcast_in_dim3A_1138 = vector.shape_cast %reduce_sum3A_1137 : vector<512xf32> to vector<512x1xf32>
    %div3A_1139 = vector.broadcast %broadcast_in_dim3A_1138 : vector<512x1xf32> to vector<512x512xf32>
    %div3A_1140 = arith.divf %exp3A_1135, %div3A_1139 : vector<512x512xf32>
    %dot_general3A_1141 = arith.constant dense<0.000000e+00> : vector<512x64xf32>
    %dot_general3A_1142 = tpu.matmul %div3A_1140, %slice3A_1121, %dot_general3A_1141 {dimension_numbers = #tpu.dot_dimension_numbers<[1], [0], [0], [1], [0, 0, 1, 1], [], []>, transpose_lhs_hint = false} : vector<512x512xf32>, vector<512x64xf32>, vector<512x64xf32> -> vector<512x64xf32>
    %slice3A_1143 = vector.extract_strided_slice %dot_general3A_999 {offsets = [0, 384], sizes = [512, 64], strides = [1, 1]} : vector<512x3072xf32> to vector<512x64xf32>
    %slice3A_1144 = vector.extract_strided_slice %dot_general3A_999 {offsets = [0, 1408], sizes = [512, 64], strides = [1, 1]} : vector<512x3072xf32> to vector<512x64xf32>
    %slice3A_1145 = vector.extract_strided_slice %dot_general3A_999 {offsets = [0, 2432], sizes = [512, 64], strides = [1, 1]} : vector<512x3072xf32> to vector<512x64xf32>
    %dot_general3A_1146 = arith.constant dense<0.000000e+00> : vector<512x512xf32>
    %dot_general3A_1147 = tpu.matmul %slice3A_1143, %slice3A_1144, %dot_general3A_1146 {dimension_numbers = #tpu.dot_dimension_numbers<[1], [1], [0], [0], [0, 0, 1, 0], [], []>, transpose_lhs_hint = false} : vector<512x64xf32>, vector<512x64xf32>, vector<512x512xf32> -> vector<512x512xf32>
    %mul3A_1148 = arith.constant 1.250000e-01 : f32
    %mul3A_1149 = vector.broadcast %mul3A_1148 : f32 to vector<512x512xf32>
    %mul3A_1150 = arith.mulf %dot_general3A_1147, %mul3A_1149 : vector<512x512xf32>
    %jit3A_1151 = arith.constant -1.000000e+09 : f32
    %broadcast_in_dim3A_1152 = vector.broadcast %jit3A_1151 : f32 to vector<512x512xf32>
    %select_n3A_1153 = arith.select %and3A_982, %mul3A_1150, %broadcast_in_dim3A_1152 : vector<512x512xi1>, vector<512x512xf32>
    %reduce_max3A_1154 = arith.constant dense<0xFF800000> : vector<512xf32>
    %reduce_max3A_1155 = vector.multi_reduction <maximumf>, %select_n3A_1153, %reduce_max3A_1154 [1] : vector<512x512xf32> to vector<512xf32>
    %broadcast_in_dim3A_1156 = vector.shape_cast %reduce_max3A_1155 : vector<512xf32> to vector<512x1xf32>
    %sub3A_1157 = vector.broadcast %broadcast_in_dim3A_1156 : vector<512x1xf32> to vector<512x512xf32>
    %sub3A_1158 = arith.subf %select_n3A_1153, %sub3A_1157 : vector<512x512xf32>
    %exp3A_1159 = math.exp %sub3A_1158 : vector<512x512xf32>
    %reduce_sum3A_1160 = arith.constant dense<0.000000e+00> : vector<512xf32>
    %reduce_sum3A_1161 = vector.multi_reduction <add>, %exp3A_1159, %reduce_sum3A_1160 [1] : vector<512x512xf32> to vector<512xf32>
    %broadcast_in_dim3A_1162 = vector.shape_cast %reduce_sum3A_1161 : vector<512xf32> to vector<512x1xf32>
    %div3A_1163 = vector.broadcast %broadcast_in_dim3A_1162 : vector<512x1xf32> to vector<512x512xf32>
    %div3A_1164 = arith.divf %exp3A_1159, %div3A_1163 : vector<512x512xf32>
    %dot_general3A_1165 = arith.constant dense<0.000000e+00> : vector<512x64xf32>
    %dot_general3A_1166 = tpu.matmul %div3A_1164, %slice3A_1145, %dot_general3A_1165 {dimension_numbers = #tpu.dot_dimension_numbers<[1], [0], [0], [1], [0, 0, 1, 1], [], []>, transpose_lhs_hint = false} : vector<512x512xf32>, vector<512x64xf32>, vector<512x64xf32> -> vector<512x64xf32>
    %slice3A_1167 = vector.extract_strided_slice %dot_general3A_999 {offsets = [0, 448], sizes = [512, 64], strides = [1, 1]} : vector<512x3072xf32> to vector<512x64xf32>
    %slice3A_1168 = vector.extract_strided_slice %dot_general3A_999 {offsets = [0, 1472], sizes = [512, 64], strides = [1, 1]} : vector<512x3072xf32> to vector<512x64xf32>
    %slice3A_1169 = vector.extract_strided_slice %dot_general3A_999 {offsets = [0, 2496], sizes = [512, 64], strides = [1, 1]} : vector<512x3072xf32> to vector<512x64xf32>
    %dot_general3A_1170 = arith.constant dense<0.000000e+00> : vector<512x512xf32>
    %dot_general3A_1171 = tpu.matmul %slice3A_1167, %slice3A_1168, %dot_general3A_1170 {dimension_numbers = #tpu.dot_dimension_numbers<[1], [1], [0], [0], [0, 0, 1, 0], [], []>, transpose_lhs_hint = false} : vector<512x64xf32>, vector<512x64xf32>, vector<512x512xf32> -> vector<512x512xf32>
    %mul3A_1172 = arith.constant 1.250000e-01 : f32
    %mul3A_1173 = vector.broadcast %mul3A_1172 : f32 to vector<512x512xf32>
    %mul3A_1174 = arith.mulf %dot_general3A_1171, %mul3A_1173 : vector<512x512xf32>
    %jit3A_1175 = arith.constant -1.000000e+09 : f32
    %broadcast_in_dim3A_1176 = vector.broadcast %jit3A_1175 : f32 to vector<512x512xf32>
    %select_n3A_1177 = arith.select %and3A_982, %mul3A_1174, %broadcast_in_dim3A_1176 : vector<512x512xi1>, vector<512x512xf32>
    %reduce_max3A_1178 = arith.constant dense<0xFF800000> : vector<512xf32>
    %reduce_max3A_1179 = vector.multi_reduction <maximumf>, %select_n3A_1177, %reduce_max3A_1178 [1] : vector<512x512xf32> to vector<512xf32>
    %broadcast_in_dim3A_1180 = vector.shape_cast %reduce_max3A_1179 : vector<512xf32> to vector<512x1xf32>
    %sub3A_1181 = vector.broadcast %broadcast_in_dim3A_1180 : vector<512x1xf32> to vector<512x512xf32>
    %sub3A_1182 = arith.subf %select_n3A_1177, %sub3A_1181 : vector<512x512xf32>
    %exp3A_1183 = math.exp %sub3A_1182 : vector<512x512xf32>
    %reduce_sum3A_1184 = arith.constant dense<0.000000e+00> : vector<512xf32>
    %reduce_sum3A_1185 = vector.multi_reduction <add>, %exp3A_1183, %reduce_sum3A_1184 [1] : vector<512x512xf32> to vector<512xf32>
    %broadcast_in_dim3A_1186 = vector.shape_cast %reduce_sum3A_1185 : vector<512xf32> to vector<512x1xf32>
    %div3A_1187 = vector.broadcast %broadcast_in_dim3A_1186 : vector<512x1xf32> to vector<512x512xf32>
    %div3A_1188 = arith.divf %exp3A_1183, %div3A_1187 : vector<512x512xf32>
    %dot_general3A_1189 = arith.constant dense<0.000000e+00> : vector<512x64xf32>
    %dot_general3A_1190 = tpu.matmul %div3A_1188, %slice3A_1169, %dot_general3A_1189 {dimension_numbers = #tpu.dot_dimension_numbers<[1], [0], [0], [1], [0, 0, 1, 1], [], []>, transpose_lhs_hint = false} : vector<512x512xf32>, vector<512x64xf32>, vector<512x64xf32> -> vector<512x64xf32>
    %slice3A_1191 = vector.extract_strided_slice %dot_general3A_999 {offsets = [0, 512], sizes = [512, 64], strides = [1, 1]} : vector<512x3072xf32> to vector<512x64xf32>
    %slice3A_1192 = vector.extract_strided_slice %dot_general3A_999 {offsets = [0, 1536], sizes = [512, 64], strides = [1, 1]} : vector<512x3072xf32> to vector<512x64xf32>
    %slice3A_1193 = vector.extract_strided_slice %dot_general3A_999 {offsets = [0, 2560], sizes = [512, 64], strides = [1, 1]} : vector<512x3072xf32> to vector<512x64xf32>
    %dot_general3A_1194 = arith.constant dense<0.000000e+00> : vector<512x512xf32>
    %dot_general3A_1195 = tpu.matmul %slice3A_1191, %slice3A_1192, %dot_general3A_1194 {dimension_numbers = #tpu.dot_dimension_numbers<[1], [1], [0], [0], [0, 0, 1, 0], [], []>, transpose_lhs_hint = false} : vector<512x64xf32>, vector<512x64xf32>, vector<512x512xf32> -> vector<512x512xf32>
    %mul3A_1196 = arith.constant 1.250000e-01 : f32
    %mul3A_1197 = vector.broadcast %mul3A_1196 : f32 to vector<512x512xf32>
    %mul3A_1198 = arith.mulf %dot_general3A_1195, %mul3A_1197 : vector<512x512xf32>
    %jit3A_1199 = arith.constant -1.000000e+09 : f32
    %broadcast_in_dim3A_1200 = vector.broadcast %jit3A_1199 : f32 to vector<512x512xf32>
    %select_n3A_1201 = arith.select %and3A_982, %mul3A_1198, %broadcast_in_dim3A_1200 : vector<512x512xi1>, vector<512x512xf32>
    %reduce_max3A_1202 = arith.constant dense<0xFF800000> : vector<512xf32>
    %reduce_max3A_1203 = vector.multi_reduction <maximumf>, %select_n3A_1201, %reduce_max3A_1202 [1] : vector<512x512xf32> to vector<512xf32>
    %broadcast_in_dim3A_1204 = vector.shape_cast %reduce_max3A_1203 : vector<512xf32> to vector<512x1xf32>
    %sub3A_1205 = vector.broadcast %broadcast_in_dim3A_1204 : vector<512x1xf32> to vector<512x512xf32>
    %sub3A_1206 = arith.subf %select_n3A_1201, %sub3A_1205 : vector<512x512xf32>
    %exp3A_1207 = math.exp %sub3A_1206 : vector<512x512xf32>
    %reduce_sum3A_1208 = arith.constant dense<0.000000e+00> : vector<512xf32>
    %reduce_sum3A_1209 = vector.multi_reduction <add>, %exp3A_1207, %reduce_sum3A_1208 [1] : vector<512x512xf32> to vector<512xf32>
    %broadcast_in_dim3A_1210 = vector.shape_cast %reduce_sum3A_1209 : vector<512xf32> to vector<512x1xf32>
    %div3A_1211 = vector.broadcast %broadcast_in_dim3A_1210 : vector<512x1xf32> to vector<512x512xf32>
    %div3A_1212 = arith.divf %exp3A_1207, %div3A_1211 : vector<512x512xf32>
    %dot_general3A_1213 = arith.constant dense<0.000000e+00> : vector<512x64xf32>
    %dot_general3A_1214 = tpu.matmul %div3A_1212, %slice3A_1193, %dot_general3A_1213 {dimension_numbers = #tpu.dot_dimension_numbers<[1], [0], [0], [1], [0, 0, 1, 1], [], []>, transpose_lhs_hint = false} : vector<512x512xf32>, vector<512x64xf32>, vector<512x64xf32> -> vector<512x64xf32>
    %slice3A_1215 = vector.extract_strided_slice %dot_general3A_999 {offsets = [0, 576], sizes = [512, 64], strides = [1, 1]} : vector<512x3072xf32> to vector<512x64xf32>
    %slice3A_1216 = vector.extract_strided_slice %dot_general3A_999 {offsets = [0, 1600], sizes = [512, 64], strides = [1, 1]} : vector<512x3072xf32> to vector<512x64xf32>
    %slice3A_1217 = vector.extract_strided_slice %dot_general3A_999 {offsets = [0, 2624], sizes = [512, 64], strides = [1, 1]} : vector<512x3072xf32> to vector<512x64xf32>
    %dot_general3A_1218 = arith.constant dense<0.000000e+00> : vector<512x512xf32>
    %dot_general3A_1219 = tpu.matmul %slice3A_1215, %slice3A_1216, %dot_general3A_1218 {dimension_numbers = #tpu.dot_dimension_numbers<[1], [1], [0], [0], [0, 0, 1, 0], [], []>, transpose_lhs_hint = false} : vector<512x64xf32>, vector<512x64xf32>, vector<512x512xf32> -> vector<512x512xf32>
    %mul3A_1220 = arith.constant 1.250000e-01 : f32
    %mul3A_1221 = vector.broadcast %mul3A_1220 : f32 to vector<512x512xf32>
    %mul3A_1222 = arith.mulf %dot_general3A_1219, %mul3A_1221 : vector<512x512xf32>
    %jit3A_1223 = arith.constant -1.000000e+09 : f32
    %broadcast_in_dim3A_1224 = vector.broadcast %jit3A_1223 : f32 to vector<512x512xf32>
    %select_n3A_1225 = arith.select %and3A_982, %mul3A_1222, %broadcast_in_dim3A_1224 : vector<512x512xi1>, vector<512x512xf32>
    %reduce_max3A_1226 = arith.constant dense<0xFF800000> : vector<512xf32>
    %reduce_max3A_1227 = vector.multi_reduction <maximumf>, %select_n3A_1225, %reduce_max3A_1226 [1] : vector<512x512xf32> to vector<512xf32>
    %broadcast_in_dim3A_1228 = vector.shape_cast %reduce_max3A_1227 : vector<512xf32> to vector<512x1xf32>
    %sub3A_1229 = vector.broadcast %broadcast_in_dim3A_1228 : vector<512x1xf32> to vector<512x512xf32>
    %sub3A_1230 = arith.subf %select_n3A_1225, %sub3A_1229 : vector<512x512xf32>
    %exp3A_1231 = math.exp %sub3A_1230 : vector<512x512xf32>
    %reduce_sum3A_1232 = arith.constant dense<0.000000e+00> : vector<512xf32>
    %reduce_sum3A_1233 = vector.multi_reduction <add>, %exp3A_1231, %reduce_sum3A_1232 [1] : vector<512x512xf32> to vector<512xf32>
    %broadcast_in_dim3A_1234 = vector.shape_cast %reduce_sum3A_1233 : vector<512xf32> to vector<512x1xf32>
    %div3A_1235 = vector.broadcast %broadcast_in_dim3A_1234 : vector<512x1xf32> to vector<512x512xf32>
    %div3A_1236 = arith.divf %exp3A_1231, %div3A_1235 : vector<512x512xf32>
    %dot_general3A_1237 = arith.constant dense<0.000000e+00> : vector<512x64xf32>
    %dot_general3A_1238 = tpu.matmul %div3A_1236, %slice3A_1217, %dot_general3A_1237 {dimension_numbers = #tpu.dot_dimension_numbers<[1], [0], [0], [1], [0, 0, 1, 1], [], []>, transpose_lhs_hint = false} : vector<512x512xf32>, vector<512x64xf32>, vector<512x64xf32> -> vector<512x64xf32>
    %slice3A_1239 = vector.extract_strided_slice %dot_general3A_999 {offsets = [0, 640], sizes = [512, 64], strides = [1, 1]} : vector<512x3072xf32> to vector<512x64xf32>
    %slice3A_1240 = vector.extract_strided_slice %dot_general3A_999 {offsets = [0, 1664], sizes = [512, 64], strides = [1, 1]} : vector<512x3072xf32> to vector<512x64xf32>
    %slice3A_1241 = vector.extract_strided_slice %dot_general3A_999 {offsets = [0, 2688], sizes = [512, 64], strides = [1, 1]} : vector<512x3072xf32> to vector<512x64xf32>
    %dot_general3A_1242 = arith.constant dense<0.000000e+00> : vector<512x512xf32>
    %dot_general3A_1243 = tpu.matmul %slice3A_1239, %slice3A_1240, %dot_general3A_1242 {dimension_numbers = #tpu.dot_dimension_numbers<[1], [1], [0], [0], [0, 0, 1, 0], [], []>, transpose_lhs_hint = false} : vector<512x64xf32>, vector<512x64xf32>, vector<512x512xf32> -> vector<512x512xf32>
    %mul3A_1244 = arith.constant 1.250000e-01 : f32
    %mul3A_1245 = vector.broadcast %mul3A_1244 : f32 to vector<512x512xf32>
    %mul3A_1246 = arith.mulf %dot_general3A_1243, %mul3A_1245 : vector<512x512xf32>
    %jit3A_1247 = arith.constant -1.000000e+09 : f32
    %broadcast_in_dim3A_1248 = vector.broadcast %jit3A_1247 : f32 to vector<512x512xf32>
    %select_n3A_1249 = arith.select %and3A_982, %mul3A_1246, %broadcast_in_dim3A_1248 : vector<512x512xi1>, vector<512x512xf32>
    %reduce_max3A_1250 = arith.constant dense<0xFF800000> : vector<512xf32>
    %reduce_max3A_1251 = vector.multi_reduction <maximumf>, %select_n3A_1249, %reduce_max3A_1250 [1] : vector<512x512xf32> to vector<512xf32>
    %broadcast_in_dim3A_1252 = vector.shape_cast %reduce_max3A_1251 : vector<512xf32> to vector<512x1xf32>
    %sub3A_1253 = vector.broadcast %broadcast_in_dim3A_1252 : vector<512x1xf32> to vector<512x512xf32>
    %sub3A_1254 = arith.subf %select_n3A_1249, %sub3A_1253 : vector<512x512xf32>
    %exp3A_1255 = math.exp %sub3A_1254 : vector<512x512xf32>
    %reduce_sum3A_1256 = arith.constant dense<0.000000e+00> : vector<512xf32>
    %reduce_sum3A_1257 = vector.multi_reduction <add>, %exp3A_1255, %reduce_sum3A_1256 [1] : vector<512x512xf32> to vector<512xf32>
    %broadcast_in_dim3A_1258 = vector.shape_cast %reduce_sum3A_1257 : vector<512xf32> to vector<512x1xf32>
    %div3A_1259 = vector.broadcast %broadcast_in_dim3A_1258 : vector<512x1xf32> to vector<512x512xf32>
    %div3A_1260 = arith.divf %exp3A_1255, %div3A_1259 : vector<512x512xf32>
    %dot_general3A_1261 = arith.constant dense<0.000000e+00> : vector<512x64xf32>
    %dot_general3A_1262 = tpu.matmul %div3A_1260, %slice3A_1241, %dot_general3A_1261 {dimension_numbers = #tpu.dot_dimension_numbers<[1], [0], [0], [1], [0, 0, 1, 1], [], []>, transpose_lhs_hint = false} : vector<512x512xf32>, vector<512x64xf32>, vector<512x64xf32> -> vector<512x64xf32>
    %slice3A_1263 = vector.extract_strided_slice %dot_general3A_999 {offsets = [0, 704], sizes = [512, 64], strides = [1, 1]} : vector<512x3072xf32> to vector<512x64xf32>
    %slice3A_1264 = vector.extract_strided_slice %dot_general3A_999 {offsets = [0, 1728], sizes = [512, 64], strides = [1, 1]} : vector<512x3072xf32> to vector<512x64xf32>
    %slice3A_1265 = vector.extract_strided_slice %dot_general3A_999 {offsets = [0, 2752], sizes = [512, 64], strides = [1, 1]} : vector<512x3072xf32> to vector<512x64xf32>
    %dot_general3A_1266 = arith.constant dense<0.000000e+00> : vector<512x512xf32>
    %dot_general3A_1267 = tpu.matmul %slice3A_1263, %slice3A_1264, %dot_general3A_1266 {dimension_numbers = #tpu.dot_dimension_numbers<[1], [1], [0], [0], [0, 0, 1, 0], [], []>, transpose_lhs_hint = false} : vector<512x64xf32>, vector<512x64xf32>, vector<512x512xf32> -> vector<512x512xf32>
    %mul3A_1268 = arith.constant 1.250000e-01 : f32
    %mul3A_1269 = vector.broadcast %mul3A_1268 : f32 to vector<512x512xf32>
    %mul3A_1270 = arith.mulf %dot_general3A_1267, %mul3A_1269 : vector<512x512xf32>
    %jit3A_1271 = arith.constant -1.000000e+09 : f32
    %broadcast_in_dim3A_1272 = vector.broadcast %jit3A_1271 : f32 to vector<512x512xf32>
    %select_n3A_1273 = arith.select %and3A_982, %mul3A_1270, %broadcast_in_dim3A_1272 : vector<512x512xi1>, vector<512x512xf32>
    %reduce_max3A_1274 = arith.constant dense<0xFF800000> : vector<512xf32>
    %reduce_max3A_1275 = vector.multi_reduction <maximumf>, %select_n3A_1273, %reduce_max3A_1274 [1] : vector<512x512xf32> to vector<512xf32>
    %broadcast_in_dim3A_1276 = vector.shape_cast %reduce_max3A_1275 : vector<512xf32> to vector<512x1xf32>
    %sub3A_1277 = vector.broadcast %broadcast_in_dim3A_1276 : vector<512x1xf32> to vector<512x512xf32>
    %sub3A_1278 = arith.subf %select_n3A_1273, %sub3A_1277 : vector<512x512xf32>
    %exp3A_1279 = math.exp %sub3A_1278 : vector<512x512xf32>
    %reduce_sum3A_1280 = arith.constant dense<0.000000e+00> : vector<512xf32>
    %reduce_sum3A_1281 = vector.multi_reduction <add>, %exp3A_1279, %reduce_sum3A_1280 [1] : vector<512x512xf32> to vector<512xf32>
    %broadcast_in_dim3A_1282 = vector.shape_cast %reduce_sum3A_1281 : vector<512xf32> to vector<512x1xf32>
    %div3A_1283 = vector.broadcast %broadcast_in_dim3A_1282 : vector<512x1xf32> to vector<512x512xf32>
    %div3A_1284 = arith.divf %exp3A_1279, %div3A_1283 : vector<512x512xf32>
    %dot_general3A_1285 = arith.constant dense<0.000000e+00> : vector<512x64xf32>
    %dot_general3A_1286 = tpu.matmul %div3A_1284, %slice3A_1265, %dot_general3A_1285 {dimension_numbers = #tpu.dot_dimension_numbers<[1], [0], [0], [1], [0, 0, 1, 1], [], []>, transpose_lhs_hint = false} : vector<512x512xf32>, vector<512x64xf32>, vector<512x64xf32> -> vector<512x64xf32>
    %slice3A_1287 = vector.extract_strided_slice %dot_general3A_999 {offsets = [0, 768], sizes = [512, 64], strides = [1, 1]} : vector<512x3072xf32> to vector<512x64xf32>
    %slice3A_1288 = vector.extract_strided_slice %dot_general3A_999 {offsets = [0, 1792], sizes = [512, 64], strides = [1, 1]} : vector<512x3072xf32> to vector<512x64xf32>
    %slice3A_1289 = vector.extract_strided_slice %dot_general3A_999 {offsets = [0, 2816], sizes = [512, 64], strides = [1, 1]} : vector<512x3072xf32> to vector<512x64xf32>
    %dot_general3A_1290 = arith.constant dense<0.000000e+00> : vector<512x512xf32>
    %dot_general3A_1291 = tpu.matmul %slice3A_1287, %slice3A_1288, %dot_general3A_1290 {dimension_numbers = #tpu.dot_dimension_numbers<[1], [1], [0], [0], [0, 0, 1, 0], [], []>, transpose_lhs_hint = false} : vector<512x64xf32>, vector<512x64xf32>, vector<512x512xf32> -> vector<512x512xf32>
    %mul3A_1292 = arith.constant 1.250000e-01 : f32
    %mul3A_1293 = vector.broadcast %mul3A_1292 : f32 to vector<512x512xf32>
    %mul3A_1294 = arith.mulf %dot_general3A_1291, %mul3A_1293 : vector<512x512xf32>
    %jit3A_1295 = arith.constant -1.000000e+09 : f32
    %broadcast_in_dim3A_1296 = vector.broadcast %jit3A_1295 : f32 to vector<512x512xf32>
    %select_n3A_1297 = arith.select %and3A_982, %mul3A_1294, %broadcast_in_dim3A_1296 : vector<512x512xi1>, vector<512x512xf32>
    %reduce_max3A_1298 = arith.constant dense<0xFF800000> : vector<512xf32>
    %reduce_max3A_1299 = vector.multi_reduction <maximumf>, %select_n3A_1297, %reduce_max3A_1298 [1] : vector<512x512xf32> to vector<512xf32>
    %broadcast_in_dim3A_1300 = vector.shape_cast %reduce_max3A_1299 : vector<512xf32> to vector<512x1xf32>
    %sub3A_1301 = vector.broadcast %broadcast_in_dim3A_1300 : vector<512x1xf32> to vector<512x512xf32>
    %sub3A_1302 = arith.subf %select_n3A_1297, %sub3A_1301 : vector<512x512xf32>
    %exp3A_1303 = math.exp %sub3A_1302 : vector<512x512xf32>
    %reduce_sum3A_1304 = arith.constant dense<0.000000e+00> : vector<512xf32>
    %reduce_sum3A_1305 = vector.multi_reduction <add>, %exp3A_1303, %reduce_sum3A_1304 [1] : vector<512x512xf32> to vector<512xf32>
    %broadcast_in_dim3A_1306 = vector.shape_cast %reduce_sum3A_1305 : vector<512xf32> to vector<512x1xf32>
    %div3A_1307 = vector.broadcast %broadcast_in_dim3A_1306 : vector<512x1xf32> to vector<512x512xf32>
    %div3A_1308 = arith.divf %exp3A_1303, %div3A_1307 : vector<512x512xf32>
    %dot_general3A_1309 = arith.constant dense<0.000000e+00> : vector<512x64xf32>
    %dot_general3A_1310 = tpu.matmul %div3A_1308, %slice3A_1289, %dot_general3A_1309 {dimension_numbers = #tpu.dot_dimension_numbers<[1], [0], [0], [1], [0, 0, 1, 1], [], []>, transpose_lhs_hint = false} : vector<512x512xf32>, vector<512x64xf32>, vector<512x64xf32> -> vector<512x64xf32>
    %slice3A_1311 = vector.extract_strided_slice %dot_general3A_999 {offsets = [0, 832], sizes = [512, 64], strides = [1, 1]} : vector<512x3072xf32> to vector<512x64xf32>
    %slice3A_1312 = vector.extract_strided_slice %dot_general3A_999 {offsets = [0, 1856], sizes = [512, 64], strides = [1, 1]} : vector<512x3072xf32> to vector<512x64xf32>
    %slice3A_1313 = vector.extract_strided_slice %dot_general3A_999 {offsets = [0, 2880], sizes = [512, 64], strides = [1, 1]} : vector<512x3072xf32> to vector<512x64xf32>
    %dot_general3A_1314 = arith.constant dense<0.000000e+00> : vector<512x512xf32>
    %dot_general3A_1315 = tpu.matmul %slice3A_1311, %slice3A_1312, %dot_general3A_1314 {dimension_numbers = #tpu.dot_dimension_numbers<[1], [1], [0], [0], [0, 0, 1, 0], [], []>, transpose_lhs_hint = false} : vector<512x64xf32>, vector<512x64xf32>, vector<512x512xf32> -> vector<512x512xf32>
    %mul3A_1316 = arith.constant 1.250000e-01 : f32
    %mul3A_1317 = vector.broadcast %mul3A_1316 : f32 to vector<512x512xf32>
    %mul3A_1318 = arith.mulf %dot_general3A_1315, %mul3A_1317 : vector<512x512xf32>
    %jit3A_1319 = arith.constant -1.000000e+09 : f32
    %broadcast_in_dim3A_1320 = vector.broadcast %jit3A_1319 : f32 to vector<512x512xf32>
    %select_n3A_1321 = arith.select %and3A_982, %mul3A_1318, %broadcast_in_dim3A_1320 : vector<512x512xi1>, vector<512x512xf32>
    %reduce_max3A_1322 = arith.constant dense<0xFF800000> : vector<512xf32>
    %reduce_max3A_1323 = vector.multi_reduction <maximumf>, %select_n3A_1321, %reduce_max3A_1322 [1] : vector<512x512xf32> to vector<512xf32>
    %broadcast_in_dim3A_1324 = vector.shape_cast %reduce_max3A_1323 : vector<512xf32> to vector<512x1xf32>
    %sub3A_1325 = vector.broadcast %broadcast_in_dim3A_1324 : vector<512x1xf32> to vector<512x512xf32>
    %sub3A_1326 = arith.subf %select_n3A_1321, %sub3A_1325 : vector<512x512xf32>
    %exp3A_1327 = math.exp %sub3A_1326 : vector<512x512xf32>
    %reduce_sum3A_1328 = arith.constant dense<0.000000e+00> : vector<512xf32>
    %reduce_sum3A_1329 = vector.multi_reduction <add>, %exp3A_1327, %reduce_sum3A_1328 [1] : vector<512x512xf32> to vector<512xf32>
    %broadcast_in_dim3A_1330 = vector.shape_cast %reduce_sum3A_1329 : vector<512xf32> to vector<512x1xf32>
    %div3A_1331 = vector.broadcast %broadcast_in_dim3A_1330 : vector<512x1xf32> to vector<512x512xf32>
    %div3A_1332 = arith.divf %exp3A_1327, %div3A_1331 : vector<512x512xf32>
    %dot_general3A_1333 = arith.constant dense<0.000000e+00> : vector<512x64xf32>
    %dot_general3A_1334 = tpu.matmul %div3A_1332, %slice3A_1313, %dot_general3A_1333 {dimension_numbers = #tpu.dot_dimension_numbers<[1], [0], [0], [1], [0, 0, 1, 1], [], []>, transpose_lhs_hint = false} : vector<512x512xf32>, vector<512x64xf32>, vector<512x64xf32> -> vector<512x64xf32>
    %slice3A_1335 = vector.extract_strided_slice %dot_general3A_999 {offsets = [0, 896], sizes = [512, 64], strides = [1, 1]} : vector<512x3072xf32> to vector<512x64xf32>
    %slice3A_1336 = vector.extract_strided_slice %dot_general3A_999 {offsets = [0, 1920], sizes = [512, 64], strides = [1, 1]} : vector<512x3072xf32> to vector<512x64xf32>
    %slice3A_1337 = vector.extract_strided_slice %dot_general3A_999 {offsets = [0, 2944], sizes = [512, 64], strides = [1, 1]} : vector<512x3072xf32> to vector<512x64xf32>
    %dot_general3A_1338 = arith.constant dense<0.000000e+00> : vector<512x512xf32>
    %dot_general3A_1339 = tpu.matmul %slice3A_1335, %slice3A_1336, %dot_general3A_1338 {dimension_numbers = #tpu.dot_dimension_numbers<[1], [1], [0], [0], [0, 0, 1, 0], [], []>, transpose_lhs_hint = false} : vector<512x64xf32>, vector<512x64xf32>, vector<512x512xf32> -> vector<512x512xf32>
    %mul3A_1340 = arith.constant 1.250000e-01 : f32
    %mul3A_1341 = vector.broadcast %mul3A_1340 : f32 to vector<512x512xf32>
    %mul3A_1342 = arith.mulf %dot_general3A_1339, %mul3A_1341 : vector<512x512xf32>
    %jit3A_1343 = arith.constant -1.000000e+09 : f32
    %broadcast_in_dim3A_1344 = vector.broadcast %jit3A_1343 : f32 to vector<512x512xf32>
    %select_n3A_1345 = arith.select %and3A_982, %mul3A_1342, %broadcast_in_dim3A_1344 : vector<512x512xi1>, vector<512x512xf32>
    %reduce_max3A_1346 = arith.constant dense<0xFF800000> : vector<512xf32>
    %reduce_max3A_1347 = vector.multi_reduction <maximumf>, %select_n3A_1345, %reduce_max3A_1346 [1] : vector<512x512xf32> to vector<512xf32>
    %broadcast_in_dim3A_1348 = vector.shape_cast %reduce_max3A_1347 : vector<512xf32> to vector<512x1xf32>
    %sub3A_1349 = vector.broadcast %broadcast_in_dim3A_1348 : vector<512x1xf32> to vector<512x512xf32>
    %sub3A_1350 = arith.subf %select_n3A_1345, %sub3A_1349 : vector<512x512xf32>
    %exp3A_1351 = math.exp %sub3A_1350 : vector<512x512xf32>
    %reduce_sum3A_1352 = arith.constant dense<0.000000e+00> : vector<512xf32>
    %reduce_sum3A_1353 = vector.multi_reduction <add>, %exp3A_1351, %reduce_sum3A_1352 [1] : vector<512x512xf32> to vector<512xf32>
    %broadcast_in_dim3A_1354 = vector.shape_cast %reduce_sum3A_1353 : vector<512xf32> to vector<512x1xf32>
    %div3A_1355 = vector.broadcast %broadcast_in_dim3A_1354 : vector<512x1xf32> to vector<512x512xf32>
    %div3A_1356 = arith.divf %exp3A_1351, %div3A_1355 : vector<512x512xf32>
    %dot_general3A_1357 = arith.constant dense<0.000000e+00> : vector<512x64xf32>
    %dot_general3A_1358 = tpu.matmul %div3A_1356, %slice3A_1337, %dot_general3A_1357 {dimension_numbers = #tpu.dot_dimension_numbers<[1], [0], [0], [1], [0, 0, 1, 1], [], []>, transpose_lhs_hint = false} : vector<512x512xf32>, vector<512x64xf32>, vector<512x64xf32> -> vector<512x64xf32>
    %slice3A_1359 = vector.extract_strided_slice %dot_general3A_999 {offsets = [0, 960], sizes = [512, 64], strides = [1, 1]} : vector<512x3072xf32> to vector<512x64xf32>
    %slice3A_1360 = vector.extract_strided_slice %dot_general3A_999 {offsets = [0, 1984], sizes = [512, 64], strides = [1, 1]} : vector<512x3072xf32> to vector<512x64xf32>
    %slice3A_1361 = vector.extract_strided_slice %dot_general3A_999 {offsets = [0, 3008], sizes = [512, 64], strides = [1, 1]} : vector<512x3072xf32> to vector<512x64xf32>
    %dot_general3A_1362 = arith.constant dense<0.000000e+00> : vector<512x512xf32>
    %dot_general3A_1363 = tpu.matmul %slice3A_1359, %slice3A_1360, %dot_general3A_1362 {dimension_numbers = #tpu.dot_dimension_numbers<[1], [1], [0], [0], [0, 0, 1, 0], [], []>, transpose_lhs_hint = false} : vector<512x64xf32>, vector<512x64xf32>, vector<512x512xf32> -> vector<512x512xf32>
    %mul3A_1364 = arith.constant 1.250000e-01 : f32
    %mul3A_1365 = vector.broadcast %mul3A_1364 : f32 to vector<512x512xf32>
    %mul3A_1366 = arith.mulf %dot_general3A_1363, %mul3A_1365 : vector<512x512xf32>
    %jit3A_1367 = arith.constant -1.000000e+09 : f32
    %broadcast_in_dim3A_1368 = vector.broadcast %jit3A_1367 : f32 to vector<512x512xf32>
    %select_n3A_1369 = arith.select %and3A_982, %mul3A_1366, %broadcast_in_dim3A_1368 : vector<512x512xi1>, vector<512x512xf32>
    %reduce_max3A_1370 = arith.constant dense<0xFF800000> : vector<512xf32>
    %reduce_max3A_1371 = vector.multi_reduction <maximumf>, %select_n3A_1369, %reduce_max3A_1370 [1] : vector<512x512xf32> to vector<512xf32>
    %broadcast_in_dim3A_1372 = vector.shape_cast %reduce_max3A_1371 : vector<512xf32> to vector<512x1xf32>
    %sub3A_1373 = vector.broadcast %broadcast_in_dim3A_1372 : vector<512x1xf32> to vector<512x512xf32>
    %sub3A_1374 = arith.subf %select_n3A_1369, %sub3A_1373 : vector<512x512xf32>
    %exp3A_1375 = math.exp %sub3A_1374 : vector<512x512xf32>
    %reduce_sum3A_1376 = arith.constant dense<0.000000e+00> : vector<512xf32>
    %reduce_sum3A_1377 = vector.multi_reduction <add>, %exp3A_1375, %reduce_sum3A_1376 [1] : vector<512x512xf32> to vector<512xf32>
    %broadcast_in_dim3A_1378 = vector.shape_cast %reduce_sum3A_1377 : vector<512xf32> to vector<512x1xf32>
    %div3A_1379 = vector.broadcast %broadcast_in_dim3A_1378 : vector<512x1xf32> to vector<512x512xf32>
    %div3A_1380 = arith.divf %exp3A_1375, %div3A_1379 : vector<512x512xf32>
    %dot_general3A_1381 = arith.constant dense<0.000000e+00> : vector<512x64xf32>
    %dot_general3A_1382 = tpu.matmul %div3A_1380, %slice3A_1361, %dot_general3A_1381 {dimension_numbers = #tpu.dot_dimension_numbers<[1], [0], [0], [1], [0, 0, 1, 1], [], []>, transpose_lhs_hint = false} : vector<512x512xf32>, vector<512x64xf32>, vector<512x64xf32> -> vector<512x64xf32>
    %concatenate3A = tpu.concatenate %dot_general3A_1022, %dot_general3A_1046, %dot_general3A_1070, %dot_general3A_1094, %dot_general3A_1118, %dot_general3A_1142, %dot_general3A_1166, %dot_general3A_1190, %dot_general3A_1214, %dot_general3A_1238, %dot_general3A_1262, %dot_general3A_1286, %dot_general3A_1310, %dot_general3A_1334, %dot_general3A_1358, %dot_general3A_1382 in 1 : vector<512x64xf32>, vector<512x64xf32>, vector<512x64xf32>, vector<512x64xf32>, vector<512x64xf32>, vector<512x64xf32>, vector<512x64xf32>, vector<512x64xf32>, vector<512x64xf32>, vector<512x64xf32>, vector<512x64xf32>, vector<512x64xf32>, vector<512x64xf32>, vector<512x64xf32>, vector<512x64xf32>, vector<512x64xf32> -> vector<512x1024xf32>
    %dot_general3A_1383 = arith.constant dense<0.000000e+00> : vector<512x1024xf32>
    %dot_general3A_1384 = tpu.matmul %concatenate3A, %get3A_922, %dot_general3A_1383 {dimension_numbers = #tpu.dot_dimension_numbers<[1], [0], [0], [1], [0, 0, 1, 1], [], []>, transpose_lhs_hint = false} : vector<512x1024xf32>, vector<1024x1024xf32>, vector<512x1024xf32> -> vector<512x1024xf32>
    %add3A_1385 = arith.addf %dot_general3A_1384, %mul3A_997 : vector<512x1024xf32>
    %mul3A_1386 = vector.broadcast %get3A_911 : vector<1x1024xf32> to vector<512x1024xf32>
    %mul3A_1387 = arith.mulf %add3A_1385, %mul3A_1386 : vector<512x1024xf32>
    %mul3A_1388 = arith.mulf %add3A_1385, %add3A_1385 : vector<512x1024xf32>
    %reduce_sum3A_1389 = arith.constant dense<0.000000e+00> : vector<512xf32>
    %reduce_sum3A_1390 = vector.multi_reduction <add>, %mul3A_1388, %reduce_sum3A_1389 [1] : vector<512x1024xf32> to vector<512xf32>
    %broadcast_in_dim3A_1391 = vector.shape_cast %reduce_sum3A_1390 : vector<512xf32> to vector<512x1xf32>
    %div3A_1392 = arith.constant 1.024000e+03 : f32
    %div3A_1393 = vector.broadcast %div3A_1392 : f32 to vector<512x1xf32>
    %div3A_1394 = arith.divf %broadcast_in_dim3A_1391, %div3A_1393 : vector<512x1xf32>
    %add3A_1395 = arith.constant 9.99999997E-7 : f32
    %add3A_1396 = vector.broadcast %add3A_1395 : f32 to vector<512x1xf32>
    %add3A_1397 = arith.addf %div3A_1394, %add3A_1396 : vector<512x1xf32>
    %rsqrt3A_1398 = math.rsqrt %add3A_1397 : vector<512x1xf32>
    %mul3A_1399 = vector.broadcast %rsqrt3A_1398 : vector<512x1xf32> to vector<512x1024xf32>
    %mul3A_1400 = arith.mulf %mul3A_1387, %mul3A_1399 : vector<512x1024xf32>
    %dot_general3A_1401 = arith.constant dense<0.000000e+00> : vector<512x8xf32>
    %dot_general3A_1402 = tpu.matmul %mul3A_1400, %get3A_916, %dot_general3A_1401 {dimension_numbers = #tpu.dot_dimension_numbers<[1], [0], [0], [1], [0, 0, 1, 1], [], []>, transpose_lhs_hint = false} : vector<512x1024xf32>, vector<1024x8xf32>, vector<512x8xf32> -> vector<512x8xf32>
    %reduce_max3A_1403 = arith.constant dense<0xFF800000> : vector<512xf32>
    %reduce_max3A_1404 = vector.multi_reduction <maximumf>, %dot_general3A_1402, %reduce_max3A_1403 [1] : vector<512x8xf32> to vector<512xf32>
    %broadcast_in_dim3A_1405 = vector.shape_cast %reduce_max3A_1404 : vector<512xf32> to vector<512x1xf32>
    %sub3A_1406 = vector.broadcast %broadcast_in_dim3A_1405 : vector<512x1xf32> to vector<512x8xf32>
    %sub3A_1407 = arith.subf %dot_general3A_1402, %sub3A_1406 : vector<512x8xf32>
    %exp3A_1408 = math.exp %sub3A_1407 : vector<512x8xf32>
    %reduce_sum3A_1409 = arith.constant dense<0.000000e+00> : vector<512xf32>
    %reduce_sum3A_1410 = vector.multi_reduction <add>, %exp3A_1408, %reduce_sum3A_1409 [1] : vector<512x8xf32> to vector<512xf32>
    %broadcast_in_dim3A_1411 = vector.shape_cast %reduce_sum3A_1410 : vector<512xf32> to vector<512x1xf32>
    %div3A_1412 = vector.broadcast %broadcast_in_dim3A_1411 : vector<512x1xf32> to vector<512x8xf32>
    %div3A_1413 = arith.divf %exp3A_1408, %div3A_1412 : vector<512x8xf32>
    %reduce_max3A_1414 = arith.constant dense<0xFF800000> : vector<512xf32>
    %reduce_max3A_1415 = vector.multi_reduction <maximumf>, %div3A_1413, %reduce_max3A_1414 [1] : vector<512x8xf32> to vector<512xf32>
    %broadcast_in_dim3A_1416 = vector.shape_cast %reduce_max3A_1415 : vector<512xf32> to vector<512x1xf32>
    %eq3A_1417 = vector.broadcast %broadcast_in_dim3A_1416 : vector<512x1xf32> to vector<512x8xf32>
    %eq3A_1418 = arith.cmpf oeq, %div3A_1413, %eq3A_1417 : vector<512x8xf32>
    %jit3A_1419 = arith.constant 8 : i32
    %broadcast_in_dim3A_1420 = vector.broadcast %jit3A_1419 : i32 to vector<512x8xi32>
    %select_n3A_1421 = arith.select %eq3A_1418, %iota3A_985, %broadcast_in_dim3A_1420 : vector<512x8xi1>, vector<512x8xi32>
    %reduce_min3A = arith.constant dense<2147483647> : vector<512xi32>
    %reduce_min3A_1422 = vector.multi_reduction <minsi>, %select_n3A_1421, %reduce_min3A [1] : vector<512x8xi32> to vector<512xi32>
    %broadcast_in_dim3A_1423 = vector.shape_cast %reduce_min3A_1422 : vector<512xi32> to vector<512x1xi32>
    %eq3A_1424 = vector.broadcast %broadcast_in_dim3A_1423 : vector<512x1xi32> to vector<512x8xi32>
    %eq3A_1425 = arith.cmpi eq, %iota3A_985, %eq3A_1424 : vector<512x8xi32>
    %convert_element_type3A_1426 = arith.extui %eq3A_1425 : vector<512x8xi1> to vector<512x8xi32>
    %convert_element_type3A_1427 = arith.sitofp %convert_element_type3A_1426 : vector<512x8xi32> to vector<512x8xf32>
    %eq3A_1428 = vector.broadcast %broadcast_in_dim3A_1423 : vector<512x1xi32> to vector<512x8xi32>
    %eq3A_1429 = arith.cmpi eq, %iota3A_985, %eq3A_1428 : vector<512x8xi32>
    %jit3A_1430 = arith.constant -1.000000e+00 : f32
    %broadcast_in_dim3A_1431 = vector.broadcast %jit3A_1430 : f32 to vector<512x8xf32>
    %select_n3A_1432 = arith.select %eq3A_1429, %broadcast_in_dim3A_1431, %div3A_1413 : vector<512x8xi1>, vector<512x8xf32>
    %reduce_max3A_1433 = arith.constant dense<0xFF800000> : vector<512xf32>
    %reduce_max3A_1434 = vector.multi_reduction <maximumf>, %select_n3A_1432, %reduce_max3A_1433 [1] : vector<512x8xf32> to vector<512xf32>
    %broadcast_in_dim3A_1435 = vector.shape_cast %reduce_max3A_1434 : vector<512xf32> to vector<512x1xf32>
    %eq3A_1436 = vector.broadcast %broadcast_in_dim3A_1435 : vector<512x1xf32> to vector<512x8xf32>
    %eq3A_1437 = arith.cmpf oeq, %select_n3A_1432, %eq3A_1436 : vector<512x8xf32>
    %jit3A_1438 = arith.constant 8 : i32
    %broadcast_in_dim3A_1439 = vector.broadcast %jit3A_1438 : i32 to vector<512x8xi32>
    %select_n3A_1440 = arith.select %eq3A_1437, %iota3A_985, %broadcast_in_dim3A_1439 : vector<512x8xi1>, vector<512x8xi32>
    %reduce_min3A_1441 = arith.constant dense<2147483647> : vector<512xi32>
    %reduce_min3A_1442 = vector.multi_reduction <minsi>, %select_n3A_1440, %reduce_min3A_1441 [1] : vector<512x8xi32> to vector<512xi32>
    %broadcast_in_dim3A_1443 = vector.shape_cast %reduce_min3A_1442 : vector<512xi32> to vector<512x1xi32>
    %eq3A_1444 = vector.broadcast %broadcast_in_dim3A_1443 : vector<512x1xi32> to vector<512x8xi32>
    %eq3A_1445 = arith.cmpi eq, %iota3A_985, %eq3A_1444 : vector<512x8xi32>
    %convert_element_type3A_1446 = arith.extui %eq3A_1445 : vector<512x8xi1> to vector<512x8xi32>
    %convert_element_type3A_1447 = arith.sitofp %convert_element_type3A_1446 : vector<512x8xi32> to vector<512x8xf32>
    %add3A_1448 = arith.addf %broadcast_in_dim3A_1416, %broadcast_in_dim3A_1435 : vector<512x1xf32>
    %add3A_1449 = arith.constant 9.99999971E-10 : f32
    %add3A_1450 = vector.broadcast %add3A_1449 : f32 to vector<512x1xf32>
    %add3A_1451 = arith.addf %add3A_1448, %add3A_1450 : vector<512x1xf32>
    %div3A_1452 = arith.divf %broadcast_in_dim3A_1416, %add3A_1451 : vector<512x1xf32>
    %div3A_1453 = arith.divf %broadcast_in_dim3A_1435, %add3A_1451 : vector<512x1xf32>
    %dot_general3A_1454 = arith.constant dense<0.000000e+00> : vector<512x8xf32>
    %dot_general3A_1455 = tpu.matmul %convert_element_type3A_984, %convert_element_type3A_1427, %dot_general3A_1454 {dimension_numbers = #tpu.dot_dimension_numbers<[1], [0], [0], [1], [0, 0, 1, 1], [], []>, transpose_lhs_hint = false} : vector<512x512xf32>, vector<512x8xf32>, vector<512x8xf32> -> vector<512x8xf32>
    %mul3A_1456 = arith.mulf %dot_general3A_1455, %convert_element_type3A_1427 : vector<512x8xf32>
    %reduce_sum3A_1457 = arith.constant dense<0.000000e+00> : vector<512xf32>
    %reduce_sum3A_1458 = vector.multi_reduction <add>, %mul3A_1456, %reduce_sum3A_1457 [1] : vector<512x8xf32> to vector<512xf32>
    %broadcast_in_dim3A_1459 = vector.shape_cast %reduce_sum3A_1458 : vector<512xf32> to vector<512x1xf32>
    %reduce_sum3A_1460 = arith.constant dense<0.000000e+00> : vector<8xf32>
    %reduce_sum3A_1461 = vector.multi_reduction <add>, %convert_element_type3A_1427, %reduce_sum3A_1460 [0] : vector<512x8xf32> to vector<8xf32>
    %broadcast_in_dim3A_1462 = vector.shape_cast %reduce_sum3A_1461 : vector<8xf32> to vector<1x8xf32>
    %dot_general3A_1463 = arith.constant dense<0.000000e+00> : vector<512x8xf32>
    %dot_general3A_1464 = tpu.matmul %convert_element_type3A_984, %convert_element_type3A_1447, %dot_general3A_1463 {dimension_numbers = #tpu.dot_dimension_numbers<[1], [0], [0], [1], [0, 0, 1, 1], [], []>, transpose_lhs_hint = false} : vector<512x512xf32>, vector<512x8xf32>, vector<512x8xf32> -> vector<512x8xf32>
    %add3A_1465 = vector.broadcast %broadcast_in_dim3A_1462 : vector<1x8xf32> to vector<512x8xf32>
    %add3A_1466 = arith.addf %dot_general3A_1464, %add3A_1465 : vector<512x8xf32>
    %mul3A_1467 = arith.mulf %add3A_1466, %convert_element_type3A_1447 : vector<512x8xf32>
    %reduce_sum3A_1468 = arith.constant dense<0.000000e+00> : vector<512xf32>
    %reduce_sum3A_1469 = vector.multi_reduction <add>, %mul3A_1467, %reduce_sum3A_1468 [1] : vector<512x8xf32> to vector<512xf32>
    %broadcast_in_dim3A_1470 = vector.shape_cast %reduce_sum3A_1469 : vector<512xf32> to vector<512x1xf32>
    %lt3A = arith.constant 1.600000e+02 : f32
    %lt3A_1471 = vector.broadcast %lt3A : f32 to vector<512x1xf32>
    %lt3A_1472 = arith.cmpf olt, %broadcast_in_dim3A_1459, %lt3A_1471 : vector<512x1xf32>
    %convert_element_type3A_1473 = arith.extui %lt3A_1472 : vector<512x1xi1> to vector<512x1xi32>
    %convert_element_type3A_1474 = arith.sitofp %convert_element_type3A_1473 : vector<512x1xi32> to vector<512x1xf32>
    %lt3A_1475 = arith.constant 1.600000e+02 : f32
    %lt3A_1476 = vector.broadcast %lt3A_1475 : f32 to vector<512x1xf32>
    %lt3A_1477 = arith.cmpf olt, %broadcast_in_dim3A_1470, %lt3A_1476 : vector<512x1xf32>
    %convert_element_type3A_1478 = arith.extui %lt3A_1477 : vector<512x1xi1> to vector<512x1xi32>
    %convert_element_type3A_1479 = arith.sitofp %convert_element_type3A_1478 : vector<512x1xi32> to vector<512x1xf32>
    %mul3A_1480 = vector.broadcast %convert_element_type3A_1474 : vector<512x1xf32> to vector<512x8xf32>
    %mul3A_1481 = arith.mulf %mul3A_1480, %convert_element_type3A_1427 : vector<512x8xf32>
    %mul3A_1482 = vector.broadcast %convert_element_type3A_1479 : vector<512x1xf32> to vector<512x8xf32>
    %mul3A_1483 = arith.mulf %mul3A_1482, %convert_element_type3A_1447 : vector<512x8xf32>
    %add3A_1484 = arith.addf %mul3A_1481, %mul3A_1483 : vector<512x8xf32>
    %reduce_sum3A_1485 = arith.constant dense<0.000000e+00> : vector<8xf32>
    %reduce_sum3A_1486 = vector.multi_reduction <add>, %add3A_1484, %reduce_sum3A_1485 [0] : vector<512x8xf32> to vector<8xf32>
    %broadcast_in_dim3A_1487 = vector.shape_cast %reduce_sum3A_1486 : vector<8xf32> to vector<1x8xf32>
    %iota3A_1488 = tpu.iota {dimensions = array<i32: 1>} : vector<512x1280xi32>
    %iota3A_1489 = tpu.iota {dimensions = array<i32: 0>} : vector<512x1280xi32>
    %gt3A_1490 = arith.constant 0.000000e+00 : f32
    %gt3A_1491 = vector.broadcast %gt3A_1490 : f32 to vector<512x1xf32>
    %gt3A_1492 = arith.cmpf ogt, %convert_element_type3A_1474, %gt3A_1491 : vector<512x1xf32>
    %mul3A_1493 = arith.constant 160 : i32
    %mul3A_1494 = vector.broadcast %mul3A_1493 : i32 to vector<512x1xi32>
    %mul3A_1495 = arith.muli %broadcast_in_dim3A_1423, %mul3A_1494 : vector<512x1xi32>
    %convert_element_type3A_1496 = arith.fptosi %broadcast_in_dim3A_1459 : vector<512x1xf32> to vector<512x1xi32>
    %add3A_1497 = arith.addi %mul3A_1495, %convert_element_type3A_1496 : vector<512x1xi32>
    %jit3A_1498 = arith.constant -1 : i32
    %broadcast_in_dim3A_1499 = vector.broadcast %jit3A_1498 : i32 to vector<512x1xi32>
    %select_n3A_1500 = arith.select %gt3A_1492, %add3A_1497, %broadcast_in_dim3A_1499 : vector<512x1xi1>, vector<512x1xi32>
    %gt3A_1501 = arith.constant 0.000000e+00 : f32
    %gt3A_1502 = vector.broadcast %gt3A_1501 : f32 to vector<512x1xf32>
    %gt3A_1503 = arith.cmpf ogt, %convert_element_type3A_1479, %gt3A_1502 : vector<512x1xf32>
    %mul3A_1504 = arith.constant 160 : i32
    %mul3A_1505 = vector.broadcast %mul3A_1504 : i32 to vector<512x1xi32>
    %mul3A_1506 = arith.muli %broadcast_in_dim3A_1443, %mul3A_1505 : vector<512x1xi32>
    %convert_element_type3A_1507 = arith.fptosi %broadcast_in_dim3A_1470 : vector<512x1xf32> to vector<512x1xi32>
    %add3A_1508 = arith.addi %mul3A_1506, %convert_element_type3A_1507 : vector<512x1xi32>
    %jit3A_1509 = arith.constant -1 : i32
    %broadcast_in_dim3A_1510 = vector.broadcast %jit3A_1509 : i32 to vector<512x1xi32>
    %select_n3A_1511 = arith.select %gt3A_1503, %add3A_1508, %broadcast_in_dim3A_1510 : vector<512x1xi1>, vector<512x1xi32>
    %eq3A_1512 = vector.broadcast %select_n3A_1500 : vector<512x1xi32> to vector<512x1280xi32>
    %eq3A_1513 = arith.cmpi eq, %iota3A_1488, %eq3A_1512 : vector<512x1280xi32>
    %eq3A_1514 = vector.broadcast %select_n3A_1511 : vector<512x1xi32> to vector<512x1280xi32>
    %eq3A_1515 = arith.cmpi eq, %iota3A_1488, %eq3A_1514 : vector<512x1280xi32>
    %or3A = arith.ori %eq3A_1513, %eq3A_1515 : vector<512x1280xi1>
    %convert_element_type3A_1516 = arith.extui %or3A : vector<512x1280xi1> to vector<512x1280xi32>
    %add3A_1517 = arith.constant 1 : i32
    %add3A_1518 = vector.broadcast %add3A_1517 : i32 to vector<512x1280xi32>
    %add3A_1519 = arith.addi %iota3A_1489, %add3A_1518 : vector<512x1280xi32>
    %mul3A_1520 = arith.muli %convert_element_type3A_1516, %add3A_1519 : vector<512x1280xi32>
    %reduce_sum3A_1521 = arith.constant dense<0> : vector<1280xi32>
    %reduce_sum3A_1522 = vector.multi_reduction <add>, %mul3A_1520, %reduce_sum3A_1521 [0] : vector<512x1280xi32> to vector<1280xi32>
    %broadcast_in_dim3A_1523 = vector.shape_cast %reduce_sum3A_1522 : vector<1280xi32> to vector<1x1280xi32>
    %sub3A_1524 = arith.constant 1 : i32
    %sub3A_1525 = vector.broadcast %sub3A_1524 : i32 to vector<1x1280xi32>
    %sub3A_1526 = arith.subi %broadcast_in_dim3A_1523, %sub3A_1525 : vector<1x1280xi32>
    %max3A = arith.constant 0 : i32
    %max3A_1527 = vector.broadcast %max3A : i32 to vector<1x1280xi32>
    %max3A_1528 = arith.maxsi %sub3A_1526, %max3A_1527 : vector<1x1280xi32>
    %broadcast_in_dim3A_1529 = arith.constant 0.000000e+00 : f32
    %broadcast_in_dim3A_1530 = vector.broadcast %broadcast_in_dim3A_1529 : f32 to vector<512x1xf32>
    %convert_element_type3A_1531 = arith.sitofp %broadcast_in_dim3A_1423 : vector<512x1xi32> to vector<512x1xf32>
    %mul3A_1532 = arith.mulf %convert_element_type3A_1474, %div3A_1452 : vector<512x1xf32>
    %convert_element_type3A_1533 = arith.sitofp %broadcast_in_dim3A_1443 : vector<512x1xi32> to vector<512x1xf32>
    %mul3A_1534 = arith.mulf %convert_element_type3A_1479, %div3A_1453 : vector<512x1xf32>
    %concatenate3A_1535 = tpu.concatenate %convert_element_type3A_1531, %broadcast_in_dim3A_1459, %mul3A_1532, %convert_element_type3A_1533, %broadcast_in_dim3A_1470, %mul3A_1534, %broadcast_in_dim3A_1530, %broadcast_in_dim3A_1530 in 1 : vector<512x1xf32>, vector<512x1xf32>, vector<512x1xf32>, vector<512x1xf32>, vector<512x1xf32>, vector<512x1xf32>, vector<512x1xf32>, vector<512x1xf32> -> vector<512x8xf32>
    %swap3A = arith.constant 0 : index
    %swap3A_1536 = arith.constant 0 : index
    %swap3A_1537 = vector.load %arg10[%swap3A, %swap3A_1536] : memref<512x1024xf32, #tpu.memory_space<vmem>>, vector<512x1024xf32>
    tpu.vector_store %arg10[%swap3A, %swap3A_1536], %mul3A_1400 {strides = array<i32>} : memref<512x1024xf32, #tpu.memory_space<vmem>>, vector<512x1024xf32>,
    %swap3A_1538 = arith.constant 0 : index
    %swap3A_1539 = arith.constant 0 : index
    %swap3A_1540 = vector.load %arg11[%swap3A_1538, %swap3A_1539] : memref<512x8xf32, #tpu.memory_space<vmem>>, vector<512x8xf32>
    tpu.vector_store %arg11[%swap3A_1538, %swap3A_1539], %concatenate3A_1535 {strides = array<i32>} : memref<512x8xf32, #tpu.memory_space<vmem>>, vector<512x8xf32>,
    %swap3A_1541 = arith.constant 0 : index
    %swap3A_1542 = arith.constant 0 : index
    %swap3A_1543 = vector.load %arg12[%swap3A_1541, %swap3A_1542] : memref<1x1280xi32, #tpu.memory_space<vmem>>, vector<1x1280xi32>
    tpu.vector_store %arg12[%swap3A_1541, %swap3A_1542], %max3A_1528 {strides = array<i32>} : memref<1x1280xi32, #tpu.memory_space<vmem>>, vector<1x1280xi32>,
    %swap3A_1544 = arith.constant 0 : index
    %swap3A_1545 = arith.constant 0 : index
    %swap3A_1546 = vector.load %arg13[%swap3A_1544, %swap3A_1545] : memref<1x8xf32, #tpu.memory_space<vmem>>, vector<1x8xf32>
    tpu.vector_store %arg13[%swap3A_1544, %swap3A_1545], %broadcast_in_dim3A_1487 {strides = array<i32>} : memref<1x8xf32, #tpu.memory_space<vmem>>, vector<1x8xf32>,
    return
  }
}

</mosaic_0001>

<sc_bundles>
// kernel: kernel.10.cloned.1.call-start
scs
__scs_entry_jumppad:
0x0: {  	(pc) =	sbr.rel $0x88, $3  }
0x1: {  	(tag) =	ssettag $0x0;
	lr =	simm.s32 $0x1  }
0x2: {  	[smem:$0x3F8F] =	sst lr;
	_ =	strace $0xD0000000  }
0x3: {  	_ = 	snop  }
0x4: {  	_ = 	snop  }
0x5: {  	_ = 	snop  }
0x6: {  	_ = 	snop  }
0x7: {  	_ = 	snop  }
__scs_overlays_trampoline_lowered:
0x8: {  	[smem:$0x3F9E] =	sst s0  }
0x9: {  	[smem:$0x3F9F] =	sst s1  }
0xa: {  	[smem:$0x3FA0] =	sst s2  }
0xb: {  	[smem:$0x3FA1] =	sst s3  }
0xc: {  	[smem:$0x3FA2] =	sst s4  }
0xd: {  	[smem:$0x3FA3] =	sst s5  }
0xe: {  	[smem:$0x3FA4] =	sst s6  }
0xf: {  	[smem:$0x3FA5] =	sst s7  }
0x10: {  	[smem:$0x3FA6] =	sst s8  }
0x11: {  	[smem:$0x3FA7] =	sst s9;
	s0 =	simm.s32 @!p0 $0x0  }
0x12: {  	s1 =	sld [smem:$0x3F8D];
	s0 =	simm.s32 @p0 $0x1  }
0x13: {  	[smem:$0x3FA8] =	sst s0;
	s0 =	simm.s32 @!p1 $0x0  }
0x14: {  	s2 =	sld [smem:$0x3F8C];
	s0 =	simm.s32 @p1 $0x1  }
0x15: {  	[smem:$0x3FA9] =	sst s0;
	s0 =	simm.s32 @!p2 $0x0  }
0x16: {  	s3 =	sld [smem:$0x3FDB];
	s0 =	simm.s32 @p2 $0x1  }
0x17: {  	s4 =	simm.s32 $0x1BF5;
	[smem:$0x3FAB] =	sst s0  }
0x18: {  	s0 =	sld [smem:$0x3F8E];
	_ =	swait.ge [sflag:s4], $0x0  }
0x19: {  	s7 =	sld [smem:$0x3F8F]  }
0x1a: {  	s8 =	sadd.s32 $0xFFFFE003, lr  }
0x1b: {  	s9 =	sadd.s32 $0xFFFFFEF7, lr;
	s5 =	simm.s32 $0xFFFFFFFF;
	p2 =	slt.u32 s8, $0xFFFFF086  }
0x1c: {  	p1 =	slt.u32 s9, $0xF7A;
	s5 =	simm.s32 @!p2 $0x0  }
0x1d: {  	s5 =	simm.s32 @p1 $0x1;
	p0 =	seq.s32 s7, s2  }
0x1e: {  	s7 =	smul.u32 @!p0 $0xF7A, s2;
	p2 =	seq.s32 @!p0 s5, $0x0  }
0x1f: {  	s9 =	smul.u32 $0xF7A, s1;
	s8 =	simm.s32 @!p0 $0x1BF5;
	p2 =	por !p2, p0  }
0x20: {  	[sflag:s8] =	ssyncset.s32 @!p0 $0xFFFFF086;
	s6 =	sadd.s32 @!p0 s3, s7;
	s7 =	simm.s32 @!p0 $0x108  }
0x21: {  	s3 =	sadd.s32 s3, s9;
	s6 =	sadd.s32 @!p0 $0x88, s6;
	s7 =	simm.s32 @p2 $0x1082  }
0x22: {  	[simem:s7], [sflag:s8] =	dma.local @!p0 [hbm:s6], $0xF7A  }
0x23: {  	s9 =	sor.u32 $0xD0000000, s2;
	s6 =	simm.s32 $0x108;
	_ =	swait.ge @!p0 [sflag:s8], $0x0  }
0x24: {  	s3 =	sadd.s32 $0x88, s3;
	s6 =	simm.s32 @!p1 $0x1082;
	[sflag:s4] =	ssyncset.s32 $0xFFFFF086  }
0x25: {  	[simem:s6], [sflag:s4] =	dma.local [hbm:s3], $0xF7A  }
0x26: {  	[smem:$0x3F8F] =	sst s1;
	(tag) =	ssettag s2;
	_ =	strace s9  }
0x27: {  	s1 =	sld [smem:$0x3F9F]  }
0x28: {  	s2 =	sld [smem:$0x3FA0]  }
0x29: {  	s4 =	sld [smem:$0x3FA2]  }
0x2a: {  	p0 =	seq.s32 s5, $0x0;
	s5 =	sld [smem:$0x3FA3]  }
0x2b: {  	s6 =	sld [smem:$0x3FA4]  }
0x2c: {  	s7 =	sld [smem:$0x3FA5]  }
0x2d: {  	s3 =	simm.s32 $0x108;
	s8 =	sld [smem:$0x3FA6]  }
0x2e: {  	s3 =	simm.s32 @!p0 $0x1082;
	s9 =	sld [smem:$0x3FA7]  }
0x2f: {  	lr =	sadd.s32 s0, s3;
	s0 =	sld [smem:$0x3F9E]  }
0x30: {  	s3 =	sld [smem:$0x3FA1]  }
0x31: {  	[smem:$0x3FAA] =	sst s10  }
0x32: {  	s10 =	sld [smem:$0x3FA8];
	_ =	sdelay $0x3  }
0x33: {  	p0 =	seq.s32 s10, $0x1;
	s10 =	sld [smem:$0x3FAA];
	_ =	sdelay $0x3  }
0x34: {  	[smem:$0x3FAA] =	sst s10  }
0x35: {  	s10 =	sld [smem:$0x3FA9];
	_ =	sdelay $0x3  }
0x36: {  	p1 =	seq.s32 s10, $0x1;
	s10 =	sld [smem:$0x3FAA];
	_ =	sdelay $0x3  }
0x37: {  	[smem:$0x3FAA] =	sst s10  }
0x38: {  	s10 =	sld [smem:$0x3FAB]  }
0x39: {  	_ = 	snop;
	(pc) =	sbr.ind lr, $3  }
0x3a: {  	_ = 	snop  }
0x3b: {  	_ = 	snop  }
0x3c: {  	p2 =	seq.s32 s10, $0x1;
	s10 =	sld [smem:$0x3FAA]  }
0x3d: {  	_ =	shalt  }
0x3e: {  	_ =	shalt  }
0x3f: {  	_ =	shalt  }
0x40: {  	_ =	shalt  }
0x41: {  	_ =	shalt  }
0x42: {  	_ =	shalt  }
0x43: {  	_ =	shalt  }
0x44: {  	_ =	shalt  }
0x45: {  	_ =	shalt  }
0x46: {  	_ =	shalt  }
0x47: {  	_ =	shalt  }
0x48: {  	_ =	shalt  }
0x49: {  	_ =	shalt  }
0x4a: {  	_ =	shalt  }
0x4b: {  	_ =	shalt  }
0x4c: {  	_ =	shalt  }
0x4d: {  	_ =	shalt  }
0x4e: {  	_ =	shalt  }
0x4f: {  	_ =	shalt  }
0x50: {  	_ =	shalt  }
0x51: {  	_ =	shalt  }
0x52: {  	_ =	shalt  }
0x53: {  	_ =	shalt  }
0x54: {  	_ =	shalt  }
0x55: {  	_ =	shalt  }
0x56: {  	_ =	shalt  }
0x57: {  	_ =	shalt  }
0x58: {  	_ =	shalt  }
0x59: {  	_ =	shalt  }
0x5a: {  	_ =	shalt  }
0x5b: {  	_ =	shalt  }
0x5c: {  	_ =	shalt  }
0x5d: {  	_ =	shalt  }
0x5e: {  	_ =	shalt  }
0x5f: {  	_ =	shalt  }
0x60: {  	_ =	shalt  }
0x61: {  	_ =	shalt  }
0x62: {  	_ =	shalt  }
0x63: {  	_ =	shalt  }
0x64: {  	_ =	shalt  }
0x65: {  	_ =	shalt  }
0x66: {  	_ =	shalt  }
0x67: {  	_ =	shalt  }
0x68: {  	_ =	shalt  }
0x69: {  	_ =	shalt  }
0x6a: {  	_ =	shalt  }
0x6b: {  	_ =	shalt  }
0x6c: {  	_ =	shalt  }
0x6d: {  	_ =	shalt  }
0x6e: {  	_ =	shalt  }
0x6f: {  	_ =	shalt  }
0x70: {  	_ =	shalt  }
0x71: {  	_ =	shalt  }
0x72: {  	_ =	shalt  }
0x73: {  	_ =	shalt  }
0x74: {  	_ =	shalt  }
0x75: {  	_ =	shalt  }
0x76: {  	_ =	shalt  }
0x77: {  	_ =	shalt  }
0x78: {  	_ =	shalt  }
0x79: {  	_ =	shalt  }
0x7a: {  	_ =	shalt  }
0x7b: {  	_ =	shalt  }
0x7c: {  	_ =	shalt  }
0x7d: {  	_ =	shalt  }
0x7e: {  	_ =	shalt  }
0x7f: {  	_ =	shalt  }
0x80: {  	_ =	shalt  }
0x81: {  	_ =	shalt  }
0x82: {  	_ =	shalt  }
0x83: {  	_ =	shalt  }
0x84: {  	_ =	shalt  }
0x85: {  	_ =	shalt  }
0x86: {  	_ =	shalt  }
0x87: {  	_ =	shalt  }
.Lfunc_end0:
.L_simem_size_0:
called_computation.1_lowered:
.L_overlay_start_0:
0x88: {  	s2 =	sld [smem:$0x3FD9]  }
0x89: {  	s3 =	sld [smem:$0x3FFE];
	_ =	sdelay $0x1  }
0x8a: {  	s1 =	srdreg.scid  }
0x8b: {  	s0 =	sand.u32 $0x1, s1  }
0x8c: {  	s14 =	sshll.u32 s0, $0xA;
	s2 =	sadd.s32 s3, s2  }
0x8d: {  	s2 =	sadd.s32 s2, s14  }
0x8e: {  	[smem:$0x3FB6] =	sst s2  }
0x8f: {  	_ = 	snop  }
0x90: {  	s2 =	sld [smem:$0x3FD0];
	_ =	sdelay $0x2  }
0x91: {  	s15 =	simm.s32 $0xA;
	s4 =	simm.s32 $0x10  }
0x92: {  	[smem:s4], [sflag:s15] =	dma.local [hbm:s2], $0x1  }
0x93: {  	_ =	swait.eq [sflag:s15], $0x1  }
0x94: {  	[sflag:s15] =	ssyncset.done $0x0  }
0x95: {  	[sflag:s15] =	ssyncadd.s32 $0xFFFFFFFF  }
0x96: {  	s16 =	sld [smem:$0x11];
	(tm) =	ssettm $0x1  }
0x97: {  	s17 =	sld [smem:$0x3FFB];
	_ =	sdelay $0x3  }
0x98: {  	_ =	strace s17  }
0x99: {  	s3 =	sld [smem:$0x3FFC];
	_ =	sdelay $0x3  }
0x9a: {  	_ =	strace s3  }
0x9b: {  	s3 =	sld [smem:$0x3FFD];
	_ =	sdelay $0x3  }
0x9c: {  	_ =	strace s3  }
0x9d: {  	_ =	strace $0x8FFFFFFF  }
0x9e: {  	s18 =	sld [smem:$0x3FDB];
	_ =	sdelay $0x1  }
0x9f: {  	s19 =	simm.s32 $_scs_section_size  }
0xa0: {  	s5 =	simm.s32 $_size__tile_overlayer_lowered;
	s6 =	simm.s32 $_tile_overlayer_lowered  }
0xa1: {  	s22 =	simm.s32 $0x1BFF;
	s21 =	sshll.u32 s6, $0x1;
	s3 =	sadd.s32 s19, s18  }
0xa2: {  	s7 =	simm.s32 $0x0;
	s20 =	sshll.u32 s5, $0x1;
	s5 =	sadd.s32 s21, s3  }
0xa3: {  	[timem:s7], [sflag:s22] =	dma.local [hbm:s5], s20  }
0xa4: {  	_ =	swait.ge [sflag:s22], s20  }
0xa5: {  	s4 =	ssub.s32 $0x0, s20;
	[sflag:s22] =	ssyncset.done $0x0  }
0xa6: {  	[sflag:s22] =	ssyncadd.s32 s4;
	_ =	sdelay $0x1  }
0xa7: {  	s23 =	simm.s32 $0x1B8B  }
0xa8: {  	_ =	swait.ge [sflag:s23], $0x1  }
0xa9: {  	[sflag:s23] =	ssyncset.done $0x0  }
0xaa: {  	s25 =	simm.s32 $0x1B8E;
	s24 =	sld [smem:$0x3FFE];
	[sflag:s23] =	ssyncadd.s32 $0xFFFFFFFF  }
0xab: {  	s26 =	simm.s32 $execute0_lowered;
	[smem:$0x3FD2] =	sst s25  }
0xac: {  	s5 =	sshll.u32 s26, $0x1;
	_ =	strace $0x80000049;
	[dreg:$0x1] =	wrdreg $0xFFFFFFFF  }
0xad: {  	s28 =	simm.s32 $_size_execute0_lowered;
	s3 =	sadd.s32 s3, s5;
	[dreg:$0x0] =	wrdreg $0x0  }
0xae: {  	s5 =	sshll.u32 s28, $0x1;
	[dreg:$0x2] =	wrdreg s3  }
0xaf: {  	[dreg:$0x3] =	wrdreg s5  }
0xb0: {  	[dreg:$0x4] =	wrdreg $0xC0  }
0xb1: {  	_ =	task [dreg:s7], $0x5FFFF  }
0xb2: {  	[dreg:$0x1] =	wrdreg $0xFFFFFFFF  }
0xb3: {  	[dreg:$0x0] =	wrdreg $0x60  }
0xb4: {  	[dreg:$0x2] =	wrdreg s24  }
0xb5: {  	[dreg:$0x3] =	wrdreg s16  }
0xb6: {  	[dreg:$0x4] =	wrdreg $0x9  }
0xb7: {  	_ =	task.clear_ibuf [dreg:s7], $0x5FFFF;
	_ =	strace $0x90000049  }
0xb8: {  	s29 =	simm.s32 $0x9;
	_ =	strace $0x8000004B  }
0xb9: {  	_ =	swait.ge [sflag:s29], $0x1  }
0xba: {  	[sflag:s29] =	ssyncadd.s32 $0xFFFFFFFF  }
0xbb: {  	_ =	strace $0x9000004B  }
0xbc: {  	_ =	sfence  }
0xbd: {  	s30 =	sld [smem:$0x0];
	_ =	sdelay $0x2  }
0xbe: {  	s31 =	sshll.u32 s1, $0xD;
	s1 =	sshrl.u32 s1, $0x2  }
0xbf: {  	s3 =	sand.u32 $0x4000, s31;
	s1 =	sadd.s32 s1, s30  }
0xc0: {  	s0 =	sor.u32 s3, s0;
	s1 =	sshll.u32 s1, $0x11  }
0xc1: {  	s0 =	sor.u32 s1, s0  }
0xc2: {  	s0 =	sadd.s32 $0x8F2B, s0  }
0xc3: {  	[sflag:s0] =	ssyncadd.remote.s32 $0x1  }
0xc4: {  	_ =	sfence.sel $0xFFFF  }
0xc5: {  	[dreg:$0x0] =	wrdreg $0xFFFFFFFF;
	(pc) =	sbr.abs _section_cstart, $3  }
0xc6: {  	[dreg:$0x1] =	wrdreg $0xFFFFFFFF  }
0xc7: {  	_ =	task.clear_ibuf [dreg:s7], $0x2FFFF;
	_ =	strace $0x9FFFFFFF  }
0xc8: {  	(tm) =	ssettm $0x7FFFFFFF  }
0xc9: {  	_ =	shalt  }
tec
execute0_lowered:
.L_overlay_start_1:
0x0: {  	(tag) =	ssettag $0x1  }
0x1: {  	s6 =	rddreg [dreg:$0x0];
	s1 =	srdreg.scid  }
0x2: {  	s0 =	stileid.u32;
	s4 =	rddreg [dreg:$0x1]  }
0x3: {  	s2 =	simm.s32 $0x0;
	s10 =	simm.s32 $0x80;
	s11 =	simm.s32 $0x880  }
0x4: {  	s12 =	simm.s32 $0x1080;
	s13 =	simm.s32 $0x1880;
	s14 =	simm.s32 $0x2080  }
0x5: {  	s15 =	simm.s32 $0x2880;
	s16 =	simm.s32 $0x3080;
	s17 =	simm.s32 $0x3880  }
0x6: {  	s18 =	simm.s32 $0x4080;
	s19 =	simm.s32 $0x4880;
	s20 =	simm.s32 $0x5080  }
0x7: {  	s21 =	simm.s32 $0x5880;
	s22 =	simm.s32 $0x6080;
	s23 =	simm.s32 $0x6880  }
0x8: {  	s24 =	simm.s32 $0x7080;
	s25 =	simm.s32 $0x7880;
	s28 =	simm.s32 $0x8880  }
0x9: {  	s29 =	simm.s32 $0x9080;
	s3 =	sand.u32 $0x1, s1;
	s5 =	sshll.u32 s0, $0x1  }
0xa: {  	s30 =	simm.s32 $0x9880;
	s31 =	simm.s32 $0x1;
	s5 =	sor.u32 s3, s5  }
0xb: {  	[smem:$0x7FF] =	sst s2;
	s8 =	ssub.s32 $0x2, s3;
	s7 =	smul.u32 $0x5, s5  }
0xc: {  	_ =	strace $0x8000004A;
	s5 =	smul.u32 $0x1400, s5;
	s9 =	sshrl.u32 s8, $0x1  }
0xd: {  	s3 =	sadd.s32 $0x42A00, s6;
	s8 =	ssub.s32 s8, s9;
	s9 =	simm.s32 $0x2  }
0xe: {  	v2 =	vlaneseq.u32;
	s4 =	sadd.s32 s4, s7;
	s26 =	sadd.s32 s5, s6;
	s5 =	sadd.s32 $0x42C00, s6  }
0xf: {  	vm0 =	vmmov $0xffff;
	v1 =	vshrl.u32 v2, $0x3;
	s8 =	smax.u32 s8, $0x1;
	[dreg:$0x3] =	wrdreg s4;
	s4 =	sadd.s32 $0x42B00, s6  }
0x10: {  	v0 =	vand.u32 $0x7, v2;
	v2 =	vor.u32 $0x8, v2;
	v1 =	vmul.u32 $0x8, v1;
	s6 =	sadd.s32 $0x42D00, s6;
	s7 =	sadd.s32 $0xA00, s26;
	s26 =	simm.s32 $0x8080  }
.LBB2_1:
0x11: {  	s1 =	rddreg [dreg:$0x3]  }
0x12: {  	[tilespmem:s2], [sflag:$0x2] =	stream.linear.gather [hbm4b:s1+s2], $0x28, $0x38;
	[tilespmem:$0xA080] =	vst v63  }
0x13: {  	_ =	swait.ge [sflag:s9], $0x28  }
0x14: {  	[sflag:s9] =	ssyncset.done $0x0  }
0x15: {  	[sflag:s9] =	ssyncadd.s32 $0xFFFFFFD8  }
0x16: {  	v3 =	vld [tilespmem:$0x0];
	_ =	sdelay $0x4  }
0x17: {  	v4 =	vshll.u32 v3, $0x3  }
0x18: {  	v3 =	vand.u32 $0x7, v3;
	v4 =	vand.u32 $0xFFFFFFC0, v4  }
0x19: {  	v3 =	vor.u32 v3, v4  }
0x1a: {  	v4 =	vperm.xlane v3, v0;
	_ =	sdelay $0x1  }
0x1b: {  	v4 =	vadd.s32 v1, v4;
	_ =	sdelay $0x4  }
0x1c: {  	[tilespmem:s10], [sflag:$0x1] =	stream.indirect_vreg.gather [hbm4b:s3+s2], $0x80, v4, vm0, $0xb8;
	[tilespmem:$0xA080] =	vst v63  }
0x1d: {  	v3 =	vperm.xlane v3, v2  }
0x1e: {  	[tilespmem:s11], [sflag:$0x1] =	stream.indirect_vreg.gather [hbm4b:s4+s2], $0x80, v4, vm0, $0xb8;
	[tilespmem:$0xA080] =	vst v63  }
0x1f: {  	v3 =	vadd.s32 v1, v3  }
0x20: {  	[tilespmem:s12], [sflag:$0x1] =	stream.indirect_vreg.gather [hbm4b:s5+s2], $0x80, v4, vm0, $0xb8;
	[tilespmem:$0xA080] =	vst v63  }
0x21: {  	_ = 	snop  }
0x22: {  	[tilespmem:s13], [sflag:$0x1] =	stream.indirect_vreg.gather [hbm4b:s6+s2], $0x80, v4, vm0, $0xb8;
	[tilespmem:$0xA080] =	vst v63  }
0x23: {  	_ = 	snop  }
0x24: {  	[tilespmem:s14], [sflag:$0x1] =	stream.indirect_vreg.gather [hbm4b:s3+s2], $0x80, v3, vm0, $0xb8;
	[tilespmem:$0xA080] =	vst v63  }
0x25: {  	_ = 	snop  }
0x26: {  	[tilespmem:s15], [sflag:$0x1] =	stream.indirect_vreg.gather [hbm4b:s4+s2], $0x80, v3, vm0, $0xb8;
	[tilespmem:$0xA080] =	vst v63  }
0x27: {  	_ = 	snop  }
0x28: {  	[tilespmem:s16], [sflag:$0x1] =	stream.indirect_vreg.gather [hbm4b:s5+s2], $0x80, v3, vm0, $0xb8;
	[tilespmem:$0xA080] =	vst v63  }
0x29: {  	_ = 	snop  }
0x2a: {  	[tilespmem:s17], [sflag:$0x1] =	stream.indirect_vreg.gather [hbm4b:s6+s2], $0x80, v3, vm0, $0xb8;
	[tilespmem:$0xA080] =	vst v63  }
0x2b: {  	v3 =	vld [tilespmem:$0x10];
	_ =	sdelay $0x4  }
0x2c: {  	v62 =	vshll.u32 v3, $0x3  }
0x2d: {  	v3 =	vand.u32 $0x7, v3;
	v4 =	vand.u32 $0xFFFFFFC0, v62  }
0x2e: {  	v3 =	vor.u32 v3, v4  }
0x2f: {  	v4 =	vperm.xlane v3, v0;
	_ =	sdelay $0x1  }
0x30: {  	v4 =	vadd.s32 v1, v4;
	_ =	sdelay $0x4  }
0x31: {  	[tilespmem:s18], [sflag:$0x1] =	stream.indirect_vreg.gather [hbm4b:s3+s2], $0x80, v4, vm0, $0xb8;
	[tilespmem:$0xA080] =	vst v63  }
0x32: {  	v3 =	vperm.xlane v3, v2  }
0x33: {  	[tilespmem:s19], [sflag:$0x1] =	stream.indirect_vreg.gather [hbm4b:s4+s2], $0x80, v4, vm0, $0xb8;
	[tilespmem:$0xA080] =	vst v63  }
0x34: {  	v3 =	vadd.s32 v1, v3  }
0x35: {  	[tilespmem:s20], [sflag:$0x1] =	stream.indirect_vreg.gather [hbm4b:s5+s2], $0x80, v4, vm0, $0xb8;
	[tilespmem:$0xA080] =	vst v63  }
0x36: {  	_ = 	snop  }
0x37: {  	[tilespmem:s21], [sflag:$0x1] =	stream.indirect_vreg.gather [hbm4b:s6+s2], $0x80, v4, vm0, $0xb8;
	[tilespmem:$0xA080] =	vst v63  }
0x38: {  	_ = 	snop  }
0x39: {  	[tilespmem:s22], [sflag:$0x1] =	stream.indirect_vreg.gather [hbm4b:s3+s2], $0x80, v3, vm0, $0xb8;
	[tilespmem:$0xA080] =	vst v63  }
0x3a: {  	_ = 	snop  }
0x3b: {  	[tilespmem:s23], [sflag:$0x1] =	stream.indirect_vreg.gather [hbm4b:s4+s2], $0x80, v3, vm0, $0xb8;
	[tilespmem:$0xA080] =	vst v63  }
0x3c: {  	_ = 	snop  }
0x3d: {  	[tilespmem:s24], [sflag:$0x1] =	stream.indirect_vreg.gather [hbm4b:s5+s2], $0x80, v3, vm0, $0xb8;
	[tilespmem:$0xA080] =	vst v63  }
0x3e: {  	_ = 	snop  }
0x3f: {  	[tilespmem:s25], [sflag:$0x1] =	stream.indirect_vreg.gather [hbm4b:s6+s2], $0x80, v3, vm0, $0xb8;
	[tilespmem:$0xA080] =	vst v63  }
0x40: {  	v3 =	vld.msk [tilespmem:$0x20], $0xff;
	_ =	sdelay $0x4  }
0x41: {  	v63 =	vshll.u32 v3, $0x3  }
0x42: {  	v3 =	vand.u32 $0x7, v3;
	v4 =	vand.u32 $0xFFFFFFC0, v63  }
0x43: {  	v3 =	vor.u32 v3, v4  }
0x44: {  	v3 =	vperm.xlane v3, v0;
	_ =	sdelay $0x1  }
0x45: {  	v3 =	vadd.s32 v1, v3;
	_ =	sdelay $0x4  }
0x46: {  	[tilespmem:s26], [sflag:$0x1] =	stream.indirect_vreg.gather [hbm4b:s3+s2], $0x80, v3, vm0, $0xb8;
	[tilespmem:$0xA080] =	vst v63  }
0x47: {  	_ = 	snop  }
0x48: {  	[tilespmem:s28], [sflag:$0x1] =	stream.indirect_vreg.gather [hbm4b:s4+s2], $0x80, v3, vm0, $0xb8;
	[tilespmem:$0xA080] =	vst v63  }
0x49: {  	_ = 	snop  }
0x4a: {  	[tilespmem:s29], [sflag:$0x1] =	stream.indirect_vreg.gather [hbm4b:s5+s2], $0x80, v3, vm0, $0xb8;
	[tilespmem:$0xA080] =	vst v63  }
0x4b: {  	_ = 	snop  }
0x4c: {  	[tilespmem:s30], [sflag:$0x1] =	stream.indirect_vreg.gather [hbm4b:s6+s2], $0x80, v3, vm0, $0xb8;
	[tilespmem:$0xA080] =	vst v63  }
0x4d: {  	_ =	swait.ge [sflag:s31], $0xA000  }
0x4e: {  	p0 =	sne.s32 s8, $0x1;
	[sflag:s31] =	ssyncset.done $0x0  }
.Ltmp0:
0x4f: {  	[sflag:s31] =	ssyncadd.s32 $0xFFFF6000;
	(pc) =	sbr.rel @p0 .LBB2_1-.Ltmp0, $4  }
0x50: {  	[hbm4b:s7+s2] =	stream.linear.scatter [tilespmem:s10], [sflag:$0x2], $0xA000, $0x38;
	[tilespmem:$0xA080] =	vst v63  }
0x51: {  	_ =	swait.ge [sflag:s9], $0xA000  }
0x52: {  	[sflag:s9] =	ssyncset.done $0x0  }
0x53: {  	s8 =	sadd.s32 $0xFFFFFFFF, s8;
	[sflag:s9] =	ssyncadd.s32 $0xFFFF6000  }
0x54: {  	_ =	sfence.sel $0x180000  }
0x55: {  	[bflag:$0x0] =	sbarrier.arrive $0xFFFF  }
0x56: {  	_ =	strace $0x9000004A  }
0x57: {  	[bflag:$0x2] =	sbarrier.arrive $0xFFFF  }
0x58: {  	p0 =	sne.s32 s0, $0x0;
	s0 =	rddreg [dreg:$0x2]  }
0x59: {  	s0 =	sadd.s32 @!p0 $0x100000, s0  }
0x5a: {  	[sflag:s0] =	ssyncadd.tile.s32 @!p0 $0x1;
	_ =	shalt  }
.Lfunc_end2:
_tile_overlayer_lowered:
.L_overlay_start_2:
0x5b: {  	(tag) =	ssettag $0x2  }
0x5c: {  	s0 =	rddreg [dreg:$0x0];
	s2 =	stileid.u32  }
0x5d: {  	s1 =	rddreg [dreg:$0x1];
	p0 =	sne.s32 s2, $0x0  }
0x5e: {  	s3 =	rddreg [dreg:$0x2];
	[bflag:$0x3] =	sbarrier.arrive $0xFFFF;
	s2 =	simm.s32 @!p0 $0x1C02  }
0x5f: {  	[timem:s3], [sflag:s2] =	dma.local @!p0 [hbm:s0], s1  }
0x60: {  	s0 =	simm.s32 @!p0 $0x2  }
0x61: {  	_ =	swait.ge @!p0 [sflag:s0], s1  }
0x62: {  	s1 =	ssub.s32 @!p0 $0x0, s1;
	[sflag:s0] =	ssyncset.done @!p0 $0x0  }
0x63: {  	[sflag:s0] =	ssyncadd.s32 @!p0 s1  }
0x64: {  	[bflag:$0x3] =	sbarrier.arrive $0xFFFF  }
0x65: {  	_ =	shalt  }

// kernel: kernel.7.cloned.1.call-start
scs
__scs_entry_jumppad:
0x0: {  	(pc) =	sbr.rel $0x88, $3  }
0x1: {  	(tag) =	ssettag $0x0;
	lr =	simm.s32 $0x1  }
0x2: {  	[smem:$0x3F8F] =	sst lr;
	_ =	strace $0xD0000000  }
0x3: {  	_ = 	snop  }
0x4: {  	_ = 	snop  }
0x5: {  	_ = 	snop  }
0x6: {  	_ = 	snop  }
0x7: {  	_ = 	snop  }
__scs_overlays_trampoline_lowered:
0x8: {  	[smem:$0x3F9E] =	sst s0  }
0x9: {  	[smem:$0x3F9F] =	sst s1  }
0xa: {  	[smem:$0x3FA0] =	sst s2  }
0xb: {  	[smem:$0x3FA1] =	sst s3  }
0xc: {  	[smem:$0x3FA2] =	sst s4  }
0xd: {  	[smem:$0x3FA3] =	sst s5  }
0xe: {  	[smem:$0x3FA4] =	sst s6  }
0xf: {  	[smem:$0x3FA5] =	sst s7  }
0x10: {  	[smem:$0x3FA6] =	sst s8  }
0x11: {  	[smem:$0x3FA7] =	sst s9;
	s0 =	simm.s32 @!p0 $0x0  }
0x12: {  	s1 =	sld [smem:$0x3F8D];
	s0 =	simm.s32 @p0 $0x1  }
0x13: {  	[smem:$0x3FA8] =	sst s0;
	s0 =	simm.s32 @!p1 $0x0  }
0x14: {  	s2 =	sld [smem:$0x3F8C];
	s0 =	simm.s32 @p1 $0x1  }
0x15: {  	[smem:$0x3FA9] =	sst s0;
	s0 =	simm.s32 @!p2 $0x0  }
0x16: {  	s3 =	sld [smem:$0x3FDB];
	s0 =	simm.s32 @p2 $0x1  }
0x17: {  	s4 =	simm.s32 $0x1BF5;
	[smem:$0x3FAB] =	sst s0  }
0x18: {  	s0 =	sld [smem:$0x3F8E];
	_ =	swait.ge [sflag:s4], $0x0  }
0x19: {  	s7 =	sld [smem:$0x3F8F]  }
0x1a: {  	s8 =	sadd.s32 $0xFFFFE003, lr  }
0x1b: {  	s9 =	sadd.s32 $0xFFFFFEF7, lr;
	s5 =	simm.s32 $0xFFFFFFFF;
	p2 =	slt.u32 s8, $0xFFFFF086  }
0x1c: {  	p1 =	slt.u32 s9, $0xF7A;
	s5 =	simm.s32 @!p2 $0x0  }
0x1d: {  	s5 =	simm.s32 @p1 $0x1;
	p0 =	seq.s32 s7, s2  }
0x1e: {  	s7 =	smul.u32 @!p0 $0xF7A, s2;
	p2 =	seq.s32 @!p0 s5, $0x0  }
0x1f: {  	s9 =	smul.u32 $0xF7A, s1;
	s8 =	simm.s32 @!p0 $0x1BF5;
	p2 =	por !p2, p0  }
0x20: {  	[sflag:s8] =	ssyncset.s32 @!p0 $0xFFFFF086;
	s6 =	sadd.s32 @!p0 s3, s7;
	s7 =	simm.s32 @!p0 $0x108  }
0x21: {  	s3 =	sadd.s32 s3, s9;
	s6 =	sadd.s32 @!p0 $0x88, s6;
	s7 =	simm.s32 @p2 $0x1082  }
0x22: {  	[simem:s7], [sflag:s8] =	dma.local @!p0 [hbm:s6], $0xF7A  }
0x23: {  	s9 =	sor.u32 $0xD0000000, s2;
	s6 =	simm.s32 $0x108;
	_ =	swait.ge @!p0 [sflag:s8], $0x0  }
0x24: {  	s3 =	sadd.s32 $0x88, s3;
	s6 =	simm.s32 @!p1 $0x1082;
	[sflag:s4] =	ssyncset.s32 $0xFFFFF086  }
0x25: {  	[simem:s6], [sflag:s4] =	dma.local [hbm:s3], $0xF7A  }
0x26: {  	[smem:$0x3F8F] =	sst s1;
	(tag) =	ssettag s2;
	_ =	strace s9  }
0x27: {  	s1 =	sld [smem:$0x3F9F]  }
0x28: {  	s2 =	sld [smem:$0x3FA0]  }
0x29: {  	s4 =	sld [smem:$0x3FA2]  }
0x2a: {  	p0 =	seq.s32 s5, $0x0;
	s5 =	sld [smem:$0x3FA3]  }
0x2b: {  	s6 =	sld [smem:$0x3FA4]  }
0x2c: {  	s7 =	sld [smem:$0x3FA5]  }
0x2d: {  	s3 =	simm.s32 $0x108;
	s8 =	sld [smem:$0x3FA6]  }
0x2e: {  	s3 =	simm.s32 @!p0 $0x1082;
	s9 =	sld [smem:$0x3FA7]  }
0x2f: {  	lr =	sadd.s32 s0, s3;
	s0 =	sld [smem:$0x3F9E]  }
0x30: {  	s3 =	sld [smem:$0x3FA1]  }
0x31: {  	[smem:$0x3FAA] =	sst s10  }
0x32: {  	s10 =	sld [smem:$0x3FA8];
	_ =	sdelay $0x3  }
0x33: {  	p0 =	seq.s32 s10, $0x1;
	s10 =	sld [smem:$0x3FAA];
	_ =	sdelay $0x3  }
0x34: {  	[smem:$0x3FAA] =	sst s10  }
0x35: {  	s10 =	sld [smem:$0x3FA9];
	_ =	sdelay $0x3  }
0x36: {  	p1 =	seq.s32 s10, $0x1;
	s10 =	sld [smem:$0x3FAA];
	_ =	sdelay $0x3  }
0x37: {  	[smem:$0x3FAA] =	sst s10  }
0x38: {  	s10 =	sld [smem:$0x3FAB]  }
0x39: {  	_ = 	snop;
	(pc) =	sbr.ind lr, $3  }
0x3a: {  	_ = 	snop  }
0x3b: {  	_ = 	snop  }
0x3c: {  	p2 =	seq.s32 s10, $0x1;
	s10 =	sld [smem:$0x3FAA]  }
0x3d: {  	_ =	shalt  }
0x3e: {  	_ =	shalt  }
0x3f: {  	_ =	shalt  }
0x40: {  	_ =	shalt  }
0x41: {  	_ =	shalt  }
0x42: {  	_ =	shalt  }
0x43: {  	_ =	shalt  }
0x44: {  	_ =	shalt  }
0x45: {  	_ =	shalt  }
0x46: {  	_ =	shalt  }
0x47: {  	_ =	shalt  }
0x48: {  	_ =	shalt  }
0x49: {  	_ =	shalt  }
0x4a: {  	_ =	shalt  }
0x4b: {  	_ =	shalt  }
0x4c: {  	_ =	shalt  }
0x4d: {  	_ =	shalt  }
0x4e: {  	_ =	shalt  }
0x4f: {  	_ =	shalt  }
0x50: {  	_ =	shalt  }
0x51: {  	_ =	shalt  }
0x52: {  	_ =	shalt  }
0x53: {  	_ =	shalt  }
0x54: {  	_ =	shalt  }
0x55: {  	_ =	shalt  }
0x56: {  	_ =	shalt  }
0x57: {  	_ =	shalt  }
0x58: {  	_ =	shalt  }
0x59: {  	_ =	shalt  }
0x5a: {  	_ =	shalt  }
0x5b: {  	_ =	shalt  }
0x5c: {  	_ =	shalt  }
0x5d: {  	_ =	shalt  }
0x5e: {  	_ =	shalt  }
0x5f: {  	_ =	shalt  }
0x60: {  	_ =	shalt  }
0x61: {  	_ =	shalt  }
0x62: {  	_ =	shalt  }
0x63: {  	_ =	shalt  }
0x64: {  	_ =	shalt  }
0x65: {  	_ =	shalt  }
0x66: {  	_ =	shalt  }
0x67: {  	_ =	shalt  }
0x68: {  	_ =	shalt  }
0x69: {  	_ =	shalt  }
0x6a: {  	_ =	shalt  }
0x6b: {  	_ =	shalt  }
0x6c: {  	_ =	shalt  }
0x6d: {  	_ =	shalt  }
0x6e: {  	_ =	shalt  }
0x6f: {  	_ =	shalt  }
0x70: {  	_ =	shalt  }
0x71: {  	_ =	shalt  }
0x72: {  	_ =	shalt  }
0x73: {  	_ =	shalt  }
0x74: {  	_ =	shalt  }
0x75: {  	_ =	shalt  }
0x76: {  	_ =	shalt  }
0x77: {  	_ =	shalt  }
0x78: {  	_ =	shalt  }
0x79: {  	_ =	shalt  }
0x7a: {  	_ =	shalt  }
0x7b: {  	_ =	shalt  }
0x7c: {  	_ =	shalt  }
0x7d: {  	_ =	shalt  }
0x7e: {  	_ =	shalt  }
0x7f: {  	_ =	shalt  }
0x80: {  	_ =	shalt  }
0x81: {  	_ =	shalt  }
0x82: {  	_ =	shalt  }
0x83: {  	_ =	shalt  }
0x84: {  	_ =	shalt  }
0x85: {  	_ =	shalt  }
0x86: {  	_ =	shalt  }
0x87: {  	_ =	shalt  }
.Lfunc_end0:
.L_simem_size_0:
called_computation_lowered:
.L_overlay_start_0:
0x88: {  	s2 =	sld [smem:$0x3FD9]  }
0x89: {  	s3 =	sld [smem:$0x3FFE];
	_ =	sdelay $0x1  }
0x8a: {  	s1 =	srdreg.scid  }
0x8b: {  	s0 =	sand.u32 $0x1, s1  }
0x8c: {  	s14 =	sshll.u32 s0, $0xA;
	s2 =	sadd.s32 s3, s2  }
0x8d: {  	s2 =	sadd.s32 s2, s14  }
0x8e: {  	[smem:$0x3FB6] =	sst s2  }
0x8f: {  	_ = 	snop  }
0x90: {  	s2 =	sld [smem:$0x3FD0];
	_ =	sdelay $0x2  }
0x91: {  	s15 =	simm.s32 $0xA;
	s4 =	simm.s32 $0x10  }
0x92: {  	[smem:s4], [sflag:s15] =	dma.local [hbm:s2], $0x1  }
0x93: {  	_ =	swait.eq [sflag:s15], $0x1  }
0x94: {  	[sflag:s15] =	ssyncset.done $0x0  }
0x95: {  	[sflag:s15] =	ssyncadd.s32 $0xFFFFFFFF  }
0x96: {  	s16 =	sld [smem:$0x11];
	(tm) =	ssettm $0x1  }
0x97: {  	s17 =	sld [smem:$0x3FFB];
	_ =	sdelay $0x3  }
0x98: {  	_ =	strace s17  }
0x99: {  	s3 =	sld [smem:$0x3FFC];
	_ =	sdelay $0x3  }
0x9a: {  	_ =	strace s3  }
0x9b: {  	s3 =	sld [smem:$0x3FFD];
	_ =	sdelay $0x3  }
0x9c: {  	_ =	strace s3  }
0x9d: {  	_ =	strace $0x8FFFFFFF  }
0x9e: {  	s18 =	sld [smem:$0x3FDB];
	_ =	sdelay $0x1  }
0x9f: {  	s19 =	simm.s32 $_scs_section_size  }
0xa0: {  	s5 =	simm.s32 $_size__tile_overlayer_lowered;
	s6 =	simm.s32 $_tile_overlayer_lowered  }
0xa1: {  	s22 =	simm.s32 $0x1BFF;
	s21 =	sshll.u32 s6, $0x1;
	s3 =	sadd.s32 s19, s18  }
0xa2: {  	s7 =	simm.s32 $0x0;
	s20 =	sshll.u32 s5, $0x1;
	s5 =	sadd.s32 s21, s3  }
0xa3: {  	[timem:s7], [sflag:s22] =	dma.local [hbm:s5], s20  }
0xa4: {  	_ =	swait.ge [sflag:s22], s20  }
0xa5: {  	s4 =	ssub.s32 $0x0, s20;
	[sflag:s22] =	ssyncset.done $0x0  }
0xa6: {  	[sflag:s22] =	ssyncadd.s32 s4;
	_ =	sdelay $0x1  }
0xa7: {  	s23 =	simm.s32 $0x1B8B  }
0xa8: {  	_ =	swait.ge [sflag:s23], $0x1  }
0xa9: {  	[sflag:s23] =	ssyncset.done $0x0  }
0xaa: {  	s25 =	simm.s32 $0x1B8E;
	s24 =	sld [smem:$0x3FFE];
	[sflag:s23] =	ssyncadd.s32 $0xFFFFFFFF  }
0xab: {  	s26 =	simm.s32 $execute0_lowered;
	[smem:$0x3FD2] =	sst s25  }
0xac: {  	s5 =	sshll.u32 s26, $0x1;
	_ =	strace $0x80000046;
	[dreg:$0x1] =	wrdreg $0xFFFFFFFF  }
0xad: {  	s28 =	simm.s32 $_size_execute0_lowered;
	s3 =	sadd.s32 s3, s5;
	[dreg:$0x0] =	wrdreg $0x0  }
0xae: {  	s5 =	sshll.u32 s28, $0x1;
	[dreg:$0x2] =	wrdreg s3  }
0xaf: {  	[dreg:$0x3] =	wrdreg s5  }
0xb0: {  	[dreg:$0x4] =	wrdreg $0xC0  }
0xb1: {  	_ =	task [dreg:s7], $0x5FFFF  }
0xb2: {  	[dreg:$0x1] =	wrdreg $0xFFFFFFFF  }
0xb3: {  	[dreg:$0x0] =	wrdreg $0x60  }
0xb4: {  	[dreg:$0x2] =	wrdreg s24  }
0xb5: {  	[dreg:$0x3] =	wrdreg s16  }
0xb6: {  	[dreg:$0x4] =	wrdreg $0x9  }
0xb7: {  	_ =	task.clear_ibuf [dreg:s7], $0x5FFFF;
	_ =	strace $0x90000046  }
0xb8: {  	s29 =	simm.s32 $0x9;
	_ =	strace $0x80000048  }
0xb9: {  	_ =	swait.ge [sflag:s29], $0x1  }
0xba: {  	[sflag:s29] =	ssyncadd.s32 $0xFFFFFFFF  }
0xbb: {  	_ =	strace $0x90000048  }
0xbc: {  	_ =	sfence  }
0xbd: {  	s30 =	sld [smem:$0x0];
	_ =	sdelay $0x2  }
0xbe: {  	s31 =	sshll.u32 s1, $0xD;
	s1 =	sshrl.u32 s1, $0x2  }
0xbf: {  	s3 =	sand.u32 $0x4000, s31;
	s1 =	sadd.s32 s1, s30  }
0xc0: {  	s0 =	sor.u32 s3, s0;
	s1 =	sshll.u32 s1, $0x11  }
0xc1: {  	s0 =	sor.u32 s1, s0  }
0xc2: {  	s0 =	sadd.s32 $0x8F2B, s0  }
0xc3: {  	[sflag:s0] =	ssyncadd.remote.s32 $0x1  }
0xc4: {  	_ =	sfence.sel $0xFFFF  }
0xc5: {  	[dreg:$0x0] =	wrdreg $0xFFFFFFFF;
	(pc) =	sbr.abs _section_cstart, $3  }
0xc6: {  	[dreg:$0x1] =	wrdreg $0xFFFFFFFF  }
0xc7: {  	_ =	task.clear_ibuf [dreg:s7], $0x2FFFF;
	_ =	strace $0x9FFFFFFF  }
0xc8: {  	(tm) =	ssettm $0x7FFFFFFF  }
0xc9: {  	_ =	shalt  }
tec
execute0_lowered:
.L_overlay_start_1:
0x0: {  	(tag) =	ssettag $0x1  }
0x1: {  	s6 =	rddreg [dreg:$0x0];
	s1 =	srdreg.scid  }
0x2: {  	s0 =	stileid.u32;
	s4 =	rddreg [dreg:$0x1]  }
0x3: {  	s2 =	simm.s32 $0x0;
	s10 =	simm.s32 $0x80;
	s11 =	simm.s32 $0x880  }
0x4: {  	s12 =	simm.s32 $0x1080;
	s13 =	simm.s32 $0x1880;
	s14 =	simm.s32 $0x2080  }
0x5: {  	s15 =	simm.s32 $0x2880;
	s16 =	simm.s32 $0x3080;
	s17 =	simm.s32 $0x3880  }
0x6: {  	s18 =	simm.s32 $0x4080;
	s19 =	simm.s32 $0x4880;
	s20 =	simm.s32 $0x5080  }
0x7: {  	s21 =	simm.s32 $0x5880;
	s22 =	simm.s32 $0x6080;
	s23 =	simm.s32 $0x6880  }
0x8: {  	s24 =	simm.s32 $0x7080;
	s25 =	simm.s32 $0x7880;
	s28 =	simm.s32 $0x8880  }
0x9: {  	s29 =	simm.s32 $0x9080;
	s3 =	sand.u32 $0x1, s1;
	s5 =	sshll.u32 s0, $0x1  }
0xa: {  	s30 =	simm.s32 $0x9880;
	s31 =	simm.s32 $0x1;
	s5 =	sor.u32 s3, s5  }
0xb: {  	[smem:$0x7FF] =	sst s2;
	s8 =	ssub.s32 $0x2, s3;
	s7 =	smul.u32 $0x5, s5  }
0xc: {  	_ =	strace $0x80000047;
	s5 =	smul.u32 $0x1400, s5;
	s9 =	sshrl.u32 s8, $0x1  }
0xd: {  	s3 =	sadd.s32 $0x8A00, s6;
	s8 =	ssub.s32 s8, s9;
	s9 =	simm.s32 $0x2  }
0xe: {  	v2 =	vlaneseq.u32;
	s4 =	sadd.s32 s4, s7;
	s26 =	sadd.s32 s5, s6;
	s5 =	sadd.s32 $0x8C00, s6  }
0xf: {  	vm0 =	vmmov $0xffff;
	v1 =	vshrl.u32 v2, $0x3;
	s8 =	smax.u32 s8, $0x1;
	[dreg:$0x3] =	wrdreg s4;
	s4 =	sadd.s32 $0x8B00, s6  }
0x10: {  	v0 =	vand.u32 $0x7, v2;
	v2 =	vor.u32 $0x8, v2;
	v1 =	vmul.u32 $0x8, v1;
	s6 =	sadd.s32 $0x8D00, s6;
	s7 =	sadd.s32 $0x1AA00, s26;
	s26 =	simm.s32 $0x8080  }
.LBB2_1:
0x11: {  	s1 =	rddreg [dreg:$0x3]  }
0x12: {  	[tilespmem:s2], [sflag:$0x2] =	stream.linear.gather [hbm4b:s1+s2], $0x28, $0x38;
	[tilespmem:$0xA080] =	vst v63  }
0x13: {  	_ =	swait.ge [sflag:s9], $0x28  }
0x14: {  	[sflag:s9] =	ssyncset.done $0x0  }
0x15: {  	[sflag:s9] =	ssyncadd.s32 $0xFFFFFFD8  }
0x16: {  	v3 =	vld [tilespmem:$0x0];
	_ =	sdelay $0x4  }
0x17: {  	v4 =	vshll.u32 v3, $0x3  }
0x18: {  	v3 =	vand.u32 $0x7, v3;
	v4 =	vand.u32 $0xFFFFFFC0, v4  }
0x19: {  	v3 =	vor.u32 v3, v4  }
0x1a: {  	v4 =	vperm.xlane v3, v0;
	_ =	sdelay $0x1  }
0x1b: {  	v4 =	vadd.s32 v1, v4;
	_ =	sdelay $0x4  }
0x1c: {  	[tilespmem:s10], [sflag:$0x1] =	stream.indirect_vreg.gather [hbm4b:s3+s2], $0x80, v4, vm0, $0xb8;
	[tilespmem:$0xA080] =	vst v63  }
0x1d: {  	v3 =	vperm.xlane v3, v2  }
0x1e: {  	[tilespmem:s11], [sflag:$0x1] =	stream.indirect_vreg.gather [hbm4b:s4+s2], $0x80, v4, vm0, $0xb8;
	[tilespmem:$0xA080] =	vst v63  }
0x1f: {  	v3 =	vadd.s32 v1, v3  }
0x20: {  	[tilespmem:s12], [sflag:$0x1] =	stream.indirect_vreg.gather [hbm4b:s5+s2], $0x80, v4, vm0, $0xb8;
	[tilespmem:$0xA080] =	vst v63  }
0x21: {  	_ = 	snop  }
0x22: {  	[tilespmem:s13], [sflag:$0x1] =	stream.indirect_vreg.gather [hbm4b:s6+s2], $0x80, v4, vm0, $0xb8;
	[tilespmem:$0xA080] =	vst v63  }
0x23: {  	_ = 	snop  }
0x24: {  	[tilespmem:s14], [sflag:$0x1] =	stream.indirect_vreg.gather [hbm4b:s3+s2], $0x80, v3, vm0, $0xb8;
	[tilespmem:$0xA080] =	vst v63  }
0x25: {  	_ = 	snop  }
0x26: {  	[tilespmem:s15], [sflag:$0x1] =	stream.indirect_vreg.gather [hbm4b:s4+s2], $0x80, v3, vm0, $0xb8;
	[tilespmem:$0xA080] =	vst v63  }
0x27: {  	_ = 	snop  }
0x28: {  	[tilespmem:s16], [sflag:$0x1] =	stream.indirect_vreg.gather [hbm4b:s5+s2], $0x80, v3, vm0, $0xb8;
	[tilespmem:$0xA080] =	vst v63  }
0x29: {  	_ = 	snop  }
0x2a: {  	[tilespmem:s17], [sflag:$0x1] =	stream.indirect_vreg.gather [hbm4b:s6+s2], $0x80, v3, vm0, $0xb8;
	[tilespmem:$0xA080] =	vst v63  }
0x2b: {  	v3 =	vld [tilespmem:$0x10];
	_ =	sdelay $0x4  }
0x2c: {  	v62 =	vshll.u32 v3, $0x3  }
0x2d: {  	v3 =	vand.u32 $0x7, v3;
	v4 =	vand.u32 $0xFFFFFFC0, v62  }
0x2e: {  	v3 =	vor.u32 v3, v4  }
0x2f: {  	v4 =	vperm.xlane v3, v0;
	_ =	sdelay $0x1  }
0x30: {  	v4 =	vadd.s32 v1, v4;
	_ =	sdelay $0x4  }
0x31: {  	[tilespmem:s18], [sflag:$0x1] =	stream.indirect_vreg.gather [hbm4b:s3+s2], $0x80, v4, vm0, $0xb8;
	[tilespmem:$0xA080] =	vst v63  }
0x32: {  	v3 =	vperm.xlane v3, v2  }
0x33: {  	[tilespmem:s19], [sflag:$0x1] =	stream.indirect_vreg.gather [hbm4b:s4+s2], $0x80, v4, vm0, $0xb8;
	[tilespmem:$0xA080] =	vst v63  }
0x34: {  	v3 =	vadd.s32 v1, v3  }
0x35: {  	[tilespmem:s20], [sflag:$0x1] =	stream.indirect_vreg.gather [hbm4b:s5+s2], $0x80, v4, vm0, $0xb8;
	[tilespmem:$0xA080] =	vst v63  }
0x36: {  	_ = 	snop  }
0x37: {  	[tilespmem:s21], [sflag:$0x1] =	stream.indirect_vreg.gather [hbm4b:s6+s2], $0x80, v4, vm0, $0xb8;
	[tilespmem:$0xA080] =	vst v63  }
0x38: {  	_ = 	snop  }
0x39: {  	[tilespmem:s22], [sflag:$0x1] =	stream.indirect_vreg.gather [hbm4b:s3+s2], $0x80, v3, vm0, $0xb8;
	[tilespmem:$0xA080] =	vst v63  }
0x3a: {  	_ = 	snop  }
0x3b: {  	[tilespmem:s23], [sflag:$0x1] =	stream.indirect_vreg.gather [hbm4b:s4+s2], $0x80, v3, vm0, $0xb8;
	[tilespmem:$0xA080] =	vst v63  }
0x3c: {  	_ = 	snop  }
0x3d: {  	[tilespmem:s24], [sflag:$0x1] =	stream.indirect_vreg.gather [hbm4b:s5+s2], $0x80, v3, vm0, $0xb8;
	[tilespmem:$0xA080] =	vst v63  }
0x3e: {  	_ = 	snop  }
0x3f: {  	[tilespmem:s25], [sflag:$0x1] =	stream.indirect_vreg.gather [hbm4b:s6+s2], $0x80, v3, vm0, $0xb8;
	[tilespmem:$0xA080] =	vst v63  }
0x40: {  	v3 =	vld.msk [tilespmem:$0x20], $0xff;
	_ =	sdelay $0x4  }
0x41: {  	v63 =	vshll.u32 v3, $0x3  }
0x42: {  	v3 =	vand.u32 $0x7, v3;
	v4 =	vand.u32 $0xFFFFFFC0, v63  }
0x43: {  	v3 =	vor.u32 v3, v4  }
0x44: {  	v3 =	vperm.xlane v3, v0;
	_ =	sdelay $0x1  }
0x45: {  	v3 =	vadd.s32 v1, v3;
	_ =	sdelay $0x4  }
0x46: {  	[tilespmem:s26], [sflag:$0x1] =	stream.indirect_vreg.gather [hbm4b:s3+s2], $0x80, v3, vm0, $0xb8;
	[tilespmem:$0xA080] =	vst v63  }
0x47: {  	_ = 	snop  }
0x48: {  	[tilespmem:s28], [sflag:$0x1] =	stream.indirect_vreg.gather [hbm4b:s4+s2], $0x80, v3, vm0, $0xb8;
	[tilespmem:$0xA080] =	vst v63  }
0x49: {  	_ = 	snop  }
0x4a: {  	[tilespmem:s29], [sflag:$0x1] =	stream.indirect_vreg.gather [hbm4b:s5+s2], $0x80, v3, vm0, $0xb8;
	[tilespmem:$0xA080] =	vst v63  }
0x4b: {  	_ = 	snop  }
0x4c: {  	[tilespmem:s30], [sflag:$0x1] =	stream.indirect_vreg.gather [hbm4b:s6+s2], $0x80, v3, vm0, $0xb8;
	[tilespmem:$0xA080] =	vst v63  }
0x4d: {  	_ =	swait.ge [sflag:s31], $0xA000  }
0x4e: {  	p0 =	sne.s32 s8, $0x1;
	[sflag:s31] =	ssyncset.done $0x0  }
.Ltmp0:
0x4f: {  	[sflag:s31] =	ssyncadd.s32 $0xFFFF6000;
	(pc) =	sbr.rel @p0 .LBB2_1-.Ltmp0, $4  }
0x50: {  	[hbm4b:s7+s2] =	stream.linear.scatter [tilespmem:s10], [sflag:$0x2], $0xA000, $0x38;
	[tilespmem:$0xA080] =	vst v63  }
0x51: {  	_ =	swait.ge [sflag:s9], $0xA000  }
0x52: {  	[sflag:s9] =	ssyncset.done $0x0  }
0x53: {  	s8 =	sadd.s32 $0xFFFFFFFF, s8;
	[sflag:s9] =	ssyncadd.s32 $0xFFFF6000  }
0x54: {  	_ =	sfence.sel $0x180000  }
0x55: {  	[bflag:$0x0] =	sbarrier.arrive $0xFFFF  }
0x56: {  	_ =	strace $0x90000047  }
0x57: {  	[bflag:$0x2] =	sbarrier.arrive $0xFFFF  }
0x58: {  	p0 =	sne.s32 s0, $0x0;
	s0 =	rddreg [dreg:$0x2]  }
0x59: {  	s0 =	sadd.s32 @!p0 $0x100000, s0  }
0x5a: {  	[sflag:s0] =	ssyncadd.tile.s32 @!p0 $0x1;
	_ =	shalt  }
.Lfunc_end2:
_tile_overlayer_lowered:
.L_overlay_start_2:
0x5b: {  	(tag) =	ssettag $0x2  }
0x5c: {  	s0 =	rddreg [dreg:$0x0];
	s2 =	stileid.u32  }
0x5d: {  	s1 =	rddreg [dreg:$0x1];
	p0 =	sne.s32 s2, $0x0  }
0x5e: {  	s3 =	rddreg [dreg:$0x2];
	[bflag:$0x3] =	sbarrier.arrive $0xFFFF;
	s2 =	simm.s32 @!p0 $0x1C02  }
0x5f: {  	[timem:s3], [sflag:s2] =	dma.local @!p0 [hbm:s0], s1  }
0x60: {  	s0 =	simm.s32 @!p0 $0x2  }
0x61: {  	_ =	swait.ge @!p0 [sflag:s0], s1  }
0x62: {  	s1 =	ssub.s32 @!p0 $0x0, s1;
	[sflag:s0] =	ssyncset.done @!p0 $0x0  }
0x63: {  	[sflag:s0] =	ssyncadd.s32 @!p0 s1  }
0x64: {  	[bflag:$0x3] =	sbarrier.arrive $0xFFFF  }
0x65: {  	_ =	shalt  }

</sc_bundles>
